<compile_context>
chip_gen: v7x
topology: tpu7x:2x2x1
jax: 0.10.2.dev20260603
libtpu: 0.0.44.dev20260713+nightly
codegen_flags: <defaults>
</compile_context>

<pallas_src>
import functools

import jax
import jax.numpy as jnp
from jax import lax
from jax.experimental import pallas as pl
from jax.experimental.pallas import tpu as pltpu
from jax.experimental.pallas import tpu_sc as plsc

N = 10000
E = 320000
DF = 128
H = 64
C = 10
G = 16

NC = 2
NS = 16
NW = NC * NS
EPW = E // NW
CHUNK = 200
NCHUNK = EPW // CHUNK
ROWS_PT = 624
ZROWS = 208
DEGW = 16

BLK = 5000
NBLK = N // BLK

@functools.cache
def _mesh():
    return plsc.VectorSubcoreMesh(
        core_axis_name="c", subcore_axis_name="s",
        num_cores=NC, num_subcores=NS)


def _zero_fill(ref, nrows, width):
    zv = jnp.zeros((16,), jnp.float32)

    def body(i, _):
        for q in range(width // 16):
            ref[i, pl.ds(q * 16, 16)] = zv
        return 0

    lax.fori_loop(0, nrows, body, 0)


def _zero_shared(sh, zero_v, sid):
    base = sid * ROWS_PT
    for j in range(ROWS_PT // ZROWS):
        pltpu.sync_copy(zero_v, sh.at[pl.ds(base + j * ZROWS, ZROWS)])

    @pl.when(sid == NS - 1)
    def _():
        pltpu.sync_copy(zero_v.at[pl.ds(0, 16)], sh.at[pl.ds(NS * ROWS_PT, 16)])


def _copy_out(sh, out, cid, sid):
    base = sid * ROWS_PT
    pltpu.sync_copy(sh.at[pl.ds(base, ROWS_PT)],
                    out.at[cid, pl.ds(base, ROWS_PT)])

    @pl.when(sid == NS - 1)
    def _():
        pltpu.sync_copy(sh.at[pl.ds(NS * ROWS_PT, 16)],
                        out.at[cid, pl.ds(NS * ROWS_PT, 16)])


def _deg_body(dst_hbm, deg_out, dst_v, ones_v, zero_v, deg_sh):
    cid = lax.axis_index("c")
    sid = lax.axis_index("s")
    wid = cid * NS + sid

    pltpu.sync_copy(dst_hbm.at[wid], dst_v)

    ov = jnp.ones((16,), jnp.float32)

    def ones_body(i, _):
        ones_v[i, pl.ds(0, 16)] = ov
        return 0

    lax.fori_loop(0, CHUNK, ones_body, 0)
    _zero_fill(zero_v, ZROWS, DEGW)

    _zero_shared(deg_sh, zero_v, sid)
    plsc.subcore_barrier()

    def chunk_body(c, _):
        pltpu.sync_copy(ones_v, deg_sh.at[dst_v.at[c]], add=True)
        return 0

    lax.fori_loop(0, NCHUNK, chunk_body, 0)
    plsc.subcore_barrier()

    _copy_out(deg_sh, deg_out, cid, sid)


@functools.cache
def _deg_kernel():
    return pl.kernel(
        _deg_body,
        out_type=jax.ShapeDtypeStruct((NC, N, DEGW), jnp.float32),
        mesh=_mesh(),
        scratch_types=[
            pltpu.VMEM((NCHUNK, CHUNK), jnp.int32),
            pltpu.VMEM((CHUNK, DEGW), jnp.float32),
            pltpu.VMEM((ZROWS, DEGW), jnp.float32),
            pltpu.VMEM_SHARED((N, DEGW), jnp.float32),
        ],
        compiler_params=pltpu.CompilerParams(use_tc_tiling_on_sc=False),
    )


def _scat_body(u_hbm, src_hbm, dst_hbm, acc_out,
               src_v, dst_v, rowsb, zero_v, acc_sh, gsems):
    cid = lax.axis_index("c")
    sid = lax.axis_index("s")
    wid = cid * NS + sid

    pltpu.sync_copy(src_hbm.at[wid], src_v)
    pltpu.sync_copy(dst_hbm.at[wid], dst_v)

    _zero_fill(zero_v, ZROWS, H)
    _zero_shared(acc_sh, zero_v, sid)
    plsc.subcore_barrier()

    nbuf = 4

    for b in range(nbuf):
        pltpu.async_copy(u_hbm.at[src_v.at[b]], rowsb.at[b], gsems.at[b])

    def outer(i, _):
        c0 = i * nbuf
        for b in range(nbuf):
            c = c0 + b
            pltpu.make_async_copy(u_hbm.at[src_v.at[c]], rowsb.at[b],
                                  gsems.at[b]).wait()
            pltpu.sync_copy(rowsb.at[b], acc_sh.at[dst_v.at[c]], add=True)

            @pl.when(c + nbuf < NCHUNK)
            def _():
                pltpu.async_copy(u_hbm.at[src_v.at[c + nbuf]], rowsb.at[b],
                                 gsems.at[b])
        return 0

    lax.fori_loop(0, NCHUNK // nbuf, outer, 0)

    for c in range((NCHUNK // nbuf) * nbuf, NCHUNK):
        b = c % nbuf
        pltpu.make_async_copy(u_hbm.at[src_v.at[c]], rowsb.at[b],
                              gsems.at[b]).wait()
        pltpu.sync_copy(rowsb.at[b], acc_sh.at[dst_v.at[c]], add=True)
    plsc.subcore_barrier()

    _copy_out(acc_sh, acc_out, cid, sid)


@functools.cache
def _scat_kernel():
    return pl.kernel(
        _scat_body,
        out_type=jax.ShapeDtypeStruct((NC, N, H), jnp.float32),
        mesh=_mesh(),
        scratch_types=[
            pltpu.VMEM((NCHUNK, CHUNK), jnp.int32),
            pltpu.VMEM((NCHUNK, CHUNK), jnp.int32),
            pltpu.VMEM((4, CHUNK, H), jnp.float32),
            pltpu.VMEM((ZROWS, H), jnp.float32),
            pltpu.VMEM_SHARED((N, H), jnp.float32),
            pltpu.SemaphoreType.DMA((4,)),
        ],
        compiler_params=pltpu.CompilerParams(use_tc_tiling_on_sc=False),
    )


def _mm_body(x_ref, w_ref, h_ref):
    h_ref[...] = jnp.dot(x_ref[...], w_ref[...],
                         preferred_element_type=jnp.float32)


def _mm_call(x, w1):
    return pl.pallas_call(
        _mm_body,
        grid=(NBLK,),
        in_specs=[
            pl.BlockSpec((BLK, DF), lambda i: (i, 0)),
            pl.BlockSpec((DF, H), lambda i: (0, 0)),
        ],
        out_specs=pl.BlockSpec((BLK, H), lambda i: (i, 0)),
        out_shape=jax.ShapeDtypeStruct((N, H), jnp.float32),
    )(x, w1)


def _prep_body(h_ref, deg_ref, u_ref, dinv_ref):
    deg = deg_ref[0, :, 0:1] + deg_ref[1, :, 0:1] + 1.0
    dinv = lax.rsqrt(deg)
    u_ref[...] = dinv * h_ref[...]
    dinv_ref[...] = jnp.broadcast_to(dinv, (BLK, DEGW))


def _prep_call(h1, deg2):
    return pl.pallas_call(
        _prep_body,
        grid=(NBLK,),
        in_specs=[
            pl.BlockSpec((BLK, H), lambda i: (i, 0)),
            pl.BlockSpec((NC, BLK, DEGW), lambda i: (0, i, 0)),
        ],
        out_specs=[
            pl.BlockSpec((BLK, H), lambda i: (i, 0)),
            pl.BlockSpec((BLK, DEGW), lambda i: (i, 0)),
        ],
        out_shape=[
            jax.ShapeDtypeStruct((N, H), jnp.float32),
            jax.ShapeDtypeStruct((N, DEGW), jnp.float32),
        ],
    )(h1, deg2)


def _comb_body(acc_ref, u_ref, dinv_ref, b_ref, w_ref, out_ref):
    dinv = dinv_ref[:, 0:1]
    z = dinv * (acc_ref[0] + acc_ref[1] + u_ref[...]) + b_ref[...]
    z = jnp.maximum(z, 0.0)
    out_ref[...] = dinv * jnp.dot(z, w_ref[...],
                                  preferred_element_type=jnp.float32)


def _comb_call(acc, u, dinv, b, w):
    return pl.pallas_call(
        _comb_body,
        grid=(NBLK,),
        in_specs=[
            pl.BlockSpec((NC, BLK, H), lambda i: (0, i, 0)),
            pl.BlockSpec((BLK, H), lambda i: (i, 0)),
            pl.BlockSpec((BLK, DEGW), lambda i: (i, 0)),
            pl.BlockSpec((1, H), lambda i: (0, 0)),
            pl.BlockSpec((H, H), lambda i: (0, 0)),
        ],
        out_specs=pl.BlockSpec((BLK, H), lambda i: (i, 0)),
        out_shape=jax.ShapeDtypeStruct((N, H), jnp.float32),
    )(acc, u, dinv, b, w)


def _final_body(acc_ref, u_ref, dinv_ref, b_ref, batch_ref, lw_ref, lb_ref,
                out_ref, s_ref):
    i = pl.program_id(0)
    dinv = dinv_ref[:, 0:1]
    h = dinv * (acc_ref[0] + acc_ref[1] + u_ref[...]) + b_ref[...]
    bat = batch_ref[0]
    gids = lax.broadcasted_iota(jnp.int32, (G, BLK), 0)
    oh = (gids == bat).astype(jnp.float32)
    m = jnp.concatenate([h, jnp.ones((BLK, H), jnp.float32)], axis=1)
    contrib = jnp.dot(oh, m, preferred_element_type=jnp.float32)

    @pl.when(i == 0)
    def _():
        s_ref[...] = jnp.zeros_like(s_ref)

    s_ref[...] += contrib

    @pl.when(i == pl.num_programs(0) - 1)
    def _():
        sums = s_ref[:, :H]
        cnt = jnp.clip(s_ref[:, H:H + 1], 1.0, None)
        gpool = sums / cnt
        out_ref[...] = jnp.dot(gpool, lw_ref[...],
                               preferred_element_type=jnp.float32) + lb_ref[...]


def _final_call(acc, u, dinv, b, batch_r, lw, lb):
    return pl.pallas_call(
        _final_body,
        grid=(NBLK,),
        in_specs=[
            pl.BlockSpec((NC, BLK, H), lambda i: (0, i, 0)),
            pl.BlockSpec((BLK, H), lambda i: (i, 0)),
            pl.BlockSpec((BLK, DEGW), lambda i: (i, 0)),
            pl.BlockSpec((1, H), lambda i: (0, 0)),
            pl.BlockSpec((1, 1, BLK), lambda i: (i, 0, 0)),
            pl.BlockSpec((H, C), lambda i: (0, 0)),
            pl.BlockSpec((1, C), lambda i: (0, 0)),
        ],
        out_specs=pl.BlockSpec((G, C), lambda i: (0, 0)),
        out_shape=jax.ShapeDtypeStruct((G, C), jnp.float32),
        scratch_shapes=[pltpu.VMEM((G, 2 * H), jnp.float32)],
    )(acc, u, dinv, b, batch_r, lw, lb)


def kernel(x, edge_index, batch, W1, b1, W2, b2, W3, b3, lin_W, lin_b):
    src3 = edge_index[0].reshape(NW, NCHUNK, CHUNK)
    dst3 = edge_index[1].reshape(NW, NCHUNK, CHUNK)
    batch_r = batch.reshape(NBLK, 1, BLK)

    deg2 = _deg_kernel()(dst3)
    h1 = _mm_call(x, W1)
    u1, dinv = _prep_call(h1, deg2)
    acc1 = _scat_kernel()(u1, src3, dst3)
    u2 = _comb_call(acc1, u1, dinv, b1.reshape(1, H), W2)
    acc2 = _scat_kernel()(u2, src3, dst3)
    u3 = _comb_call(acc2, u2, dinv, b2.reshape(1, H), W3)
    acc3 = _scat_kernel()(u3, src3, dst3)
    out = _final_call(acc3, u3, dinv, b3.reshape(1, H), batch_r,
                      lin_W, lin_b.reshape(1, C))
    losses = jnp.zeros((0,), dtype=jnp.float32)
    return (out, losses)

# --- scband reference (transcript-rebuilt; emitter-appended) ---
"""Pipeline reference for scband-gcn-41979010351255 (READ-ONLY COPY).

The authoritative reference and input builder live on the scoring server;
editing this copy changes nothing except your own understanding.
"""

import jax, jax.numpy as jnp
import numpy as np

N = 10000
E = 320000
DF = 128
H = 64
C = 10
G = 16


def setup_inputs(seed: int = 0) -> dict:
    key = jax.random.key(seed)
    ks = jax.random.split(key, 12)
    x = jax.random.normal(ks[0], (N, DF), dtype=jnp.float32)
    edge_index = jax.random.randint(ks[1], (2, E), 0, N, dtype=jnp.int32)
    batch = jnp.sort(jax.random.randint(ks[2], (N,), 0, G, dtype=jnp.int32))
    W1 = jax.random.normal(ks[3], (DF, H), dtype=jnp.float32) * 0.05
    b1 = jnp.zeros((H,), dtype=jnp.float32)
    W2 = jax.random.normal(ks[4], (H, H), dtype=jnp.float32) * 0.05
    b2 = jnp.zeros((H,), dtype=jnp.float32)
    W3 = jax.random.normal(ks[5], (H, H), dtype=jnp.float32) * 0.05
    b3 = jnp.zeros((H,), dtype=jnp.float32)
    lin_W = jax.random.normal(ks[6], (H, C), dtype=jnp.float32) * 0.05
    lin_b = jnp.zeros((C,), dtype=jnp.float32)
    return {"x": x, "edge_index": edge_index, "batch": batch,
            "W1": W1, "b1": b1, "W2": W2, "b2": b2, "W3": W3, "b3": b3,
            "lin_W": lin_W, "lin_b": lin_b}


def gcn_conv(x, edge_index, W, b):
    # PyG GCNConv: add self-loops, symmetric D^{-1/2}(A+I)D^{-1/2} normalization
    num_nodes = x.shape[0]
    loop = jnp.arange(num_nodes, dtype=edge_index.dtype)
    src = jnp.concatenate([edge_index[0], loop])
    dst = jnp.concatenate([edge_index[1], loop])
    deg = jnp.zeros((num_nodes,), dtype=jnp.float32).at[dst].add(1.0)
    dinv = jnp.where(deg > 0, deg ** -0.5, 0.0)
    norm = dinv[src] * dinv[dst]
    h = x @ W
    msg = h[src] * norm[:, None]
    out = jnp.zeros((num_nodes, W.shape[1]), dtype=jnp.float32).at[dst].add(msg)
    return out + b


def global_mean_pool(x, batch, num_graphs):
    sums = jnp.zeros((num_graphs, x.shape[1]), dtype=jnp.float32).at[batch].add(x)
    counts = jnp.zeros((num_graphs,), dtype=jnp.float32).at[batch].add(1.0)
    return sums / jnp.clip(counts, 1.0)[:, None]


def reference(x, edge_index, batch, W1, b1, W2, b2, W3, b3, lin_W, lin_b):
    h = jax.nn.relu(gcn_conv(x, edge_index, W1, b1))
    h = jax.nn.relu(gcn_conv(h, edge_index, W2, b2))
    h = gcn_conv(h, edge_index, W3, b3)
    g = global_mean_pool(h, batch, G)
    # dropout p=0.5 is identity in eval mode (self.training == False)
    out = g @ lin_W + lin_b
    losses = jnp.zeros((0,), dtype=jnp.float32)  # torch.Tensor([]) since local_pool_method is None
    return (out, losses)

if __name__ == "__main__":
    import jax
    _d = setup_inputs()
    print(jax.jit(kernel)(*tuple(_d.values())))

</pallas_src>

<mosaic_0001>
#map = affine_map<(d0, d1) -> (0, 0, 0)>
module attributes {stable_mosaic.version = 14 : i64} {
  func.func @_deg_body(%arg0: i32, %arg1: i32, %arg2: memref<32x50x200xi32, #tpu.memory_space<hbm>>, %arg3: memref<2x10000x16xf32, #tpu.memory_space<hbm>>, %arg4: memref<50x200xi32, #tpu.memory_space<vmem>>, %arg5: memref<200x16xf32, #tpu.memory_space<vmem>>, %arg6: memref<208x16xf32, #tpu.memory_space<vmem>>, %arg7: memref<10000x16xf32, #tpu.memory_space<vmem_shared>>) attributes {dimension_semantics = [#tpu.dimension_semantics<core_parallel>, #tpu.dimension_semantics<subcore_parallel>], iteration_bounds = array<i64: 2, 16>, scalar_prefetch = 0 : i64, scratch_operands = 4 : i64, tpu.core_type = #tpu.core_type<sc_vector_subcore>, window_params = [{transform_indices = #map}, {transform_indices = #map}]} {
    %mul3A = arith.constant 16 : i32
    %mul3A_0 = arith.muli %arg0, %mul3A : i32
    %add3A = arith.addi %mul3A_0, %arg1 : i32
    "tpu.region"() ({
      %run_scoped3A = tpu.sem_alloc : memref<!tpu.dma_semaphore, #tpu.memory_space<semaphore_mem>>
      %dma_start3A = arith.constant 0 : i32
      %dma_start3A_42 = arith.constant 0 : i32
      %dma_start3A_43 = tpu.memref_slice %arg2[%add3A, %dma_start3A, %dma_start3A_42] : memref<32x50x200xi32, #tpu.memory_space<hbm>> -> memref<1x50x200xi32, #tpu.memory_space<hbm>>
      %dma_start3A_44 = tpu.memref_squeeze %dma_start3A_43 : memref<1x50x200xi32, #tpu.memory_space<hbm>> -> memref<50x200xi32, #tpu.memory_space<hbm>>
      %dma_start3A_45 = arith.constant 0 : i32
      %dma_start3A_46 = arith.constant 0 : i32
      %dma_start3A_47 = tpu.memref_slice %arg2[%add3A, %dma_start3A_45, %dma_start3A_46] : memref<32x50x200xi32, #tpu.memory_space<hbm>> -> memref<1x50x200xi32, #tpu.memory_space<hbm>>
      %dma_start3A_48 = tpu.memref_squeeze %dma_start3A_47 : memref<1x50x200xi32, #tpu.memory_space<hbm>> -> memref<50x200xi32, #tpu.memory_space<hbm>>
      tpu.enqueue_dma source(%dma_start3A_48 : memref<50x200xi32, #tpu.memory_space<hbm>>) target(%arg4 : memref<50x200xi32, #tpu.memory_space<vmem>>) target_semaphore(%run_scoped3A : memref<!tpu.dma_semaphore, #tpu.memory_space<semaphore_mem>>)
      %dma_wait3A = arith.constant 0 : i32
      %dma_wait3A_49 = arith.constant 0 : i32
      %dma_wait3A_50 = tpu.memref_slice %arg2[%add3A, %dma_wait3A, %dma_wait3A_49] : memref<32x50x200xi32, #tpu.memory_space<hbm>> -> memref<1x50x200xi32, #tpu.memory_space<hbm>>
      %dma_wait3A_51 = tpu.memref_squeeze %dma_wait3A_50 : memref<1x50x200xi32, #tpu.memory_space<hbm>> -> memref<50x200xi32, #tpu.memory_space<hbm>>
      %dma_wait3A_52 = arith.constant 0 : i32
      %dma_wait3A_53 = arith.constant 0 : i32
      %dma_wait3A_54 = tpu.memref_slice %arg2[%add3A, %dma_wait3A_52, %dma_wait3A_53] : memref<32x50x200xi32, #tpu.memory_space<hbm>> -> memref<1x50x200xi32, #tpu.memory_space<hbm>>
      %dma_wait3A_55 = tpu.memref_squeeze %dma_wait3A_54 : memref<1x50x200xi32, #tpu.memory_space<hbm>> -> memref<50x200xi32, #tpu.memory_space<hbm>>
      tpu.wait_dma2 semaphore(%run_scoped3A : memref<!tpu.dma_semaphore, #tpu.memory_space<semaphore_mem>>) src(%dma_wait3A_55 : memref<50x200xi32, #tpu.memory_space<hbm>>) dst(%arg4 : memref<50x200xi32, #tpu.memory_space<vmem>>)
      tpu.yield
    }) : () -> ()
    %broadcast_in_dim3A = arith.constant 1.000000e+00 : f32
    %broadcast_in_dim3A_1 = vector.broadcast %broadcast_in_dim3A : f32 to vector<16xf32>
    %scan3A = arith.constant 0 : i32
    %scan3A_2 = arith.constant 0 : i32
    %scan3A_3 = arith.constant 200 : i32
    %scan3A_4 = arith.addi %scan3A_2, %scan3A_3 : i32
    %scan3A_5 = arith.constant 1 : i32
    %scan3A_6 = scf.for %scan3A_42 = %scan3A_2 to %scan3A_4 step %scan3A_5 iter_args(%scan3A_43 = %scan3A) -> (i32)  : i32 {
      %swap3A = arith.index_cast %scan3A_42 : i32 to index
      %swap3A_44 = arith.constant 0 : index
      %swap3A_45 = tpu.vector_load %arg5[%swap3A, %swap3A_44] {strides = array<i32>} : memref<200x16xf32, #tpu.memory_space<vmem>>, vector<1x16xf32>,
      %swap3A_46 = vector.shape_cast %swap3A_45 : vector<1x16xf32> to vector<16xf32>
      %swap3A_47 = vector.shape_cast %broadcast_in_dim3A_1 : vector<16xf32> to vector<1x16xf32>
      tpu.vector_store %arg5[%swap3A, %swap3A_44], %swap3A_47 {strides = array<i32>} : memref<200x16xf32, #tpu.memory_space<vmem>>, vector<1x16xf32>,
      %scan3A_48 = arith.constant 0 : i32
      scf.yield %scan3A_48 : i32
    }
    %scan3A_7 = arith.constant 200 : i32
    %broadcast_in_dim3A_8 = arith.constant 0.000000e+00 : f32
    %broadcast_in_dim3A_9 = vector.broadcast %broadcast_in_dim3A_8 : f32 to vector<16xf32>
    %scan3A_10 = arith.constant 0 : i32
    %scan3A_11 = arith.constant 0 : i32
    %scan3A_12 = arith.constant 208 : i32
    %scan3A_13 = arith.addi %scan3A_11, %scan3A_12 : i32
    %scan3A_14 = arith.constant 1 : i32
    %scan3A_15 = scf.for %scan3A_42 = %scan3A_11 to %scan3A_13 step %scan3A_14 iter_args(%scan3A_43 = %scan3A_10) -> (i32)  : i32 {
      %swap3A = arith.index_cast %scan3A_42 : i32 to index
      %swap3A_44 = arith.constant 0 : index
      %swap3A_45 = tpu.vector_load %arg6[%swap3A, %swap3A_44] {strides = array<i32>} : memref<208x16xf32, #tpu.memory_space<vmem>>, vector<1x16xf32>,
      %swap3A_46 = vector.shape_cast %swap3A_45 : vector<1x16xf32> to vector<16xf32>
      %swap3A_47 = vector.shape_cast %broadcast_in_dim3A_9 : vector<16xf32> to vector<1x16xf32>
      tpu.vector_store %arg6[%swap3A, %swap3A_44], %swap3A_47 {strides = array<i32>} : memref<208x16xf32, #tpu.memory_space<vmem>>, vector<1x16xf32>,
      %scan3A_48 = arith.constant 0 : i32
      scf.yield %scan3A_48 : i32
    }
    %scan3A_16 = arith.constant 208 : i32
    %mul3A_17 = arith.constant 624 : i32
    %mul3A_18 = arith.muli %arg1, %mul3A_17 : i32
    %add3A_19 = arith.constant 0 : i32
    %add3A_20 = arith.addi %mul3A_18, %add3A_19 : i32
    "tpu.region"() ({
      %run_scoped3A = tpu.sem_alloc : memref<!tpu.dma_semaphore, #tpu.memory_space<semaphore_mem>>
      %dma_start3A = arith.constant 0 : i32
      %dma_start3A_42 = tpu.memref_slice %arg7[%add3A_20, %dma_start3A] : memref<10000x16xf32, #tpu.memory_space<vmem_shared>> -> memref<208x16xf32, #tpu.memory_space<vmem_shared>>
      %dma_start3A_43 = arith.constant 0 : i32
      %dma_start3A_44 = tpu.memref_slice %arg7[%add3A_20, %dma_start3A_43] : memref<10000x16xf32, #tpu.memory_space<vmem_shared>> -> memref<208x16xf32, #tpu.memory_space<vmem_shared>>
      tpu.enqueue_dma source(%arg6 : memref<208x16xf32, #tpu.memory_space<vmem>>) target(%dma_start3A_44 : memref<208x16xf32, #tpu.memory_space<vmem_shared>>) target_semaphore(%run_scoped3A : memref<!tpu.dma_semaphore, #tpu.memory_space<semaphore_mem>>)
      %dma_wait3A = arith.constant 0 : i32
      %dma_wait3A_45 = tpu.memref_slice %arg7[%add3A_20, %dma_wait3A] : memref<10000x16xf32, #tpu.memory_space<vmem_shared>> -> memref<208x16xf32, #tpu.memory_space<vmem_shared>>
      %dma_wait3A_46 = arith.constant 0 : i32
      %dma_wait3A_47 = tpu.memref_slice %arg7[%add3A_20, %dma_wait3A_46] : memref<10000x16xf32, #tpu.memory_space<vmem_shared>> -> memref<208x16xf32, #tpu.memory_space<vmem_shared>>
      tpu.wait_dma2 semaphore(%run_scoped3A : memref<!tpu.dma_semaphore, #tpu.memory_space<semaphore_mem>>) src(%arg6 : memref<208x16xf32, #tpu.memory_space<vmem>>) dst(%dma_wait3A_47 : memref<208x16xf32, #tpu.memory_space<vmem_shared>>)
      tpu.yield
    }) : () -> ()
    %add3A_21 = arith.constant 208 : i32
    %add3A_22 = arith.addi %mul3A_18, %add3A_21 : i32
    "tpu.region"() ({
      %run_scoped3A = tpu.sem_alloc : memref<!tpu.dma_semaphore, #tpu.memory_space<semaphore_mem>>
      %dma_start3A = arith.constant 0 : i32
      %dma_start3A_42 = tpu.memref_slice %arg7[%add3A_22, %dma_start3A] : memref<10000x16xf32, #tpu.memory_space<vmem_shared>> -> memref<208x16xf32, #tpu.memory_space<vmem_shared>>
      %dma_start3A_43 = arith.constant 0 : i32
      %dma_start3A_44 = tpu.memref_slice %arg7[%add3A_22, %dma_start3A_43] : memref<10000x16xf32, #tpu.memory_space<vmem_shared>> -> memref<208x16xf32, #tpu.memory_space<vmem_shared>>
      tpu.enqueue_dma source(%arg6 : memref<208x16xf32, #tpu.memory_space<vmem>>) target(%dma_start3A_44 : memref<208x16xf32, #tpu.memory_space<vmem_shared>>) target_semaphore(%run_scoped3A : memref<!tpu.dma_semaphore, #tpu.memory_space<semaphore_mem>>)
      %dma_wait3A = arith.constant 0 : i32
      %dma_wait3A_45 = tpu.memref_slice %arg7[%add3A_22, %dma_wait3A] : memref<10000x16xf32, #tpu.memory_space<vmem_shared>> -> memref<208x16xf32, #tpu.memory_space<vmem_shared>>
      %dma_wait3A_46 = arith.constant 0 : i32
      %dma_wait3A_47 = tpu.memref_slice %arg7[%add3A_22, %dma_wait3A_46] : memref<10000x16xf32, #tpu.memory_space<vmem_shared>> -> memref<208x16xf32, #tpu.memory_space<vmem_shared>>
      tpu.wait_dma2 semaphore(%run_scoped3A : memref<!tpu.dma_semaphore, #tpu.memory_space<semaphore_mem>>) src(%arg6 : memref<208x16xf32, #tpu.memory_space<vmem>>) dst(%dma_wait3A_47 : memref<208x16xf32, #tpu.memory_space<vmem_shared>>)
      tpu.yield
    }) : () -> ()
    %add3A_23 = arith.constant 416 : i32
    %add3A_24 = arith.addi %mul3A_18, %add3A_23 : i32
    "tpu.region"() ({
      %run_scoped3A = tpu.sem_alloc : memref<!tpu.dma_semaphore, #tpu.memory_space<semaphore_mem>>
      %dma_start3A = arith.constant 0 : i32
      %dma_start3A_42 = tpu.memref_slice %arg7[%add3A_24, %dma_start3A] : memref<10000x16xf32, #tpu.memory_space<vmem_shared>> -> memref<208x16xf32, #tpu.memory_space<vmem_shared>>
      %dma_start3A_43 = arith.constant 0 : i32
      %dma_start3A_44 = tpu.memref_slice %arg7[%add3A_24, %dma_start3A_43] : memref<10000x16xf32, #tpu.memory_space<vmem_shared>> -> memref<208x16xf32, #tpu.memory_space<vmem_shared>>
      tpu.enqueue_dma source(%arg6 : memref<208x16xf32, #tpu.memory_space<vmem>>) target(%dma_start3A_44 : memref<208x16xf32, #tpu.memory_space<vmem_shared>>) target_semaphore(%run_scoped3A : memref<!tpu.dma_semaphore, #tpu.memory_space<semaphore_mem>>)
      %dma_wait3A = arith.constant 0 : i32
      %dma_wait3A_45 = tpu.memref_slice %arg7[%add3A_24, %dma_wait3A] : memref<10000x16xf32, #tpu.memory_space<vmem_shared>> -> memref<208x16xf32, #tpu.memory_space<vmem_shared>>
      %dma_wait3A_46 = arith.constant 0 : i32
      %dma_wait3A_47 = tpu.memref_slice %arg7[%add3A_24, %dma_wait3A_46] : memref<10000x16xf32, #tpu.memory_space<vmem_shared>> -> memref<208x16xf32, #tpu.memory_space<vmem_shared>>
      tpu.wait_dma2 semaphore(%run_scoped3A : memref<!tpu.dma_semaphore, #tpu.memory_space<semaphore_mem>>) src(%arg6 : memref<208x16xf32, #tpu.memory_space<vmem>>) dst(%dma_wait3A_47 : memref<208x16xf32, #tpu.memory_space<vmem_shared>>)
      tpu.yield
    }) : () -> ()
    %eq3A = arith.constant 15 : i32
    %eq3A_25 = arith.cmpi eq, %arg1, %eq3A : i32
    %convert_element_type3A = arith.extui %eq3A_25 : i1 to i32
    %cond3A = arith.constant 0 : i32
    %cond3A_26 = arith.cmpi ne, %convert_element_type3A, %cond3A : i32
    scf.if %cond3A_26 {
      "tpu.region"() ({
        %run_scoped3A = tpu.sem_alloc : memref<!tpu.dma_semaphore, #tpu.memory_space<semaphore_mem>>
        %dma_start3A = arith.constant 0 : i32
        %dma_start3A_42 = arith.constant 0 : i32
        %dma_start3A_43 = tpu.memref_slice %arg6[%dma_start3A, %dma_start3A_42] : memref<208x16xf32, #tpu.memory_space<vmem>> -> memref<16x16xf32, #tpu.memory_space<vmem>>
        %dma_start3A_44 = arith.constant 9984 : i32
        %dma_start3A_45 = arith.constant 0 : i32
        %dma_start3A_46 = tpu.memref_slice %arg7[%dma_start3A_44, %dma_start3A_45] : memref<10000x16xf32, #tpu.memory_space<vmem_shared>> -> memref<16x16xf32, #tpu.memory_space<vmem_shared>>
        %dma_start3A_47 = arith.constant 9984 : i32
        %dma_start3A_48 = arith.constant 0 : i32
        %dma_start3A_49 = tpu.memref_slice %arg7[%dma_start3A_47, %dma_start3A_48] : memref<10000x16xf32, #tpu.memory_space<vmem_shared>> -> memref<16x16xf32, #tpu.memory_space<vmem_shared>>
        %dma_start3A_50 = arith.constant 0 : i32
        %dma_start3A_51 = arith.constant 0 : i32
        %dma_start3A_52 = tpu.memref_slice %arg6[%dma_start3A_50, %dma_start3A_51] : memref<208x16xf32, #tpu.memory_space<vmem>> -> memref<16x16xf32, #tpu.memory_space<vmem>>
        tpu.enqueue_dma source(%dma_start3A_52 : memref<16x16xf32, #tpu.memory_space<vmem>>) target(%dma_start3A_49 : memref<16x16xf32, #tpu.memory_space<vmem_shared>>) target_semaphore(%run_scoped3A : memref<!tpu.dma_semaphore, #tpu.memory_space<semaphore_mem>>)
        %dma_wait3A = arith.constant 0 : i32
        %dma_wait3A_53 = arith.constant 0 : i32
        %dma_wait3A_54 = tpu.memref_slice %arg6[%dma_wait3A, %dma_wait3A_53] : memref<208x16xf32, #tpu.memory_space<vmem>> -> memref<16x16xf32, #tpu.memory_space<vmem>>
        %dma_wait3A_55 = arith.constant 9984 : i32
        %dma_wait3A_56 = arith.constant 0 : i32
        %dma_wait3A_57 = tpu.memref_slice %arg7[%dma_wait3A_55, %dma_wait3A_56] : memref<10000x16xf32, #tpu.memory_space<vmem_shared>> -> memref<16x16xf32, #tpu.memory_space<vmem_shared>>
        %dma_wait3A_58 = arith.constant 9984 : i32
        %dma_wait3A_59 = arith.constant 0 : i32
        %dma_wait3A_60 = tpu.memref_slice %arg7[%dma_wait3A_58, %dma_wait3A_59] : memref<10000x16xf32, #tpu.memory_space<vmem_shared>> -> memref<16x16xf32, #tpu.memory_space<vmem_shared>>
        %dma_wait3A_61 = arith.constant 0 : i32
        %dma_wait3A_62 = arith.constant 0 : i32
        %dma_wait3A_63 = tpu.memref_slice %arg6[%dma_wait3A_61, %dma_wait3A_62] : memref<208x16xf32, #tpu.memory_space<vmem>> -> memref<16x16xf32, #tpu.memory_space<vmem>>
        tpu.wait_dma2 semaphore(%run_scoped3A : memref<!tpu.dma_semaphore, #tpu.memory_space<semaphore_mem>>) src(%dma_wait3A_63 : memref<16x16xf32, #tpu.memory_space<vmem>>) dst(%dma_wait3A_60 : memref<16x16xf32, #tpu.memory_space<vmem_shared>>)
        tpu.yield
      }) : () -> ()
    } else {
    }
    %barrier3A = arith.constant 0 : index
    tpu.barrier barrier_id(%barrier3A)
    %scan3A_27 = arith.constant 0 : i32
    %scan3A_28 = arith.constant 0 : i32
    %scan3A_29 = arith.constant 50 : i32
    %scan3A_30 = arith.addi %scan3A_28, %scan3A_29 : i32
    %scan3A_31 = arith.constant 1 : i32
    %scan3A_32 = scf.for %scan3A_42 = %scan3A_28 to %scan3A_30 step %scan3A_31 iter_args(%scan3A_43 = %scan3A_27) -> (i32)  : i32 {
      "tpu.region"() ({
        %run_scoped3A = tpu.sem_alloc : memref<!tpu.dma_semaphore, #tpu.memory_space<semaphore_mem>>
        %dma_start3A = arith.constant 0 : i32
        %dma_start3A_45 = tpu.memref_slice %arg4[%scan3A_42, %dma_start3A] : memref<50x200xi32, #tpu.memory_space<vmem>> -> memref<1x200xi32, #tpu.memory_space<vmem>>
        %dma_start3A_46 = tpu.memref_squeeze %dma_start3A_45 : memref<1x200xi32, #tpu.memory_space<vmem>> -> memref<200xi32, #tpu.memory_space<vmem>>
        %dma_start3A_47 = arith.constant 0 : i32
        %dma_start3A_48 = arith.constant 0 : i32
        %dma_start3A_49 = tpu.memref_slice %arg7[%dma_start3A_47, %dma_start3A_48] : memref<10000x16xf32, #tpu.memory_space<vmem_shared>> -> memref<10000x16xf32, #tpu.memory_space<vmem_shared>>
        tpu.enqueue_indirect_dma source(%arg5 : memref<200x16xf32, #tpu.memory_space<vmem>>) target(%dma_start3A_49 : memref<10000x16xf32, #tpu.memory_space<vmem_shared>>) offsets(%dma_start3A_46 : memref<200xi32, #tpu.memory_space<vmem>>) semaphore(%run_scoped3A : memref<!tpu.dma_semaphore, #tpu.memory_space<semaphore_mem>>) {add = true}
        %dma_wait3A = arith.constant 0 : i32
        %dma_wait3A_50 = tpu.memref_slice %arg4[%scan3A_42, %dma_wait3A] : memref<50x200xi32, #tpu.memory_space<vmem>> -> memref<1x200xi32, #tpu.memory_space<vmem>>
        %dma_wait3A_51 = tpu.memref_squeeze %dma_wait3A_50 : memref<1x200xi32, #tpu.memory_space<vmem>> -> memref<200xi32, #tpu.memory_space<vmem>>
        %dma_wait3A_52 = arith.constant 0 : i32
        %dma_wait3A_53 = arith.constant 0 : i32
        %dma_wait3A_54 = tpu.memref_slice %arg7[%dma_wait3A_52, %dma_wait3A_53] : memref<10000x16xf32, #tpu.memory_space<vmem_shared>> -> memref<10000x16xf32, #tpu.memory_space<vmem_shared>>
        tpu.wait_indirect_dma semaphore(%run_scoped3A : memref<!tpu.dma_semaphore, #tpu.memory_space<semaphore_mem>>) src(%arg5 : memref<200x16xf32, #tpu.memory_space<vmem>>) dst(%dma_wait3A_54 : memref<10000x16xf32, #tpu.memory_space<vmem_shared>>)
        tpu.yield
      }) : () -> ()
      %scan3A_44 = arith.constant 0 : i32
      scf.yield %scan3A_44 : i32
    }
    %scan3A_33 = arith.constant 50 : i32
    %barrier3A_34 = arith.constant 0 : index
    tpu.barrier barrier_id(%barrier3A_34)
    %mul3A_35 = arith.constant 624 : i32
    %mul3A_36 = arith.muli %arg1, %mul3A_35 : i32
    "tpu.region"() ({
      %run_scoped3A = tpu.sem_alloc : memref<!tpu.dma_semaphore, #tpu.memory_space<semaphore_mem>>
      %dma_start3A = arith.constant 0 : i32
      %dma_start3A_42 = tpu.memref_slice %arg3[%arg0, %mul3A_36, %dma_start3A] : memref<2x10000x16xf32, #tpu.memory_space<hbm>> -> memref<1x624x16xf32, #tpu.memory_space<hbm>>
      %dma_start3A_43 = tpu.memref_squeeze %dma_start3A_42 : memref<1x624x16xf32, #tpu.memory_space<hbm>> -> memref<624x16xf32, #tpu.memory_space<hbm>>
      %dma_start3A_44 = arith.constant 0 : i32
      %dma_start3A_45 = tpu.memref_slice %arg7[%mul3A_36, %dma_start3A_44] : memref<10000x16xf32, #tpu.memory_space<vmem_shared>> -> memref<624x16xf32, #tpu.memory_space<vmem_shared>>
      tpu.enqueue_dma source(%dma_start3A_45 : memref<624x16xf32, #tpu.memory_space<vmem_shared>>) target(%dma_start3A_43 : memref<624x16xf32, #tpu.memory_space<hbm>>) target_semaphore(%run_scoped3A : memref<!tpu.dma_semaphore, #tpu.memory_space<semaphore_mem>>)
      %dma_wait3A = arith.constant 0 : i32
      %dma_wait3A_46 = tpu.memref_slice %arg3[%arg0, %mul3A_36, %dma_wait3A] : memref<2x10000x16xf32, #tpu.memory_space<hbm>> -> memref<1x624x16xf32, #tpu.memory_space<hbm>>
      %dma_wait3A_47 = tpu.memref_squeeze %dma_wait3A_46 : memref<1x624x16xf32, #tpu.memory_space<hbm>> -> memref<624x16xf32, #tpu.memory_space<hbm>>
      %dma_wait3A_48 = arith.constant 0 : i32
      %dma_wait3A_49 = tpu.memref_slice %arg7[%mul3A_36, %dma_wait3A_48] : memref<10000x16xf32, #tpu.memory_space<vmem_shared>> -> memref<624x16xf32, #tpu.memory_space<vmem_shared>>
      tpu.wait_dma2 semaphore(%run_scoped3A : memref<!tpu.dma_semaphore, #tpu.memory_space<semaphore_mem>>) src(%dma_wait3A_49 : memref<624x16xf32, #tpu.memory_space<vmem_shared>>) dst(%dma_wait3A_47 : memref<624x16xf32, #tpu.memory_space<hbm>>)
      tpu.yield
    }) : () -> ()
    %eq3A_37 = arith.constant 15 : i32
    %eq3A_38 = arith.cmpi eq, %arg1, %eq3A_37 : i32
    %convert_element_type3A_39 = arith.extui %eq3A_38 : i1 to i32
    %cond3A_40 = arith.constant 0 : i32
    %cond3A_41 = arith.cmpi ne, %convert_element_type3A_39, %cond3A_40 : i32
    scf.if %cond3A_41 {
      "tpu.region"() ({
        %run_scoped3A = tpu.sem_alloc : memref<!tpu.dma_semaphore, #tpu.memory_space<semaphore_mem>>
        %dma_start3A = arith.constant 9984 : i32
        %dma_start3A_42 = arith.constant 0 : i32
        %dma_start3A_43 = tpu.memref_slice %arg3[%arg0, %dma_start3A, %dma_start3A_42] : memref<2x10000x16xf32, #tpu.memory_space<hbm>> -> memref<1x16x16xf32, #tpu.memory_space<hbm>>
        %dma_start3A_44 = tpu.memref_squeeze %dma_start3A_43 : memref<1x16x16xf32, #tpu.memory_space<hbm>> -> memref<16x16xf32, #tpu.memory_space<hbm>>
        %dma_start3A_45 = arith.constant 9984 : i32
        %dma_start3A_46 = arith.constant 0 : i32
        %dma_start3A_47 = tpu.memref_slice %arg7[%dma_start3A_45, %dma_start3A_46] : memref<10000x16xf32, #tpu.memory_space<vmem_shared>> -> memref<16x16xf32, #tpu.memory_space<vmem_shared>>
        tpu.enqueue_dma source(%dma_start3A_47 : memref<16x16xf32, #tpu.memory_space<vmem_shared>>) target(%dma_start3A_44 : memref<16x16xf32, #tpu.memory_space<hbm>>) target_semaphore(%run_scoped3A : memref<!tpu.dma_semaphore, #tpu.memory_space<semaphore_mem>>)
        %dma_wait3A = arith.constant 9984 : i32
        %dma_wait3A_48 = arith.constant 0 : i32
        %dma_wait3A_49 = tpu.memref_slice %arg3[%arg0, %dma_wait3A, %dma_wait3A_48] : memref<2x10000x16xf32, #tpu.memory_space<hbm>> -> memref<1x16x16xf32, #tpu.memory_space<hbm>>
        %dma_wait3A_50 = tpu.memref_squeeze %dma_wait3A_49 : memref<1x16x16xf32, #tpu.memory_space<hbm>> -> memref<16x16xf32, #tpu.memory_space<hbm>>
        %dma_wait3A_51 = arith.constant 9984 : i32
        %dma_wait3A_52 = arith.constant 0 : i32
        %dma_wait3A_53 = tpu.memref_slice %arg7[%dma_wait3A_51, %dma_wait3A_52] : memref<10000x16xf32, #tpu.memory_space<vmem_shared>> -> memref<16x16xf32, #tpu.memory_space<vmem_shared>>
        tpu.wait_dma2 semaphore(%run_scoped3A : memref<!tpu.dma_semaphore, #tpu.memory_space<semaphore_mem>>) src(%dma_wait3A_53 : memref<16x16xf32, #tpu.memory_space<vmem_shared>>) dst(%dma_wait3A_50 : memref<16x16xf32, #tpu.memory_space<hbm>>)
        tpu.yield
      }) : () -> ()
    } else {
    }
    return
  }
}

#map = affine_map<(d0, d1) -> (0, 0)>
#map1 = affine_map<(d0, d1) -> (0, 0, 0)>
module attributes {stable_mosaic.version = 14 : i64} {
  func.func @_scat_body(%arg0: i32, %arg1: i32, %arg2: memref<10000x64xf32, #tpu.memory_space<hbm>>, %arg3: memref<32x50x200xi32, #tpu.memory_space<hbm>>, %arg4: memref<32x50x200xi32, #tpu.memory_space<hbm>>, %arg5: memref<2x10000x64xf32, #tpu.memory_space<hbm>>, %arg6: memref<50x200xi32, #tpu.memory_space<vmem>>, %arg7: memref<50x200xi32, #tpu.memory_space<vmem>>, %arg8: memref<4x200x64xf32, #tpu.memory_space<vmem>>, %arg9: memref<208x64xf32, #tpu.memory_space<vmem>>, %arg10: memref<10000x64xf32, #tpu.memory_space<vmem_shared>>, %arg11: memref<4x!tpu.dma_semaphore, #tpu.memory_space<semaphore_mem>>) attributes {dimension_semantics = [#tpu.dimension_semantics<core_parallel>, #tpu.dimension_semantics<subcore_parallel>], iteration_bounds = array<i64: 2, 16>, scalar_prefetch = 0 : i64, scratch_operands = 6 : i64, tpu.core_type = #tpu.core_type<sc_vector_subcore>, window_params = [{transform_indices = #map}, {transform_indices = #map1}, {transform_indices = #map1}, {transform_indices = #map1}]} {
    %mul3A = arith.constant 16 : i32
    %mul3A_0 = arith.muli %arg0, %mul3A : i32
    %add3A = arith.addi %mul3A_0, %arg1 : i32
    "tpu.region"() ({
      %run_scoped3A_124 = tpu.sem_alloc : memref<!tpu.dma_semaphore, #tpu.memory_space<semaphore_mem>>
      %dma_start3A_125 = arith.constant 0 : i32
      %dma_start3A_126 = arith.constant 0 : i32
      %dma_start3A_127 = tpu.memref_slice %arg3[%add3A, %dma_start3A_125, %dma_start3A_126] : memref<32x50x200xi32, #tpu.memory_space<hbm>> -> memref<1x50x200xi32, #tpu.memory_space<hbm>>
      %dma_start3A_128 = tpu.memref_squeeze %dma_start3A_127 : memref<1x50x200xi32, #tpu.memory_space<hbm>> -> memref<50x200xi32, #tpu.memory_space<hbm>>
      %dma_start3A_129 = arith.constant 0 : i32
      %dma_start3A_130 = arith.constant 0 : i32
      %dma_start3A_131 = tpu.memref_slice %arg3[%add3A, %dma_start3A_129, %dma_start3A_130] : memref<32x50x200xi32, #tpu.memory_space<hbm>> -> memref<1x50x200xi32, #tpu.memory_space<hbm>>
      %dma_start3A_132 = tpu.memref_squeeze %dma_start3A_131 : memref<1x50x200xi32, #tpu.memory_space<hbm>> -> memref<50x200xi32, #tpu.memory_space<hbm>>
      tpu.enqueue_dma source(%dma_start3A_132 : memref<50x200xi32, #tpu.memory_space<hbm>>) target(%arg6 : memref<50x200xi32, #tpu.memory_space<vmem>>) target_semaphore(%run_scoped3A_124 : memref<!tpu.dma_semaphore, #tpu.memory_space<semaphore_mem>>)
      %dma_wait3A_133 = arith.constant 0 : i32
      %dma_wait3A_134 = arith.constant 0 : i32
      %dma_wait3A_135 = tpu.memref_slice %arg3[%add3A, %dma_wait3A_133, %dma_wait3A_134] : memref<32x50x200xi32, #tpu.memory_space<hbm>> -> memref<1x50x200xi32, #tpu.memory_space<hbm>>
      %dma_wait3A_136 = tpu.memref_squeeze %dma_wait3A_135 : memref<1x50x200xi32, #tpu.memory_space<hbm>> -> memref<50x200xi32, #tpu.memory_space<hbm>>
      %dma_wait3A_137 = arith.constant 0 : i32
      %dma_wait3A_138 = arith.constant 0 : i32
      %dma_wait3A_139 = tpu.memref_slice %arg3[%add3A, %dma_wait3A_137, %dma_wait3A_138] : memref<32x50x200xi32, #tpu.memory_space<hbm>> -> memref<1x50x200xi32, #tpu.memory_space<hbm>>
      %dma_wait3A_140 = tpu.memref_squeeze %dma_wait3A_139 : memref<1x50x200xi32, #tpu.memory_space<hbm>> -> memref<50x200xi32, #tpu.memory_space<hbm>>
      tpu.wait_dma2 semaphore(%run_scoped3A_124 : memref<!tpu.dma_semaphore, #tpu.memory_space<semaphore_mem>>) src(%dma_wait3A_140 : memref<50x200xi32, #tpu.memory_space<hbm>>) dst(%arg6 : memref<50x200xi32, #tpu.memory_space<vmem>>)
      tpu.yield
    }) : () -> ()
    "tpu.region"() ({
      %run_scoped3A_124 = tpu.sem_alloc : memref<!tpu.dma_semaphore, #tpu.memory_space<semaphore_mem>>
      %dma_start3A_125 = arith.constant 0 : i32
      %dma_start3A_126 = arith.constant 0 : i32
      %dma_start3A_127 = tpu.memref_slice %arg4[%add3A, %dma_start3A_125, %dma_start3A_126] : memref<32x50x200xi32, #tpu.memory_space<hbm>> -> memref<1x50x200xi32, #tpu.memory_space<hbm>>
      %dma_start3A_128 = tpu.memref_squeeze %dma_start3A_127 : memref<1x50x200xi32, #tpu.memory_space<hbm>> -> memref<50x200xi32, #tpu.memory_space<hbm>>
      %dma_start3A_129 = arith.constant 0 : i32
      %dma_start3A_130 = arith.constant 0 : i32
      %dma_start3A_131 = tpu.memref_slice %arg4[%add3A, %dma_start3A_129, %dma_start3A_130] : memref<32x50x200xi32, #tpu.memory_space<hbm>> -> memref<1x50x200xi32, #tpu.memory_space<hbm>>
      %dma_start3A_132 = tpu.memref_squeeze %dma_start3A_131 : memref<1x50x200xi32, #tpu.memory_space<hbm>> -> memref<50x200xi32, #tpu.memory_space<hbm>>
      tpu.enqueue_dma source(%dma_start3A_132 : memref<50x200xi32, #tpu.memory_space<hbm>>) target(%arg7 : memref<50x200xi32, #tpu.memory_space<vmem>>) target_semaphore(%run_scoped3A_124 : memref<!tpu.dma_semaphore, #tpu.memory_space<semaphore_mem>>)
      %dma_wait3A_133 = arith.constant 0 : i32
      %dma_wait3A_134 = arith.constant 0 : i32
      %dma_wait3A_135 = tpu.memref_slice %arg4[%add3A, %dma_wait3A_133, %dma_wait3A_134] : memref<32x50x200xi32, #tpu.memory_space<hbm>> -> memref<1x50x200xi32, #tpu.memory_space<hbm>>
      %dma_wait3A_136 = tpu.memref_squeeze %dma_wait3A_135 : memref<1x50x200xi32, #tpu.memory_space<hbm>> -> memref<50x200xi32, #tpu.memory_space<hbm>>
      %dma_wait3A_137 = arith.constant 0 : i32
      %dma_wait3A_138 = arith.constant 0 : i32
      %dma_wait3A_139 = tpu.memref_slice %arg4[%add3A, %dma_wait3A_137, %dma_wait3A_138] : memref<32x50x200xi32, #tpu.memory_space<hbm>> -> memref<1x50x200xi32, #tpu.memory_space<hbm>>
      %dma_wait3A_140 = tpu.memref_squeeze %dma_wait3A_139 : memref<1x50x200xi32, #tpu.memory_space<hbm>> -> memref<50x200xi32, #tpu.memory_space<hbm>>
      tpu.wait_dma2 semaphore(%run_scoped3A_124 : memref<!tpu.dma_semaphore, #tpu.memory_space<semaphore_mem>>) src(%dma_wait3A_140 : memref<50x200xi32, #tpu.memory_space<hbm>>) dst(%arg7 : memref<50x200xi32, #tpu.memory_space<vmem>>)
      tpu.yield
    }) : () -> ()
    %broadcast_in_dim3A = arith.constant 0.000000e+00 : f32
    %broadcast_in_dim3A_1 = vector.broadcast %broadcast_in_dim3A : f32 to vector<16xf32>
    %scan3A = arith.constant 0 : i32
    %scan3A_2 = arith.constant 0 : i32
    %scan3A_3 = arith.constant 208 : i32
    %scan3A_4 = arith.addi %scan3A_2, %scan3A_3 : i32
    %scan3A_5 = arith.constant 1 : i32
    %scan3A_6 = scf.for %scan3A_124 = %scan3A_2 to %scan3A_4 step %scan3A_5 iter_args(%scan3A_125 = %scan3A) -> (i32)  : i32 {
      %swap3A = arith.index_cast %scan3A_124 : i32 to index
      %swap3A_126 = arith.constant 0 : index
      %swap3A_127 = tpu.vector_load %arg9[%swap3A, %swap3A_126] {strides = array<i32>} : memref<208x64xf32, #tpu.memory_space<vmem>>, vector<1x16xf32>,
      %swap3A_128 = vector.shape_cast %swap3A_127 : vector<1x16xf32> to vector<16xf32>
      %swap3A_129 = vector.shape_cast %broadcast_in_dim3A_1 : vector<16xf32> to vector<1x16xf32>
      tpu.vector_store %arg9[%swap3A, %swap3A_126], %swap3A_129 {strides = array<i32>} : memref<208x64xf32, #tpu.memory_space<vmem>>, vector<1x16xf32>,
      %swap3A_130 = arith.index_cast %scan3A_124 : i32 to index
      %swap3A_131 = arith.constant 16 : index
      %swap3A_132 = tpu.vector_load %arg9[%swap3A_130, %swap3A_131] {strides = array<i32>} : memref<208x64xf32, #tpu.memory_space<vmem>>, vector<1x16xf32>,
      %swap3A_133 = vector.shape_cast %swap3A_132 : vector<1x16xf32> to vector<16xf32>
      %swap3A_134 = vector.shape_cast %broadcast_in_dim3A_1 : vector<16xf32> to vector<1x16xf32>
      tpu.vector_store %arg9[%swap3A_130, %swap3A_131], %swap3A_134 {strides = array<i32>} : memref<208x64xf32, #tpu.memory_space<vmem>>, vector<1x16xf32>,
      %swap3A_135 = arith.index_cast %scan3A_124 : i32 to index
      %swap3A_136 = arith.constant 32 : index
      %swap3A_137 = tpu.vector_load %arg9[%swap3A_135, %swap3A_136] {strides = array<i32>} : memref<208x64xf32, #tpu.memory_space<vmem>>, vector<1x16xf32>,
      %swap3A_138 = vector.shape_cast %swap3A_137 : vector<1x16xf32> to vector<16xf32>
      %swap3A_139 = vector.shape_cast %broadcast_in_dim3A_1 : vector<16xf32> to vector<1x16xf32>
      tpu.vector_store %arg9[%swap3A_135, %swap3A_136], %swap3A_139 {strides = array<i32>} : memref<208x64xf32, #tpu.memory_space<vmem>>, vector<1x16xf32>,
      %swap3A_140 = arith.index_cast %scan3A_124 : i32 to index
      %swap3A_141 = arith.constant 48 : index
      %swap3A_142 = tpu.vector_load %arg9[%swap3A_140, %swap3A_141] {strides = array<i32>} : memref<208x64xf32, #tpu.memory_space<vmem>>, vector<1x16xf32>,
      %swap3A_143 = vector.shape_cast %swap3A_142 : vector<1x16xf32> to vector<16xf32>
      %swap3A_144 = vector.shape_cast %broadcast_in_dim3A_1 : vector<16xf32> to vector<1x16xf32>
      tpu.vector_store %arg9[%swap3A_140, %swap3A_141], %swap3A_144 {strides = array<i32>} : memref<208x64xf32, #tpu.memory_space<vmem>>, vector<1x16xf32>,
      %scan3A_145 = arith.constant 0 : i32
      scf.yield %scan3A_145 : i32
    }
    %scan3A_7 = arith.constant 208 : i32
    %mul3A_8 = arith.constant 624 : i32
    %mul3A_9 = arith.muli %arg1, %mul3A_8 : i32
    %add3A_10 = arith.constant 0 : i32
    %add3A_11 = arith.addi %mul3A_9, %add3A_10 : i32
    "tpu.region"() ({
      %run_scoped3A_124 = tpu.sem_alloc : memref<!tpu.dma_semaphore, #tpu.memory_space<semaphore_mem>>
      %dma_start3A_125 = arith.constant 0 : i32
      %dma_start3A_126 = tpu.memref_slice %arg10[%add3A_11, %dma_start3A_125] : memref<10000x64xf32, #tpu.memory_space<vmem_shared>> -> memref<208x64xf32, #tpu.memory_space<vmem_shared>>
      %dma_start3A_127 = arith.constant 0 : i32
      %dma_start3A_128 = tpu.memref_slice %arg10[%add3A_11, %dma_start3A_127] : memref<10000x64xf32, #tpu.memory_space<vmem_shared>> -> memref<208x64xf32, #tpu.memory_space<vmem_shared>>
      tpu.enqueue_dma source(%arg9 : memref<208x64xf32, #tpu.memory_space<vmem>>) target(%dma_start3A_128 : memref<208x64xf32, #tpu.memory_space<vmem_shared>>) target_semaphore(%run_scoped3A_124 : memref<!tpu.dma_semaphore, #tpu.memory_space<semaphore_mem>>)
      %dma_wait3A_129 = arith.constant 0 : i32
      %dma_wait3A_130 = tpu.memref_slice %arg10[%add3A_11, %dma_wait3A_129] : memref<10000x64xf32, #tpu.memory_space<vmem_shared>> -> memref<208x64xf32, #tpu.memory_space<vmem_shared>>
      %dma_wait3A_131 = arith.constant 0 : i32
      %dma_wait3A_132 = tpu.memref_slice %arg10[%add3A_11, %dma_wait3A_131] : memref<10000x64xf32, #tpu.memory_space<vmem_shared>> -> memref<208x64xf32, #tpu.memory_space<vmem_shared>>
      tpu.wait_dma2 semaphore(%run_scoped3A_124 : memref<!tpu.dma_semaphore, #tpu.memory_space<semaphore_mem>>) src(%arg9 : memref<208x64xf32, #tpu.memory_space<vmem>>) dst(%dma_wait3A_132 : memref<208x64xf32, #tpu.memory_space<vmem_shared>>)
      tpu.yield
    }) : () -> ()
    %add3A_12 = arith.constant 208 : i32
    %add3A_13 = arith.addi %mul3A_9, %add3A_12 : i32
    "tpu.region"() ({
      %run_scoped3A_124 = tpu.sem_alloc : memref<!tpu.dma_semaphore, #tpu.memory_space<semaphore_mem>>
      %dma_start3A_125 = arith.constant 0 : i32
      %dma_start3A_126 = tpu.memref_slice %arg10[%add3A_13, %dma_start3A_125] : memref<10000x64xf32, #tpu.memory_space<vmem_shared>> -> memref<208x64xf32, #tpu.memory_space<vmem_shared>>
      %dma_start3A_127 = arith.constant 0 : i32
      %dma_start3A_128 = tpu.memref_slice %arg10[%add3A_13, %dma_start3A_127] : memref<10000x64xf32, #tpu.memory_space<vmem_shared>> -> memref<208x64xf32, #tpu.memory_space<vmem_shared>>
      tpu.enqueue_dma source(%arg9 : memref<208x64xf32, #tpu.memory_space<vmem>>) target(%dma_start3A_128 : memref<208x64xf32, #tpu.memory_space<vmem_shared>>) target_semaphore(%run_scoped3A_124 : memref<!tpu.dma_semaphore, #tpu.memory_space<semaphore_mem>>)
      %dma_wait3A_129 = arith.constant 0 : i32
      %dma_wait3A_130 = tpu.memref_slice %arg10[%add3A_13, %dma_wait3A_129] : memref<10000x64xf32, #tpu.memory_space<vmem_shared>> -> memref<208x64xf32, #tpu.memory_space<vmem_shared>>
      %dma_wait3A_131 = arith.constant 0 : i32
      %dma_wait3A_132 = tpu.memref_slice %arg10[%add3A_13, %dma_wait3A_131] : memref<10000x64xf32, #tpu.memory_space<vmem_shared>> -> memref<208x64xf32, #tpu.memory_space<vmem_shared>>
      tpu.wait_dma2 semaphore(%run_scoped3A_124 : memref<!tpu.dma_semaphore, #tpu.memory_space<semaphore_mem>>) src(%arg9 : memref<208x64xf32, #tpu.memory_space<vmem>>) dst(%dma_wait3A_132 : memref<208x64xf32, #tpu.memory_space<vmem_shared>>)
      tpu.yield
    }) : () -> ()
    %add3A_14 = arith.constant 416 : i32
    %add3A_15 = arith.addi %mul3A_9, %add3A_14 : i32
    "tpu.region"() ({
      %run_scoped3A_124 = tpu.sem_alloc : memref<!tpu.dma_semaphore, #tpu.memory_space<semaphore_mem>>
      %dma_start3A_125 = arith.constant 0 : i32
      %dma_start3A_126 = tpu.memref_slice %arg10[%add3A_15, %dma_start3A_125] : memref<10000x64xf32, #tpu.memory_space<vmem_shared>> -> memref<208x64xf32, #tpu.memory_space<vmem_shared>>
      %dma_start3A_127 = arith.constant 0 : i32
      %dma_start3A_128 = tpu.memref_slice %arg10[%add3A_15, %dma_start3A_127] : memref<10000x64xf32, #tpu.memory_space<vmem_shared>> -> memref<208x64xf32, #tpu.memory_space<vmem_shared>>
      tpu.enqueue_dma source(%arg9 : memref<208x64xf32, #tpu.memory_space<vmem>>) target(%dma_start3A_128 : memref<208x64xf32, #tpu.memory_space<vmem_shared>>) target_semaphore(%run_scoped3A_124 : memref<!tpu.dma_semaphore, #tpu.memory_space<semaphore_mem>>)
      %dma_wait3A_129 = arith.constant 0 : i32
      %dma_wait3A_130 = tpu.memref_slice %arg10[%add3A_15, %dma_wait3A_129] : memref<10000x64xf32, #tpu.memory_space<vmem_shared>> -> memref<208x64xf32, #tpu.memory_space<vmem_shared>>
      %dma_wait3A_131 = arith.constant 0 : i32
      %dma_wait3A_132 = tpu.memref_slice %arg10[%add3A_15, %dma_wait3A_131] : memref<10000x64xf32, #tpu.memory_space<vmem_shared>> -> memref<208x64xf32, #tpu.memory_space<vmem_shared>>
      tpu.wait_dma2 semaphore(%run_scoped3A_124 : memref<!tpu.dma_semaphore, #tpu.memory_space<semaphore_mem>>) src(%arg9 : memref<208x64xf32, #tpu.memory_space<vmem>>) dst(%dma_wait3A_132 : memref<208x64xf32, #tpu.memory_space<vmem_shared>>)
      tpu.yield
    }) : () -> ()
    %eq3A = arith.constant 15 : i32
    %eq3A_16 = arith.cmpi eq, %arg1, %eq3A : i32
    %convert_element_type3A = arith.extui %eq3A_16 : i1 to i32
    %cond3A = arith.constant 0 : i32
    %cond3A_17 = arith.cmpi ne, %convert_element_type3A, %cond3A : i32
    scf.if %cond3A_17 {
      "tpu.region"() ({
        %run_scoped3A_124 = tpu.sem_alloc : memref<!tpu.dma_semaphore, #tpu.memory_space<semaphore_mem>>
        %dma_start3A_125 = arith.constant 0 : i32
        %dma_start3A_126 = arith.constant 0 : i32
        %dma_start3A_127 = tpu.memref_slice %arg9[%dma_start3A_125, %dma_start3A_126] : memref<208x64xf32, #tpu.memory_space<vmem>> -> memref<16x64xf32, #tpu.memory_space<vmem>>
        %dma_start3A_128 = arith.constant 9984 : i32
        %dma_start3A_129 = arith.constant 0 : i32
        %dma_start3A_130 = tpu.memref_slice %arg10[%dma_start3A_128, %dma_start3A_129] : memref<10000x64xf32, #tpu.memory_space<vmem_shared>> -> memref<16x64xf32, #tpu.memory_space<vmem_shared>>
        %dma_start3A_131 = arith.constant 9984 : i32
        %dma_start3A_132 = arith.constant 0 : i32
        %dma_start3A_133 = tpu.memref_slice %arg10[%dma_start3A_131, %dma_start3A_132] : memref<10000x64xf32, #tpu.memory_space<vmem_shared>> -> memref<16x64xf32, #tpu.memory_space<vmem_shared>>
        %dma_start3A_134 = arith.constant 0 : i32
        %dma_start3A_135 = arith.constant 0 : i32
        %dma_start3A_136 = tpu.memref_slice %arg9[%dma_start3A_134, %dma_start3A_135] : memref<208x64xf32, #tpu.memory_space<vmem>> -> memref<16x64xf32, #tpu.memory_space<vmem>>
        tpu.enqueue_dma source(%dma_start3A_136 : memref<16x64xf32, #tpu.memory_space<vmem>>) target(%dma_start3A_133 : memref<16x64xf32, #tpu.memory_space<vmem_shared>>) target_semaphore(%run_scoped3A_124 : memref<!tpu.dma_semaphore, #tpu.memory_space<semaphore_mem>>)
        %dma_wait3A_137 = arith.constant 0 : i32
        %dma_wait3A_138 = arith.constant 0 : i32
        %dma_wait3A_139 = tpu.memref_slice %arg9[%dma_wait3A_137, %dma_wait3A_138] : memref<208x64xf32, #tpu.memory_space<vmem>> -> memref<16x64xf32, #tpu.memory_space<vmem>>
        %dma_wait3A_140 = arith.constant 9984 : i32
        %dma_wait3A_141 = arith.constant 0 : i32
        %dma_wait3A_142 = tpu.memref_slice %arg10[%dma_wait3A_140, %dma_wait3A_141] : memref<10000x64xf32, #tpu.memory_space<vmem_shared>> -> memref<16x64xf32, #tpu.memory_space<vmem_shared>>
        %dma_wait3A_143 = arith.constant 9984 : i32
        %dma_wait3A_144 = arith.constant 0 : i32
        %dma_wait3A_145 = tpu.memref_slice %arg10[%dma_wait3A_143, %dma_wait3A_144] : memref<10000x64xf32, #tpu.memory_space<vmem_shared>> -> memref<16x64xf32, #tpu.memory_space<vmem_shared>>
        %dma_wait3A_146 = arith.constant 0 : i32
        %dma_wait3A_147 = arith.constant 0 : i32
        %dma_wait3A_148 = tpu.memref_slice %arg9[%dma_wait3A_146, %dma_wait3A_147] : memref<208x64xf32, #tpu.memory_space<vmem>> -> memref<16x64xf32, #tpu.memory_space<vmem>>
        tpu.wait_dma2 semaphore(%run_scoped3A_124 : memref<!tpu.dma_semaphore, #tpu.memory_space<semaphore_mem>>) src(%dma_wait3A_148 : memref<16x64xf32, #tpu.memory_space<vmem>>) dst(%dma_wait3A_145 : memref<16x64xf32, #tpu.memory_space<vmem_shared>>)
        tpu.yield
      }) : () -> ()
    } else {
    }
    %barrier3A = arith.constant 0 : index
    tpu.barrier barrier_id(%barrier3A)
    %dma_start3A = arith.constant 0 : i32
    %dma_start3A_18 = arith.constant 0 : i32
    %dma_start3A_19 = arith.constant 0 : i32
    %dma_start3A_20 = arith.constant 0 : i32
    %dma_start3A_21 = arith.constant 0 : i32
    %dma_start3A_22 = tpu.memref_slice %arg8[%dma_start3A_18, %dma_start3A_20, %dma_start3A_21] : memref<4x200x64xf32, #tpu.memory_space<vmem>> -> memref<1x200x64xf32, #tpu.memory_space<vmem>>
    %dma_start3A_23 = tpu.memref_squeeze %dma_start3A_22 : memref<1x200x64xf32, #tpu.memory_space<vmem>> -> memref<200x64xf32, #tpu.memory_space<vmem>>
    %dma_start3A_24 = arith.constant 0 : i32
    %dma_start3A_25 = tpu.memref_slice %arg6[%dma_start3A, %dma_start3A_24] : memref<50x200xi32, #tpu.memory_space<vmem>> -> memref<1x200xi32, #tpu.memory_space<vmem>>
    %dma_start3A_26 = tpu.memref_squeeze %dma_start3A_25 : memref<1x200xi32, #tpu.memory_space<vmem>> -> memref<200xi32, #tpu.memory_space<vmem>>
    %dma_start3A_27 = arith.constant 0 : i32
    %dma_start3A_28 = arith.constant 0 : i32
    %dma_start3A_29 = tpu.memref_slice %arg2[%dma_start3A_27, %dma_start3A_28] : memref<10000x64xf32, #tpu.memory_space<hbm>> -> memref<10000x64xf32, #tpu.memory_space<hbm>>
    %dma_start3A_30 = tpu.memref_slice %arg11[%dma_start3A_19] : memref<4x!tpu.dma_semaphore, #tpu.memory_space<semaphore_mem>> -> memref<1x!tpu.dma_semaphore, #tpu.memory_space<semaphore_mem>>
    %dma_start3A_31 = tpu.memref_squeeze %dma_start3A_30 : memref<1x!tpu.dma_semaphore, #tpu.memory_space<semaphore_mem>> -> memref<!tpu.dma_semaphore, #tpu.memory_space<semaphore_mem>>
    tpu.enqueue_indirect_dma source(%dma_start3A_29 : memref<10000x64xf32, #tpu.memory_space<hbm>>) target(%dma_start3A_23 : memref<200x64xf32, #tpu.memory_space<vmem>>) offsets(%dma_start3A_26 : memref<200xi32, #tpu.memory_space<vmem>>) semaphore(%dma_start3A_31 : memref<!tpu.dma_semaphore, #tpu.memory_space<semaphore_mem>>)
    %dma_start3A_32 = arith.constant 1 : i32
    %dma_start3A_33 = arith.constant 1 : i32
    %dma_start3A_34 = arith.constant 1 : i32
    %dma_start3A_35 = arith.constant 0 : i32
    %dma_start3A_36 = arith.constant 0 : i32
    %dma_start3A_37 = tpu.memref_slice %arg8[%dma_start3A_33, %dma_start3A_35, %dma_start3A_36] : memref<4x200x64xf32, #tpu.memory_space<vmem>> -> memref<1x200x64xf32, #tpu.memory_space<vmem>>
    %dma_start3A_38 = tpu.memref_squeeze %dma_start3A_37 : memref<1x200x64xf32, #tpu.memory_space<vmem>> -> memref<200x64xf32, #tpu.memory_space<vmem>>
    %dma_start3A_39 = arith.constant 0 : i32
    %dma_start3A_40 = tpu.memref_slice %arg6[%dma_start3A_32, %dma_start3A_39] : memref<50x200xi32, #tpu.memory_space<vmem>> -> memref<1x200xi32, #tpu.memory_space<vmem>>
    %dma_start3A_41 = tpu.memref_squeeze %dma_start3A_40 : memref<1x200xi32, #tpu.memory_space<vmem>> -> memref<200xi32, #tpu.memory_space<vmem>>
    %dma_start3A_42 = arith.constant 0 : i32
    %dma_start3A_43 = arith.constant 0 : i32
    %dma_start3A_44 = tpu.memref_slice %arg2[%dma_start3A_42, %dma_start3A_43] : memref<10000x64xf32, #tpu.memory_space<hbm>> -> memref<10000x64xf32, #tpu.memory_space<hbm>>
    %dma_start3A_45 = tpu.memref_slice %arg11[%dma_start3A_34] : memref<4x!tpu.dma_semaphore, #tpu.memory_space<semaphore_mem>> -> memref<1x!tpu.dma_semaphore, #tpu.memory_space<semaphore_mem>>
    %dma_start3A_46 = tpu.memref_squeeze %dma_start3A_45 : memref<1x!tpu.dma_semaphore, #tpu.memory_space<semaphore_mem>> -> memref<!tpu.dma_semaphore, #tpu.memory_space<semaphore_mem>>
    tpu.enqueue_indirect_dma source(%dma_start3A_44 : memref<10000x64xf32, #tpu.memory_space<hbm>>) target(%dma_start3A_38 : memref<200x64xf32, #tpu.memory_space<vmem>>) offsets(%dma_start3A_41 : memref<200xi32, #tpu.memory_space<vmem>>) semaphore(%dma_start3A_46 : memref<!tpu.dma_semaphore, #tpu.memory_space<semaphore_mem>>)
    %dma_start3A_47 = arith.constant 2 : i32
    %dma_start3A_48 = arith.constant 2 : i32
    %dma_start3A_49 = arith.constant 2 : i32
    %dma_start3A_50 = arith.constant 0 : i32
    %dma_start3A_51 = arith.constant 0 : i32
    %dma_start3A_52 = tpu.memref_slice %arg8[%dma_start3A_48, %dma_start3A_50, %dma_start3A_51] : memref<4x200x64xf32, #tpu.memory_space<vmem>> -> memref<1x200x64xf32, #tpu.memory_space<vmem>>
    %dma_start3A_53 = tpu.memref_squeeze %dma_start3A_52 : memref<1x200x64xf32, #tpu.memory_space<vmem>> -> memref<200x64xf32, #tpu.memory_space<vmem>>
    %dma_start3A_54 = arith.constant 0 : i32
    %dma_start3A_55 = tpu.memref_slice %arg6[%dma_start3A_47, %dma_start3A_54] : memref<50x200xi32, #tpu.memory_space<vmem>> -> memref<1x200xi32, #tpu.memory_space<vmem>>
    %dma_start3A_56 = tpu.memref_squeeze %dma_start3A_55 : memref<1x200xi32, #tpu.memory_space<vmem>> -> memref<200xi32, #tpu.memory_space<vmem>>
    %dma_start3A_57 = arith.constant 0 : i32
    %dma_start3A_58 = arith.constant 0 : i32
    %dma_start3A_59 = tpu.memref_slice %arg2[%dma_start3A_57, %dma_start3A_58] : memref<10000x64xf32, #tpu.memory_space<hbm>> -> memref<10000x64xf32, #tpu.memory_space<hbm>>
    %dma_start3A_60 = tpu.memref_slice %arg11[%dma_start3A_49] : memref<4x!tpu.dma_semaphore, #tpu.memory_space<semaphore_mem>> -> memref<1x!tpu.dma_semaphore, #tpu.memory_space<semaphore_mem>>
    %dma_start3A_61 = tpu.memref_squeeze %dma_start3A_60 : memref<1x!tpu.dma_semaphore, #tpu.memory_space<semaphore_mem>> -> memref<!tpu.dma_semaphore, #tpu.memory_space<semaphore_mem>>
    tpu.enqueue_indirect_dma source(%dma_start3A_59 : memref<10000x64xf32, #tpu.memory_space<hbm>>) target(%dma_start3A_53 : memref<200x64xf32, #tpu.memory_space<vmem>>) offsets(%dma_start3A_56 : memref<200xi32, #tpu.memory_space<vmem>>) semaphore(%dma_start3A_61 : memref<!tpu.dma_semaphore, #tpu.memory_space<semaphore_mem>>)
    %dma_start3A_62 = arith.constant 3 : i32
    %dma_start3A_63 = arith.constant 3 : i32
    %dma_start3A_64 = arith.constant 3 : i32
    %dma_start3A_65 = arith.constant 0 : i32
    %dma_start3A_66 = arith.constant 0 : i32
    %dma_start3A_67 = tpu.memref_slice %arg8[%dma_start3A_63, %dma_start3A_65, %dma_start3A_66] : memref<4x200x64xf32, #tpu.memory_space<vmem>> -> memref<1x200x64xf32, #tpu.memory_space<vmem>>
    %dma_start3A_68 = tpu.memref_squeeze %dma_start3A_67 : memref<1x200x64xf32, #tpu.memory_space<vmem>> -> memref<200x64xf32, #tpu.memory_space<vmem>>
    %dma_start3A_69 = arith.constant 0 : i32
    %dma_start3A_70 = tpu.memref_slice %arg6[%dma_start3A_62, %dma_start3A_69] : memref<50x200xi32, #tpu.memory_space<vmem>> -> memref<1x200xi32, #tpu.memory_space<vmem>>
    %dma_start3A_71 = tpu.memref_squeeze %dma_start3A_70 : memref<1x200xi32, #tpu.memory_space<vmem>> -> memref<200xi32, #tpu.memory_space<vmem>>
    %dma_start3A_72 = arith.constant 0 : i32
    %dma_start3A_73 = arith.constant 0 : i32
    %dma_start3A_74 = tpu.memref_slice %arg2[%dma_start3A_72, %dma_start3A_73] : memref<10000x64xf32, #tpu.memory_space<hbm>> -> memref<10000x64xf32, #tpu.memory_space<hbm>>
    %dma_start3A_75 = tpu.memref_slice %arg11[%dma_start3A_64] : memref<4x!tpu.dma_semaphore, #tpu.memory_space<semaphore_mem>> -> memref<1x!tpu.dma_semaphore, #tpu.memory_space<semaphore_mem>>
    %dma_start3A_76 = tpu.memref_squeeze %dma_start3A_75 : memref<1x!tpu.dma_semaphore, #tpu.memory_space<semaphore_mem>> -> memref<!tpu.dma_semaphore, #tpu.memory_space<semaphore_mem>>
    tpu.enqueue_indirect_dma source(%dma_start3A_74 : memref<10000x64xf32, #tpu.memory_space<hbm>>) target(%dma_start3A_68 : memref<200x64xf32, #tpu.memory_space<vmem>>) offsets(%dma_start3A_71 : memref<200xi32, #tpu.memory_space<vmem>>) semaphore(%dma_start3A_76 : memref<!tpu.dma_semaphore, #tpu.memory_space<semaphore_mem>>)
    %scan3A_77 = arith.constant 0 : i32
    %scan3A_78 = arith.constant 0 : i32
    %scan3A_79 = arith.constant 12 : i32
    %scan3A_80 = arith.addi %scan3A_78, %scan3A_79 : i32
    %scan3A_81 = arith.constant 1 : i32
    %scan3A_82 = scf.for %scan3A_124 = %scan3A_78 to %scan3A_80 step %scan3A_81 iter_args(%scan3A_125 = %scan3A_77) -> (i32)  : i32 {
      %mul3A_126 = arith.constant 4 : i32
      %mul3A_127 = arith.muli %scan3A_124, %mul3A_126 : i32
      %add3A_128 = arith.constant 0 : i32
      %add3A_129 = arith.addi %mul3A_127, %add3A_128 : i32
      %dma_wait3A_130 = arith.constant 0 : i32
      %dma_wait3A_131 = arith.constant 0 : i32
      %dma_wait3A_132 = arith.constant 0 : i32
      %dma_wait3A_133 = arith.constant 0 : i32
      %dma_wait3A_134 = tpu.memref_slice %arg8[%dma_wait3A_130, %dma_wait3A_132, %dma_wait3A_133] : memref<4x200x64xf32, #tpu.memory_space<vmem>> -> memref<1x200x64xf32, #tpu.memory_space<vmem>>
      %dma_wait3A_135 = tpu.memref_squeeze %dma_wait3A_134 : memref<1x200x64xf32, #tpu.memory_space<vmem>> -> memref<200x64xf32, #tpu.memory_space<vmem>>
      %dma_wait3A_136 = arith.constant 0 : i32
      %dma_wait3A_137 = tpu.memref_slice %arg6[%add3A_129, %dma_wait3A_136] : memref<50x200xi32, #tpu.memory_space<vmem>> -> memref<1x200xi32, #tpu.memory_space<vmem>>
      %dma_wait3A_138 = tpu.memref_squeeze %dma_wait3A_137 : memref<1x200xi32, #tpu.memory_space<vmem>> -> memref<200xi32, #tpu.memory_space<vmem>>
      %dma_wait3A_139 = arith.constant 0 : i32
      %dma_wait3A_140 = arith.constant 0 : i32
      %dma_wait3A_141 = tpu.memref_slice %arg2[%dma_wait3A_139, %dma_wait3A_140] : memref<10000x64xf32, #tpu.memory_space<hbm>> -> memref<10000x64xf32, #tpu.memory_space<hbm>>
      %dma_wait3A_142 = tpu.memref_slice %arg11[%dma_wait3A_131] : memref<4x!tpu.dma_semaphore, #tpu.memory_space<semaphore_mem>> -> memref<1x!tpu.dma_semaphore, #tpu.memory_space<semaphore_mem>>
      %dma_wait3A_143 = tpu.memref_squeeze %dma_wait3A_142 : memref<1x!tpu.dma_semaphore, #tpu.memory_space<semaphore_mem>> -> memref<!tpu.dma_semaphore, #tpu.memory_space<semaphore_mem>>
      tpu.wait_indirect_dma semaphore(%dma_wait3A_143 : memref<!tpu.dma_semaphore, #tpu.memory_space<semaphore_mem>>) src(%dma_wait3A_141 : memref<10000x64xf32, #tpu.memory_space<hbm>>) dst(%dma_wait3A_135 : memref<200x64xf32, #tpu.memory_space<vmem>>)
      %run_scoped3A_144 = arith.constant 0 : i32
      "tpu.region"() ({
        %run_scoped3A_224 = tpu.sem_alloc : memref<!tpu.dma_semaphore, #tpu.memory_space<semaphore_mem>>
        %dma_start3A_225 = arith.constant 0 : i32
        %dma_start3A_226 = arith.constant 0 : i32
        %dma_start3A_227 = tpu.memref_slice %arg8[%run_scoped3A_144, %dma_start3A_225, %dma_start3A_226] : memref<4x200x64xf32, #tpu.memory_space<vmem>> -> memref<1x200x64xf32, #tpu.memory_space<vmem>>
        %dma_start3A_228 = tpu.memref_squeeze %dma_start3A_227 : memref<1x200x64xf32, #tpu.memory_space<vmem>> -> memref<200x64xf32, #tpu.memory_space<vmem>>
        %dma_start3A_229 = arith.constant 0 : i32
        %dma_start3A_230 = tpu.memref_slice %arg7[%add3A_129, %dma_start3A_229] : memref<50x200xi32, #tpu.memory_space<vmem>> -> memref<1x200xi32, #tpu.memory_space<vmem>>
        %dma_start3A_231 = tpu.memref_squeeze %dma_start3A_230 : memref<1x200xi32, #tpu.memory_space<vmem>> -> memref<200xi32, #tpu.memory_space<vmem>>
        %dma_start3A_232 = arith.constant 0 : i32
        %dma_start3A_233 = arith.constant 0 : i32
        %dma_start3A_234 = tpu.memref_slice %arg10[%dma_start3A_232, %dma_start3A_233] : memref<10000x64xf32, #tpu.memory_space<vmem_shared>> -> memref<10000x64xf32, #tpu.memory_space<vmem_shared>>
        tpu.enqueue_indirect_dma source(%dma_start3A_228 : memref<200x64xf32, #tpu.memory_space<vmem>>) target(%dma_start3A_234 : memref<10000x64xf32, #tpu.memory_space<vmem_shared>>) offsets(%dma_start3A_231 : memref<200xi32, #tpu.memory_space<vmem>>) semaphore(%run_scoped3A_224 : memref<!tpu.dma_semaphore, #tpu.memory_space<semaphore_mem>>) {add = true}
        %dma_wait3A_235 = arith.constant 0 : i32
        %dma_wait3A_236 = arith.constant 0 : i32
        %dma_wait3A_237 = tpu.memref_slice %arg8[%run_scoped3A_144, %dma_wait3A_235, %dma_wait3A_236] : memref<4x200x64xf32, #tpu.memory_space<vmem>> -> memref<1x200x64xf32, #tpu.memory_space<vmem>>
        %dma_wait3A_238 = tpu.memref_squeeze %dma_wait3A_237 : memref<1x200x64xf32, #tpu.memory_space<vmem>> -> memref<200x64xf32, #tpu.memory_space<vmem>>
        %dma_wait3A_239 = arith.constant 0 : i32
        %dma_wait3A_240 = tpu.memref_slice %arg7[%add3A_129, %dma_wait3A_239] : memref<50x200xi32, #tpu.memory_space<vmem>> -> memref<1x200xi32, #tpu.memory_space<vmem>>
        %dma_wait3A_241 = tpu.memref_squeeze %dma_wait3A_240 : memref<1x200xi32, #tpu.memory_space<vmem>> -> memref<200xi32, #tpu.memory_space<vmem>>
        %dma_wait3A_242 = arith.constant 0 : i32
        %dma_wait3A_243 = arith.constant 0 : i32
        %dma_wait3A_244 = tpu.memref_slice %arg10[%dma_wait3A_242, %dma_wait3A_243] : memref<10000x64xf32, #tpu.memory_space<vmem_shared>> -> memref<10000x64xf32, #tpu.memory_space<vmem_shared>>
        tpu.wait_indirect_dma semaphore(%run_scoped3A_224 : memref<!tpu.dma_semaphore, #tpu.memory_space<semaphore_mem>>) src(%dma_wait3A_238 : memref<200x64xf32, #tpu.memory_space<vmem>>) dst(%dma_wait3A_244 : memref<10000x64xf32, #tpu.memory_space<vmem_shared>>)
        tpu.yield
      }) : () -> ()
      %add3A_145 = arith.constant 4 : i32
      %add3A_146 = arith.addi %add3A_129, %add3A_145 : i32
      %lt3A = arith.constant 50 : i32
      %lt3A_147 = arith.cmpi slt, %add3A_146, %lt3A : i32
      %convert_element_type3A_148 = arith.extui %lt3A_147 : i1 to i32
      %cond3A_149 = arith.constant 0 : i32
      %cond3A_150 = arith.cmpi ne, %convert_element_type3A_148, %cond3A_149 : i32
      scf.if %cond3A_150 {
        %add3A_224 = arith.constant 4 : i32
        %add3A_225 = arith.addi %add3A_129, %add3A_224 : i32
        %dma_start3A_226 = arith.constant 0 : i32
        %dma_start3A_227 = arith.constant 0 : i32
        %dma_start3A_228 = arith.constant 0 : i32
        %dma_start3A_229 = arith.constant 0 : i32
        %dma_start3A_230 = tpu.memref_slice %arg8[%dma_start3A_226, %dma_start3A_228, %dma_start3A_229] : memref<4x200x64xf32, #tpu.memory_space<vmem>> -> memref<1x200x64xf32, #tpu.memory_space<vmem>>
        %dma_start3A_231 = tpu.memref_squeeze %dma_start3A_230 : memref<1x200x64xf32, #tpu.memory_space<vmem>> -> memref<200x64xf32, #tpu.memory_space<vmem>>
        %dma_start3A_232 = arith.constant 0 : i32
        %dma_start3A_233 = tpu.memref_slice %arg6[%add3A_225, %dma_start3A_232] : memref<50x200xi32, #tpu.memory_space<vmem>> -> memref<1x200xi32, #tpu.memory_space<vmem>>
        %dma_start3A_234 = tpu.memref_squeeze %dma_start3A_233 : memref<1x200xi32, #tpu.memory_space<vmem>> -> memref<200xi32, #tpu.memory_space<vmem>>
        %dma_start3A_235 = arith.constant 0 : i32
        %dma_start3A_236 = arith.constant 0 : i32
        %dma_start3A_237 = tpu.memref_slice %arg2[%dma_start3A_235, %dma_start3A_236] : memref<10000x64xf32, #tpu.memory_space<hbm>> -> memref<10000x64xf32, #tpu.memory_space<hbm>>
        %dma_start3A_238 = tpu.memref_slice %arg11[%dma_start3A_227] : memref<4x!tpu.dma_semaphore, #tpu.memory_space<semaphore_mem>> -> memref<1x!tpu.dma_semaphore, #tpu.memory_space<semaphore_mem>>
        %dma_start3A_239 = tpu.memref_squeeze %dma_start3A_238 : memref<1x!tpu.dma_semaphore, #tpu.memory_space<semaphore_mem>> -> memref<!tpu.dma_semaphore, #tpu.memory_space<semaphore_mem>>
        tpu.enqueue_indirect_dma source(%dma_start3A_237 : memref<10000x64xf32, #tpu.memory_space<hbm>>) target(%dma_start3A_231 : memref<200x64xf32, #tpu.memory_space<vmem>>) offsets(%dma_start3A_234 : memref<200xi32, #tpu.memory_space<vmem>>) semaphore(%dma_start3A_239 : memref<!tpu.dma_semaphore, #tpu.memory_space<semaphore_mem>>)
      } else {
      }
      %add3A_151 = arith.constant 1 : i32
      %add3A_152 = arith.addi %mul3A_127, %add3A_151 : i32
      %dma_wait3A_153 = arith.constant 1 : i32
      %dma_wait3A_154 = arith.constant 1 : i32
      %dma_wait3A_155 = arith.constant 0 : i32
      %dma_wait3A_156 = arith.constant 0 : i32
      %dma_wait3A_157 = tpu.memref_slice %arg8[%dma_wait3A_153, %dma_wait3A_155, %dma_wait3A_156] : memref<4x200x64xf32, #tpu.memory_space<vmem>> -> memref<1x200x64xf32, #tpu.memory_space<vmem>>
      %dma_wait3A_158 = tpu.memref_squeeze %dma_wait3A_157 : memref<1x200x64xf32, #tpu.memory_space<vmem>> -> memref<200x64xf32, #tpu.memory_space<vmem>>
      %dma_wait3A_159 = arith.constant 0 : i32
      %dma_wait3A_160 = tpu.memref_slice %arg6[%add3A_152, %dma_wait3A_159] : memref<50x200xi32, #tpu.memory_space<vmem>> -> memref<1x200xi32, #tpu.memory_space<vmem>>
      %dma_wait3A_161 = tpu.memref_squeeze %dma_wait3A_160 : memref<1x200xi32, #tpu.memory_space<vmem>> -> memref<200xi32, #tpu.memory_space<vmem>>
      %dma_wait3A_162 = arith.constant 0 : i32
      %dma_wait3A_163 = arith.constant 0 : i32
      %dma_wait3A_164 = tpu.memref_slice %arg2[%dma_wait3A_162, %dma_wait3A_163] : memref<10000x64xf32, #tpu.memory_space<hbm>> -> memref<10000x64xf32, #tpu.memory_space<hbm>>
      %dma_wait3A_165 = tpu.memref_slice %arg11[%dma_wait3A_154] : memref<4x!tpu.dma_semaphore, #tpu.memory_space<semaphore_mem>> -> memref<1x!tpu.dma_semaphore, #tpu.memory_space<semaphore_mem>>
      %dma_wait3A_166 = tpu.memref_squeeze %dma_wait3A_165 : memref<1x!tpu.dma_semaphore, #tpu.memory_space<semaphore_mem>> -> memref<!tpu.dma_semaphore, #tpu.memory_space<semaphore_mem>>
      tpu.wait_indirect_dma semaphore(%dma_wait3A_166 : memref<!tpu.dma_semaphore, #tpu.memory_space<semaphore_mem>>) src(%dma_wait3A_164 : memref<10000x64xf32, #tpu.memory_space<hbm>>) dst(%dma_wait3A_158 : memref<200x64xf32, #tpu.memory_space<vmem>>)
      %run_scoped3A_167 = arith.constant 1 : i32
      "tpu.region"() ({
        %run_scoped3A_224 = tpu.sem_alloc : memref<!tpu.dma_semaphore, #tpu.memory_space<semaphore_mem>>
        %dma_start3A_225 = arith.constant 0 : i32
        %dma_start3A_226 = arith.constant 0 : i32
        %dma_start3A_227 = tpu.memref_slice %arg8[%run_scoped3A_167, %dma_start3A_225, %dma_start3A_226] : memref<4x200x64xf32, #tpu.memory_space<vmem>> -> memref<1x200x64xf32, #tpu.memory_space<vmem>>
        %dma_start3A_228 = tpu.memref_squeeze %dma_start3A_227 : memref<1x200x64xf32, #tpu.memory_space<vmem>> -> memref<200x64xf32, #tpu.memory_space<vmem>>
        %dma_start3A_229 = arith.constant 0 : i32
        %dma_start3A_230 = tpu.memref_slice %arg7[%add3A_152, %dma_start3A_229] : memref<50x200xi32, #tpu.memory_space<vmem>> -> memref<1x200xi32, #tpu.memory_space<vmem>>
        %dma_start3A_231 = tpu.memref_squeeze %dma_start3A_230 : memref<1x200xi32, #tpu.memory_space<vmem>> -> memref<200xi32, #tpu.memory_space<vmem>>
        %dma_start3A_232 = arith.constant 0 : i32
        %dma_start3A_233 = arith.constant 0 : i32
        %dma_start3A_234 = tpu.memref_slice %arg10[%dma_start3A_232, %dma_start3A_233] : memref<10000x64xf32, #tpu.memory_space<vmem_shared>> -> memref<10000x64xf32, #tpu.memory_space<vmem_shared>>
        tpu.enqueue_indirect_dma source(%dma_start3A_228 : memref<200x64xf32, #tpu.memory_space<vmem>>) target(%dma_start3A_234 : memref<10000x64xf32, #tpu.memory_space<vmem_shared>>) offsets(%dma_start3A_231 : memref<200xi32, #tpu.memory_space<vmem>>) semaphore(%run_scoped3A_224 : memref<!tpu.dma_semaphore, #tpu.memory_space<semaphore_mem>>) {add = true}
        %dma_wait3A_235 = arith.constant 0 : i32
        %dma_wait3A_236 = arith.constant 0 : i32
        %dma_wait3A_237 = tpu.memref_slice %arg8[%run_scoped3A_167, %dma_wait3A_235, %dma_wait3A_236] : memref<4x200x64xf32, #tpu.memory_space<vmem>> -> memref<1x200x64xf32, #tpu.memory_space<vmem>>
        %dma_wait3A_238 = tpu.memref_squeeze %dma_wait3A_237 : memref<1x200x64xf32, #tpu.memory_space<vmem>> -> memref<200x64xf32, #tpu.memory_space<vmem>>
        %dma_wait3A_239 = arith.constant 0 : i32
        %dma_wait3A_240 = tpu.memref_slice %arg7[%add3A_152, %dma_wait3A_239] : memref<50x200xi32, #tpu.memory_space<vmem>> -> memref<1x200xi32, #tpu.memory_space<vmem>>
        %dma_wait3A_241 = tpu.memref_squeeze %dma_wait3A_240 : memref<1x200xi32, #tpu.memory_space<vmem>> -> memref<200xi32, #tpu.memory_space<vmem>>
        %dma_wait3A_242 = arith.constant 0 : i32
        %dma_wait3A_243 = arith.constant 0 : i32
        %dma_wait3A_244 = tpu.memref_slice %arg10[%dma_wait3A_242, %dma_wait3A_243] : memref<10000x64xf32, #tpu.memory_space<vmem_shared>> -> memref<10000x64xf32, #tpu.memory_space<vmem_shared>>
        tpu.wait_indirect_dma semaphore(%run_scoped3A_224 : memref<!tpu.dma_semaphore, #tpu.memory_space<semaphore_mem>>) src(%dma_wait3A_238 : memref<200x64xf32, #tpu.memory_space<vmem>>) dst(%dma_wait3A_244 : memref<10000x64xf32, #tpu.memory_space<vmem_shared>>)
        tpu.yield
      }) : () -> ()
      %add3A_168 = arith.constant 4 : i32
      %add3A_169 = arith.addi %add3A_152, %add3A_168 : i32
      %lt3A_170 = arith.constant 50 : i32
      %lt3A_171 = arith.cmpi slt, %add3A_169, %lt3A_170 : i32
      %convert_element_type3A_172 = arith.extui %lt3A_171 : i1 to i32
      %cond3A_173 = arith.constant 0 : i32
      %cond3A_174 = arith.cmpi ne, %convert_element_type3A_172, %cond3A_173 : i32
      scf.if %cond3A_174 {
        %add3A_224 = arith.constant 4 : i32
        %add3A_225 = arith.addi %add3A_152, %add3A_224 : i32
        %dma_start3A_226 = arith.constant 1 : i32
        %dma_start3A_227 = arith.constant 1 : i32
        %dma_start3A_228 = arith.constant 0 : i32
        %dma_start3A_229 = arith.constant 0 : i32
        %dma_start3A_230 = tpu.memref_slice %arg8[%dma_start3A_226, %dma_start3A_228, %dma_start3A_229] : memref<4x200x64xf32, #tpu.memory_space<vmem>> -> memref<1x200x64xf32, #tpu.memory_space<vmem>>
        %dma_start3A_231 = tpu.memref_squeeze %dma_start3A_230 : memref<1x200x64xf32, #tpu.memory_space<vmem>> -> memref<200x64xf32, #tpu.memory_space<vmem>>
        %dma_start3A_232 = arith.constant 0 : i32
        %dma_start3A_233 = tpu.memref_slice %arg6[%add3A_225, %dma_start3A_232] : memref<50x200xi32, #tpu.memory_space<vmem>> -> memref<1x200xi32, #tpu.memory_space<vmem>>
        %dma_start3A_234 = tpu.memref_squeeze %dma_start3A_233 : memref<1x200xi32, #tpu.memory_space<vmem>> -> memref<200xi32, #tpu.memory_space<vmem>>
        %dma_start3A_235 = arith.constant 0 : i32
        %dma_start3A_236 = arith.constant 0 : i32
        %dma_start3A_237 = tpu.memref_slice %arg2[%dma_start3A_235, %dma_start3A_236] : memref<10000x64xf32, #tpu.memory_space<hbm>> -> memref<10000x64xf32, #tpu.memory_space<hbm>>
        %dma_start3A_238 = tpu.memref_slice %arg11[%dma_start3A_227] : memref<4x!tpu.dma_semaphore, #tpu.memory_space<semaphore_mem>> -> memref<1x!tpu.dma_semaphore, #tpu.memory_space<semaphore_mem>>
        %dma_start3A_239 = tpu.memref_squeeze %dma_start3A_238 : memref<1x!tpu.dma_semaphore, #tpu.memory_space<semaphore_mem>> -> memref<!tpu.dma_semaphore, #tpu.memory_space<semaphore_mem>>
        tpu.enqueue_indirect_dma source(%dma_start3A_237 : memref<10000x64xf32, #tpu.memory_space<hbm>>) target(%dma_start3A_231 : memref<200x64xf32, #tpu.memory_space<vmem>>) offsets(%dma_start3A_234 : memref<200xi32, #tpu.memory_space<vmem>>) semaphore(%dma_start3A_239 : memref<!tpu.dma_semaphore, #tpu.memory_space<semaphore_mem>>)
      } else {
      }
      %add3A_175 = arith.constant 2 : i32
      %add3A_176 = arith.addi %mul3A_127, %add3A_175 : i32
      %dma_wait3A_177 = arith.constant 2 : i32
      %dma_wait3A_178 = arith.constant 2 : i32
      %dma_wait3A_179 = arith.constant 0 : i32
      %dma_wait3A_180 = arith.constant 0 : i32
      %dma_wait3A_181 = tpu.memref_slice %arg8[%dma_wait3A_177, %dma_wait3A_179, %dma_wait3A_180] : memref<4x200x64xf32, #tpu.memory_space<vmem>> -> memref<1x200x64xf32, #tpu.memory_space<vmem>>
      %dma_wait3A_182 = tpu.memref_squeeze %dma_wait3A_181 : memref<1x200x64xf32, #tpu.memory_space<vmem>> -> memref<200x64xf32, #tpu.memory_space<vmem>>
      %dma_wait3A_183 = arith.constant 0 : i32
      %dma_wait3A_184 = tpu.memref_slice %arg6[%add3A_176, %dma_wait3A_183] : memref<50x200xi32, #tpu.memory_space<vmem>> -> memref<1x200xi32, #tpu.memory_space<vmem>>
      %dma_wait3A_185 = tpu.memref_squeeze %dma_wait3A_184 : memref<1x200xi32, #tpu.memory_space<vmem>> -> memref<200xi32, #tpu.memory_space<vmem>>
      %dma_wait3A_186 = arith.constant 0 : i32
      %dma_wait3A_187 = arith.constant 0 : i32
      %dma_wait3A_188 = tpu.memref_slice %arg2[%dma_wait3A_186, %dma_wait3A_187] : memref<10000x64xf32, #tpu.memory_space<hbm>> -> memref<10000x64xf32, #tpu.memory_space<hbm>>
      %dma_wait3A_189 = tpu.memref_slice %arg11[%dma_wait3A_178] : memref<4x!tpu.dma_semaphore, #tpu.memory_space<semaphore_mem>> -> memref<1x!tpu.dma_semaphore, #tpu.memory_space<semaphore_mem>>
      %dma_wait3A_190 = tpu.memref_squeeze %dma_wait3A_189 : memref<1x!tpu.dma_semaphore, #tpu.memory_space<semaphore_mem>> -> memref<!tpu.dma_semaphore, #tpu.memory_space<semaphore_mem>>
      tpu.wait_indirect_dma semaphore(%dma_wait3A_190 : memref<!tpu.dma_semaphore, #tpu.memory_space<semaphore_mem>>) src(%dma_wait3A_188 : memref<10000x64xf32, #tpu.memory_space<hbm>>) dst(%dma_wait3A_182 : memref<200x64xf32, #tpu.memory_space<vmem>>)
      %run_scoped3A_191 = arith.constant 2 : i32
      "tpu.region"() ({
        %run_scoped3A_224 = tpu.sem_alloc : memref<!tpu.dma_semaphore, #tpu.memory_space<semaphore_mem>>
        %dma_start3A_225 = arith.constant 0 : i32
        %dma_start3A_226 = arith.constant 0 : i32
        %dma_start3A_227 = tpu.memref_slice %arg8[%run_scoped3A_191, %dma_start3A_225, %dma_start3A_226] : memref<4x200x64xf32, #tpu.memory_space<vmem>> -> memref<1x200x64xf32, #tpu.memory_space<vmem>>
        %dma_start3A_228 = tpu.memref_squeeze %dma_start3A_227 : memref<1x200x64xf32, #tpu.memory_space<vmem>> -> memref<200x64xf32, #tpu.memory_space<vmem>>
        %dma_start3A_229 = arith.constant 0 : i32
        %dma_start3A_230 = tpu.memref_slice %arg7[%add3A_176, %dma_start3A_229] : memref<50x200xi32, #tpu.memory_space<vmem>> -> memref<1x200xi32, #tpu.memory_space<vmem>>
        %dma_start3A_231 = tpu.memref_squeeze %dma_start3A_230 : memref<1x200xi32, #tpu.memory_space<vmem>> -> memref<200xi32, #tpu.memory_space<vmem>>
        %dma_start3A_232 = arith.constant 0 : i32
        %dma_start3A_233 = arith.constant 0 : i32
        %dma_start3A_234 = tpu.memref_slice %arg10[%dma_start3A_232, %dma_start3A_233] : memref<10000x64xf32, #tpu.memory_space<vmem_shared>> -> memref<10000x64xf32, #tpu.memory_space<vmem_shared>>
        tpu.enqueue_indirect_dma source(%dma_start3A_228 : memref<200x64xf32, #tpu.memory_space<vmem>>) target(%dma_start3A_234 : memref<10000x64xf32, #tpu.memory_space<vmem_shared>>) offsets(%dma_start3A_231 : memref<200xi32, #tpu.memory_space<vmem>>) semaphore(%run_scoped3A_224 : memref<!tpu.dma_semaphore, #tpu.memory_space<semaphore_mem>>) {add = true}
        %dma_wait3A_235 = arith.constant 0 : i32
        %dma_wait3A_236 = arith.constant 0 : i32
        %dma_wait3A_237 = tpu.memref_slice %arg8[%run_scoped3A_191, %dma_wait3A_235, %dma_wait3A_236] : memref<4x200x64xf32, #tpu.memory_space<vmem>> -> memref<1x200x64xf32, #tpu.memory_space<vmem>>
        %dma_wait3A_238 = tpu.memref_squeeze %dma_wait3A_237 : memref<1x200x64xf32, #tpu.memory_space<vmem>> -> memref<200x64xf32, #tpu.memory_space<vmem>>
        %dma_wait3A_239 = arith.constant 0 : i32
        %dma_wait3A_240 = tpu.memref_slice %arg7[%add3A_176, %dma_wait3A_239] : memref<50x200xi32, #tpu.memory_space<vmem>> -> memref<1x200xi32, #tpu.memory_space<vmem>>
        %dma_wait3A_241 = tpu.memref_squeeze %dma_wait3A_240 : memref<1x200xi32, #tpu.memory_space<vmem>> -> memref<200xi32, #tpu.memory_space<vmem>>
        %dma_wait3A_242 = arith.constant 0 : i32
        %dma_wait3A_243 = arith.constant 0 : i32
        %dma_wait3A_244 = tpu.memref_slice %arg10[%dma_wait3A_242, %dma_wait3A_243] : memref<10000x64xf32, #tpu.memory_space<vmem_shared>> -> memref<10000x64xf32, #tpu.memory_space<vmem_shared>>
        tpu.wait_indirect_dma semaphore(%run_scoped3A_224 : memref<!tpu.dma_semaphore, #tpu.memory_space<semaphore_mem>>) src(%dma_wait3A_238 : memref<200x64xf32, #tpu.memory_space<vmem>>) dst(%dma_wait3A_244 : memref<10000x64xf32, #tpu.memory_space<vmem_shared>>)
        tpu.yield
      }) : () -> ()
      %add3A_192 = arith.constant 4 : i32
      %add3A_193 = arith.addi %add3A_176, %add3A_192 : i32
      %lt3A_194 = arith.constant 50 : i32
      %lt3A_195 = arith.cmpi slt, %add3A_193, %lt3A_194 : i32
      %convert_element_type3A_196 = arith.extui %lt3A_195 : i1 to i32
      %cond3A_197 = arith.constant 0 : i32
      %cond3A_198 = arith.cmpi ne, %convert_element_type3A_196, %cond3A_197 : i32
      scf.if %cond3A_198 {
        %add3A_224 = arith.constant 4 : i32
        %add3A_225 = arith.addi %add3A_176, %add3A_224 : i32
        %dma_start3A_226 = arith.constant 2 : i32
        %dma_start3A_227 = arith.constant 2 : i32
        %dma_start3A_228 = arith.constant 0 : i32
        %dma_start3A_229 = arith.constant 0 : i32
        %dma_start3A_230 = tpu.memref_slice %arg8[%dma_start3A_226, %dma_start3A_228, %dma_start3A_229] : memref<4x200x64xf32, #tpu.memory_space<vmem>> -> memref<1x200x64xf32, #tpu.memory_space<vmem>>
        %dma_start3A_231 = tpu.memref_squeeze %dma_start3A_230 : memref<1x200x64xf32, #tpu.memory_space<vmem>> -> memref<200x64xf32, #tpu.memory_space<vmem>>
        %dma_start3A_232 = arith.constant 0 : i32
        %dma_start3A_233 = tpu.memref_slice %arg6[%add3A_225, %dma_start3A_232] : memref<50x200xi32, #tpu.memory_space<vmem>> -> memref<1x200xi32, #tpu.memory_space<vmem>>
        %dma_start3A_234 = tpu.memref_squeeze %dma_start3A_233 : memref<1x200xi32, #tpu.memory_space<vmem>> -> memref<200xi32, #tpu.memory_space<vmem>>
        %dma_start3A_235 = arith.constant 0 : i32
        %dma_start3A_236 = arith.constant 0 : i32
        %dma_start3A_237 = tpu.memref_slice %arg2[%dma_start3A_235, %dma_start3A_236] : memref<10000x64xf32, #tpu.memory_space<hbm>> -> memref<10000x64xf32, #tpu.memory_space<hbm>>
        %dma_start3A_238 = tpu.memref_slice %arg11[%dma_start3A_227] : memref<4x!tpu.dma_semaphore, #tpu.memory_space<semaphore_mem>> -> memref<1x!tpu.dma_semaphore, #tpu.memory_space<semaphore_mem>>
        %dma_start3A_239 = tpu.memref_squeeze %dma_start3A_238 : memref<1x!tpu.dma_semaphore, #tpu.memory_space<semaphore_mem>> -> memref<!tpu.dma_semaphore, #tpu.memory_space<semaphore_mem>>
        tpu.enqueue_indirect_dma source(%dma_start3A_237 : memref<10000x64xf32, #tpu.memory_space<hbm>>) target(%dma_start3A_231 : memref<200x64xf32, #tpu.memory_space<vmem>>) offsets(%dma_start3A_234 : memref<200xi32, #tpu.memory_space<vmem>>) semaphore(%dma_start3A_239 : memref<!tpu.dma_semaphore, #tpu.memory_space<semaphore_mem>>)
      } else {
      }
      %add3A_199 = arith.constant 3 : i32
      %add3A_200 = arith.addi %mul3A_127, %add3A_199 : i32
      %dma_wait3A_201 = arith.constant 3 : i32
      %dma_wait3A_202 = arith.constant 3 : i32
      %dma_wait3A_203 = arith.constant 0 : i32
      %dma_wait3A_204 = arith.constant 0 : i32
      %dma_wait3A_205 = tpu.memref_slice %arg8[%dma_wait3A_201, %dma_wait3A_203, %dma_wait3A_204] : memref<4x200x64xf32, #tpu.memory_space<vmem>> -> memref<1x200x64xf32, #tpu.memory_space<vmem>>
      %dma_wait3A_206 = tpu.memref_squeeze %dma_wait3A_205 : memref<1x200x64xf32, #tpu.memory_space<vmem>> -> memref<200x64xf32, #tpu.memory_space<vmem>>
      %dma_wait3A_207 = arith.constant 0 : i32
      %dma_wait3A_208 = tpu.memref_slice %arg6[%add3A_200, %dma_wait3A_207] : memref<50x200xi32, #tpu.memory_space<vmem>> -> memref<1x200xi32, #tpu.memory_space<vmem>>
      %dma_wait3A_209 = tpu.memref_squeeze %dma_wait3A_208 : memref<1x200xi32, #tpu.memory_space<vmem>> -> memref<200xi32, #tpu.memory_space<vmem>>
      %dma_wait3A_210 = arith.constant 0 : i32
      %dma_wait3A_211 = arith.constant 0 : i32
      %dma_wait3A_212 = tpu.memref_slice %arg2[%dma_wait3A_210, %dma_wait3A_211] : memref<10000x64xf32, #tpu.memory_space<hbm>> -> memref<10000x64xf32, #tpu.memory_space<hbm>>
      %dma_wait3A_213 = tpu.memref_slice %arg11[%dma_wait3A_202] : memref<4x!tpu.dma_semaphore, #tpu.memory_space<semaphore_mem>> -> memref<1x!tpu.dma_semaphore, #tpu.memory_space<semaphore_mem>>
      %dma_wait3A_214 = tpu.memref_squeeze %dma_wait3A_213 : memref<1x!tpu.dma_semaphore, #tpu.memory_space<semaphore_mem>> -> memref<!tpu.dma_semaphore, #tpu.memory_space<semaphore_mem>>
      tpu.wait_indirect_dma semaphore(%dma_wait3A_214 : memref<!tpu.dma_semaphore, #tpu.memory_space<semaphore_mem>>) src(%dma_wait3A_212 : memref<10000x64xf32, #tpu.memory_space<hbm>>) dst(%dma_wait3A_206 : memref<200x64xf32, #tpu.memory_space<vmem>>)
      %run_scoped3A_215 = arith.constant 3 : i32
      "tpu.region"() ({
        %run_scoped3A_224 = tpu.sem_alloc : memref<!tpu.dma_semaphore, #tpu.memory_space<semaphore_mem>>
        %dma_start3A_225 = arith.constant 0 : i32
        %dma_start3A_226 = arith.constant 0 : i32
        %dma_start3A_227 = tpu.memref_slice %arg8[%run_scoped3A_215, %dma_start3A_225, %dma_start3A_226] : memref<4x200x64xf32, #tpu.memory_space<vmem>> -> memref<1x200x64xf32, #tpu.memory_space<vmem>>
        %dma_start3A_228 = tpu.memref_squeeze %dma_start3A_227 : memref<1x200x64xf32, #tpu.memory_space<vmem>> -> memref<200x64xf32, #tpu.memory_space<vmem>>
        %dma_start3A_229 = arith.constant 0 : i32
        %dma_start3A_230 = tpu.memref_slice %arg7[%add3A_200, %dma_start3A_229] : memref<50x200xi32, #tpu.memory_space<vmem>> -> memref<1x200xi32, #tpu.memory_space<vmem>>
        %dma_start3A_231 = tpu.memref_squeeze %dma_start3A_230 : memref<1x200xi32, #tpu.memory_space<vmem>> -> memref<200xi32, #tpu.memory_space<vmem>>
        %dma_start3A_232 = arith.constant 0 : i32
        %dma_start3A_233 = arith.constant 0 : i32
        %dma_start3A_234 = tpu.memref_slice %arg10[%dma_start3A_232, %dma_start3A_233] : memref<10000x64xf32, #tpu.memory_space<vmem_shared>> -> memref<10000x64xf32, #tpu.memory_space<vmem_shared>>
        tpu.enqueue_indirect_dma source(%dma_start3A_228 : memref<200x64xf32, #tpu.memory_space<vmem>>) target(%dma_start3A_234 : memref<10000x64xf32, #tpu.memory_space<vmem_shared>>) offsets(%dma_start3A_231 : memref<200xi32, #tpu.memory_space<vmem>>) semaphore(%run_scoped3A_224 : memref<!tpu.dma_semaphore, #tpu.memory_space<semaphore_mem>>) {add = true}
        %dma_wait3A_235 = arith.constant 0 : i32
        %dma_wait3A_236 = arith.constant 0 : i32
        %dma_wait3A_237 = tpu.memref_slice %arg8[%run_scoped3A_215, %dma_wait3A_235, %dma_wait3A_236] : memref<4x200x64xf32, #tpu.memory_space<vmem>> -> memref<1x200x64xf32, #tpu.memory_space<vmem>>
        %dma_wait3A_238 = tpu.memref_squeeze %dma_wait3A_237 : memref<1x200x64xf32, #tpu.memory_space<vmem>> -> memref<200x64xf32, #tpu.memory_space<vmem>>
        %dma_wait3A_239 = arith.constant 0 : i32
        %dma_wait3A_240 = tpu.memref_slice %arg7[%add3A_200, %dma_wait3A_239] : memref<50x200xi32, #tpu.memory_space<vmem>> -> memref<1x200xi32, #tpu.memory_space<vmem>>
        %dma_wait3A_241 = tpu.memref_squeeze %dma_wait3A_240 : memref<1x200xi32, #tpu.memory_space<vmem>> -> memref<200xi32, #tpu.memory_space<vmem>>
        %dma_wait3A_242 = arith.constant 0 : i32
        %dma_wait3A_243 = arith.constant 0 : i32
        %dma_wait3A_244 = tpu.memref_slice %arg10[%dma_wait3A_242, %dma_wait3A_243] : memref<10000x64xf32, #tpu.memory_space<vmem_shared>> -> memref<10000x64xf32, #tpu.memory_space<vmem_shared>>
        tpu.wait_indirect_dma semaphore(%run_scoped3A_224 : memref<!tpu.dma_semaphore, #tpu.memory_space<semaphore_mem>>) src(%dma_wait3A_238 : memref<200x64xf32, #tpu.memory_space<vmem>>) dst(%dma_wait3A_244 : memref<10000x64xf32, #tpu.memory_space<vmem_shared>>)
        tpu.yield
      }) : () -> ()
      %add3A_216 = arith.constant 4 : i32
      %add3A_217 = arith.addi %add3A_200, %add3A_216 : i32
      %lt3A_218 = arith.constant 50 : i32
      %lt3A_219 = arith.cmpi slt, %add3A_217, %lt3A_218 : i32
      %convert_element_type3A_220 = arith.extui %lt3A_219 : i1 to i32
      %cond3A_221 = arith.constant 0 : i32
      %cond3A_222 = arith.cmpi ne, %convert_element_type3A_220, %cond3A_221 : i32
      scf.if %cond3A_222 {
        %add3A_224 = arith.constant 4 : i32
        %add3A_225 = arith.addi %add3A_200, %add3A_224 : i32
        %dma_start3A_226 = arith.constant 3 : i32
        %dma_start3A_227 = arith.constant 3 : i32
        %dma_start3A_228 = arith.constant 0 : i32
        %dma_start3A_229 = arith.constant 0 : i32
        %dma_start3A_230 = tpu.memref_slice %arg8[%dma_start3A_226, %dma_start3A_228, %dma_start3A_229] : memref<4x200x64xf32, #tpu.memory_space<vmem>> -> memref<1x200x64xf32, #tpu.memory_space<vmem>>
        %dma_start3A_231 = tpu.memref_squeeze %dma_start3A_230 : memref<1x200x64xf32, #tpu.memory_space<vmem>> -> memref<200x64xf32, #tpu.memory_space<vmem>>
        %dma_start3A_232 = arith.constant 0 : i32
        %dma_start3A_233 = tpu.memref_slice %arg6[%add3A_225, %dma_start3A_232] : memref<50x200xi32, #tpu.memory_space<vmem>> -> memref<1x200xi32, #tpu.memory_space<vmem>>
        %dma_start3A_234 = tpu.memref_squeeze %dma_start3A_233 : memref<1x200xi32, #tpu.memory_space<vmem>> -> memref<200xi32, #tpu.memory_space<vmem>>
        %dma_start3A_235 = arith.constant 0 : i32
        %dma_start3A_236 = arith.constant 0 : i32
        %dma_start3A_237 = tpu.memref_slice %arg2[%dma_start3A_235, %dma_start3A_236] : memref<10000x64xf32, #tpu.memory_space<hbm>> -> memref<10000x64xf32, #tpu.memory_space<hbm>>
        %dma_start3A_238 = tpu.memref_slice %arg11[%dma_start3A_227] : memref<4x!tpu.dma_semaphore, #tpu.memory_space<semaphore_mem>> -> memref<1x!tpu.dma_semaphore, #tpu.memory_space<semaphore_mem>>
        %dma_start3A_239 = tpu.memref_squeeze %dma_start3A_238 : memref<1x!tpu.dma_semaphore, #tpu.memory_space<semaphore_mem>> -> memref<!tpu.dma_semaphore, #tpu.memory_space<semaphore_mem>>
        tpu.enqueue_indirect_dma source(%dma_start3A_237 : memref<10000x64xf32, #tpu.memory_space<hbm>>) target(%dma_start3A_231 : memref<200x64xf32, #tpu.memory_space<vmem>>) offsets(%dma_start3A_234 : memref<200xi32, #tpu.memory_space<vmem>>) semaphore(%dma_start3A_239 : memref<!tpu.dma_semaphore, #tpu.memory_space<semaphore_mem>>)
      } else {
      }
      %scan3A_223 = arith.constant 0 : i32
      scf.yield %scan3A_223 : i32
    }
    %scan3A_83 = arith.constant 12 : i32
    %dma_wait3A = arith.constant 48 : i32
    %dma_wait3A_84 = arith.constant 0 : i32
    %dma_wait3A_85 = arith.constant 0 : i32
    %dma_wait3A_86 = arith.constant 0 : i32
    %dma_wait3A_87 = arith.constant 0 : i32
    %dma_wait3A_88 = tpu.memref_slice %arg8[%dma_wait3A_84, %dma_wait3A_86, %dma_wait3A_87] : memref<4x200x64xf32, #tpu.memory_space<vmem>> -> memref<1x200x64xf32, #tpu.memory_space<vmem>>
    %dma_wait3A_89 = tpu.memref_squeeze %dma_wait3A_88 : memref<1x200x64xf32, #tpu.memory_space<vmem>> -> memref<200x64xf32, #tpu.memory_space<vmem>>
    %dma_wait3A_90 = arith.constant 0 : i32
    %dma_wait3A_91 = tpu.memref_slice %arg6[%dma_wait3A, %dma_wait3A_90] : memref<50x200xi32, #tpu.memory_space<vmem>> -> memref<1x200xi32, #tpu.memory_space<vmem>>
    %dma_wait3A_92 = tpu.memref_squeeze %dma_wait3A_91 : memref<1x200xi32, #tpu.memory_space<vmem>> -> memref<200xi32, #tpu.memory_space<vmem>>
    %dma_wait3A_93 = arith.constant 0 : i32
    %dma_wait3A_94 = arith.constant 0 : i32
    %dma_wait3A_95 = tpu.memref_slice %arg2[%dma_wait3A_93, %dma_wait3A_94] : memref<10000x64xf32, #tpu.memory_space<hbm>> -> memref<10000x64xf32, #tpu.memory_space<hbm>>
    %dma_wait3A_96 = tpu.memref_slice %arg11[%dma_wait3A_85] : memref<4x!tpu.dma_semaphore, #tpu.memory_space<semaphore_mem>> -> memref<1x!tpu.dma_semaphore, #tpu.memory_space<semaphore_mem>>
    %dma_wait3A_97 = tpu.memref_squeeze %dma_wait3A_96 : memref<1x!tpu.dma_semaphore, #tpu.memory_space<semaphore_mem>> -> memref<!tpu.dma_semaphore, #tpu.memory_space<semaphore_mem>>
    tpu.wait_indirect_dma semaphore(%dma_wait3A_97 : memref<!tpu.dma_semaphore, #tpu.memory_space<semaphore_mem>>) src(%dma_wait3A_95 : memref<10000x64xf32, #tpu.memory_space<hbm>>) dst(%dma_wait3A_89 : memref<200x64xf32, #tpu.memory_space<vmem>>)
    %run_scoped3A = arith.constant 0 : i32
    %run_scoped3A_98 = arith.constant 48 : i32
    "tpu.region"() ({
      %run_scoped3A_124 = tpu.sem_alloc : memref<!tpu.dma_semaphore, #tpu.memory_space<semaphore_mem>>
      %dma_start3A_125 = arith.constant 0 : i32
      %dma_start3A_126 = arith.constant 0 : i32
      %dma_start3A_127 = tpu.memref_slice %arg8[%run_scoped3A, %dma_start3A_125, %dma_start3A_126] : memref<4x200x64xf32, #tpu.memory_space<vmem>> -> memref<1x200x64xf32, #tpu.memory_space<vmem>>
      %dma_start3A_128 = tpu.memref_squeeze %dma_start3A_127 : memref<1x200x64xf32, #tpu.memory_space<vmem>> -> memref<200x64xf32, #tpu.memory_space<vmem>>
      %dma_start3A_129 = arith.constant 0 : i32
      %dma_start3A_130 = tpu.memref_slice %arg7[%run_scoped3A_98, %dma_start3A_129] : memref<50x200xi32, #tpu.memory_space<vmem>> -> memref<1x200xi32, #tpu.memory_space<vmem>>
      %dma_start3A_131 = tpu.memref_squeeze %dma_start3A_130 : memref<1x200xi32, #tpu.memory_space<vmem>> -> memref<200xi32, #tpu.memory_space<vmem>>
      %dma_start3A_132 = arith.constant 0 : i32
      %dma_start3A_133 = arith.constant 0 : i32
      %dma_start3A_134 = tpu.memref_slice %arg10[%dma_start3A_132, %dma_start3A_133] : memref<10000x64xf32, #tpu.memory_space<vmem_shared>> -> memref<10000x64xf32, #tpu.memory_space<vmem_shared>>
      tpu.enqueue_indirect_dma source(%dma_start3A_128 : memref<200x64xf32, #tpu.memory_space<vmem>>) target(%dma_start3A_134 : memref<10000x64xf32, #tpu.memory_space<vmem_shared>>) offsets(%dma_start3A_131 : memref<200xi32, #tpu.memory_space<vmem>>) semaphore(%run_scoped3A_124 : memref<!tpu.dma_semaphore, #tpu.memory_space<semaphore_mem>>) {add = true}
      %dma_wait3A_135 = arith.constant 0 : i32
      %dma_wait3A_136 = arith.constant 0 : i32
      %dma_wait3A_137 = tpu.memref_slice %arg8[%run_scoped3A, %dma_wait3A_135, %dma_wait3A_136] : memref<4x200x64xf32, #tpu.memory_space<vmem>> -> memref<1x200x64xf32, #tpu.memory_space<vmem>>
      %dma_wait3A_138 = tpu.memref_squeeze %dma_wait3A_137 : memref<1x200x64xf32, #tpu.memory_space<vmem>> -> memref<200x64xf32, #tpu.memory_space<vmem>>
      %dma_wait3A_139 = arith.constant 0 : i32
      %dma_wait3A_140 = tpu.memref_slice %arg7[%run_scoped3A_98, %dma_wait3A_139] : memref<50x200xi32, #tpu.memory_space<vmem>> -> memref<1x200xi32, #tpu.memory_space<vmem>>
      %dma_wait3A_141 = tpu.memref_squeeze %dma_wait3A_140 : memref<1x200xi32, #tpu.memory_space<vmem>> -> memref<200xi32, #tpu.memory_space<vmem>>
      %dma_wait3A_142 = arith.constant 0 : i32
      %dma_wait3A_143 = arith.constant 0 : i32
      %dma_wait3A_144 = tpu.memref_slice %arg10[%dma_wait3A_142, %dma_wait3A_143] : memref<10000x64xf32, #tpu.memory_space<vmem_shared>> -> memref<10000x64xf32, #tpu.memory_space<vmem_shared>>
      tpu.wait_indirect_dma semaphore(%run_scoped3A_124 : memref<!tpu.dma_semaphore, #tpu.memory_space<semaphore_mem>>) src(%dma_wait3A_138 : memref<200x64xf32, #tpu.memory_space<vmem>>) dst(%dma_wait3A_144 : memref<10000x64xf32, #tpu.memory_space<vmem_shared>>)
      tpu.yield
    }) : () -> ()
    %dma_wait3A_99 = arith.constant 49 : i32
    %dma_wait3A_100 = arith.constant 1 : i32
    %dma_wait3A_101 = arith.constant 1 : i32
    %dma_wait3A_102 = arith.constant 0 : i32
    %dma_wait3A_103 = arith.constant 0 : i32
    %dma_wait3A_104 = tpu.memref_slice %arg8[%dma_wait3A_100, %dma_wait3A_102, %dma_wait3A_103] : memref<4x200x64xf32, #tpu.memory_space<vmem>> -> memref<1x200x64xf32, #tpu.memory_space<vmem>>
    %dma_wait3A_105 = tpu.memref_squeeze %dma_wait3A_104 : memref<1x200x64xf32, #tpu.memory_space<vmem>> -> memref<200x64xf32, #tpu.memory_space<vmem>>
    %dma_wait3A_106 = arith.constant 0 : i32
    %dma_wait3A_107 = tpu.memref_slice %arg6[%dma_wait3A_99, %dma_wait3A_106] : memref<50x200xi32, #tpu.memory_space<vmem>> -> memref<1x200xi32, #tpu.memory_space<vmem>>
    %dma_wait3A_108 = tpu.memref_squeeze %dma_wait3A_107 : memref<1x200xi32, #tpu.memory_space<vmem>> -> memref<200xi32, #tpu.memory_space<vmem>>
    %dma_wait3A_109 = arith.constant 0 : i32
    %dma_wait3A_110 = arith.constant 0 : i32
    %dma_wait3A_111 = tpu.memref_slice %arg2[%dma_wait3A_109, %dma_wait3A_110] : memref<10000x64xf32, #tpu.memory_space<hbm>> -> memref<10000x64xf32, #tpu.memory_space<hbm>>
    %dma_wait3A_112 = tpu.memref_slice %arg11[%dma_wait3A_101] : memref<4x!tpu.dma_semaphore, #tpu.memory_space<semaphore_mem>> -> memref<1x!tpu.dma_semaphore, #tpu.memory_space<semaphore_mem>>
    %dma_wait3A_113 = tpu.memref_squeeze %dma_wait3A_112 : memref<1x!tpu.dma_semaphore, #tpu.memory_space<semaphore_mem>> -> memref<!tpu.dma_semaphore, #tpu.memory_space<semaphore_mem>>
    tpu.wait_indirect_dma semaphore(%dma_wait3A_113 : memref<!tpu.dma_semaphore, #tpu.memory_space<semaphore_mem>>) src(%dma_wait3A_111 : memref<10000x64xf32, #tpu.memory_space<hbm>>) dst(%dma_wait3A_105 : memref<200x64xf32, #tpu.memory_space<vmem>>)
    %run_scoped3A_114 = arith.constant 1 : i32
    %run_scoped3A_115 = arith.constant 49 : i32
    "tpu.region"() ({
      %run_scoped3A_124 = tpu.sem_alloc : memref<!tpu.dma_semaphore, #tpu.memory_space<semaphore_mem>>
      %dma_start3A_125 = arith.constant 0 : i32
      %dma_start3A_126 = arith.constant 0 : i32
      %dma_start3A_127 = tpu.memref_slice %arg8[%run_scoped3A_114, %dma_start3A_125, %dma_start3A_126] : memref<4x200x64xf32, #tpu.memory_space<vmem>> -> memref<1x200x64xf32, #tpu.memory_space<vmem>>
      %dma_start3A_128 = tpu.memref_squeeze %dma_start3A_127 : memref<1x200x64xf32, #tpu.memory_space<vmem>> -> memref<200x64xf32, #tpu.memory_space<vmem>>
      %dma_start3A_129 = arith.constant 0 : i32
      %dma_start3A_130 = tpu.memref_slice %arg7[%run_scoped3A_115, %dma_start3A_129] : memref<50x200xi32, #tpu.memory_space<vmem>> -> memref<1x200xi32, #tpu.memory_space<vmem>>
      %dma_start3A_131 = tpu.memref_squeeze %dma_start3A_130 : memref<1x200xi32, #tpu.memory_space<vmem>> -> memref<200xi32, #tpu.memory_space<vmem>>
      %dma_start3A_132 = arith.constant 0 : i32
      %dma_start3A_133 = arith.constant 0 : i32
      %dma_start3A_134 = tpu.memref_slice %arg10[%dma_start3A_132, %dma_start3A_133] : memref<10000x64xf32, #tpu.memory_space<vmem_shared>> -> memref<10000x64xf32, #tpu.memory_space<vmem_shared>>
      tpu.enqueue_indirect_dma source(%dma_start3A_128 : memref<200x64xf32, #tpu.memory_space<vmem>>) target(%dma_start3A_134 : memref<10000x64xf32, #tpu.memory_space<vmem_shared>>) offsets(%dma_start3A_131 : memref<200xi32, #tpu.memory_space<vmem>>) semaphore(%run_scoped3A_124 : memref<!tpu.dma_semaphore, #tpu.memory_space<semaphore_mem>>) {add = true}
      %dma_wait3A_135 = arith.constant 0 : i32
      %dma_wait3A_136 = arith.constant 0 : i32
      %dma_wait3A_137 = tpu.memref_slice %arg8[%run_scoped3A_114, %dma_wait3A_135, %dma_wait3A_136] : memref<4x200x64xf32, #tpu.memory_space<vmem>> -> memref<1x200x64xf32, #tpu.memory_space<vmem>>
      %dma_wait3A_138 = tpu.memref_squeeze %dma_wait3A_137 : memref<1x200x64xf32, #tpu.memory_space<vmem>> -> memref<200x64xf32, #tpu.memory_space<vmem>>
      %dma_wait3A_139 = arith.constant 0 : i32
      %dma_wait3A_140 = tpu.memref_slice %arg7[%run_scoped3A_115, %dma_wait3A_139] : memref<50x200xi32, #tpu.memory_space<vmem>> -> memref<1x200xi32, #tpu.memory_space<vmem>>
      %dma_wait3A_141 = tpu.memref_squeeze %dma_wait3A_140 : memref<1x200xi32, #tpu.memory_space<vmem>> -> memref<200xi32, #tpu.memory_space<vmem>>
      %dma_wait3A_142 = arith.constant 0 : i32
      %dma_wait3A_143 = arith.constant 0 : i32
      %dma_wait3A_144 = tpu.memref_slice %arg10[%dma_wait3A_142, %dma_wait3A_143] : memref<10000x64xf32, #tpu.memory_space<vmem_shared>> -> memref<10000x64xf32, #tpu.memory_space<vmem_shared>>
      tpu.wait_indirect_dma semaphore(%run_scoped3A_124 : memref<!tpu.dma_semaphore, #tpu.memory_space<semaphore_mem>>) src(%dma_wait3A_138 : memref<200x64xf32, #tpu.memory_space<vmem>>) dst(%dma_wait3A_144 : memref<10000x64xf32, #tpu.memory_space<vmem_shared>>)
      tpu.yield
    }) : () -> ()
    %barrier3A_116 = arith.constant 0 : index
    tpu.barrier barrier_id(%barrier3A_116)
    %mul3A_117 = arith.constant 624 : i32
    %mul3A_118 = arith.muli %arg1, %mul3A_117 : i32
    "tpu.region"() ({
      %run_scoped3A_124 = tpu.sem_alloc : memref<!tpu.dma_semaphore, #tpu.memory_space<semaphore_mem>>
      %dma_start3A_125 = arith.constant 0 : i32
      %dma_start3A_126 = tpu.memref_slice %arg5[%arg0, %mul3A_118, %dma_start3A_125] : memref<2x10000x64xf32, #tpu.memory_space<hbm>> -> memref<1x624x64xf32, #tpu.memory_space<hbm>>
      %dma_start3A_127 = tpu.memref_squeeze %dma_start3A_126 : memref<1x624x64xf32, #tpu.memory_space<hbm>> -> memref<624x64xf32, #tpu.memory_space<hbm>>
      %dma_start3A_128 = arith.constant 0 : i32
      %dma_start3A_129 = tpu.memref_slice %arg10[%mul3A_118, %dma_start3A_128] : memref<10000x64xf32, #tpu.memory_space<vmem_shared>> -> memref<624x64xf32, #tpu.memory_space<vmem_shared>>
      tpu.enqueue_dma source(%dma_start3A_129 : memref<624x64xf32, #tpu.memory_space<vmem_shared>>) target(%dma_start3A_127 : memref<624x64xf32, #tpu.memory_space<hbm>>) target_semaphore(%run_scoped3A_124 : memref<!tpu.dma_semaphore, #tpu.memory_space<semaphore_mem>>)
      %dma_wait3A_130 = arith.constant 0 : i32
      %dma_wait3A_131 = tpu.memref_slice %arg5[%arg0, %mul3A_118, %dma_wait3A_130] : memref<2x10000x64xf32, #tpu.memory_space<hbm>> -> memref<1x624x64xf32, #tpu.memory_space<hbm>>
      %dma_wait3A_132 = tpu.memref_squeeze %dma_wait3A_131 : memref<1x624x64xf32, #tpu.memory_space<hbm>> -> memref<624x64xf32, #tpu.memory_space<hbm>>
      %dma_wait3A_133 = arith.constant 0 : i32
      %dma_wait3A_134 = tpu.memref_slice %arg10[%mul3A_118, %dma_wait3A_133] : memref<10000x64xf32, #tpu.memory_space<vmem_shared>> -> memref<624x64xf32, #tpu.memory_space<vmem_shared>>
      tpu.wait_dma2 semaphore(%run_scoped3A_124 : memref<!tpu.dma_semaphore, #tpu.memory_space<semaphore_mem>>) src(%dma_wait3A_134 : memref<624x64xf32, #tpu.memory_space<vmem_shared>>) dst(%dma_wait3A_132 : memref<624x64xf32, #tpu.memory_space<hbm>>)
      tpu.yield
    }) : () -> ()
    %eq3A_119 = arith.constant 15 : i32
    %eq3A_120 = arith.cmpi eq, %arg1, %eq3A_119 : i32
    %convert_element_type3A_121 = arith.extui %eq3A_120 : i1 to i32
    %cond3A_122 = arith.constant 0 : i32
    %cond3A_123 = arith.cmpi ne, %convert_element_type3A_121, %cond3A_122 : i32
    scf.if %cond3A_123 {
      "tpu.region"() ({
        %run_scoped3A_124 = tpu.sem_alloc : memref<!tpu.dma_semaphore, #tpu.memory_space<semaphore_mem>>
        %dma_start3A_125 = arith.constant 9984 : i32
        %dma_start3A_126 = arith.constant 0 : i32
        %dma_start3A_127 = tpu.memref_slice %arg5[%arg0, %dma_start3A_125, %dma_start3A_126] : memref<2x10000x64xf32, #tpu.memory_space<hbm>> -> memref<1x16x64xf32, #tpu.memory_space<hbm>>
        %dma_start3A_128 = tpu.memref_squeeze %dma_start3A_127 : memref<1x16x64xf32, #tpu.memory_space<hbm>> -> memref<16x64xf32, #tpu.memory_space<hbm>>
        %dma_start3A_129 = arith.constant 9984 : i32
        %dma_start3A_130 = arith.constant 0 : i32
        %dma_start3A_131 = tpu.memref_slice %arg10[%dma_start3A_129, %dma_start3A_130] : memref<10000x64xf32, #tpu.memory_space<vmem_shared>> -> memref<16x64xf32, #tpu.memory_space<vmem_shared>>
        tpu.enqueue_dma source(%dma_start3A_131 : memref<16x64xf32, #tpu.memory_space<vmem_shared>>) target(%dma_start3A_128 : memref<16x64xf32, #tpu.memory_space<hbm>>) target_semaphore(%run_scoped3A_124 : memref<!tpu.dma_semaphore, #tpu.memory_space<semaphore_mem>>)
        %dma_wait3A_132 = arith.constant 9984 : i32
        %dma_wait3A_133 = arith.constant 0 : i32
        %dma_wait3A_134 = tpu.memref_slice %arg5[%arg0, %dma_wait3A_132, %dma_wait3A_133] : memref<2x10000x64xf32, #tpu.memory_space<hbm>> -> memref<1x16x64xf32, #tpu.memory_space<hbm>>
        %dma_wait3A_135 = tpu.memref_squeeze %dma_wait3A_134 : memref<1x16x64xf32, #tpu.memory_space<hbm>> -> memref<16x64xf32, #tpu.memory_space<hbm>>
        %dma_wait3A_136 = arith.constant 9984 : i32
        %dma_wait3A_137 = arith.constant 0 : i32
        %dma_wait3A_138 = tpu.memref_slice %arg10[%dma_wait3A_136, %dma_wait3A_137] : memref<10000x64xf32, #tpu.memory_space<vmem_shared>> -> memref<16x64xf32, #tpu.memory_space<vmem_shared>>
        tpu.wait_dma2 semaphore(%run_scoped3A_124 : memref<!tpu.dma_semaphore, #tpu.memory_space<semaphore_mem>>) src(%dma_wait3A_138 : memref<16x64xf32, #tpu.memory_space<vmem_shared>>) dst(%dma_wait3A_135 : memref<16x64xf32, #tpu.memory_space<hbm>>)
        tpu.yield
      }) : () -> ()
    } else {
    }
    return
  }
}

#map = affine_map<(d0, d1) -> (0, 0)>
#map1 = affine_map<(d0, d1) -> (0, 0, 0)>
module attributes {stable_mosaic.version = 14 : i64} {
  func.func @_scat_body(%arg0: i32, %arg1: i32, %arg2: memref<10000x64xf32, #tpu.memory_space<hbm>>, %arg3: memref<32x50x200xi32, #tpu.memory_space<hbm>>, %arg4: memref<32x50x200xi32, #tpu.memory_space<hbm>>, %arg5: memref<2x10000x64xf32, #tpu.memory_space<hbm>>, %arg6: memref<50x200xi32, #tpu.memory_space<vmem>>, %arg7: memref<50x200xi32, #tpu.memory_space<vmem>>, %arg8: memref<4x200x64xf32, #tpu.memory_space<vmem>>, %arg9: memref<208x64xf32, #tpu.memory_space<vmem>>, %arg10: memref<10000x64xf32, #tpu.memory_space<vmem_shared>>, %arg11: memref<4x!tpu.dma_semaphore, #tpu.memory_space<semaphore_mem>>) attributes {dimension_semantics = [#tpu.dimension_semantics<core_parallel>, #tpu.dimension_semantics<subcore_parallel>], iteration_bounds = array<i64: 2, 16>, scalar_prefetch = 0 : i64, scratch_operands = 6 : i64, tpu.core_type = #tpu.core_type<sc_vector_subcore>, window_params = [{transform_indices = #map}, {transform_indices = #map1}, {transform_indices = #map1}, {transform_indices = #map1}]} {
    %mul3A = arith.constant 16 : i32
    %mul3A_0 = arith.muli %arg0, %mul3A : i32
    %add3A = arith.addi %mul3A_0, %arg1 : i32
    "tpu.region"() ({
      %run_scoped3A_124 = tpu.sem_alloc : memref<!tpu.dma_semaphore, #tpu.memory_space<semaphore_mem>>
      %dma_start3A_125 = arith.constant 0 : i32
      %dma_start3A_126 = arith.constant 0 : i32
      %dma_start3A_127 = tpu.memref_slice %arg3[%add3A, %dma_start3A_125, %dma_start3A_126] : memref<32x50x200xi32, #tpu.memory_space<hbm>> -> memref<1x50x200xi32, #tpu.memory_space<hbm>>
      %dma_start3A_128 = tpu.memref_squeeze %dma_start3A_127 : memref<1x50x200xi32, #tpu.memory_space<hbm>> -> memref<50x200xi32, #tpu.memory_space<hbm>>
      %dma_start3A_129 = arith.constant 0 : i32
      %dma_start3A_130 = arith.constant 0 : i32
      %dma_start3A_131 = tpu.memref_slice %arg3[%add3A, %dma_start3A_129, %dma_start3A_130] : memref<32x50x200xi32, #tpu.memory_space<hbm>> -> memref<1x50x200xi32, #tpu.memory_space<hbm>>
      %dma_start3A_132 = tpu.memref_squeeze %dma_start3A_131 : memref<1x50x200xi32, #tpu.memory_space<hbm>> -> memref<50x200xi32, #tpu.memory_space<hbm>>
      tpu.enqueue_dma source(%dma_start3A_132 : memref<50x200xi32, #tpu.memory_space<hbm>>) target(%arg6 : memref<50x200xi32, #tpu.memory_space<vmem>>) target_semaphore(%run_scoped3A_124 : memref<!tpu.dma_semaphore, #tpu.memory_space<semaphore_mem>>)
      %dma_wait3A_133 = arith.constant 0 : i32
      %dma_wait3A_134 = arith.constant 0 : i32
      %dma_wait3A_135 = tpu.memref_slice %arg3[%add3A, %dma_wait3A_133, %dma_wait3A_134] : memref<32x50x200xi32, #tpu.memory_space<hbm>> -> memref<1x50x200xi32, #tpu.memory_space<hbm>>
      %dma_wait3A_136 = tpu.memref_squeeze %dma_wait3A_135 : memref<1x50x200xi32, #tpu.memory_space<hbm>> -> memref<50x200xi32, #tpu.memory_space<hbm>>
      %dma_wait3A_137 = arith.constant 0 : i32
      %dma_wait3A_138 = arith.constant 0 : i32
      %dma_wait3A_139 = tpu.memref_slice %arg3[%add3A, %dma_wait3A_137, %dma_wait3A_138] : memref<32x50x200xi32, #tpu.memory_space<hbm>> -> memref<1x50x200xi32, #tpu.memory_space<hbm>>
      %dma_wait3A_140 = tpu.memref_squeeze %dma_wait3A_139 : memref<1x50x200xi32, #tpu.memory_space<hbm>> -> memref<50x200xi32, #tpu.memory_space<hbm>>
      tpu.wait_dma2 semaphore(%run_scoped3A_124 : memref<!tpu.dma_semaphore, #tpu.memory_space<semaphore_mem>>) src(%dma_wait3A_140 : memref<50x200xi32, #tpu.memory_space<hbm>>) dst(%arg6 : memref<50x200xi32, #tpu.memory_space<vmem>>)
      tpu.yield
    }) : () -> ()
    "tpu.region"() ({
      %run_scoped3A_124 = tpu.sem_alloc : memref<!tpu.dma_semaphore, #tpu.memory_space<semaphore_mem>>
      %dma_start3A_125 = arith.constant 0 : i32
      %dma_start3A_126 = arith.constant 0 : i32
      %dma_start3A_127 = tpu.memref_slice %arg4[%add3A, %dma_start3A_125, %dma_start3A_126] : memref<32x50x200xi32, #tpu.memory_space<hbm>> -> memref<1x50x200xi32, #tpu.memory_space<hbm>>
      %dma_start3A_128 = tpu.memref_squeeze %dma_start3A_127 : memref<1x50x200xi32, #tpu.memory_space<hbm>> -> memref<50x200xi32, #tpu.memory_space<hbm>>
      %dma_start3A_129 = arith.constant 0 : i32
      %dma_start3A_130 = arith.constant 0 : i32
      %dma_start3A_131 = tpu.memref_slice %arg4[%add3A, %dma_start3A_129, %dma_start3A_130] : memref<32x50x200xi32, #tpu.memory_space<hbm>> -> memref<1x50x200xi32, #tpu.memory_space<hbm>>
      %dma_start3A_132 = tpu.memref_squeeze %dma_start3A_131 : memref<1x50x200xi32, #tpu.memory_space<hbm>> -> memref<50x200xi32, #tpu.memory_space<hbm>>
      tpu.enqueue_dma source(%dma_start3A_132 : memref<50x200xi32, #tpu.memory_space<hbm>>) target(%arg7 : memref<50x200xi32, #tpu.memory_space<vmem>>) target_semaphore(%run_scoped3A_124 : memref<!tpu.dma_semaphore, #tpu.memory_space<semaphore_mem>>)
      %dma_wait3A_133 = arith.constant 0 : i32
      %dma_wait3A_134 = arith.constant 0 : i32
      %dma_wait3A_135 = tpu.memref_slice %arg4[%add3A, %dma_wait3A_133, %dma_wait3A_134] : memref<32x50x200xi32, #tpu.memory_space<hbm>> -> memref<1x50x200xi32, #tpu.memory_space<hbm>>
      %dma_wait3A_136 = tpu.memref_squeeze %dma_wait3A_135 : memref<1x50x200xi32, #tpu.memory_space<hbm>> -> memref<50x200xi32, #tpu.memory_space<hbm>>
      %dma_wait3A_137 = arith.constant 0 : i32
      %dma_wait3A_138 = arith.constant 0 : i32
      %dma_wait3A_139 = tpu.memref_slice %arg4[%add3A, %dma_wait3A_137, %dma_wait3A_138] : memref<32x50x200xi32, #tpu.memory_space<hbm>> -> memref<1x50x200xi32, #tpu.memory_space<hbm>>
      %dma_wait3A_140 = tpu.memref_squeeze %dma_wait3A_139 : memref<1x50x200xi32, #tpu.memory_space<hbm>> -> memref<50x200xi32, #tpu.memory_space<hbm>>
      tpu.wait_dma2 semaphore(%run_scoped3A_124 : memref<!tpu.dma_semaphore, #tpu.memory_space<semaphore_mem>>) src(%dma_wait3A_140 : memref<50x200xi32, #tpu.memory_space<hbm>>) dst(%arg7 : memref<50x200xi32, #tpu.memory_space<vmem>>)
      tpu.yield
    }) : () -> ()
    %broadcast_in_dim3A = arith.constant 0.000000e+00 : f32
    %broadcast_in_dim3A_1 = vector.broadcast %broadcast_in_dim3A : f32 to vector<16xf32>
    %scan3A = arith.constant 0 : i32
    %scan3A_2 = arith.constant 0 : i32
    %scan3A_3 = arith.constant 208 : i32
    %scan3A_4 = arith.addi %scan3A_2, %scan3A_3 : i32
    %scan3A_5 = arith.constant 1 : i32
    %scan3A_6 = scf.for %scan3A_124 = %scan3A_2 to %scan3A_4 step %scan3A_5 iter_args(%scan3A_125 = %scan3A) -> (i32)  : i32 {
      %swap3A = arith.index_cast %scan3A_124 : i32 to index
      %swap3A_126 = arith.constant 0 : index
      %swap3A_127 = tpu.vector_load %arg9[%swap3A, %swap3A_126] {strides = array<i32>} : memref<208x64xf32, #tpu.memory_space<vmem>>, vector<1x16xf32>,
      %swap3A_128 = vector.shape_cast %swap3A_127 : vector<1x16xf32> to vector<16xf32>
      %swap3A_129 = vector.shape_cast %broadcast_in_dim3A_1 : vector<16xf32> to vector<1x16xf32>
      tpu.vector_store %arg9[%swap3A, %swap3A_126], %swap3A_129 {strides = array<i32>} : memref<208x64xf32, #tpu.memory_space<vmem>>, vector<1x16xf32>,
      %swap3A_130 = arith.index_cast %scan3A_124 : i32 to index
      %swap3A_131 = arith.constant 16 : index
      %swap3A_132 = tpu.vector_load %arg9[%swap3A_130, %swap3A_131] {strides = array<i32>} : memref<208x64xf32, #tpu.memory_space<vmem>>, vector<1x16xf32>,
      %swap3A_133 = vector.shape_cast %swap3A_132 : vector<1x16xf32> to vector<16xf32>
      %swap3A_134 = vector.shape_cast %broadcast_in_dim3A_1 : vector<16xf32> to vector<1x16xf32>
      tpu.vector_store %arg9[%swap3A_130, %swap3A_131], %swap3A_134 {strides = array<i32>} : memref<208x64xf32, #tpu.memory_space<vmem>>, vector<1x16xf32>,
      %swap3A_135 = arith.index_cast %scan3A_124 : i32 to index
      %swap3A_136 = arith.constant 32 : index
      %swap3A_137 = tpu.vector_load %arg9[%swap3A_135, %swap3A_136] {strides = array<i32>} : memref<208x64xf32, #tpu.memory_space<vmem>>, vector<1x16xf32>,
      %swap3A_138 = vector.shape_cast %swap3A_137 : vector<1x16xf32> to vector<16xf32>
      %swap3A_139 = vector.shape_cast %broadcast_in_dim3A_1 : vector<16xf32> to vector<1x16xf32>
      tpu.vector_store %arg9[%swap3A_135, %swap3A_136], %swap3A_139 {strides = array<i32>} : memref<208x64xf32, #tpu.memory_space<vmem>>, vector<1x16xf32>,
      %swap3A_140 = arith.index_cast %scan3A_124 : i32 to index
      %swap3A_141 = arith.constant 48 : index
      %swap3A_142 = tpu.vector_load %arg9[%swap3A_140, %swap3A_141] {strides = array<i32>} : memref<208x64xf32, #tpu.memory_space<vmem>>, vector<1x16xf32>,
      %swap3A_143 = vector.shape_cast %swap3A_142 : vector<1x16xf32> to vector<16xf32>
      %swap3A_144 = vector.shape_cast %broadcast_in_dim3A_1 : vector<16xf32> to vector<1x16xf32>
      tpu.vector_store %arg9[%swap3A_140, %swap3A_141], %swap3A_144 {strides = array<i32>} : memref<208x64xf32, #tpu.memory_space<vmem>>, vector<1x16xf32>,
      %scan3A_145 = arith.constant 0 : i32
      scf.yield %scan3A_145 : i32
    }
    %scan3A_7 = arith.constant 208 : i32
    %mul3A_8 = arith.constant 624 : i32
    %mul3A_9 = arith.muli %arg1, %mul3A_8 : i32
    %add3A_10 = arith.constant 0 : i32
    %add3A_11 = arith.addi %mul3A_9, %add3A_10 : i32
    "tpu.region"() ({
      %run_scoped3A_124 = tpu.sem_alloc : memref<!tpu.dma_semaphore, #tpu.memory_space<semaphore_mem>>
      %dma_start3A_125 = arith.constant 0 : i32
      %dma_start3A_126 = tpu.memref_slice %arg10[%add3A_11, %dma_start3A_125] : memref<10000x64xf32, #tpu.memory_space<vmem_shared>> -> memref<208x64xf32, #tpu.memory_space<vmem_shared>>
      %dma_start3A_127 = arith.constant 0 : i32
      %dma_start3A_128 = tpu.memref_slice %arg10[%add3A_11, %dma_start3A_127] : memref<10000x64xf32, #tpu.memory_space<vmem_shared>> -> memref<208x64xf32, #tpu.memory_space<vmem_shared>>
      tpu.enqueue_dma source(%arg9 : memref<208x64xf32, #tpu.memory_space<vmem>>) target(%dma_start3A_128 : memref<208x64xf32, #tpu.memory_space<vmem_shared>>) target_semaphore(%run_scoped3A_124 : memref<!tpu.dma_semaphore, #tpu.memory_space<semaphore_mem>>)
      %dma_wait3A_129 = arith.constant 0 : i32
      %dma_wait3A_130 = tpu.memref_slice %arg10[%add3A_11, %dma_wait3A_129] : memref<10000x64xf32, #tpu.memory_space<vmem_shared>> -> memref<208x64xf32, #tpu.memory_space<vmem_shared>>
      %dma_wait3A_131 = arith.constant 0 : i32
      %dma_wait3A_132 = tpu.memref_slice %arg10[%add3A_11, %dma_wait3A_131] : memref<10000x64xf32, #tpu.memory_space<vmem_shared>> -> memref<208x64xf32, #tpu.memory_space<vmem_shared>>
      tpu.wait_dma2 semaphore(%run_scoped3A_124 : memref<!tpu.dma_semaphore, #tpu.memory_space<semaphore_mem>>) src(%arg9 : memref<208x64xf32, #tpu.memory_space<vmem>>) dst(%dma_wait3A_132 : memref<208x64xf32, #tpu.memory_space<vmem_shared>>)
      tpu.yield
    }) : () -> ()
    %add3A_12 = arith.constant 208 : i32
    %add3A_13 = arith.addi %mul3A_9, %add3A_12 : i32
    "tpu.region"() ({
      %run_scoped3A_124 = tpu.sem_alloc : memref<!tpu.dma_semaphore, #tpu.memory_space<semaphore_mem>>
      %dma_start3A_125 = arith.constant 0 : i32
      %dma_start3A_126 = tpu.memref_slice %arg10[%add3A_13, %dma_start3A_125] : memref<10000x64xf32, #tpu.memory_space<vmem_shared>> -> memref<208x64xf32, #tpu.memory_space<vmem_shared>>
      %dma_start3A_127 = arith.constant 0 : i32
      %dma_start3A_128 = tpu.memref_slice %arg10[%add3A_13, %dma_start3A_127] : memref<10000x64xf32, #tpu.memory_space<vmem_shared>> -> memref<208x64xf32, #tpu.memory_space<vmem_shared>>
      tpu.enqueue_dma source(%arg9 : memref<208x64xf32, #tpu.memory_space<vmem>>) target(%dma_start3A_128 : memref<208x64xf32, #tpu.memory_space<vmem_shared>>) target_semaphore(%run_scoped3A_124 : memref<!tpu.dma_semaphore, #tpu.memory_space<semaphore_mem>>)
      %dma_wait3A_129 = arith.constant 0 : i32
      %dma_wait3A_130 = tpu.memref_slice %arg10[%add3A_13, %dma_wait3A_129] : memref<10000x64xf32, #tpu.memory_space<vmem_shared>> -> memref<208x64xf32, #tpu.memory_space<vmem_shared>>
      %dma_wait3A_131 = arith.constant 0 : i32
      %dma_wait3A_132 = tpu.memref_slice %arg10[%add3A_13, %dma_wait3A_131] : memref<10000x64xf32, #tpu.memory_space<vmem_shared>> -> memref<208x64xf32, #tpu.memory_space<vmem_shared>>
      tpu.wait_dma2 semaphore(%run_scoped3A_124 : memref<!tpu.dma_semaphore, #tpu.memory_space<semaphore_mem>>) src(%arg9 : memref<208x64xf32, #tpu.memory_space<vmem>>) dst(%dma_wait3A_132 : memref<208x64xf32, #tpu.memory_space<vmem_shared>>)
      tpu.yield
    }) : () -> ()
    %add3A_14 = arith.constant 416 : i32
    %add3A_15 = arith.addi %mul3A_9, %add3A_14 : i32
    "tpu.region"() ({
      %run_scoped3A_124 = tpu.sem_alloc : memref<!tpu.dma_semaphore, #tpu.memory_space<semaphore_mem>>
      %dma_start3A_125 = arith.constant 0 : i32
      %dma_start3A_126 = tpu.memref_slice %arg10[%add3A_15, %dma_start3A_125] : memref<10000x64xf32, #tpu.memory_space<vmem_shared>> -> memref<208x64xf32, #tpu.memory_space<vmem_shared>>
      %dma_start3A_127 = arith.constant 0 : i32
      %dma_start3A_128 = tpu.memref_slice %arg10[%add3A_15, %dma_start3A_127] : memref<10000x64xf32, #tpu.memory_space<vmem_shared>> -> memref<208x64xf32, #tpu.memory_space<vmem_shared>>
      tpu.enqueue_dma source(%arg9 : memref<208x64xf32, #tpu.memory_space<vmem>>) target(%dma_start3A_128 : memref<208x64xf32, #tpu.memory_space<vmem_shared>>) target_semaphore(%run_scoped3A_124 : memref<!tpu.dma_semaphore, #tpu.memory_space<semaphore_mem>>)
      %dma_wait3A_129 = arith.constant 0 : i32
      %dma_wait3A_130 = tpu.memref_slice %arg10[%add3A_15, %dma_wait3A_129] : memref<10000x64xf32, #tpu.memory_space<vmem_shared>> -> memref<208x64xf32, #tpu.memory_space<vmem_shared>>
      %dma_wait3A_131 = arith.constant 0 : i32
      %dma_wait3A_132 = tpu.memref_slice %arg10[%add3A_15, %dma_wait3A_131] : memref<10000x64xf32, #tpu.memory_space<vmem_shared>> -> memref<208x64xf32, #tpu.memory_space<vmem_shared>>
      tpu.wait_dma2 semaphore(%run_scoped3A_124 : memref<!tpu.dma_semaphore, #tpu.memory_space<semaphore_mem>>) src(%arg9 : memref<208x64xf32, #tpu.memory_space<vmem>>) dst(%dma_wait3A_132 : memref<208x64xf32, #tpu.memory_space<vmem_shared>>)
      tpu.yield
    }) : () -> ()
    %eq3A = arith.constant 15 : i32
    %eq3A_16 = arith.cmpi eq, %arg1, %eq3A : i32
    %convert_element_type3A = arith.extui %eq3A_16 : i1 to i32
    %cond3A = arith.constant 0 : i32
    %cond3A_17 = arith.cmpi ne, %convert_element_type3A, %cond3A : i32
    scf.if %cond3A_17 {
      "tpu.region"() ({
        %run_scoped3A_124 = tpu.sem_alloc : memref<!tpu.dma_semaphore, #tpu.memory_space<semaphore_mem>>
        %dma_start3A_125 = arith.constant 0 : i32
        %dma_start3A_126 = arith.constant 0 : i32
        %dma_start3A_127 = tpu.memref_slice %arg9[%dma_start3A_125, %dma_start3A_126] : memref<208x64xf32, #tpu.memory_space<vmem>> -> memref<16x64xf32, #tpu.memory_space<vmem>>
        %dma_start3A_128 = arith.constant 9984 : i32
        %dma_start3A_129 = arith.constant 0 : i32
        %dma_start3A_130 = tpu.memref_slice %arg10[%dma_start3A_128, %dma_start3A_129] : memref<10000x64xf32, #tpu.memory_space<vmem_shared>> -> memref<16x64xf32, #tpu.memory_space<vmem_shared>>
        %dma_start3A_131 = arith.constant 9984 : i32
        %dma_start3A_132 = arith.constant 0 : i32
        %dma_start3A_133 = tpu.memref_slice %arg10[%dma_start3A_131, %dma_start3A_132] : memref<10000x64xf32, #tpu.memory_space<vmem_shared>> -> memref<16x64xf32, #tpu.memory_space<vmem_shared>>
        %dma_start3A_134 = arith.constant 0 : i32
        %dma_start3A_135 = arith.constant 0 : i32
        %dma_start3A_136 = tpu.memref_slice %arg9[%dma_start3A_134, %dma_start3A_135] : memref<208x64xf32, #tpu.memory_space<vmem>> -> memref<16x64xf32, #tpu.memory_space<vmem>>
        tpu.enqueue_dma source(%dma_start3A_136 : memref<16x64xf32, #tpu.memory_space<vmem>>) target(%dma_start3A_133 : memref<16x64xf32, #tpu.memory_space<vmem_shared>>) target_semaphore(%run_scoped3A_124 : memref<!tpu.dma_semaphore, #tpu.memory_space<semaphore_mem>>)
        %dma_wait3A_137 = arith.constant 0 : i32
        %dma_wait3A_138 = arith.constant 0 : i32
        %dma_wait3A_139 = tpu.memref_slice %arg9[%dma_wait3A_137, %dma_wait3A_138] : memref<208x64xf32, #tpu.memory_space<vmem>> -> memref<16x64xf32, #tpu.memory_space<vmem>>
        %dma_wait3A_140 = arith.constant 9984 : i32
        %dma_wait3A_141 = arith.constant 0 : i32
        %dma_wait3A_142 = tpu.memref_slice %arg10[%dma_wait3A_140, %dma_wait3A_141] : memref<10000x64xf32, #tpu.memory_space<vmem_shared>> -> memref<16x64xf32, #tpu.memory_space<vmem_shared>>
        %dma_wait3A_143 = arith.constant 9984 : i32
        %dma_wait3A_144 = arith.constant 0 : i32
        %dma_wait3A_145 = tpu.memref_slice %arg10[%dma_wait3A_143, %dma_wait3A_144] : memref<10000x64xf32, #tpu.memory_space<vmem_shared>> -> memref<16x64xf32, #tpu.memory_space<vmem_shared>>
        %dma_wait3A_146 = arith.constant 0 : i32
        %dma_wait3A_147 = arith.constant 0 : i32
        %dma_wait3A_148 = tpu.memref_slice %arg9[%dma_wait3A_146, %dma_wait3A_147] : memref<208x64xf32, #tpu.memory_space<vmem>> -> memref<16x64xf32, #tpu.memory_space<vmem>>
        tpu.wait_dma2 semaphore(%run_scoped3A_124 : memref<!tpu.dma_semaphore, #tpu.memory_space<semaphore_mem>>) src(%dma_wait3A_148 : memref<16x64xf32, #tpu.memory_space<vmem>>) dst(%dma_wait3A_145 : memref<16x64xf32, #tpu.memory_space<vmem_shared>>)
        tpu.yield
      }) : () -> ()
    } else {
    }
    %barrier3A = arith.constant 0 : index
    tpu.barrier barrier_id(%barrier3A)
    %dma_start3A = arith.constant 0 : i32
    %dma_start3A_18 = arith.constant 0 : i32
    %dma_start3A_19 = arith.constant 0 : i32
    %dma_start3A_20 = arith.constant 0 : i32
    %dma_start3A_21 = arith.constant 0 : i32
    %dma_start3A_22 = tpu.memref_slice %arg8[%dma_start3A_18, %dma_start3A_20, %dma_start3A_21] : memref<4x200x64xf32, #tpu.memory_space<vmem>> -> memref<1x200x64xf32, #tpu.memory_space<vmem>>
    %dma_start3A_23 = tpu.memref_squeeze %dma_start3A_22 : memref<1x200x64xf32, #tpu.memory_space<vmem>> -> memref<200x64xf32, #tpu.memory_space<vmem>>
    %dma_start3A_24 = arith.constant 0 : i32
    %dma_start3A_25 = tpu.memref_slice %arg6[%dma_start3A, %dma_start3A_24] : memref<50x200xi32, #tpu.memory_space<vmem>> -> memref<1x200xi32, #tpu.memory_space<vmem>>
    %dma_start3A_26 = tpu.memref_squeeze %dma_start3A_25 : memref<1x200xi32, #tpu.memory_space<vmem>> -> memref<200xi32, #tpu.memory_space<vmem>>
    %dma_start3A_27 = arith.constant 0 : i32
    %dma_start3A_28 = arith.constant 0 : i32
    %dma_start3A_29 = tpu.memref_slice %arg2[%dma_start3A_27, %dma_start3A_28] : memref<10000x64xf32, #tpu.memory_space<hbm>> -> memref<10000x64xf32, #tpu.memory_space<hbm>>
    %dma_start3A_30 = tpu.memref_slice %arg11[%dma_start3A_19] : memref<4x!tpu.dma_semaphore, #tpu.memory_space<semaphore_mem>> -> memref<1x!tpu.dma_semaphore, #tpu.memory_space<semaphore_mem>>
    %dma_start3A_31 = tpu.memref_squeeze %dma_start3A_30 : memref<1x!tpu.dma_semaphore, #tpu.memory_space<semaphore_mem>> -> memref<!tpu.dma_semaphore, #tpu.memory_space<semaphore_mem>>
    tpu.enqueue_indirect_dma source(%dma_start3A_29 : memref<10000x64xf32, #tpu.memory_space<hbm>>) target(%dma_start3A_23 : memref<200x64xf32, #tpu.memory_space<vmem>>) offsets(%dma_start3A_26 : memref<200xi32, #tpu.memory_space<vmem>>) semaphore(%dma_start3A_31 : memref<!tpu.dma_semaphore, #tpu.memory_space<semaphore_mem>>)
    %dma_start3A_32 = arith.constant 1 : i32
    %dma_start3A_33 = arith.constant 1 : i32
    %dma_start3A_34 = arith.constant 1 : i32
    %dma_start3A_35 = arith.constant 0 : i32
    %dma_start3A_36 = arith.constant 0 : i32
    %dma_start3A_37 = tpu.memref_slice %arg8[%dma_start3A_33, %dma_start3A_35, %dma_start3A_36] : memref<4x200x64xf32, #tpu.memory_space<vmem>> -> memref<1x200x64xf32, #tpu.memory_space<vmem>>
    %dma_start3A_38 = tpu.memref_squeeze %dma_start3A_37 : memref<1x200x64xf32, #tpu.memory_space<vmem>> -> memref<200x64xf32, #tpu.memory_space<vmem>>
    %dma_start3A_39 = arith.constant 0 : i32
    %dma_start3A_40 = tpu.memref_slice %arg6[%dma_start3A_32, %dma_start3A_39] : memref<50x200xi32, #tpu.memory_space<vmem>> -> memref<1x200xi32, #tpu.memory_space<vmem>>
    %dma_start3A_41 = tpu.memref_squeeze %dma_start3A_40 : memref<1x200xi32, #tpu.memory_space<vmem>> -> memref<200xi32, #tpu.memory_space<vmem>>
    %dma_start3A_42 = arith.constant 0 : i32
    %dma_start3A_43 = arith.constant 0 : i32
    %dma_start3A_44 = tpu.memref_slice %arg2[%dma_start3A_42, %dma_start3A_43] : memref<10000x64xf32, #tpu.memory_space<hbm>> -> memref<10000x64xf32, #tpu.memory_space<hbm>>
    %dma_start3A_45 = tpu.memref_slice %arg11[%dma_start3A_34] : memref<4x!tpu.dma_semaphore, #tpu.memory_space<semaphore_mem>> -> memref<1x!tpu.dma_semaphore, #tpu.memory_space<semaphore_mem>>
    %dma_start3A_46 = tpu.memref_squeeze %dma_start3A_45 : memref<1x!tpu.dma_semaphore, #tpu.memory_space<semaphore_mem>> -> memref<!tpu.dma_semaphore, #tpu.memory_space<semaphore_mem>>
    tpu.enqueue_indirect_dma source(%dma_start3A_44 : memref<10000x64xf32, #tpu.memory_space<hbm>>) target(%dma_start3A_38 : memref<200x64xf32, #tpu.memory_space<vmem>>) offsets(%dma_start3A_41 : memref<200xi32, #tpu.memory_space<vmem>>) semaphore(%dma_start3A_46 : memref<!tpu.dma_semaphore, #tpu.memory_space<semaphore_mem>>)
    %dma_start3A_47 = arith.constant 2 : i32
    %dma_start3A_48 = arith.constant 2 : i32
    %dma_start3A_49 = arith.constant 2 : i32
    %dma_start3A_50 = arith.constant 0 : i32
    %dma_start3A_51 = arith.constant 0 : i32
    %dma_start3A_52 = tpu.memref_slice %arg8[%dma_start3A_48, %dma_start3A_50, %dma_start3A_51] : memref<4x200x64xf32, #tpu.memory_space<vmem>> -> memref<1x200x64xf32, #tpu.memory_space<vmem>>
    %dma_start3A_53 = tpu.memref_squeeze %dma_start3A_52 : memref<1x200x64xf32, #tpu.memory_space<vmem>> -> memref<200x64xf32, #tpu.memory_space<vmem>>
    %dma_start3A_54 = arith.constant 0 : i32
    %dma_start3A_55 = tpu.memref_slice %arg6[%dma_start3A_47, %dma_start3A_54] : memref<50x200xi32, #tpu.memory_space<vmem>> -> memref<1x200xi32, #tpu.memory_space<vmem>>
    %dma_start3A_56 = tpu.memref_squeeze %dma_start3A_55 : memref<1x200xi32, #tpu.memory_space<vmem>> -> memref<200xi32, #tpu.memory_space<vmem>>
    %dma_start3A_57 = arith.constant 0 : i32
    %dma_start3A_58 = arith.constant 0 : i32
    %dma_start3A_59 = tpu.memref_slice %arg2[%dma_start3A_57, %dma_start3A_58] : memref<10000x64xf32, #tpu.memory_space<hbm>> -> memref<10000x64xf32, #tpu.memory_space<hbm>>
    %dma_start3A_60 = tpu.memref_slice %arg11[%dma_start3A_49] : memref<4x!tpu.dma_semaphore, #tpu.memory_space<semaphore_mem>> -> memref<1x!tpu.dma_semaphore, #tpu.memory_space<semaphore_mem>>
    %dma_start3A_61 = tpu.memref_squeeze %dma_start3A_60 : memref<1x!tpu.dma_semaphore, #tpu.memory_space<semaphore_mem>> -> memref<!tpu.dma_semaphore, #tpu.memory_space<semaphore_mem>>
    tpu.enqueue_indirect_dma source(%dma_start3A_59 : memref<10000x64xf32, #tpu.memory_space<hbm>>) target(%dma_start3A_53 : memref<200x64xf32, #tpu.memory_space<vmem>>) offsets(%dma_start3A_56 : memref<200xi32, #tpu.memory_space<vmem>>) semaphore(%dma_start3A_61 : memref<!tpu.dma_semaphore, #tpu.memory_space<semaphore_mem>>)
    %dma_start3A_62 = arith.constant 3 : i32
    %dma_start3A_63 = arith.constant 3 : i32
    %dma_start3A_64 = arith.constant 3 : i32
    %dma_start3A_65 = arith.constant 0 : i32
    %dma_start3A_66 = arith.constant 0 : i32
    %dma_start3A_67 = tpu.memref_slice %arg8[%dma_start3A_63, %dma_start3A_65, %dma_start3A_66] : memref<4x200x64xf32, #tpu.memory_space<vmem>> -> memref<1x200x64xf32, #tpu.memory_space<vmem>>
    %dma_start3A_68 = tpu.memref_squeeze %dma_start3A_67 : memref<1x200x64xf32, #tpu.memory_space<vmem>> -> memref<200x64xf32, #tpu.memory_space<vmem>>
    %dma_start3A_69 = arith.constant 0 : i32
    %dma_start3A_70 = tpu.memref_slice %arg6[%dma_start3A_62, %dma_start3A_69] : memref<50x200xi32, #tpu.memory_space<vmem>> -> memref<1x200xi32, #tpu.memory_space<vmem>>
    %dma_start3A_71 = tpu.memref_squeeze %dma_start3A_70 : memref<1x200xi32, #tpu.memory_space<vmem>> -> memref<200xi32, #tpu.memory_space<vmem>>
    %dma_start3A_72 = arith.constant 0 : i32
    %dma_start3A_73 = arith.constant 0 : i32
    %dma_start3A_74 = tpu.memref_slice %arg2[%dma_start3A_72, %dma_start3A_73] : memref<10000x64xf32, #tpu.memory_space<hbm>> -> memref<10000x64xf32, #tpu.memory_space<hbm>>
    %dma_start3A_75 = tpu.memref_slice %arg11[%dma_start3A_64] : memref<4x!tpu.dma_semaphore, #tpu.memory_space<semaphore_mem>> -> memref<1x!tpu.dma_semaphore, #tpu.memory_space<semaphore_mem>>
    %dma_start3A_76 = tpu.memref_squeeze %dma_start3A_75 : memref<1x!tpu.dma_semaphore, #tpu.memory_space<semaphore_mem>> -> memref<!tpu.dma_semaphore, #tpu.memory_space<semaphore_mem>>
    tpu.enqueue_indirect_dma source(%dma_start3A_74 : memref<10000x64xf32, #tpu.memory_space<hbm>>) target(%dma_start3A_68 : memref<200x64xf32, #tpu.memory_space<vmem>>) offsets(%dma_start3A_71 : memref<200xi32, #tpu.memory_space<vmem>>) semaphore(%dma_start3A_76 : memref<!tpu.dma_semaphore, #tpu.memory_space<semaphore_mem>>)
    %scan3A_77 = arith.constant 0 : i32
    %scan3A_78 = arith.constant 0 : i32
    %scan3A_79 = arith.constant 12 : i32
    %scan3A_80 = arith.addi %scan3A_78, %scan3A_79 : i32
    %scan3A_81 = arith.constant 1 : i32
    %scan3A_82 = scf.for %scan3A_124 = %scan3A_78 to %scan3A_80 step %scan3A_81 iter_args(%scan3A_125 = %scan3A_77) -> (i32)  : i32 {
      %mul3A_126 = arith.constant 4 : i32
      %mul3A_127 = arith.muli %scan3A_124, %mul3A_126 : i32
      %add3A_128 = arith.constant 0 : i32
      %add3A_129 = arith.addi %mul3A_127, %add3A_128 : i32
      %dma_wait3A_130 = arith.constant 0 : i32
      %dma_wait3A_131 = arith.constant 0 : i32
      %dma_wait3A_132 = arith.constant 0 : i32
      %dma_wait3A_133 = arith.constant 0 : i32
      %dma_wait3A_134 = tpu.memref_slice %arg8[%dma_wait3A_130, %dma_wait3A_132, %dma_wait3A_133] : memref<4x200x64xf32, #tpu.memory_space<vmem>> -> memref<1x200x64xf32, #tpu.memory_space<vmem>>
      %dma_wait3A_135 = tpu.memref_squeeze %dma_wait3A_134 : memref<1x200x64xf32, #tpu.memory_space<vmem>> -> memref<200x64xf32, #tpu.memory_space<vmem>>
      %dma_wait3A_136 = arith.constant 0 : i32
      %dma_wait3A_137 = tpu.memref_slice %arg6[%add3A_129, %dma_wait3A_136] : memref<50x200xi32, #tpu.memory_space<vmem>> -> memref<1x200xi32, #tpu.memory_space<vmem>>
      %dma_wait3A_138 = tpu.memref_squeeze %dma_wait3A_137 : memref<1x200xi32, #tpu.memory_space<vmem>> -> memref<200xi32, #tpu.memory_space<vmem>>
      %dma_wait3A_139 = arith.constant 0 : i32
      %dma_wait3A_140 = arith.constant 0 : i32
      %dma_wait3A_141 = tpu.memref_slice %arg2[%dma_wait3A_139, %dma_wait3A_140] : memref<10000x64xf32, #tpu.memory_space<hbm>> -> memref<10000x64xf32, #tpu.memory_space<hbm>>
      %dma_wait3A_142 = tpu.memref_slice %arg11[%dma_wait3A_131] : memref<4x!tpu.dma_semaphore, #tpu.memory_space<semaphore_mem>> -> memref<1x!tpu.dma_semaphore, #tpu.memory_space<semaphore_mem>>
      %dma_wait3A_143 = tpu.memref_squeeze %dma_wait3A_142 : memref<1x!tpu.dma_semaphore, #tpu.memory_space<semaphore_mem>> -> memref<!tpu.dma_semaphore, #tpu.memory_space<semaphore_mem>>
      tpu.wait_indirect_dma semaphore(%dma_wait3A_143 : memref<!tpu.dma_semaphore, #tpu.memory_space<semaphore_mem>>) src(%dma_wait3A_141 : memref<10000x64xf32, #tpu.memory_space<hbm>>) dst(%dma_wait3A_135 : memref<200x64xf32, #tpu.memory_space<vmem>>)
      %run_scoped3A_144 = arith.constant 0 : i32
      "tpu.region"() ({
        %run_scoped3A_224 = tpu.sem_alloc : memref<!tpu.dma_semaphore, #tpu.memory_space<semaphore_mem>>
        %dma_start3A_225 = arith.constant 0 : i32
        %dma_start3A_226 = arith.constant 0 : i32
        %dma_start3A_227 = tpu.memref_slice %arg8[%run_scoped3A_144, %dma_start3A_225, %dma_start3A_226] : memref<4x200x64xf32, #tpu.memory_space<vmem>> -> memref<1x200x64xf32, #tpu.memory_space<vmem>>
        %dma_start3A_228 = tpu.memref_squeeze %dma_start3A_227 : memref<1x200x64xf32, #tpu.memory_space<vmem>> -> memref<200x64xf32, #tpu.memory_space<vmem>>
        %dma_start3A_229 = arith.constant 0 : i32
        %dma_start3A_230 = tpu.memref_slice %arg7[%add3A_129, %dma_start3A_229] : memref<50x200xi32, #tpu.memory_space<vmem>> -> memref<1x200xi32, #tpu.memory_space<vmem>>
        %dma_start3A_231 = tpu.memref_squeeze %dma_start3A_230 : memref<1x200xi32, #tpu.memory_space<vmem>> -> memref<200xi32, #tpu.memory_space<vmem>>
        %dma_start3A_232 = arith.constant 0 : i32
        %dma_start3A_233 = arith.constant 0 : i32
        %dma_start3A_234 = tpu.memref_slice %arg10[%dma_start3A_232, %dma_start3A_233] : memref<10000x64xf32, #tpu.memory_space<vmem_shared>> -> memref<10000x64xf32, #tpu.memory_space<vmem_shared>>
        tpu.enqueue_indirect_dma source(%dma_start3A_228 : memref<200x64xf32, #tpu.memory_space<vmem>>) target(%dma_start3A_234 : memref<10000x64xf32, #tpu.memory_space<vmem_shared>>) offsets(%dma_start3A_231 : memref<200xi32, #tpu.memory_space<vmem>>) semaphore(%run_scoped3A_224 : memref<!tpu.dma_semaphore, #tpu.memory_space<semaphore_mem>>) {add = true}
        %dma_wait3A_235 = arith.constant 0 : i32
        %dma_wait3A_236 = arith.constant 0 : i32
        %dma_wait3A_237 = tpu.memref_slice %arg8[%run_scoped3A_144, %dma_wait3A_235, %dma_wait3A_236] : memref<4x200x64xf32, #tpu.memory_space<vmem>> -> memref<1x200x64xf32, #tpu.memory_space<vmem>>
        %dma_wait3A_238 = tpu.memref_squeeze %dma_wait3A_237 : memref<1x200x64xf32, #tpu.memory_space<vmem>> -> memref<200x64xf32, #tpu.memory_space<vmem>>
        %dma_wait3A_239 = arith.constant 0 : i32
        %dma_wait3A_240 = tpu.memref_slice %arg7[%add3A_129, %dma_wait3A_239] : memref<50x200xi32, #tpu.memory_space<vmem>> -> memref<1x200xi32, #tpu.memory_space<vmem>>
        %dma_wait3A_241 = tpu.memref_squeeze %dma_wait3A_240 : memref<1x200xi32, #tpu.memory_space<vmem>> -> memref<200xi32, #tpu.memory_space<vmem>>
        %dma_wait3A_242 = arith.constant 0 : i32
        %dma_wait3A_243 = arith.constant 0 : i32
        %dma_wait3A_244 = tpu.memref_slice %arg10[%dma_wait3A_242, %dma_wait3A_243] : memref<10000x64xf32, #tpu.memory_space<vmem_shared>> -> memref<10000x64xf32, #tpu.memory_space<vmem_shared>>
        tpu.wait_indirect_dma semaphore(%run_scoped3A_224 : memref<!tpu.dma_semaphore, #tpu.memory_space<semaphore_mem>>) src(%dma_wait3A_238 : memref<200x64xf32, #tpu.memory_space<vmem>>) dst(%dma_wait3A_244 : memref<10000x64xf32, #tpu.memory_space<vmem_shared>>)
        tpu.yield
      }) : () -> ()
      %add3A_145 = arith.constant 4 : i32
      %add3A_146 = arith.addi %add3A_129, %add3A_145 : i32
      %lt3A = arith.constant 50 : i32
      %lt3A_147 = arith.cmpi slt, %add3A_146, %lt3A : i32
      %convert_element_type3A_148 = arith.extui %lt3A_147 : i1 to i32
      %cond3A_149 = arith.constant 0 : i32
      %cond3A_150 = arith.cmpi ne, %convert_element_type3A_148, %cond3A_149 : i32
      scf.if %cond3A_150 {
        %add3A_224 = arith.constant 4 : i32
        %add3A_225 = arith.addi %add3A_129, %add3A_224 : i32
        %dma_start3A_226 = arith.constant 0 : i32
        %dma_start3A_227 = arith.constant 0 : i32
        %dma_start3A_228 = arith.constant 0 : i32
        %dma_start3A_229 = arith.constant 0 : i32
        %dma_start3A_230 = tpu.memref_slice %arg8[%dma_start3A_226, %dma_start3A_228, %dma_start3A_229] : memref<4x200x64xf32, #tpu.memory_space<vmem>> -> memref<1x200x64xf32, #tpu.memory_space<vmem>>
        %dma_start3A_231 = tpu.memref_squeeze %dma_start3A_230 : memref<1x200x64xf32, #tpu.memory_space<vmem>> -> memref<200x64xf32, #tpu.memory_space<vmem>>
        %dma_start3A_232 = arith.constant 0 : i32
        %dma_start3A_233 = tpu.memref_slice %arg6[%add3A_225, %dma_start3A_232] : memref<50x200xi32, #tpu.memory_space<vmem>> -> memref<1x200xi32, #tpu.memory_space<vmem>>
        %dma_start3A_234 = tpu.memref_squeeze %dma_start3A_233 : memref<1x200xi32, #tpu.memory_space<vmem>> -> memref<200xi32, #tpu.memory_space<vmem>>
        %dma_start3A_235 = arith.constant 0 : i32
        %dma_start3A_236 = arith.constant 0 : i32
        %dma_start3A_237 = tpu.memref_slice %arg2[%dma_start3A_235, %dma_start3A_236] : memref<10000x64xf32, #tpu.memory_space<hbm>> -> memref<10000x64xf32, #tpu.memory_space<hbm>>
        %dma_start3A_238 = tpu.memref_slice %arg11[%dma_start3A_227] : memref<4x!tpu.dma_semaphore, #tpu.memory_space<semaphore_mem>> -> memref<1x!tpu.dma_semaphore, #tpu.memory_space<semaphore_mem>>
        %dma_start3A_239 = tpu.memref_squeeze %dma_start3A_238 : memref<1x!tpu.dma_semaphore, #tpu.memory_space<semaphore_mem>> -> memref<!tpu.dma_semaphore, #tpu.memory_space<semaphore_mem>>
        tpu.enqueue_indirect_dma source(%dma_start3A_237 : memref<10000x64xf32, #tpu.memory_space<hbm>>) target(%dma_start3A_231 : memref<200x64xf32, #tpu.memory_space<vmem>>) offsets(%dma_start3A_234 : memref<200xi32, #tpu.memory_space<vmem>>) semaphore(%dma_start3A_239 : memref<!tpu.dma_semaphore, #tpu.memory_space<semaphore_mem>>)
      } else {
      }
      %add3A_151 = arith.constant 1 : i32
      %add3A_152 = arith.addi %mul3A_127, %add3A_151 : i32
      %dma_wait3A_153 = arith.constant 1 : i32
      %dma_wait3A_154 = arith.constant 1 : i32
      %dma_wait3A_155 = arith.constant 0 : i32
      %dma_wait3A_156 = arith.constant 0 : i32
      %dma_wait3A_157 = tpu.memref_slice %arg8[%dma_wait3A_153, %dma_wait3A_155, %dma_wait3A_156] : memref<4x200x64xf32, #tpu.memory_space<vmem>> -> memref<1x200x64xf32, #tpu.memory_space<vmem>>
      %dma_wait3A_158 = tpu.memref_squeeze %dma_wait3A_157 : memref<1x200x64xf32, #tpu.memory_space<vmem>> -> memref<200x64xf32, #tpu.memory_space<vmem>>
      %dma_wait3A_159 = arith.constant 0 : i32
      %dma_wait3A_160 = tpu.memref_slice %arg6[%add3A_152, %dma_wait3A_159] : memref<50x200xi32, #tpu.memory_space<vmem>> -> memref<1x200xi32, #tpu.memory_space<vmem>>
      %dma_wait3A_161 = tpu.memref_squeeze %dma_wait3A_160 : memref<1x200xi32, #tpu.memory_space<vmem>> -> memref<200xi32, #tpu.memory_space<vmem>>
      %dma_wait3A_162 = arith.constant 0 : i32
      %dma_wait3A_163 = arith.constant 0 : i32
      %dma_wait3A_164 = tpu.memref_slice %arg2[%dma_wait3A_162, %dma_wait3A_163] : memref<10000x64xf32, #tpu.memory_space<hbm>> -> memref<10000x64xf32, #tpu.memory_space<hbm>>
      %dma_wait3A_165 = tpu.memref_slice %arg11[%dma_wait3A_154] : memref<4x!tpu.dma_semaphore, #tpu.memory_space<semaphore_mem>> -> memref<1x!tpu.dma_semaphore, #tpu.memory_space<semaphore_mem>>
      %dma_wait3A_166 = tpu.memref_squeeze %dma_wait3A_165 : memref<1x!tpu.dma_semaphore, #tpu.memory_space<semaphore_mem>> -> memref<!tpu.dma_semaphore, #tpu.memory_space<semaphore_mem>>
      tpu.wait_indirect_dma semaphore(%dma_wait3A_166 : memref<!tpu.dma_semaphore, #tpu.memory_space<semaphore_mem>>) src(%dma_wait3A_164 : memref<10000x64xf32, #tpu.memory_space<hbm>>) dst(%dma_wait3A_158 : memref<200x64xf32, #tpu.memory_space<vmem>>)
      %run_scoped3A_167 = arith.constant 1 : i32
      "tpu.region"() ({
        %run_scoped3A_224 = tpu.sem_alloc : memref<!tpu.dma_semaphore, #tpu.memory_space<semaphore_mem>>
        %dma_start3A_225 = arith.constant 0 : i32
        %dma_start3A_226 = arith.constant 0 : i32
        %dma_start3A_227 = tpu.memref_slice %arg8[%run_scoped3A_167, %dma_start3A_225, %dma_start3A_226] : memref<4x200x64xf32, #tpu.memory_space<vmem>> -> memref<1x200x64xf32, #tpu.memory_space<vmem>>
        %dma_start3A_228 = tpu.memref_squeeze %dma_start3A_227 : memref<1x200x64xf32, #tpu.memory_space<vmem>> -> memref<200x64xf32, #tpu.memory_space<vmem>>
        %dma_start3A_229 = arith.constant 0 : i32
        %dma_start3A_230 = tpu.memref_slice %arg7[%add3A_152, %dma_start3A_229] : memref<50x200xi32, #tpu.memory_space<vmem>> -> memref<1x200xi32, #tpu.memory_space<vmem>>
        %dma_start3A_231 = tpu.memref_squeeze %dma_start3A_230 : memref<1x200xi32, #tpu.memory_space<vmem>> -> memref<200xi32, #tpu.memory_space<vmem>>
        %dma_start3A_232 = arith.constant 0 : i32
        %dma_start3A_233 = arith.constant 0 : i32
        %dma_start3A_234 = tpu.memref_slice %arg10[%dma_start3A_232, %dma_start3A_233] : memref<10000x64xf32, #tpu.memory_space<vmem_shared>> -> memref<10000x64xf32, #tpu.memory_space<vmem_shared>>
        tpu.enqueue_indirect_dma source(%dma_start3A_228 : memref<200x64xf32, #tpu.memory_space<vmem>>) target(%dma_start3A_234 : memref<10000x64xf32, #tpu.memory_space<vmem_shared>>) offsets(%dma_start3A_231 : memref<200xi32, #tpu.memory_space<vmem>>) semaphore(%run_scoped3A_224 : memref<!tpu.dma_semaphore, #tpu.memory_space<semaphore_mem>>) {add = true}
        %dma_wait3A_235 = arith.constant 0 : i32
        %dma_wait3A_236 = arith.constant 0 : i32
        %dma_wait3A_237 = tpu.memref_slice %arg8[%run_scoped3A_167, %dma_wait3A_235, %dma_wait3A_236] : memref<4x200x64xf32, #tpu.memory_space<vmem>> -> memref<1x200x64xf32, #tpu.memory_space<vmem>>
        %dma_wait3A_238 = tpu.memref_squeeze %dma_wait3A_237 : memref<1x200x64xf32, #tpu.memory_space<vmem>> -> memref<200x64xf32, #tpu.memory_space<vmem>>
        %dma_wait3A_239 = arith.constant 0 : i32
        %dma_wait3A_240 = tpu.memref_slice %arg7[%add3A_152, %dma_wait3A_239] : memref<50x200xi32, #tpu.memory_space<vmem>> -> memref<1x200xi32, #tpu.memory_space<vmem>>
        %dma_wait3A_241 = tpu.memref_squeeze %dma_wait3A_240 : memref<1x200xi32, #tpu.memory_space<vmem>> -> memref<200xi32, #tpu.memory_space<vmem>>
        %dma_wait3A_242 = arith.constant 0 : i32
        %dma_wait3A_243 = arith.constant 0 : i32
        %dma_wait3A_244 = tpu.memref_slice %arg10[%dma_wait3A_242, %dma_wait3A_243] : memref<10000x64xf32, #tpu.memory_space<vmem_shared>> -> memref<10000x64xf32, #tpu.memory_space<vmem_shared>>
        tpu.wait_indirect_dma semaphore(%run_scoped3A_224 : memref<!tpu.dma_semaphore, #tpu.memory_space<semaphore_mem>>) src(%dma_wait3A_238 : memref<200x64xf32, #tpu.memory_space<vmem>>) dst(%dma_wait3A_244 : memref<10000x64xf32, #tpu.memory_space<vmem_shared>>)
        tpu.yield
      }) : () -> ()
      %add3A_168 = arith.constant 4 : i32
      %add3A_169 = arith.addi %add3A_152, %add3A_168 : i32
      %lt3A_170 = arith.constant 50 : i32
      %lt3A_171 = arith.cmpi slt, %add3A_169, %lt3A_170 : i32
      %convert_element_type3A_172 = arith.extui %lt3A_171 : i1 to i32
      %cond3A_173 = arith.constant 0 : i32
      %cond3A_174 = arith.cmpi ne, %convert_element_type3A_172, %cond3A_173 : i32
      scf.if %cond3A_174 {
        %add3A_224 = arith.constant 4 : i32
        %add3A_225 = arith.addi %add3A_152, %add3A_224 : i32
        %dma_start3A_226 = arith.constant 1 : i32
        %dma_start3A_227 = arith.constant 1 : i32
        %dma_start3A_228 = arith.constant 0 : i32
        %dma_start3A_229 = arith.constant 0 : i32
        %dma_start3A_230 = tpu.memref_slice %arg8[%dma_start3A_226, %dma_start3A_228, %dma_start3A_229] : memref<4x200x64xf32, #tpu.memory_space<vmem>> -> memref<1x200x64xf32, #tpu.memory_space<vmem>>
        %dma_start3A_231 = tpu.memref_squeeze %dma_start3A_230 : memref<1x200x64xf32, #tpu.memory_space<vmem>> -> memref<200x64xf32, #tpu.memory_space<vmem>>
        %dma_start3A_232 = arith.constant 0 : i32
        %dma_start3A_233 = tpu.memref_slice %arg6[%add3A_225, %dma_start3A_232] : memref<50x200xi32, #tpu.memory_space<vmem>> -> memref<1x200xi32, #tpu.memory_space<vmem>>
        %dma_start3A_234 = tpu.memref_squeeze %dma_start3A_233 : memref<1x200xi32, #tpu.memory_space<vmem>> -> memref<200xi32, #tpu.memory_space<vmem>>
        %dma_start3A_235 = arith.constant 0 : i32
        %dma_start3A_236 = arith.constant 0 : i32
        %dma_start3A_237 = tpu.memref_slice %arg2[%dma_start3A_235, %dma_start3A_236] : memref<10000x64xf32, #tpu.memory_space<hbm>> -> memref<10000x64xf32, #tpu.memory_space<hbm>>
        %dma_start3A_238 = tpu.memref_slice %arg11[%dma_start3A_227] : memref<4x!tpu.dma_semaphore, #tpu.memory_space<semaphore_mem>> -> memref<1x!tpu.dma_semaphore, #tpu.memory_space<semaphore_mem>>
        %dma_start3A_239 = tpu.memref_squeeze %dma_start3A_238 : memref<1x!tpu.dma_semaphore, #tpu.memory_space<semaphore_mem>> -> memref<!tpu.dma_semaphore, #tpu.memory_space<semaphore_mem>>
        tpu.enqueue_indirect_dma source(%dma_start3A_237 : memref<10000x64xf32, #tpu.memory_space<hbm>>) target(%dma_start3A_231 : memref<200x64xf32, #tpu.memory_space<vmem>>) offsets(%dma_start3A_234 : memref<200xi32, #tpu.memory_space<vmem>>) semaphore(%dma_start3A_239 : memref<!tpu.dma_semaphore, #tpu.memory_space<semaphore_mem>>)
      } else {
      }
      %add3A_175 = arith.constant 2 : i32
      %add3A_176 = arith.addi %mul3A_127, %add3A_175 : i32
      %dma_wait3A_177 = arith.constant 2 : i32
      %dma_wait3A_178 = arith.constant 2 : i32
      %dma_wait3A_179 = arith.constant 0 : i32
      %dma_wait3A_180 = arith.constant 0 : i32
      %dma_wait3A_181 = tpu.memref_slice %arg8[%dma_wait3A_177, %dma_wait3A_179, %dma_wait3A_180] : memref<4x200x64xf32, #tpu.memory_space<vmem>> -> memref<1x200x64xf32, #tpu.memory_space<vmem>>
      %dma_wait3A_182 = tpu.memref_squeeze %dma_wait3A_181 : memref<1x200x64xf32, #tpu.memory_space<vmem>> -> memref<200x64xf32, #tpu.memory_space<vmem>>
      %dma_wait3A_183 = arith.constant 0 : i32
      %dma_wait3A_184 = tpu.memref_slice %arg6[%add3A_176, %dma_wait3A_183] : memref<50x200xi32, #tpu.memory_space<vmem>> -> memref<1x200xi32, #tpu.memory_space<vmem>>
      %dma_wait3A_185 = tpu.memref_squeeze %dma_wait3A_184 : memref<1x200xi32, #tpu.memory_space<vmem>> -> memref<200xi32, #tpu.memory_space<vmem>>
      %dma_wait3A_186 = arith.constant 0 : i32
      %dma_wait3A_187 = arith.constant 0 : i32
      %dma_wait3A_188 = tpu.memref_slice %arg2[%dma_wait3A_186, %dma_wait3A_187] : memref<10000x64xf32, #tpu.memory_space<hbm>> -> memref<10000x64xf32, #tpu.memory_space<hbm>>
      %dma_wait3A_189 = tpu.memref_slice %arg11[%dma_wait3A_178] : memref<4x!tpu.dma_semaphore, #tpu.memory_space<semaphore_mem>> -> memref<1x!tpu.dma_semaphore, #tpu.memory_space<semaphore_mem>>
      %dma_wait3A_190 = tpu.memref_squeeze %dma_wait3A_189 : memref<1x!tpu.dma_semaphore, #tpu.memory_space<semaphore_mem>> -> memref<!tpu.dma_semaphore, #tpu.memory_space<semaphore_mem>>
      tpu.wait_indirect_dma semaphore(%dma_wait3A_190 : memref<!tpu.dma_semaphore, #tpu.memory_space<semaphore_mem>>) src(%dma_wait3A_188 : memref<10000x64xf32, #tpu.memory_space<hbm>>) dst(%dma_wait3A_182 : memref<200x64xf32, #tpu.memory_space<vmem>>)
      %run_scoped3A_191 = arith.constant 2 : i32
      "tpu.region"() ({
        %run_scoped3A_224 = tpu.sem_alloc : memref<!tpu.dma_semaphore, #tpu.memory_space<semaphore_mem>>
        %dma_start3A_225 = arith.constant 0 : i32
        %dma_start3A_226 = arith.constant 0 : i32
        %dma_start3A_227 = tpu.memref_slice %arg8[%run_scoped3A_191, %dma_start3A_225, %dma_start3A_226] : memref<4x200x64xf32, #tpu.memory_space<vmem>> -> memref<1x200x64xf32, #tpu.memory_space<vmem>>
        %dma_start3A_228 = tpu.memref_squeeze %dma_start3A_227 : memref<1x200x64xf32, #tpu.memory_space<vmem>> -> memref<200x64xf32, #tpu.memory_space<vmem>>
        %dma_start3A_229 = arith.constant 0 : i32
        %dma_start3A_230 = tpu.memref_slice %arg7[%add3A_176, %dma_start3A_229] : memref<50x200xi32, #tpu.memory_space<vmem>> -> memref<1x200xi32, #tpu.memory_space<vmem>>
        %dma_start3A_231 = tpu.memref_squeeze %dma_start3A_230 : memref<1x200xi32, #tpu.memory_space<vmem>> -> memref<200xi32, #tpu.memory_space<vmem>>
        %dma_start3A_232 = arith.constant 0 : i32
        %dma_start3A_233 = arith.constant 0 : i32
        %dma_start3A_234 = tpu.memref_slice %arg10[%dma_start3A_232, %dma_start3A_233] : memref<10000x64xf32, #tpu.memory_space<vmem_shared>> -> memref<10000x64xf32, #tpu.memory_space<vmem_shared>>
        tpu.enqueue_indirect_dma source(%dma_start3A_228 : memref<200x64xf32, #tpu.memory_space<vmem>>) target(%dma_start3A_234 : memref<10000x64xf32, #tpu.memory_space<vmem_shared>>) offsets(%dma_start3A_231 : memref<200xi32, #tpu.memory_space<vmem>>) semaphore(%run_scoped3A_224 : memref<!tpu.dma_semaphore, #tpu.memory_space<semaphore_mem>>) {add = true}
        %dma_wait3A_235 = arith.constant 0 : i32
        %dma_wait3A_236 = arith.constant 0 : i32
        %dma_wait3A_237 = tpu.memref_slice %arg8[%run_scoped3A_191, %dma_wait3A_235, %dma_wait3A_236] : memref<4x200x64xf32, #tpu.memory_space<vmem>> -> memref<1x200x64xf32, #tpu.memory_space<vmem>>
        %dma_wait3A_238 = tpu.memref_squeeze %dma_wait3A_237 : memref<1x200x64xf32, #tpu.memory_space<vmem>> -> memref<200x64xf32, #tpu.memory_space<vmem>>
        %dma_wait3A_239 = arith.constant 0 : i32
        %dma_wait3A_240 = tpu.memref_slice %arg7[%add3A_176, %dma_wait3A_239] : memref<50x200xi32, #tpu.memory_space<vmem>> -> memref<1x200xi32, #tpu.memory_space<vmem>>
        %dma_wait3A_241 = tpu.memref_squeeze %dma_wait3A_240 : memref<1x200xi32, #tpu.memory_space<vmem>> -> memref<200xi32, #tpu.memory_space<vmem>>
        %dma_wait3A_242 = arith.constant 0 : i32
        %dma_wait3A_243 = arith.constant 0 : i32
        %dma_wait3A_244 = tpu.memref_slice %arg10[%dma_wait3A_242, %dma_wait3A_243] : memref<10000x64xf32, #tpu.memory_space<vmem_shared>> -> memref<10000x64xf32, #tpu.memory_space<vmem_shared>>
        tpu.wait_indirect_dma semaphore(%run_scoped3A_224 : memref<!tpu.dma_semaphore, #tpu.memory_space<semaphore_mem>>) src(%dma_wait3A_238 : memref<200x64xf32, #tpu.memory_space<vmem>>) dst(%dma_wait3A_244 : memref<10000x64xf32, #tpu.memory_space<vmem_shared>>)
        tpu.yield
      }) : () -> ()
      %add3A_192 = arith.constant 4 : i32
      %add3A_193 = arith.addi %add3A_176, %add3A_192 : i32
      %lt3A_194 = arith.constant 50 : i32
      %lt3A_195 = arith.cmpi slt, %add3A_193, %lt3A_194 : i32
      %convert_element_type3A_196 = arith.extui %lt3A_195 : i1 to i32
      %cond3A_197 = arith.constant 0 : i32
      %cond3A_198 = arith.cmpi ne, %convert_element_type3A_196, %cond3A_197 : i32
      scf.if %cond3A_198 {
        %add3A_224 = arith.constant 4 : i32
        %add3A_225 = arith.addi %add3A_176, %add3A_224 : i32
        %dma_start3A_226 = arith.constant 2 : i32
        %dma_start3A_227 = arith.constant 2 : i32
        %dma_start3A_228 = arith.constant 0 : i32
        %dma_start3A_229 = arith.constant 0 : i32
        %dma_start3A_230 = tpu.memref_slice %arg8[%dma_start3A_226, %dma_start3A_228, %dma_start3A_229] : memref<4x200x64xf32, #tpu.memory_space<vmem>> -> memref<1x200x64xf32, #tpu.memory_space<vmem>>
        %dma_start3A_231 = tpu.memref_squeeze %dma_start3A_230 : memref<1x200x64xf32, #tpu.memory_space<vmem>> -> memref<200x64xf32, #tpu.memory_space<vmem>>
        %dma_start3A_232 = arith.constant 0 : i32
        %dma_start3A_233 = tpu.memref_slice %arg6[%add3A_225, %dma_start3A_232] : memref<50x200xi32, #tpu.memory_space<vmem>> -> memref<1x200xi32, #tpu.memory_space<vmem>>
        %dma_start3A_234 = tpu.memref_squeeze %dma_start3A_233 : memref<1x200xi32, #tpu.memory_space<vmem>> -> memref<200xi32, #tpu.memory_space<vmem>>
        %dma_start3A_235 = arith.constant 0 : i32
        %dma_start3A_236 = arith.constant 0 : i32
        %dma_start3A_237 = tpu.memref_slice %arg2[%dma_start3A_235, %dma_start3A_236] : memref<10000x64xf32, #tpu.memory_space<hbm>> -> memref<10000x64xf32, #tpu.memory_space<hbm>>
        %dma_start3A_238 = tpu.memref_slice %arg11[%dma_start3A_227] : memref<4x!tpu.dma_semaphore, #tpu.memory_space<semaphore_mem>> -> memref<1x!tpu.dma_semaphore, #tpu.memory_space<semaphore_mem>>
        %dma_start3A_239 = tpu.memref_squeeze %dma_start3A_238 : memref<1x!tpu.dma_semaphore, #tpu.memory_space<semaphore_mem>> -> memref<!tpu.dma_semaphore, #tpu.memory_space<semaphore_mem>>
        tpu.enqueue_indirect_dma source(%dma_start3A_237 : memref<10000x64xf32, #tpu.memory_space<hbm>>) target(%dma_start3A_231 : memref<200x64xf32, #tpu.memory_space<vmem>>) offsets(%dma_start3A_234 : memref<200xi32, #tpu.memory_space<vmem>>) semaphore(%dma_start3A_239 : memref<!tpu.dma_semaphore, #tpu.memory_space<semaphore_mem>>)
      } else {
      }
      %add3A_199 = arith.constant 3 : i32
      %add3A_200 = arith.addi %mul3A_127, %add3A_199 : i32
      %dma_wait3A_201 = arith.constant 3 : i32
      %dma_wait3A_202 = arith.constant 3 : i32
      %dma_wait3A_203 = arith.constant 0 : i32
      %dma_wait3A_204 = arith.constant 0 : i32
      %dma_wait3A_205 = tpu.memref_slice %arg8[%dma_wait3A_201, %dma_wait3A_203, %dma_wait3A_204] : memref<4x200x64xf32, #tpu.memory_space<vmem>> -> memref<1x200x64xf32, #tpu.memory_space<vmem>>
      %dma_wait3A_206 = tpu.memref_squeeze %dma_wait3A_205 : memref<1x200x64xf32, #tpu.memory_space<vmem>> -> memref<200x64xf32, #tpu.memory_space<vmem>>
      %dma_wait3A_207 = arith.constant 0 : i32
      %dma_wait3A_208 = tpu.memref_slice %arg6[%add3A_200, %dma_wait3A_207] : memref<50x200xi32, #tpu.memory_space<vmem>> -> memref<1x200xi32, #tpu.memory_space<vmem>>
      %dma_wait3A_209 = tpu.memref_squeeze %dma_wait3A_208 : memref<1x200xi32, #tpu.memory_space<vmem>> -> memref<200xi32, #tpu.memory_space<vmem>>
      %dma_wait3A_210 = arith.constant 0 : i32
      %dma_wait3A_211 = arith.constant 0 : i32
      %dma_wait3A_212 = tpu.memref_slice %arg2[%dma_wait3A_210, %dma_wait3A_211] : memref<10000x64xf32, #tpu.memory_space<hbm>> -> memref<10000x64xf32, #tpu.memory_space<hbm>>
      %dma_wait3A_213 = tpu.memref_slice %arg11[%dma_wait3A_202] : memref<4x!tpu.dma_semaphore, #tpu.memory_space<semaphore_mem>> -> memref<1x!tpu.dma_semaphore, #tpu.memory_space<semaphore_mem>>
      %dma_wait3A_214 = tpu.memref_squeeze %dma_wait3A_213 : memref<1x!tpu.dma_semaphore, #tpu.memory_space<semaphore_mem>> -> memref<!tpu.dma_semaphore, #tpu.memory_space<semaphore_mem>>
      tpu.wait_indirect_dma semaphore(%dma_wait3A_214 : memref<!tpu.dma_semaphore, #tpu.memory_space<semaphore_mem>>) src(%dma_wait3A_212 : memref<10000x64xf32, #tpu.memory_space<hbm>>) dst(%dma_wait3A_206 : memref<200x64xf32, #tpu.memory_space<vmem>>)
      %run_scoped3A_215 = arith.constant 3 : i32
      "tpu.region"() ({
        %run_scoped3A_224 = tpu.sem_alloc : memref<!tpu.dma_semaphore, #tpu.memory_space<semaphore_mem>>
        %dma_start3A_225 = arith.constant 0 : i32
        %dma_start3A_226 = arith.constant 0 : i32
        %dma_start3A_227 = tpu.memref_slice %arg8[%run_scoped3A_215, %dma_start3A_225, %dma_start3A_226] : memref<4x200x64xf32, #tpu.memory_space<vmem>> -> memref<1x200x64xf32, #tpu.memory_space<vmem>>
        %dma_start3A_228 = tpu.memref_squeeze %dma_start3A_227 : memref<1x200x64xf32, #tpu.memory_space<vmem>> -> memref<200x64xf32, #tpu.memory_space<vmem>>
        %dma_start3A_229 = arith.constant 0 : i32
        %dma_start3A_230 = tpu.memref_slice %arg7[%add3A_200, %dma_start3A_229] : memref<50x200xi32, #tpu.memory_space<vmem>> -> memref<1x200xi32, #tpu.memory_space<vmem>>
        %dma_start3A_231 = tpu.memref_squeeze %dma_start3A_230 : memref<1x200xi32, #tpu.memory_space<vmem>> -> memref<200xi32, #tpu.memory_space<vmem>>
        %dma_start3A_232 = arith.constant 0 : i32
        %dma_start3A_233 = arith.constant 0 : i32
        %dma_start3A_234 = tpu.memref_slice %arg10[%dma_start3A_232, %dma_start3A_233] : memref<10000x64xf32, #tpu.memory_space<vmem_shared>> -> memref<10000x64xf32, #tpu.memory_space<vmem_shared>>
        tpu.enqueue_indirect_dma source(%dma_start3A_228 : memref<200x64xf32, #tpu.memory_space<vmem>>) target(%dma_start3A_234 : memref<10000x64xf32, #tpu.memory_space<vmem_shared>>) offsets(%dma_start3A_231 : memref<200xi32, #tpu.memory_space<vmem>>) semaphore(%run_scoped3A_224 : memref<!tpu.dma_semaphore, #tpu.memory_space<semaphore_mem>>) {add = true}
        %dma_wait3A_235 = arith.constant 0 : i32
        %dma_wait3A_236 = arith.constant 0 : i32
        %dma_wait3A_237 = tpu.memref_slice %arg8[%run_scoped3A_215, %dma_wait3A_235, %dma_wait3A_236] : memref<4x200x64xf32, #tpu.memory_space<vmem>> -> memref<1x200x64xf32, #tpu.memory_space<vmem>>
        %dma_wait3A_238 = tpu.memref_squeeze %dma_wait3A_237 : memref<1x200x64xf32, #tpu.memory_space<vmem>> -> memref<200x64xf32, #tpu.memory_space<vmem>>
        %dma_wait3A_239 = arith.constant 0 : i32
        %dma_wait3A_240 = tpu.memref_slice %arg7[%add3A_200, %dma_wait3A_239] : memref<50x200xi32, #tpu.memory_space<vmem>> -> memref<1x200xi32, #tpu.memory_space<vmem>>
        %dma_wait3A_241 = tpu.memref_squeeze %dma_wait3A_240 : memref<1x200xi32, #tpu.memory_space<vmem>> -> memref<200xi32, #tpu.memory_space<vmem>>
        %dma_wait3A_242 = arith.constant 0 : i32
        %dma_wait3A_243 = arith.constant 0 : i32
        %dma_wait3A_244 = tpu.memref_slice %arg10[%dma_wait3A_242, %dma_wait3A_243] : memref<10000x64xf32, #tpu.memory_space<vmem_shared>> -> memref<10000x64xf32, #tpu.memory_space<vmem_shared>>
        tpu.wait_indirect_dma semaphore(%run_scoped3A_224 : memref<!tpu.dma_semaphore, #tpu.memory_space<semaphore_mem>>) src(%dma_wait3A_238 : memref<200x64xf32, #tpu.memory_space<vmem>>) dst(%dma_wait3A_244 : memref<10000x64xf32, #tpu.memory_space<vmem_shared>>)
        tpu.yield
      }) : () -> ()
      %add3A_216 = arith.constant 4 : i32
      %add3A_217 = arith.addi %add3A_200, %add3A_216 : i32
      %lt3A_218 = arith.constant 50 : i32
      %lt3A_219 = arith.cmpi slt, %add3A_217, %lt3A_218 : i32
      %convert_element_type3A_220 = arith.extui %lt3A_219 : i1 to i32
      %cond3A_221 = arith.constant 0 : i32
      %cond3A_222 = arith.cmpi ne, %convert_element_type3A_220, %cond3A_221 : i32
      scf.if %cond3A_222 {
        %add3A_224 = arith.constant 4 : i32
        %add3A_225 = arith.addi %add3A_200, %add3A_224 : i32
        %dma_start3A_226 = arith.constant 3 : i32
        %dma_start3A_227 = arith.constant 3 : i32
        %dma_start3A_228 = arith.constant 0 : i32
        %dma_start3A_229 = arith.constant 0 : i32
        %dma_start3A_230 = tpu.memref_slice %arg8[%dma_start3A_226, %dma_start3A_228, %dma_start3A_229] : memref<4x200x64xf32, #tpu.memory_space<vmem>> -> memref<1x200x64xf32, #tpu.memory_space<vmem>>
        %dma_start3A_231 = tpu.memref_squeeze %dma_start3A_230 : memref<1x200x64xf32, #tpu.memory_space<vmem>> -> memref<200x64xf32, #tpu.memory_space<vmem>>
        %dma_start3A_232 = arith.constant 0 : i32
        %dma_start3A_233 = tpu.memref_slice %arg6[%add3A_225, %dma_start3A_232] : memref<50x200xi32, #tpu.memory_space<vmem>> -> memref<1x200xi32, #tpu.memory_space<vmem>>
        %dma_start3A_234 = tpu.memref_squeeze %dma_start3A_233 : memref<1x200xi32, #tpu.memory_space<vmem>> -> memref<200xi32, #tpu.memory_space<vmem>>
        %dma_start3A_235 = arith.constant 0 : i32
        %dma_start3A_236 = arith.constant 0 : i32
        %dma_start3A_237 = tpu.memref_slice %arg2[%dma_start3A_235, %dma_start3A_236] : memref<10000x64xf32, #tpu.memory_space<hbm>> -> memref<10000x64xf32, #tpu.memory_space<hbm>>
        %dma_start3A_238 = tpu.memref_slice %arg11[%dma_start3A_227] : memref<4x!tpu.dma_semaphore, #tpu.memory_space<semaphore_mem>> -> memref<1x!tpu.dma_semaphore, #tpu.memory_space<semaphore_mem>>
        %dma_start3A_239 = tpu.memref_squeeze %dma_start3A_238 : memref<1x!tpu.dma_semaphore, #tpu.memory_space<semaphore_mem>> -> memref<!tpu.dma_semaphore, #tpu.memory_space<semaphore_mem>>
        tpu.enqueue_indirect_dma source(%dma_start3A_237 : memref<10000x64xf32, #tpu.memory_space<hbm>>) target(%dma_start3A_231 : memref<200x64xf32, #tpu.memory_space<vmem>>) offsets(%dma_start3A_234 : memref<200xi32, #tpu.memory_space<vmem>>) semaphore(%dma_start3A_239 : memref<!tpu.dma_semaphore, #tpu.memory_space<semaphore_mem>>)
      } else {
      }
      %scan3A_223 = arith.constant 0 : i32
      scf.yield %scan3A_223 : i32
    }
    %scan3A_83 = arith.constant 12 : i32
    %dma_wait3A = arith.constant 48 : i32
    %dma_wait3A_84 = arith.constant 0 : i32
    %dma_wait3A_85 = arith.constant 0 : i32
    %dma_wait3A_86 = arith.constant 0 : i32
    %dma_wait3A_87 = arith.constant 0 : i32
    %dma_wait3A_88 = tpu.memref_slice %arg8[%dma_wait3A_84, %dma_wait3A_86, %dma_wait3A_87] : memref<4x200x64xf32, #tpu.memory_space<vmem>> -> memref<1x200x64xf32, #tpu.memory_space<vmem>>
    %dma_wait3A_89 = tpu.memref_squeeze %dma_wait3A_88 : memref<1x200x64xf32, #tpu.memory_space<vmem>> -> memref<200x64xf32, #tpu.memory_space<vmem>>
    %dma_wait3A_90 = arith.constant 0 : i32
    %dma_wait3A_91 = tpu.memref_slice %arg6[%dma_wait3A, %dma_wait3A_90] : memref<50x200xi32, #tpu.memory_space<vmem>> -> memref<1x200xi32, #tpu.memory_space<vmem>>
    %dma_wait3A_92 = tpu.memref_squeeze %dma_wait3A_91 : memref<1x200xi32, #tpu.memory_space<vmem>> -> memref<200xi32, #tpu.memory_space<vmem>>
    %dma_wait3A_93 = arith.constant 0 : i32
    %dma_wait3A_94 = arith.constant 0 : i32
    %dma_wait3A_95 = tpu.memref_slice %arg2[%dma_wait3A_93, %dma_wait3A_94] : memref<10000x64xf32, #tpu.memory_space<hbm>> -> memref<10000x64xf32, #tpu.memory_space<hbm>>
    %dma_wait3A_96 = tpu.memref_slice %arg11[%dma_wait3A_85] : memref<4x!tpu.dma_semaphore, #tpu.memory_space<semaphore_mem>> -> memref<1x!tpu.dma_semaphore, #tpu.memory_space<semaphore_mem>>
    %dma_wait3A_97 = tpu.memref_squeeze %dma_wait3A_96 : memref<1x!tpu.dma_semaphore, #tpu.memory_space<semaphore_mem>> -> memref<!tpu.dma_semaphore, #tpu.memory_space<semaphore_mem>>
    tpu.wait_indirect_dma semaphore(%dma_wait3A_97 : memref<!tpu.dma_semaphore, #tpu.memory_space<semaphore_mem>>) src(%dma_wait3A_95 : memref<10000x64xf32, #tpu.memory_space<hbm>>) dst(%dma_wait3A_89 : memref<200x64xf32, #tpu.memory_space<vmem>>)
    %run_scoped3A = arith.constant 0 : i32
    %run_scoped3A_98 = arith.constant 48 : i32
    "tpu.region"() ({
      %run_scoped3A_124 = tpu.sem_alloc : memref<!tpu.dma_semaphore, #tpu.memory_space<semaphore_mem>>
      %dma_start3A_125 = arith.constant 0 : i32
      %dma_start3A_126 = arith.constant 0 : i32
      %dma_start3A_127 = tpu.memref_slice %arg8[%run_scoped3A, %dma_start3A_125, %dma_start3A_126] : memref<4x200x64xf32, #tpu.memory_space<vmem>> -> memref<1x200x64xf32, #tpu.memory_space<vmem>>
      %dma_start3A_128 = tpu.memref_squeeze %dma_start3A_127 : memref<1x200x64xf32, #tpu.memory_space<vmem>> -> memref<200x64xf32, #tpu.memory_space<vmem>>
      %dma_start3A_129 = arith.constant 0 : i32
      %dma_start3A_130 = tpu.memref_slice %arg7[%run_scoped3A_98, %dma_start3A_129] : memref<50x200xi32, #tpu.memory_space<vmem>> -> memref<1x200xi32, #tpu.memory_space<vmem>>
      %dma_start3A_131 = tpu.memref_squeeze %dma_start3A_130 : memref<1x200xi32, #tpu.memory_space<vmem>> -> memref<200xi32, #tpu.memory_space<vmem>>
      %dma_start3A_132 = arith.constant 0 : i32
      %dma_start3A_133 = arith.constant 0 : i32
      %dma_start3A_134 = tpu.memref_slice %arg10[%dma_start3A_132, %dma_start3A_133] : memref<10000x64xf32, #tpu.memory_space<vmem_shared>> -> memref<10000x64xf32, #tpu.memory_space<vmem_shared>>
      tpu.enqueue_indirect_dma source(%dma_start3A_128 : memref<200x64xf32, #tpu.memory_space<vmem>>) target(%dma_start3A_134 : memref<10000x64xf32, #tpu.memory_space<vmem_shared>>) offsets(%dma_start3A_131 : memref<200xi32, #tpu.memory_space<vmem>>) semaphore(%run_scoped3A_124 : memref<!tpu.dma_semaphore, #tpu.memory_space<semaphore_mem>>) {add = true}
      %dma_wait3A_135 = arith.constant 0 : i32
      %dma_wait3A_136 = arith.constant 0 : i32
      %dma_wait3A_137 = tpu.memref_slice %arg8[%run_scoped3A, %dma_wait3A_135, %dma_wait3A_136] : memref<4x200x64xf32, #tpu.memory_space<vmem>> -> memref<1x200x64xf32, #tpu.memory_space<vmem>>
      %dma_wait3A_138 = tpu.memref_squeeze %dma_wait3A_137 : memref<1x200x64xf32, #tpu.memory_space<vmem>> -> memref<200x64xf32, #tpu.memory_space<vmem>>
      %dma_wait3A_139 = arith.constant 0 : i32
      %dma_wait3A_140 = tpu.memref_slice %arg7[%run_scoped3A_98, %dma_wait3A_139] : memref<50x200xi32, #tpu.memory_space<vmem>> -> memref<1x200xi32, #tpu.memory_space<vmem>>
      %dma_wait3A_141 = tpu.memref_squeeze %dma_wait3A_140 : memref<1x200xi32, #tpu.memory_space<vmem>> -> memref<200xi32, #tpu.memory_space<vmem>>
      %dma_wait3A_142 = arith.constant 0 : i32
      %dma_wait3A_143 = arith.constant 0 : i32
      %dma_wait3A_144 = tpu.memref_slice %arg10[%dma_wait3A_142, %dma_wait3A_143] : memref<10000x64xf32, #tpu.memory_space<vmem_shared>> -> memref<10000x64xf32, #tpu.memory_space<vmem_shared>>
      tpu.wait_indirect_dma semaphore(%run_scoped3A_124 : memref<!tpu.dma_semaphore, #tpu.memory_space<semaphore_mem>>) src(%dma_wait3A_138 : memref<200x64xf32, #tpu.memory_space<vmem>>) dst(%dma_wait3A_144 : memref<10000x64xf32, #tpu.memory_space<vmem_shared>>)
      tpu.yield
    }) : () -> ()
    %dma_wait3A_99 = arith.constant 49 : i32
    %dma_wait3A_100 = arith.constant 1 : i32
    %dma_wait3A_101 = arith.constant 1 : i32
    %dma_wait3A_102 = arith.constant 0 : i32
    %dma_wait3A_103 = arith.constant 0 : i32
    %dma_wait3A_104 = tpu.memref_slice %arg8[%dma_wait3A_100, %dma_wait3A_102, %dma_wait3A_103] : memref<4x200x64xf32, #tpu.memory_space<vmem>> -> memref<1x200x64xf32, #tpu.memory_space<vmem>>
    %dma_wait3A_105 = tpu.memref_squeeze %dma_wait3A_104 : memref<1x200x64xf32, #tpu.memory_space<vmem>> -> memref<200x64xf32, #tpu.memory_space<vmem>>
    %dma_wait3A_106 = arith.constant 0 : i32
    %dma_wait3A_107 = tpu.memref_slice %arg6[%dma_wait3A_99, %dma_wait3A_106] : memref<50x200xi32, #tpu.memory_space<vmem>> -> memref<1x200xi32, #tpu.memory_space<vmem>>
    %dma_wait3A_108 = tpu.memref_squeeze %dma_wait3A_107 : memref<1x200xi32, #tpu.memory_space<vmem>> -> memref<200xi32, #tpu.memory_space<vmem>>
    %dma_wait3A_109 = arith.constant 0 : i32
    %dma_wait3A_110 = arith.constant 0 : i32
    %dma_wait3A_111 = tpu.memref_slice %arg2[%dma_wait3A_109, %dma_wait3A_110] : memref<10000x64xf32, #tpu.memory_space<hbm>> -> memref<10000x64xf32, #tpu.memory_space<hbm>>
    %dma_wait3A_112 = tpu.memref_slice %arg11[%dma_wait3A_101] : memref<4x!tpu.dma_semaphore, #tpu.memory_space<semaphore_mem>> -> memref<1x!tpu.dma_semaphore, #tpu.memory_space<semaphore_mem>>
    %dma_wait3A_113 = tpu.memref_squeeze %dma_wait3A_112 : memref<1x!tpu.dma_semaphore, #tpu.memory_space<semaphore_mem>> -> memref<!tpu.dma_semaphore, #tpu.memory_space<semaphore_mem>>
    tpu.wait_indirect_dma semaphore(%dma_wait3A_113 : memref<!tpu.dma_semaphore, #tpu.memory_space<semaphore_mem>>) src(%dma_wait3A_111 : memref<10000x64xf32, #tpu.memory_space<hbm>>) dst(%dma_wait3A_105 : memref<200x64xf32, #tpu.memory_space<vmem>>)
    %run_scoped3A_114 = arith.constant 1 : i32
    %run_scoped3A_115 = arith.constant 49 : i32
    "tpu.region"() ({
      %run_scoped3A_124 = tpu.sem_alloc : memref<!tpu.dma_semaphore, #tpu.memory_space<semaphore_mem>>
      %dma_start3A_125 = arith.constant 0 : i32
      %dma_start3A_126 = arith.constant 0 : i32
      %dma_start3A_127 = tpu.memref_slice %arg8[%run_scoped3A_114, %dma_start3A_125, %dma_start3A_126] : memref<4x200x64xf32, #tpu.memory_space<vmem>> -> memref<1x200x64xf32, #tpu.memory_space<vmem>>
      %dma_start3A_128 = tpu.memref_squeeze %dma_start3A_127 : memref<1x200x64xf32, #tpu.memory_space<vmem>> -> memref<200x64xf32, #tpu.memory_space<vmem>>
      %dma_start3A_129 = arith.constant 0 : i32
      %dma_start3A_130 = tpu.memref_slice %arg7[%run_scoped3A_115, %dma_start3A_129] : memref<50x200xi32, #tpu.memory_space<vmem>> -> memref<1x200xi32, #tpu.memory_space<vmem>>
      %dma_start3A_131 = tpu.memref_squeeze %dma_start3A_130 : memref<1x200xi32, #tpu.memory_space<vmem>> -> memref<200xi32, #tpu.memory_space<vmem>>
      %dma_start3A_132 = arith.constant 0 : i32
      %dma_start3A_133 = arith.constant 0 : i32
      %dma_start3A_134 = tpu.memref_slice %arg10[%dma_start3A_132, %dma_start3A_133] : memref<10000x64xf32, #tpu.memory_space<vmem_shared>> -> memref<10000x64xf32, #tpu.memory_space<vmem_shared>>
      tpu.enqueue_indirect_dma source(%dma_start3A_128 : memref<200x64xf32, #tpu.memory_space<vmem>>) target(%dma_start3A_134 : memref<10000x64xf32, #tpu.memory_space<vmem_shared>>) offsets(%dma_start3A_131 : memref<200xi32, #tpu.memory_space<vmem>>) semaphore(%run_scoped3A_124 : memref<!tpu.dma_semaphore, #tpu.memory_space<semaphore_mem>>) {add = true}
      %dma_wait3A_135 = arith.constant 0 : i32
      %dma_wait3A_136 = arith.constant 0 : i32
      %dma_wait3A_137 = tpu.memref_slice %arg8[%run_scoped3A_114, %dma_wait3A_135, %dma_wait3A_136] : memref<4x200x64xf32, #tpu.memory_space<vmem>> -> memref<1x200x64xf32, #tpu.memory_space<vmem>>
      %dma_wait3A_138 = tpu.memref_squeeze %dma_wait3A_137 : memref<1x200x64xf32, #tpu.memory_space<vmem>> -> memref<200x64xf32, #tpu.memory_space<vmem>>
      %dma_wait3A_139 = arith.constant 0 : i32
      %dma_wait3A_140 = tpu.memref_slice %arg7[%run_scoped3A_115, %dma_wait3A_139] : memref<50x200xi32, #tpu.memory_space<vmem>> -> memref<1x200xi32, #tpu.memory_space<vmem>>
      %dma_wait3A_141 = tpu.memref_squeeze %dma_wait3A_140 : memref<1x200xi32, #tpu.memory_space<vmem>> -> memref<200xi32, #tpu.memory_space<vmem>>
      %dma_wait3A_142 = arith.constant 0 : i32
      %dma_wait3A_143 = arith.constant 0 : i32
      %dma_wait3A_144 = tpu.memref_slice %arg10[%dma_wait3A_142, %dma_wait3A_143] : memref<10000x64xf32, #tpu.memory_space<vmem_shared>> -> memref<10000x64xf32, #tpu.memory_space<vmem_shared>>
      tpu.wait_indirect_dma semaphore(%run_scoped3A_124 : memref<!tpu.dma_semaphore, #tpu.memory_space<semaphore_mem>>) src(%dma_wait3A_138 : memref<200x64xf32, #tpu.memory_space<vmem>>) dst(%dma_wait3A_144 : memref<10000x64xf32, #tpu.memory_space<vmem_shared>>)
      tpu.yield
    }) : () -> ()
    %barrier3A_116 = arith.constant 0 : index
    tpu.barrier barrier_id(%barrier3A_116)
    %mul3A_117 = arith.constant 624 : i32
    %mul3A_118 = arith.muli %arg1, %mul3A_117 : i32
    "tpu.region"() ({
      %run_scoped3A_124 = tpu.sem_alloc : memref<!tpu.dma_semaphore, #tpu.memory_space<semaphore_mem>>
      %dma_start3A_125 = arith.constant 0 : i32
      %dma_start3A_126 = tpu.memref_slice %arg5[%arg0, %mul3A_118, %dma_start3A_125] : memref<2x10000x64xf32, #tpu.memory_space<hbm>> -> memref<1x624x64xf32, #tpu.memory_space<hbm>>
      %dma_start3A_127 = tpu.memref_squeeze %dma_start3A_126 : memref<1x624x64xf32, #tpu.memory_space<hbm>> -> memref<624x64xf32, #tpu.memory_space<hbm>>
      %dma_start3A_128 = arith.constant 0 : i32
      %dma_start3A_129 = tpu.memref_slice %arg10[%mul3A_118, %dma_start3A_128] : memref<10000x64xf32, #tpu.memory_space<vmem_shared>> -> memref<624x64xf32, #tpu.memory_space<vmem_shared>>
      tpu.enqueue_dma source(%dma_start3A_129 : memref<624x64xf32, #tpu.memory_space<vmem_shared>>) target(%dma_start3A_127 : memref<624x64xf32, #tpu.memory_space<hbm>>) target_semaphore(%run_scoped3A_124 : memref<!tpu.dma_semaphore, #tpu.memory_space<semaphore_mem>>)
      %dma_wait3A_130 = arith.constant 0 : i32
      %dma_wait3A_131 = tpu.memref_slice %arg5[%arg0, %mul3A_118, %dma_wait3A_130] : memref<2x10000x64xf32, #tpu.memory_space<hbm>> -> memref<1x624x64xf32, #tpu.memory_space<hbm>>
      %dma_wait3A_132 = tpu.memref_squeeze %dma_wait3A_131 : memref<1x624x64xf32, #tpu.memory_space<hbm>> -> memref<624x64xf32, #tpu.memory_space<hbm>>
      %dma_wait3A_133 = arith.constant 0 : i32
      %dma_wait3A_134 = tpu.memref_slice %arg10[%mul3A_118, %dma_wait3A_133] : memref<10000x64xf32, #tpu.memory_space<vmem_shared>> -> memref<624x64xf32, #tpu.memory_space<vmem_shared>>
      tpu.wait_dma2 semaphore(%run_scoped3A_124 : memref<!tpu.dma_semaphore, #tpu.memory_space<semaphore_mem>>) src(%dma_wait3A_134 : memref<624x64xf32, #tpu.memory_space<vmem_shared>>) dst(%dma_wait3A_132 : memref<624x64xf32, #tpu.memory_space<hbm>>)
      tpu.yield
    }) : () -> ()
    %eq3A_119 = arith.constant 15 : i32
    %eq3A_120 = arith.cmpi eq, %arg1, %eq3A_119 : i32
    %convert_element_type3A_121 = arith.extui %eq3A_120 : i1 to i32
    %cond3A_122 = arith.constant 0 : i32
    %cond3A_123 = arith.cmpi ne, %convert_element_type3A_121, %cond3A_122 : i32
    scf.if %cond3A_123 {
      "tpu.region"() ({
        %run_scoped3A_124 = tpu.sem_alloc : memref<!tpu.dma_semaphore, #tpu.memory_space<semaphore_mem>>
        %dma_start3A_125 = arith.constant 9984 : i32
        %dma_start3A_126 = arith.constant 0 : i32
        %dma_start3A_127 = tpu.memref_slice %arg5[%arg0, %dma_start3A_125, %dma_start3A_126] : memref<2x10000x64xf32, #tpu.memory_space<hbm>> -> memref<1x16x64xf32, #tpu.memory_space<hbm>>
        %dma_start3A_128 = tpu.memref_squeeze %dma_start3A_127 : memref<1x16x64xf32, #tpu.memory_space<hbm>> -> memref<16x64xf32, #tpu.memory_space<hbm>>
        %dma_start3A_129 = arith.constant 9984 : i32
        %dma_start3A_130 = arith.constant 0 : i32
        %dma_start3A_131 = tpu.memref_slice %arg10[%dma_start3A_129, %dma_start3A_130] : memref<10000x64xf32, #tpu.memory_space<vmem_shared>> -> memref<16x64xf32, #tpu.memory_space<vmem_shared>>
        tpu.enqueue_dma source(%dma_start3A_131 : memref<16x64xf32, #tpu.memory_space<vmem_shared>>) target(%dma_start3A_128 : memref<16x64xf32, #tpu.memory_space<hbm>>) target_semaphore(%run_scoped3A_124 : memref<!tpu.dma_semaphore, #tpu.memory_space<semaphore_mem>>)
        %dma_wait3A_132 = arith.constant 9984 : i32
        %dma_wait3A_133 = arith.constant 0 : i32
        %dma_wait3A_134 = tpu.memref_slice %arg5[%arg0, %dma_wait3A_132, %dma_wait3A_133] : memref<2x10000x64xf32, #tpu.memory_space<hbm>> -> memref<1x16x64xf32, #tpu.memory_space<hbm>>
        %dma_wait3A_135 = tpu.memref_squeeze %dma_wait3A_134 : memref<1x16x64xf32, #tpu.memory_space<hbm>> -> memref<16x64xf32, #tpu.memory_space<hbm>>
        %dma_wait3A_136 = arith.constant 9984 : i32
        %dma_wait3A_137 = arith.constant 0 : i32
        %dma_wait3A_138 = tpu.memref_slice %arg10[%dma_wait3A_136, %dma_wait3A_137] : memref<10000x64xf32, #tpu.memory_space<vmem_shared>> -> memref<16x64xf32, #tpu.memory_space<vmem_shared>>
        tpu.wait_dma2 semaphore(%run_scoped3A_124 : memref<!tpu.dma_semaphore, #tpu.memory_space<semaphore_mem>>) src(%dma_wait3A_138 : memref<16x64xf32, #tpu.memory_space<vmem_shared>>) dst(%dma_wait3A_135 : memref<16x64xf32, #tpu.memory_space<hbm>>)
        tpu.yield
      }) : () -> ()
    } else {
    }
    return
  }
}

#map = affine_map<(d0, d1) -> (0, 0)>
#map1 = affine_map<(d0, d1) -> (0, 0, 0)>
module attributes {stable_mosaic.version = 14 : i64} {
  func.func @_scat_body(%arg0: i32, %arg1: i32, %arg2: memref<10000x64xf32, #tpu.memory_space<hbm>>, %arg3: memref<32x50x200xi32, #tpu.memory_space<hbm>>, %arg4: memref<32x50x200xi32, #tpu.memory_space<hbm>>, %arg5: memref<2x10000x64xf32, #tpu.memory_space<hbm>>, %arg6: memref<50x200xi32, #tpu.memory_space<vmem>>, %arg7: memref<50x200xi32, #tpu.memory_space<vmem>>, %arg8: memref<4x200x64xf32, #tpu.memory_space<vmem>>, %arg9: memref<208x64xf32, #tpu.memory_space<vmem>>, %arg10: memref<10000x64xf32, #tpu.memory_space<vmem_shared>>, %arg11: memref<4x!tpu.dma_semaphore, #tpu.memory_space<semaphore_mem>>) attributes {dimension_semantics = [#tpu.dimension_semantics<core_parallel>, #tpu.dimension_semantics<subcore_parallel>], iteration_bounds = array<i64: 2, 16>, scalar_prefetch = 0 : i64, scratch_operands = 6 : i64, tpu.core_type = #tpu.core_type<sc_vector_subcore>, window_params = [{transform_indices = #map}, {transform_indices = #map1}, {transform_indices = #map1}, {transform_indices = #map1}]} {
    %mul3A = arith.constant 16 : i32
    %mul3A_0 = arith.muli %arg0, %mul3A : i32
    %add3A = arith.addi %mul3A_0, %arg1 : i32
    "tpu.region"() ({
      %run_scoped3A_124 = tpu.sem_alloc : memref<!tpu.dma_semaphore, #tpu.memory_space<semaphore_mem>>
      %dma_start3A_125 = arith.constant 0 : i32
      %dma_start3A_126 = arith.constant 0 : i32
      %dma_start3A_127 = tpu.memref_slice %arg3[%add3A, %dma_start3A_125, %dma_start3A_126] : memref<32x50x200xi32, #tpu.memory_space<hbm>> -> memref<1x50x200xi32, #tpu.memory_space<hbm>>
      %dma_start3A_128 = tpu.memref_squeeze %dma_start3A_127 : memref<1x50x200xi32, #tpu.memory_space<hbm>> -> memref<50x200xi32, #tpu.memory_space<hbm>>
      %dma_start3A_129 = arith.constant 0 : i32
      %dma_start3A_130 = arith.constant 0 : i32
      %dma_start3A_131 = tpu.memref_slice %arg3[%add3A, %dma_start3A_129, %dma_start3A_130] : memref<32x50x200xi32, #tpu.memory_space<hbm>> -> memref<1x50x200xi32, #tpu.memory_space<hbm>>
      %dma_start3A_132 = tpu.memref_squeeze %dma_start3A_131 : memref<1x50x200xi32, #tpu.memory_space<hbm>> -> memref<50x200xi32, #tpu.memory_space<hbm>>
      tpu.enqueue_dma source(%dma_start3A_132 : memref<50x200xi32, #tpu.memory_space<hbm>>) target(%arg6 : memref<50x200xi32, #tpu.memory_space<vmem>>) target_semaphore(%run_scoped3A_124 : memref<!tpu.dma_semaphore, #tpu.memory_space<semaphore_mem>>)
      %dma_wait3A_133 = arith.constant 0 : i32
      %dma_wait3A_134 = arith.constant 0 : i32
      %dma_wait3A_135 = tpu.memref_slice %arg3[%add3A, %dma_wait3A_133, %dma_wait3A_134] : memref<32x50x200xi32, #tpu.memory_space<hbm>> -> memref<1x50x200xi32, #tpu.memory_space<hbm>>
      %dma_wait3A_136 = tpu.memref_squeeze %dma_wait3A_135 : memref<1x50x200xi32, #tpu.memory_space<hbm>> -> memref<50x200xi32, #tpu.memory_space<hbm>>
      %dma_wait3A_137 = arith.constant 0 : i32
      %dma_wait3A_138 = arith.constant 0 : i32
      %dma_wait3A_139 = tpu.memref_slice %arg3[%add3A, %dma_wait3A_137, %dma_wait3A_138] : memref<32x50x200xi32, #tpu.memory_space<hbm>> -> memref<1x50x200xi32, #tpu.memory_space<hbm>>
      %dma_wait3A_140 = tpu.memref_squeeze %dma_wait3A_139 : memref<1x50x200xi32, #tpu.memory_space<hbm>> -> memref<50x200xi32, #tpu.memory_space<hbm>>
      tpu.wait_dma2 semaphore(%run_scoped3A_124 : memref<!tpu.dma_semaphore, #tpu.memory_space<semaphore_mem>>) src(%dma_wait3A_140 : memref<50x200xi32, #tpu.memory_space<hbm>>) dst(%arg6 : memref<50x200xi32, #tpu.memory_space<vmem>>)
      tpu.yield
    }) : () -> ()
    "tpu.region"() ({
      %run_scoped3A_124 = tpu.sem_alloc : memref<!tpu.dma_semaphore, #tpu.memory_space<semaphore_mem>>
      %dma_start3A_125 = arith.constant 0 : i32
      %dma_start3A_126 = arith.constant 0 : i32
      %dma_start3A_127 = tpu.memref_slice %arg4[%add3A, %dma_start3A_125, %dma_start3A_126] : memref<32x50x200xi32, #tpu.memory_space<hbm>> -> memref<1x50x200xi32, #tpu.memory_space<hbm>>
      %dma_start3A_128 = tpu.memref_squeeze %dma_start3A_127 : memref<1x50x200xi32, #tpu.memory_space<hbm>> -> memref<50x200xi32, #tpu.memory_space<hbm>>
      %dma_start3A_129 = arith.constant 0 : i32
      %dma_start3A_130 = arith.constant 0 : i32
      %dma_start3A_131 = tpu.memref_slice %arg4[%add3A, %dma_start3A_129, %dma_start3A_130] : memref<32x50x200xi32, #tpu.memory_space<hbm>> -> memref<1x50x200xi32, #tpu.memory_space<hbm>>
      %dma_start3A_132 = tpu.memref_squeeze %dma_start3A_131 : memref<1x50x200xi32, #tpu.memory_space<hbm>> -> memref<50x200xi32, #tpu.memory_space<hbm>>
      tpu.enqueue_dma source(%dma_start3A_132 : memref<50x200xi32, #tpu.memory_space<hbm>>) target(%arg7 : memref<50x200xi32, #tpu.memory_space<vmem>>) target_semaphore(%run_scoped3A_124 : memref<!tpu.dma_semaphore, #tpu.memory_space<semaphore_mem>>)
      %dma_wait3A_133 = arith.constant 0 : i32
      %dma_wait3A_134 = arith.constant 0 : i32
      %dma_wait3A_135 = tpu.memref_slice %arg4[%add3A, %dma_wait3A_133, %dma_wait3A_134] : memref<32x50x200xi32, #tpu.memory_space<hbm>> -> memref<1x50x200xi32, #tpu.memory_space<hbm>>
      %dma_wait3A_136 = tpu.memref_squeeze %dma_wait3A_135 : memref<1x50x200xi32, #tpu.memory_space<hbm>> -> memref<50x200xi32, #tpu.memory_space<hbm>>
      %dma_wait3A_137 = arith.constant 0 : i32
      %dma_wait3A_138 = arith.constant 0 : i32
      %dma_wait3A_139 = tpu.memref_slice %arg4[%add3A, %dma_wait3A_137, %dma_wait3A_138] : memref<32x50x200xi32, #tpu.memory_space<hbm>> -> memref<1x50x200xi32, #tpu.memory_space<hbm>>
      %dma_wait3A_140 = tpu.memref_squeeze %dma_wait3A_139 : memref<1x50x200xi32, #tpu.memory_space<hbm>> -> memref<50x200xi32, #tpu.memory_space<hbm>>
      tpu.wait_dma2 semaphore(%run_scoped3A_124 : memref<!tpu.dma_semaphore, #tpu.memory_space<semaphore_mem>>) src(%dma_wait3A_140 : memref<50x200xi32, #tpu.memory_space<hbm>>) dst(%arg7 : memref<50x200xi32, #tpu.memory_space<vmem>>)
      tpu.yield
    }) : () -> ()
    %broadcast_in_dim3A = arith.constant 0.000000e+00 : f32
    %broadcast_in_dim3A_1 = vector.broadcast %broadcast_in_dim3A : f32 to vector<16xf32>
    %scan3A = arith.constant 0 : i32
    %scan3A_2 = arith.constant 0 : i32
    %scan3A_3 = arith.constant 208 : i32
    %scan3A_4 = arith.addi %scan3A_2, %scan3A_3 : i32
    %scan3A_5 = arith.constant 1 : i32
    %scan3A_6 = scf.for %scan3A_124 = %scan3A_2 to %scan3A_4 step %scan3A_5 iter_args(%scan3A_125 = %scan3A) -> (i32)  : i32 {
      %swap3A = arith.index_cast %scan3A_124 : i32 to index
      %swap3A_126 = arith.constant 0 : index
      %swap3A_127 = tpu.vector_load %arg9[%swap3A, %swap3A_126] {strides = array<i32>} : memref<208x64xf32, #tpu.memory_space<vmem>>, vector<1x16xf32>,
      %swap3A_128 = vector.shape_cast %swap3A_127 : vector<1x16xf32> to vector<16xf32>
      %swap3A_129 = vector.shape_cast %broadcast_in_dim3A_1 : vector<16xf32> to vector<1x16xf32>
      tpu.vector_store %arg9[%swap3A, %swap3A_126], %swap3A_129 {strides = array<i32>} : memref<208x64xf32, #tpu.memory_space<vmem>>, vector<1x16xf32>,
      %swap3A_130 = arith.index_cast %scan3A_124 : i32 to index
      %swap3A_131 = arith.constant 16 : index
      %swap3A_132 = tpu.vector_load %arg9[%swap3A_130, %swap3A_131] {strides = array<i32>} : memref<208x64xf32, #tpu.memory_space<vmem>>, vector<1x16xf32>,
      %swap3A_133 = vector.shape_cast %swap3A_132 : vector<1x16xf32> to vector<16xf32>
      %swap3A_134 = vector.shape_cast %broadcast_in_dim3A_1 : vector<16xf32> to vector<1x16xf32>
      tpu.vector_store %arg9[%swap3A_130, %swap3A_131], %swap3A_134 {strides = array<i32>} : memref<208x64xf32, #tpu.memory_space<vmem>>, vector<1x16xf32>,
      %swap3A_135 = arith.index_cast %scan3A_124 : i32 to index
      %swap3A_136 = arith.constant 32 : index
      %swap3A_137 = tpu.vector_load %arg9[%swap3A_135, %swap3A_136] {strides = array<i32>} : memref<208x64xf32, #tpu.memory_space<vmem>>, vector<1x16xf32>,
      %swap3A_138 = vector.shape_cast %swap3A_137 : vector<1x16xf32> to vector<16xf32>
      %swap3A_139 = vector.shape_cast %broadcast_in_dim3A_1 : vector<16xf32> to vector<1x16xf32>
      tpu.vector_store %arg9[%swap3A_135, %swap3A_136], %swap3A_139 {strides = array<i32>} : memref<208x64xf32, #tpu.memory_space<vmem>>, vector<1x16xf32>,
      %swap3A_140 = arith.index_cast %scan3A_124 : i32 to index
      %swap3A_141 = arith.constant 48 : index
      %swap3A_142 = tpu.vector_load %arg9[%swap3A_140, %swap3A_141] {strides = array<i32>} : memref<208x64xf32, #tpu.memory_space<vmem>>, vector<1x16xf32>,
      %swap3A_143 = vector.shape_cast %swap3A_142 : vector<1x16xf32> to vector<16xf32>
      %swap3A_144 = vector.shape_cast %broadcast_in_dim3A_1 : vector<16xf32> to vector<1x16xf32>
      tpu.vector_store %arg9[%swap3A_140, %swap3A_141], %swap3A_144 {strides = array<i32>} : memref<208x64xf32, #tpu.memory_space<vmem>>, vector<1x16xf32>,
      %scan3A_145 = arith.constant 0 : i32
      scf.yield %scan3A_145 : i32
    }
    %scan3A_7 = arith.constant 208 : i32
    %mul3A_8 = arith.constant 624 : i32
    %mul3A_9 = arith.muli %arg1, %mul3A_8 : i32
    %add3A_10 = arith.constant 0 : i32
    %add3A_11 = arith.addi %mul3A_9, %add3A_10 : i32
    "tpu.region"() ({
      %run_scoped3A_124 = tpu.sem_alloc : memref<!tpu.dma_semaphore, #tpu.memory_space<semaphore_mem>>
      %dma_start3A_125 = arith.constant 0 : i32
      %dma_start3A_126 = tpu.memref_slice %arg10[%add3A_11, %dma_start3A_125] : memref<10000x64xf32, #tpu.memory_space<vmem_shared>> -> memref<208x64xf32, #tpu.memory_space<vmem_shared>>
      %dma_start3A_127 = arith.constant 0 : i32
      %dma_start3A_128 = tpu.memref_slice %arg10[%add3A_11, %dma_start3A_127] : memref<10000x64xf32, #tpu.memory_space<vmem_shared>> -> memref<208x64xf32, #tpu.memory_space<vmem_shared>>
      tpu.enqueue_dma source(%arg9 : memref<208x64xf32, #tpu.memory_space<vmem>>) target(%dma_start3A_128 : memref<208x64xf32, #tpu.memory_space<vmem_shared>>) target_semaphore(%run_scoped3A_124 : memref<!tpu.dma_semaphore, #tpu.memory_space<semaphore_mem>>)
      %dma_wait3A_129 = arith.constant 0 : i32
      %dma_wait3A_130 = tpu.memref_slice %arg10[%add3A_11, %dma_wait3A_129] : memref<10000x64xf32, #tpu.memory_space<vmem_shared>> -> memref<208x64xf32, #tpu.memory_space<vmem_shared>>
      %dma_wait3A_131 = arith.constant 0 : i32
      %dma_wait3A_132 = tpu.memref_slice %arg10[%add3A_11, %dma_wait3A_131] : memref<10000x64xf32, #tpu.memory_space<vmem_shared>> -> memref<208x64xf32, #tpu.memory_space<vmem_shared>>
      tpu.wait_dma2 semaphore(%run_scoped3A_124 : memref<!tpu.dma_semaphore, #tpu.memory_space<semaphore_mem>>) src(%arg9 : memref<208x64xf32, #tpu.memory_space<vmem>>) dst(%dma_wait3A_132 : memref<208x64xf32, #tpu.memory_space<vmem_shared>>)
      tpu.yield
    }) : () -> ()
    %add3A_12 = arith.constant 208 : i32
    %add3A_13 = arith.addi %mul3A_9, %add3A_12 : i32
    "tpu.region"() ({
      %run_scoped3A_124 = tpu.sem_alloc : memref<!tpu.dma_semaphore, #tpu.memory_space<semaphore_mem>>
      %dma_start3A_125 = arith.constant 0 : i32
      %dma_start3A_126 = tpu.memref_slice %arg10[%add3A_13, %dma_start3A_125] : memref<10000x64xf32, #tpu.memory_space<vmem_shared>> -> memref<208x64xf32, #tpu.memory_space<vmem_shared>>
      %dma_start3A_127 = arith.constant 0 : i32
      %dma_start3A_128 = tpu.memref_slice %arg10[%add3A_13, %dma_start3A_127] : memref<10000x64xf32, #tpu.memory_space<vmem_shared>> -> memref<208x64xf32, #tpu.memory_space<vmem_shared>>
      tpu.enqueue_dma source(%arg9 : memref<208x64xf32, #tpu.memory_space<vmem>>) target(%dma_start3A_128 : memref<208x64xf32, #tpu.memory_space<vmem_shared>>) target_semaphore(%run_scoped3A_124 : memref<!tpu.dma_semaphore, #tpu.memory_space<semaphore_mem>>)
      %dma_wait3A_129 = arith.constant 0 : i32
      %dma_wait3A_130 = tpu.memref_slice %arg10[%add3A_13, %dma_wait3A_129] : memref<10000x64xf32, #tpu.memory_space<vmem_shared>> -> memref<208x64xf32, #tpu.memory_space<vmem_shared>>
      %dma_wait3A_131 = arith.constant 0 : i32
      %dma_wait3A_132 = tpu.memref_slice %arg10[%add3A_13, %dma_wait3A_131] : memref<10000x64xf32, #tpu.memory_space<vmem_shared>> -> memref<208x64xf32, #tpu.memory_space<vmem_shared>>
      tpu.wait_dma2 semaphore(%run_scoped3A_124 : memref<!tpu.dma_semaphore, #tpu.memory_space<semaphore_mem>>) src(%arg9 : memref<208x64xf32, #tpu.memory_space<vmem>>) dst(%dma_wait3A_132 : memref<208x64xf32, #tpu.memory_space<vmem_shared>>)
      tpu.yield
    }) : () -> ()
    %add3A_14 = arith.constant 416 : i32
    %add3A_15 = arith.addi %mul3A_9, %add3A_14 : i32
    "tpu.region"() ({
      %run_scoped3A_124 = tpu.sem_alloc : memref<!tpu.dma_semaphore, #tpu.memory_space<semaphore_mem>>
      %dma_start3A_125 = arith.constant 0 : i32
      %dma_start3A_126 = tpu.memref_slice %arg10[%add3A_15, %dma_start3A_125] : memref<10000x64xf32, #tpu.memory_space<vmem_shared>> -> memref<208x64xf32, #tpu.memory_space<vmem_shared>>
      %dma_start3A_127 = arith.constant 0 : i32
      %dma_start3A_128 = tpu.memref_slice %arg10[%add3A_15, %dma_start3A_127] : memref<10000x64xf32, #tpu.memory_space<vmem_shared>> -> memref<208x64xf32, #tpu.memory_space<vmem_shared>>
      tpu.enqueue_dma source(%arg9 : memref<208x64xf32, #tpu.memory_space<vmem>>) target(%dma_start3A_128 : memref<208x64xf32, #tpu.memory_space<vmem_shared>>) target_semaphore(%run_scoped3A_124 : memref<!tpu.dma_semaphore, #tpu.memory_space<semaphore_mem>>)
      %dma_wait3A_129 = arith.constant 0 : i32
      %dma_wait3A_130 = tpu.memref_slice %arg10[%add3A_15, %dma_wait3A_129] : memref<10000x64xf32, #tpu.memory_space<vmem_shared>> -> memref<208x64xf32, #tpu.memory_space<vmem_shared>>
      %dma_wait3A_131 = arith.constant 0 : i32
      %dma_wait3A_132 = tpu.memref_slice %arg10[%add3A_15, %dma_wait3A_131] : memref<10000x64xf32, #tpu.memory_space<vmem_shared>> -> memref<208x64xf32, #tpu.memory_space<vmem_shared>>
      tpu.wait_dma2 semaphore(%run_scoped3A_124 : memref<!tpu.dma_semaphore, #tpu.memory_space<semaphore_mem>>) src(%arg9 : memref<208x64xf32, #tpu.memory_space<vmem>>) dst(%dma_wait3A_132 : memref<208x64xf32, #tpu.memory_space<vmem_shared>>)
      tpu.yield
    }) : () -> ()
    %eq3A = arith.constant 15 : i32
    %eq3A_16 = arith.cmpi eq, %arg1, %eq3A : i32
    %convert_element_type3A = arith.extui %eq3A_16 : i1 to i32
    %cond3A = arith.constant 0 : i32
    %cond3A_17 = arith.cmpi ne, %convert_element_type3A, %cond3A : i32
    scf.if %cond3A_17 {
      "tpu.region"() ({
        %run_scoped3A_124 = tpu.sem_alloc : memref<!tpu.dma_semaphore, #tpu.memory_space<semaphore_mem>>
        %dma_start3A_125 = arith.constant 0 : i32
        %dma_start3A_126 = arith.constant 0 : i32
        %dma_start3A_127 = tpu.memref_slice %arg9[%dma_start3A_125, %dma_start3A_126] : memref<208x64xf32, #tpu.memory_space<vmem>> -> memref<16x64xf32, #tpu.memory_space<vmem>>
        %dma_start3A_128 = arith.constant 9984 : i32
        %dma_start3A_129 = arith.constant 0 : i32
        %dma_start3A_130 = tpu.memref_slice %arg10[%dma_start3A_128, %dma_start3A_129] : memref<10000x64xf32, #tpu.memory_space<vmem_shared>> -> memref<16x64xf32, #tpu.memory_space<vmem_shared>>
        %dma_start3A_131 = arith.constant 9984 : i32
        %dma_start3A_132 = arith.constant 0 : i32
        %dma_start3A_133 = tpu.memref_slice %arg10[%dma_start3A_131, %dma_start3A_132] : memref<10000x64xf32, #tpu.memory_space<vmem_shared>> -> memref<16x64xf32, #tpu.memory_space<vmem_shared>>
        %dma_start3A_134 = arith.constant 0 : i32
        %dma_start3A_135 = arith.constant 0 : i32
        %dma_start3A_136 = tpu.memref_slice %arg9[%dma_start3A_134, %dma_start3A_135] : memref<208x64xf32, #tpu.memory_space<vmem>> -> memref<16x64xf32, #tpu.memory_space<vmem>>
        tpu.enqueue_dma source(%dma_start3A_136 : memref<16x64xf32, #tpu.memory_space<vmem>>) target(%dma_start3A_133 : memref<16x64xf32, #tpu.memory_space<vmem_shared>>) target_semaphore(%run_scoped3A_124 : memref<!tpu.dma_semaphore, #tpu.memory_space<semaphore_mem>>)
        %dma_wait3A_137 = arith.constant 0 : i32
        %dma_wait3A_138 = arith.constant 0 : i32
        %dma_wait3A_139 = tpu.memref_slice %arg9[%dma_wait3A_137, %dma_wait3A_138] : memref<208x64xf32, #tpu.memory_space<vmem>> -> memref<16x64xf32, #tpu.memory_space<vmem>>
        %dma_wait3A_140 = arith.constant 9984 : i32
        %dma_wait3A_141 = arith.constant 0 : i32
        %dma_wait3A_142 = tpu.memref_slice %arg10[%dma_wait3A_140, %dma_wait3A_141] : memref<10000x64xf32, #tpu.memory_space<vmem_shared>> -> memref<16x64xf32, #tpu.memory_space<vmem_shared>>
        %dma_wait3A_143 = arith.constant 9984 : i32
        %dma_wait3A_144 = arith.constant 0 : i32
        %dma_wait3A_145 = tpu.memref_slice %arg10[%dma_wait3A_143, %dma_wait3A_144] : memref<10000x64xf32, #tpu.memory_space<vmem_shared>> -> memref<16x64xf32, #tpu.memory_space<vmem_shared>>
        %dma_wait3A_146 = arith.constant 0 : i32
        %dma_wait3A_147 = arith.constant 0 : i32
        %dma_wait3A_148 = tpu.memref_slice %arg9[%dma_wait3A_146, %dma_wait3A_147] : memref<208x64xf32, #tpu.memory_space<vmem>> -> memref<16x64xf32, #tpu.memory_space<vmem>>
        tpu.wait_dma2 semaphore(%run_scoped3A_124 : memref<!tpu.dma_semaphore, #tpu.memory_space<semaphore_mem>>) src(%dma_wait3A_148 : memref<16x64xf32, #tpu.memory_space<vmem>>) dst(%dma_wait3A_145 : memref<16x64xf32, #tpu.memory_space<vmem_shared>>)
        tpu.yield
      }) : () -> ()
    } else {
    }
    %barrier3A = arith.constant 0 : index
    tpu.barrier barrier_id(%barrier3A)
    %dma_start3A = arith.constant 0 : i32
    %dma_start3A_18 = arith.constant 0 : i32
    %dma_start3A_19 = arith.constant 0 : i32
    %dma_start3A_20 = arith.constant 0 : i32
    %dma_start3A_21 = arith.constant 0 : i32
    %dma_start3A_22 = tpu.memref_slice %arg8[%dma_start3A_18, %dma_start3A_20, %dma_start3A_21] : memref<4x200x64xf32, #tpu.memory_space<vmem>> -> memref<1x200x64xf32, #tpu.memory_space<vmem>>
    %dma_start3A_23 = tpu.memref_squeeze %dma_start3A_22 : memref<1x200x64xf32, #tpu.memory_space<vmem>> -> memref<200x64xf32, #tpu.memory_space<vmem>>
    %dma_start3A_24 = arith.constant 0 : i32
    %dma_start3A_25 = tpu.memref_slice %arg6[%dma_start3A, %dma_start3A_24] : memref<50x200xi32, #tpu.memory_space<vmem>> -> memref<1x200xi32, #tpu.memory_space<vmem>>
    %dma_start3A_26 = tpu.memref_squeeze %dma_start3A_25 : memref<1x200xi32, #tpu.memory_space<vmem>> -> memref<200xi32, #tpu.memory_space<vmem>>
    %dma_start3A_27 = arith.constant 0 : i32
    %dma_start3A_28 = arith.constant 0 : i32
    %dma_start3A_29 = tpu.memref_slice %arg2[%dma_start3A_27, %dma_start3A_28] : memref<10000x64xf32, #tpu.memory_space<hbm>> -> memref<10000x64xf32, #tpu.memory_space<hbm>>
    %dma_start3A_30 = tpu.memref_slice %arg11[%dma_start3A_19] : memref<4x!tpu.dma_semaphore, #tpu.memory_space<semaphore_mem>> -> memref<1x!tpu.dma_semaphore, #tpu.memory_space<semaphore_mem>>
    %dma_start3A_31 = tpu.memref_squeeze %dma_start3A_30 : memref<1x!tpu.dma_semaphore, #tpu.memory_space<semaphore_mem>> -> memref<!tpu.dma_semaphore, #tpu.memory_space<semaphore_mem>>
    tpu.enqueue_indirect_dma source(%dma_start3A_29 : memref<10000x64xf32, #tpu.memory_space<hbm>>) target(%dma_start3A_23 : memref<200x64xf32, #tpu.memory_space<vmem>>) offsets(%dma_start3A_26 : memref<200xi32, #tpu.memory_space<vmem>>) semaphore(%dma_start3A_31 : memref<!tpu.dma_semaphore, #tpu.memory_space<semaphore_mem>>)
    %dma_start3A_32 = arith.constant 1 : i32
    %dma_start3A_33 = arith.constant 1 : i32
    %dma_start3A_34 = arith.constant 1 : i32
    %dma_start3A_35 = arith.constant 0 : i32
    %dma_start3A_36 = arith.constant 0 : i32
    %dma_start3A_37 = tpu.memref_slice %arg8[%dma_start3A_33, %dma_start3A_35, %dma_start3A_36] : memref<4x200x64xf32, #tpu.memory_space<vmem>> -> memref<1x200x64xf32, #tpu.memory_space<vmem>>
    %dma_start3A_38 = tpu.memref_squeeze %dma_start3A_37 : memref<1x200x64xf32, #tpu.memory_space<vmem>> -> memref<200x64xf32, #tpu.memory_space<vmem>>
    %dma_start3A_39 = arith.constant 0 : i32
    %dma_start3A_40 = tpu.memref_slice %arg6[%dma_start3A_32, %dma_start3A_39] : memref<50x200xi32, #tpu.memory_space<vmem>> -> memref<1x200xi32, #tpu.memory_space<vmem>>
    %dma_start3A_41 = tpu.memref_squeeze %dma_start3A_40 : memref<1x200xi32, #tpu.memory_space<vmem>> -> memref<200xi32, #tpu.memory_space<vmem>>
    %dma_start3A_42 = arith.constant 0 : i32
    %dma_start3A_43 = arith.constant 0 : i32
    %dma_start3A_44 = tpu.memref_slice %arg2[%dma_start3A_42, %dma_start3A_43] : memref<10000x64xf32, #tpu.memory_space<hbm>> -> memref<10000x64xf32, #tpu.memory_space<hbm>>
    %dma_start3A_45 = tpu.memref_slice %arg11[%dma_start3A_34] : memref<4x!tpu.dma_semaphore, #tpu.memory_space<semaphore_mem>> -> memref<1x!tpu.dma_semaphore, #tpu.memory_space<semaphore_mem>>
    %dma_start3A_46 = tpu.memref_squeeze %dma_start3A_45 : memref<1x!tpu.dma_semaphore, #tpu.memory_space<semaphore_mem>> -> memref<!tpu.dma_semaphore, #tpu.memory_space<semaphore_mem>>
    tpu.enqueue_indirect_dma source(%dma_start3A_44 : memref<10000x64xf32, #tpu.memory_space<hbm>>) target(%dma_start3A_38 : memref<200x64xf32, #tpu.memory_space<vmem>>) offsets(%dma_start3A_41 : memref<200xi32, #tpu.memory_space<vmem>>) semaphore(%dma_start3A_46 : memref<!tpu.dma_semaphore, #tpu.memory_space<semaphore_mem>>)
    %dma_start3A_47 = arith.constant 2 : i32
    %dma_start3A_48 = arith.constant 2 : i32
    %dma_start3A_49 = arith.constant 2 : i32
    %dma_start3A_50 = arith.constant 0 : i32
    %dma_start3A_51 = arith.constant 0 : i32
    %dma_start3A_52 = tpu.memref_slice %arg8[%dma_start3A_48, %dma_start3A_50, %dma_start3A_51] : memref<4x200x64xf32, #tpu.memory_space<vmem>> -> memref<1x200x64xf32, #tpu.memory_space<vmem>>
    %dma_start3A_53 = tpu.memref_squeeze %dma_start3A_52 : memref<1x200x64xf32, #tpu.memory_space<vmem>> -> memref<200x64xf32, #tpu.memory_space<vmem>>
    %dma_start3A_54 = arith.constant 0 : i32
    %dma_start3A_55 = tpu.memref_slice %arg6[%dma_start3A_47, %dma_start3A_54] : memref<50x200xi32, #tpu.memory_space<vmem>> -> memref<1x200xi32, #tpu.memory_space<vmem>>
    %dma_start3A_56 = tpu.memref_squeeze %dma_start3A_55 : memref<1x200xi32, #tpu.memory_space<vmem>> -> memref<200xi32, #tpu.memory_space<vmem>>
    %dma_start3A_57 = arith.constant 0 : i32
    %dma_start3A_58 = arith.constant 0 : i32
    %dma_start3A_59 = tpu.memref_slice %arg2[%dma_start3A_57, %dma_start3A_58] : memref<10000x64xf32, #tpu.memory_space<hbm>> -> memref<10000x64xf32, #tpu.memory_space<hbm>>
    %dma_start3A_60 = tpu.memref_slice %arg11[%dma_start3A_49] : memref<4x!tpu.dma_semaphore, #tpu.memory_space<semaphore_mem>> -> memref<1x!tpu.dma_semaphore, #tpu.memory_space<semaphore_mem>>
    %dma_start3A_61 = tpu.memref_squeeze %dma_start3A_60 : memref<1x!tpu.dma_semaphore, #tpu.memory_space<semaphore_mem>> -> memref<!tpu.dma_semaphore, #tpu.memory_space<semaphore_mem>>
    tpu.enqueue_indirect_dma source(%dma_start3A_59 : memref<10000x64xf32, #tpu.memory_space<hbm>>) target(%dma_start3A_53 : memref<200x64xf32, #tpu.memory_space<vmem>>) offsets(%dma_start3A_56 : memref<200xi32, #tpu.memory_space<vmem>>) semaphore(%dma_start3A_61 : memref<!tpu.dma_semaphore, #tpu.memory_space<semaphore_mem>>)
    %dma_start3A_62 = arith.constant 3 : i32
    %dma_start3A_63 = arith.constant 3 : i32
    %dma_start3A_64 = arith.constant 3 : i32
    %dma_start3A_65 = arith.constant 0 : i32
    %dma_start3A_66 = arith.constant 0 : i32
    %dma_start3A_67 = tpu.memref_slice %arg8[%dma_start3A_63, %dma_start3A_65, %dma_start3A_66] : memref<4x200x64xf32, #tpu.memory_space<vmem>> -> memref<1x200x64xf32, #tpu.memory_space<vmem>>
    %dma_start3A_68 = tpu.memref_squeeze %dma_start3A_67 : memref<1x200x64xf32, #tpu.memory_space<vmem>> -> memref<200x64xf32, #tpu.memory_space<vmem>>
    %dma_start3A_69 = arith.constant 0 : i32
    %dma_start3A_70 = tpu.memref_slice %arg6[%dma_start3A_62, %dma_start3A_69] : memref<50x200xi32, #tpu.memory_space<vmem>> -> memref<1x200xi32, #tpu.memory_space<vmem>>
    %dma_start3A_71 = tpu.memref_squeeze %dma_start3A_70 : memref<1x200xi32, #tpu.memory_space<vmem>> -> memref<200xi32, #tpu.memory_space<vmem>>
    %dma_start3A_72 = arith.constant 0 : i32
    %dma_start3A_73 = arith.constant 0 : i32
    %dma_start3A_74 = tpu.memref_slice %arg2[%dma_start3A_72, %dma_start3A_73] : memref<10000x64xf32, #tpu.memory_space<hbm>> -> memref<10000x64xf32, #tpu.memory_space<hbm>>
    %dma_start3A_75 = tpu.memref_slice %arg11[%dma_start3A_64] : memref<4x!tpu.dma_semaphore, #tpu.memory_space<semaphore_mem>> -> memref<1x!tpu.dma_semaphore, #tpu.memory_space<semaphore_mem>>
    %dma_start3A_76 = tpu.memref_squeeze %dma_start3A_75 : memref<1x!tpu.dma_semaphore, #tpu.memory_space<semaphore_mem>> -> memref<!tpu.dma_semaphore, #tpu.memory_space<semaphore_mem>>
    tpu.enqueue_indirect_dma source(%dma_start3A_74 : memref<10000x64xf32, #tpu.memory_space<hbm>>) target(%dma_start3A_68 : memref<200x64xf32, #tpu.memory_space<vmem>>) offsets(%dma_start3A_71 : memref<200xi32, #tpu.memory_space<vmem>>) semaphore(%dma_start3A_76 : memref<!tpu.dma_semaphore, #tpu.memory_space<semaphore_mem>>)
    %scan3A_77 = arith.constant 0 : i32
    %scan3A_78 = arith.constant 0 : i32
    %scan3A_79 = arith.constant 12 : i32
    %scan3A_80 = arith.addi %scan3A_78, %scan3A_79 : i32
    %scan3A_81 = arith.constant 1 : i32
    %scan3A_82 = scf.for %scan3A_124 = %scan3A_78 to %scan3A_80 step %scan3A_81 iter_args(%scan3A_125 = %scan3A_77) -> (i32)  : i32 {
      %mul3A_126 = arith.constant 4 : i32
      %mul3A_127 = arith.muli %scan3A_124, %mul3A_126 : i32
      %add3A_128 = arith.constant 0 : i32
      %add3A_129 = arith.addi %mul3A_127, %add3A_128 : i32
      %dma_wait3A_130 = arith.constant 0 : i32
      %dma_wait3A_131 = arith.constant 0 : i32
      %dma_wait3A_132 = arith.constant 0 : i32
      %dma_wait3A_133 = arith.constant 0 : i32
      %dma_wait3A_134 = tpu.memref_slice %arg8[%dma_wait3A_130, %dma_wait3A_132, %dma_wait3A_133] : memref<4x200x64xf32, #tpu.memory_space<vmem>> -> memref<1x200x64xf32, #tpu.memory_space<vmem>>
      %dma_wait3A_135 = tpu.memref_squeeze %dma_wait3A_134 : memref<1x200x64xf32, #tpu.memory_space<vmem>> -> memref<200x64xf32, #tpu.memory_space<vmem>>
      %dma_wait3A_136 = arith.constant 0 : i32
      %dma_wait3A_137 = tpu.memref_slice %arg6[%add3A_129, %dma_wait3A_136] : memref<50x200xi32, #tpu.memory_space<vmem>> -> memref<1x200xi32, #tpu.memory_space<vmem>>
      %dma_wait3A_138 = tpu.memref_squeeze %dma_wait3A_137 : memref<1x200xi32, #tpu.memory_space<vmem>> -> memref<200xi32, #tpu.memory_space<vmem>>
      %dma_wait3A_139 = arith.constant 0 : i32
      %dma_wait3A_140 = arith.constant 0 : i32
      %dma_wait3A_141 = tpu.memref_slice %arg2[%dma_wait3A_139, %dma_wait3A_140] : memref<10000x64xf32, #tpu.memory_space<hbm>> -> memref<10000x64xf32, #tpu.memory_space<hbm>>
      %dma_wait3A_142 = tpu.memref_slice %arg11[%dma_wait3A_131] : memref<4x!tpu.dma_semaphore, #tpu.memory_space<semaphore_mem>> -> memref<1x!tpu.dma_semaphore, #tpu.memory_space<semaphore_mem>>
      %dma_wait3A_143 = tpu.memref_squeeze %dma_wait3A_142 : memref<1x!tpu.dma_semaphore, #tpu.memory_space<semaphore_mem>> -> memref<!tpu.dma_semaphore, #tpu.memory_space<semaphore_mem>>
      tpu.wait_indirect_dma semaphore(%dma_wait3A_143 : memref<!tpu.dma_semaphore, #tpu.memory_space<semaphore_mem>>) src(%dma_wait3A_141 : memref<10000x64xf32, #tpu.memory_space<hbm>>) dst(%dma_wait3A_135 : memref<200x64xf32, #tpu.memory_space<vmem>>)
      %run_scoped3A_144 = arith.constant 0 : i32
      "tpu.region"() ({
        %run_scoped3A_224 = tpu.sem_alloc : memref<!tpu.dma_semaphore, #tpu.memory_space<semaphore_mem>>
        %dma_start3A_225 = arith.constant 0 : i32
        %dma_start3A_226 = arith.constant 0 : i32
        %dma_start3A_227 = tpu.memref_slice %arg8[%run_scoped3A_144, %dma_start3A_225, %dma_start3A_226] : memref<4x200x64xf32, #tpu.memory_space<vmem>> -> memref<1x200x64xf32, #tpu.memory_space<vmem>>
        %dma_start3A_228 = tpu.memref_squeeze %dma_start3A_227 : memref<1x200x64xf32, #tpu.memory_space<vmem>> -> memref<200x64xf32, #tpu.memory_space<vmem>>
        %dma_start3A_229 = arith.constant 0 : i32
        %dma_start3A_230 = tpu.memref_slice %arg7[%add3A_129, %dma_start3A_229] : memref<50x200xi32, #tpu.memory_space<vmem>> -> memref<1x200xi32, #tpu.memory_space<vmem>>
        %dma_start3A_231 = tpu.memref_squeeze %dma_start3A_230 : memref<1x200xi32, #tpu.memory_space<vmem>> -> memref<200xi32, #tpu.memory_space<vmem>>
        %dma_start3A_232 = arith.constant 0 : i32
        %dma_start3A_233 = arith.constant 0 : i32
        %dma_start3A_234 = tpu.memref_slice %arg10[%dma_start3A_232, %dma_start3A_233] : memref<10000x64xf32, #tpu.memory_space<vmem_shared>> -> memref<10000x64xf32, #tpu.memory_space<vmem_shared>>
        tpu.enqueue_indirect_dma source(%dma_start3A_228 : memref<200x64xf32, #tpu.memory_space<vmem>>) target(%dma_start3A_234 : memref<10000x64xf32, #tpu.memory_space<vmem_shared>>) offsets(%dma_start3A_231 : memref<200xi32, #tpu.memory_space<vmem>>) semaphore(%run_scoped3A_224 : memref<!tpu.dma_semaphore, #tpu.memory_space<semaphore_mem>>) {add = true}
        %dma_wait3A_235 = arith.constant 0 : i32
        %dma_wait3A_236 = arith.constant 0 : i32
        %dma_wait3A_237 = tpu.memref_slice %arg8[%run_scoped3A_144, %dma_wait3A_235, %dma_wait3A_236] : memref<4x200x64xf32, #tpu.memory_space<vmem>> -> memref<1x200x64xf32, #tpu.memory_space<vmem>>
        %dma_wait3A_238 = tpu.memref_squeeze %dma_wait3A_237 : memref<1x200x64xf32, #tpu.memory_space<vmem>> -> memref<200x64xf32, #tpu.memory_space<vmem>>
        %dma_wait3A_239 = arith.constant 0 : i32
        %dma_wait3A_240 = tpu.memref_slice %arg7[%add3A_129, %dma_wait3A_239] : memref<50x200xi32, #tpu.memory_space<vmem>> -> memref<1x200xi32, #tpu.memory_space<vmem>>
        %dma_wait3A_241 = tpu.memref_squeeze %dma_wait3A_240 : memref<1x200xi32, #tpu.memory_space<vmem>> -> memref<200xi32, #tpu.memory_space<vmem>>
        %dma_wait3A_242 = arith.constant 0 : i32
        %dma_wait3A_243 = arith.constant 0 : i32
        %dma_wait3A_244 = tpu.memref_slice %arg10[%dma_wait3A_242, %dma_wait3A_243] : memref<10000x64xf32, #tpu.memory_space<vmem_shared>> -> memref<10000x64xf32, #tpu.memory_space<vmem_shared>>
        tpu.wait_indirect_dma semaphore(%run_scoped3A_224 : memref<!tpu.dma_semaphore, #tpu.memory_space<semaphore_mem>>) src(%dma_wait3A_238 : memref<200x64xf32, #tpu.memory_space<vmem>>) dst(%dma_wait3A_244 : memref<10000x64xf32, #tpu.memory_space<vmem_shared>>)
        tpu.yield
      }) : () -> ()
      %add3A_145 = arith.constant 4 : i32
      %add3A_146 = arith.addi %add3A_129, %add3A_145 : i32
      %lt3A = arith.constant 50 : i32
      %lt3A_147 = arith.cmpi slt, %add3A_146, %lt3A : i32
      %convert_element_type3A_148 = arith.extui %lt3A_147 : i1 to i32
      %cond3A_149 = arith.constant 0 : i32
      %cond3A_150 = arith.cmpi ne, %convert_element_type3A_148, %cond3A_149 : i32
      scf.if %cond3A_150 {
        %add3A_224 = arith.constant 4 : i32
        %add3A_225 = arith.addi %add3A_129, %add3A_224 : i32
        %dma_start3A_226 = arith.constant 0 : i32
        %dma_start3A_227 = arith.constant 0 : i32
        %dma_start3A_228 = arith.constant 0 : i32
        %dma_start3A_229 = arith.constant 0 : i32
        %dma_start3A_230 = tpu.memref_slice %arg8[%dma_start3A_226, %dma_start3A_228, %dma_start3A_229] : memref<4x200x64xf32, #tpu.memory_space<vmem>> -> memref<1x200x64xf32, #tpu.memory_space<vmem>>
        %dma_start3A_231 = tpu.memref_squeeze %dma_start3A_230 : memref<1x200x64xf32, #tpu.memory_space<vmem>> -> memref<200x64xf32, #tpu.memory_space<vmem>>
        %dma_start3A_232 = arith.constant 0 : i32
        %dma_start3A_233 = tpu.memref_slice %arg6[%add3A_225, %dma_start3A_232] : memref<50x200xi32, #tpu.memory_space<vmem>> -> memref<1x200xi32, #tpu.memory_space<vmem>>
        %dma_start3A_234 = tpu.memref_squeeze %dma_start3A_233 : memref<1x200xi32, #tpu.memory_space<vmem>> -> memref<200xi32, #tpu.memory_space<vmem>>
        %dma_start3A_235 = arith.constant 0 : i32
        %dma_start3A_236 = arith.constant 0 : i32
        %dma_start3A_237 = tpu.memref_slice %arg2[%dma_start3A_235, %dma_start3A_236] : memref<10000x64xf32, #tpu.memory_space<hbm>> -> memref<10000x64xf32, #tpu.memory_space<hbm>>
        %dma_start3A_238 = tpu.memref_slice %arg11[%dma_start3A_227] : memref<4x!tpu.dma_semaphore, #tpu.memory_space<semaphore_mem>> -> memref<1x!tpu.dma_semaphore, #tpu.memory_space<semaphore_mem>>
        %dma_start3A_239 = tpu.memref_squeeze %dma_start3A_238 : memref<1x!tpu.dma_semaphore, #tpu.memory_space<semaphore_mem>> -> memref<!tpu.dma_semaphore, #tpu.memory_space<semaphore_mem>>
        tpu.enqueue_indirect_dma source(%dma_start3A_237 : memref<10000x64xf32, #tpu.memory_space<hbm>>) target(%dma_start3A_231 : memref<200x64xf32, #tpu.memory_space<vmem>>) offsets(%dma_start3A_234 : memref<200xi32, #tpu.memory_space<vmem>>) semaphore(%dma_start3A_239 : memref<!tpu.dma_semaphore, #tpu.memory_space<semaphore_mem>>)
      } else {
      }
      %add3A_151 = arith.constant 1 : i32
      %add3A_152 = arith.addi %mul3A_127, %add3A_151 : i32
      %dma_wait3A_153 = arith.constant 1 : i32
      %dma_wait3A_154 = arith.constant 1 : i32
      %dma_wait3A_155 = arith.constant 0 : i32
      %dma_wait3A_156 = arith.constant 0 : i32
      %dma_wait3A_157 = tpu.memref_slice %arg8[%dma_wait3A_153, %dma_wait3A_155, %dma_wait3A_156] : memref<4x200x64xf32, #tpu.memory_space<vmem>> -> memref<1x200x64xf32, #tpu.memory_space<vmem>>
      %dma_wait3A_158 = tpu.memref_squeeze %dma_wait3A_157 : memref<1x200x64xf32, #tpu.memory_space<vmem>> -> memref<200x64xf32, #tpu.memory_space<vmem>>
      %dma_wait3A_159 = arith.constant 0 : i32
      %dma_wait3A_160 = tpu.memref_slice %arg6[%add3A_152, %dma_wait3A_159] : memref<50x200xi32, #tpu.memory_space<vmem>> -> memref<1x200xi32, #tpu.memory_space<vmem>>
      %dma_wait3A_161 = tpu.memref_squeeze %dma_wait3A_160 : memref<1x200xi32, #tpu.memory_space<vmem>> -> memref<200xi32, #tpu.memory_space<vmem>>
      %dma_wait3A_162 = arith.constant 0 : i32
      %dma_wait3A_163 = arith.constant 0 : i32
      %dma_wait3A_164 = tpu.memref_slice %arg2[%dma_wait3A_162, %dma_wait3A_163] : memref<10000x64xf32, #tpu.memory_space<hbm>> -> memref<10000x64xf32, #tpu.memory_space<hbm>>
      %dma_wait3A_165 = tpu.memref_slice %arg11[%dma_wait3A_154] : memref<4x!tpu.dma_semaphore, #tpu.memory_space<semaphore_mem>> -> memref<1x!tpu.dma_semaphore, #tpu.memory_space<semaphore_mem>>
      %dma_wait3A_166 = tpu.memref_squeeze %dma_wait3A_165 : memref<1x!tpu.dma_semaphore, #tpu.memory_space<semaphore_mem>> -> memref<!tpu.dma_semaphore, #tpu.memory_space<semaphore_mem>>
      tpu.wait_indirect_dma semaphore(%dma_wait3A_166 : memref<!tpu.dma_semaphore, #tpu.memory_space<semaphore_mem>>) src(%dma_wait3A_164 : memref<10000x64xf32, #tpu.memory_space<hbm>>) dst(%dma_wait3A_158 : memref<200x64xf32, #tpu.memory_space<vmem>>)
      %run_scoped3A_167 = arith.constant 1 : i32
      "tpu.region"() ({
        %run_scoped3A_224 = tpu.sem_alloc : memref<!tpu.dma_semaphore, #tpu.memory_space<semaphore_mem>>
        %dma_start3A_225 = arith.constant 0 : i32
        %dma_start3A_226 = arith.constant 0 : i32
        %dma_start3A_227 = tpu.memref_slice %arg8[%run_scoped3A_167, %dma_start3A_225, %dma_start3A_226] : memref<4x200x64xf32, #tpu.memory_space<vmem>> -> memref<1x200x64xf32, #tpu.memory_space<vmem>>
        %dma_start3A_228 = tpu.memref_squeeze %dma_start3A_227 : memref<1x200x64xf32, #tpu.memory_space<vmem>> -> memref<200x64xf32, #tpu.memory_space<vmem>>
        %dma_start3A_229 = arith.constant 0 : i32
        %dma_start3A_230 = tpu.memref_slice %arg7[%add3A_152, %dma_start3A_229] : memref<50x200xi32, #tpu.memory_space<vmem>> -> memref<1x200xi32, #tpu.memory_space<vmem>>
        %dma_start3A_231 = tpu.memref_squeeze %dma_start3A_230 : memref<1x200xi32, #tpu.memory_space<vmem>> -> memref<200xi32, #tpu.memory_space<vmem>>
        %dma_start3A_232 = arith.constant 0 : i32
        %dma_start3A_233 = arith.constant 0 : i32
        %dma_start3A_234 = tpu.memref_slice %arg10[%dma_start3A_232, %dma_start3A_233] : memref<10000x64xf32, #tpu.memory_space<vmem_shared>> -> memref<10000x64xf32, #tpu.memory_space<vmem_shared>>
        tpu.enqueue_indirect_dma source(%dma_start3A_228 : memref<200x64xf32, #tpu.memory_space<vmem>>) target(%dma_start3A_234 : memref<10000x64xf32, #tpu.memory_space<vmem_shared>>) offsets(%dma_start3A_231 : memref<200xi32, #tpu.memory_space<vmem>>) semaphore(%run_scoped3A_224 : memref<!tpu.dma_semaphore, #tpu.memory_space<semaphore_mem>>) {add = true}
        %dma_wait3A_235 = arith.constant 0 : i32
        %dma_wait3A_236 = arith.constant 0 : i32
        %dma_wait3A_237 = tpu.memref_slice %arg8[%run_scoped3A_167, %dma_wait3A_235, %dma_wait3A_236] : memref<4x200x64xf32, #tpu.memory_space<vmem>> -> memref<1x200x64xf32, #tpu.memory_space<vmem>>
        %dma_wait3A_238 = tpu.memref_squeeze %dma_wait3A_237 : memref<1x200x64xf32, #tpu.memory_space<vmem>> -> memref<200x64xf32, #tpu.memory_space<vmem>>
        %dma_wait3A_239 = arith.constant 0 : i32
        %dma_wait3A_240 = tpu.memref_slice %arg7[%add3A_152, %dma_wait3A_239] : memref<50x200xi32, #tpu.memory_space<vmem>> -> memref<1x200xi32, #tpu.memory_space<vmem>>
        %dma_wait3A_241 = tpu.memref_squeeze %dma_wait3A_240 : memref<1x200xi32, #tpu.memory_space<vmem>> -> memref<200xi32, #tpu.memory_space<vmem>>
        %dma_wait3A_242 = arith.constant 0 : i32
        %dma_wait3A_243 = arith.constant 0 : i32
        %dma_wait3A_244 = tpu.memref_slice %arg10[%dma_wait3A_242, %dma_wait3A_243] : memref<10000x64xf32, #tpu.memory_space<vmem_shared>> -> memref<10000x64xf32, #tpu.memory_space<vmem_shared>>
        tpu.wait_indirect_dma semaphore(%run_scoped3A_224 : memref<!tpu.dma_semaphore, #tpu.memory_space<semaphore_mem>>) src(%dma_wait3A_238 : memref<200x64xf32, #tpu.memory_space<vmem>>) dst(%dma_wait3A_244 : memref<10000x64xf32, #tpu.memory_space<vmem_shared>>)
        tpu.yield
      }) : () -> ()
      %add3A_168 = arith.constant 4 : i32
      %add3A_169 = arith.addi %add3A_152, %add3A_168 : i32
      %lt3A_170 = arith.constant 50 : i32
      %lt3A_171 = arith.cmpi slt, %add3A_169, %lt3A_170 : i32
      %convert_element_type3A_172 = arith.extui %lt3A_171 : i1 to i32
      %cond3A_173 = arith.constant 0 : i32
      %cond3A_174 = arith.cmpi ne, %convert_element_type3A_172, %cond3A_173 : i32
      scf.if %cond3A_174 {
        %add3A_224 = arith.constant 4 : i32
        %add3A_225 = arith.addi %add3A_152, %add3A_224 : i32
        %dma_start3A_226 = arith.constant 1 : i32
        %dma_start3A_227 = arith.constant 1 : i32
        %dma_start3A_228 = arith.constant 0 : i32
        %dma_start3A_229 = arith.constant 0 : i32
        %dma_start3A_230 = tpu.memref_slice %arg8[%dma_start3A_226, %dma_start3A_228, %dma_start3A_229] : memref<4x200x64xf32, #tpu.memory_space<vmem>> -> memref<1x200x64xf32, #tpu.memory_space<vmem>>
        %dma_start3A_231 = tpu.memref_squeeze %dma_start3A_230 : memref<1x200x64xf32, #tpu.memory_space<vmem>> -> memref<200x64xf32, #tpu.memory_space<vmem>>
        %dma_start3A_232 = arith.constant 0 : i32
        %dma_start3A_233 = tpu.memref_slice %arg6[%add3A_225, %dma_start3A_232] : memref<50x200xi32, #tpu.memory_space<vmem>> -> memref<1x200xi32, #tpu.memory_space<vmem>>
        %dma_start3A_234 = tpu.memref_squeeze %dma_start3A_233 : memref<1x200xi32, #tpu.memory_space<vmem>> -> memref<200xi32, #tpu.memory_space<vmem>>
        %dma_start3A_235 = arith.constant 0 : i32
        %dma_start3A_236 = arith.constant 0 : i32
        %dma_start3A_237 = tpu.memref_slice %arg2[%dma_start3A_235, %dma_start3A_236] : memref<10000x64xf32, #tpu.memory_space<hbm>> -> memref<10000x64xf32, #tpu.memory_space<hbm>>
        %dma_start3A_238 = tpu.memref_slice %arg11[%dma_start3A_227] : memref<4x!tpu.dma_semaphore, #tpu.memory_space<semaphore_mem>> -> memref<1x!tpu.dma_semaphore, #tpu.memory_space<semaphore_mem>>
        %dma_start3A_239 = tpu.memref_squeeze %dma_start3A_238 : memref<1x!tpu.dma_semaphore, #tpu.memory_space<semaphore_mem>> -> memref<!tpu.dma_semaphore, #tpu.memory_space<semaphore_mem>>
        tpu.enqueue_indirect_dma source(%dma_start3A_237 : memref<10000x64xf32, #tpu.memory_space<hbm>>) target(%dma_start3A_231 : memref<200x64xf32, #tpu.memory_space<vmem>>) offsets(%dma_start3A_234 : memref<200xi32, #tpu.memory_space<vmem>>) semaphore(%dma_start3A_239 : memref<!tpu.dma_semaphore, #tpu.memory_space<semaphore_mem>>)
      } else {
      }
      %add3A_175 = arith.constant 2 : i32
      %add3A_176 = arith.addi %mul3A_127, %add3A_175 : i32
      %dma_wait3A_177 = arith.constant 2 : i32
      %dma_wait3A_178 = arith.constant 2 : i32
      %dma_wait3A_179 = arith.constant 0 : i32
      %dma_wait3A_180 = arith.constant 0 : i32
      %dma_wait3A_181 = tpu.memref_slice %arg8[%dma_wait3A_177, %dma_wait3A_179, %dma_wait3A_180] : memref<4x200x64xf32, #tpu.memory_space<vmem>> -> memref<1x200x64xf32, #tpu.memory_space<vmem>>
      %dma_wait3A_182 = tpu.memref_squeeze %dma_wait3A_181 : memref<1x200x64xf32, #tpu.memory_space<vmem>> -> memref<200x64xf32, #tpu.memory_space<vmem>>
      %dma_wait3A_183 = arith.constant 0 : i32
      %dma_wait3A_184 = tpu.memref_slice %arg6[%add3A_176, %dma_wait3A_183] : memref<50x200xi32, #tpu.memory_space<vmem>> -> memref<1x200xi32, #tpu.memory_space<vmem>>
      %dma_wait3A_185 = tpu.memref_squeeze %dma_wait3A_184 : memref<1x200xi32, #tpu.memory_space<vmem>> -> memref<200xi32, #tpu.memory_space<vmem>>
      %dma_wait3A_186 = arith.constant 0 : i32
      %dma_wait3A_187 = arith.constant 0 : i32
      %dma_wait3A_188 = tpu.memref_slice %arg2[%dma_wait3A_186, %dma_wait3A_187] : memref<10000x64xf32, #tpu.memory_space<hbm>> -> memref<10000x64xf32, #tpu.memory_space<hbm>>
      %dma_wait3A_189 = tpu.memref_slice %arg11[%dma_wait3A_178] : memref<4x!tpu.dma_semaphore, #tpu.memory_space<semaphore_mem>> -> memref<1x!tpu.dma_semaphore, #tpu.memory_space<semaphore_mem>>
      %dma_wait3A_190 = tpu.memref_squeeze %dma_wait3A_189 : memref<1x!tpu.dma_semaphore, #tpu.memory_space<semaphore_mem>> -> memref<!tpu.dma_semaphore, #tpu.memory_space<semaphore_mem>>
      tpu.wait_indirect_dma semaphore(%dma_wait3A_190 : memref<!tpu.dma_semaphore, #tpu.memory_space<semaphore_mem>>) src(%dma_wait3A_188 : memref<10000x64xf32, #tpu.memory_space<hbm>>) dst(%dma_wait3A_182 : memref<200x64xf32, #tpu.memory_space<vmem>>)
      %run_scoped3A_191 = arith.constant 2 : i32
      "tpu.region"() ({
        %run_scoped3A_224 = tpu.sem_alloc : memref<!tpu.dma_semaphore, #tpu.memory_space<semaphore_mem>>
        %dma_start3A_225 = arith.constant 0 : i32
        %dma_start3A_226 = arith.constant 0 : i32
        %dma_start3A_227 = tpu.memref_slice %arg8[%run_scoped3A_191, %dma_start3A_225, %dma_start3A_226] : memref<4x200x64xf32, #tpu.memory_space<vmem>> -> memref<1x200x64xf32, #tpu.memory_space<vmem>>
        %dma_start3A_228 = tpu.memref_squeeze %dma_start3A_227 : memref<1x200x64xf32, #tpu.memory_space<vmem>> -> memref<200x64xf32, #tpu.memory_space<vmem>>
        %dma_start3A_229 = arith.constant 0 : i32
        %dma_start3A_230 = tpu.memref_slice %arg7[%add3A_176, %dma_start3A_229] : memref<50x200xi32, #tpu.memory_space<vmem>> -> memref<1x200xi32, #tpu.memory_space<vmem>>
        %dma_start3A_231 = tpu.memref_squeeze %dma_start3A_230 : memref<1x200xi32, #tpu.memory_space<vmem>> -> memref<200xi32, #tpu.memory_space<vmem>>
        %dma_start3A_232 = arith.constant 0 : i32
        %dma_start3A_233 = arith.constant 0 : i32
        %dma_start3A_234 = tpu.memref_slice %arg10[%dma_start3A_232, %dma_start3A_233] : memref<10000x64xf32, #tpu.memory_space<vmem_shared>> -> memref<10000x64xf32, #tpu.memory_space<vmem_shared>>
        tpu.enqueue_indirect_dma source(%dma_start3A_228 : memref<200x64xf32, #tpu.memory_space<vmem>>) target(%dma_start3A_234 : memref<10000x64xf32, #tpu.memory_space<vmem_shared>>) offsets(%dma_start3A_231 : memref<200xi32, #tpu.memory_space<vmem>>) semaphore(%run_scoped3A_224 : memref<!tpu.dma_semaphore, #tpu.memory_space<semaphore_mem>>) {add = true}
        %dma_wait3A_235 = arith.constant 0 : i32
        %dma_wait3A_236 = arith.constant 0 : i32
        %dma_wait3A_237 = tpu.memref_slice %arg8[%run_scoped3A_191, %dma_wait3A_235, %dma_wait3A_236] : memref<4x200x64xf32, #tpu.memory_space<vmem>> -> memref<1x200x64xf32, #tpu.memory_space<vmem>>
        %dma_wait3A_238 = tpu.memref_squeeze %dma_wait3A_237 : memref<1x200x64xf32, #tpu.memory_space<vmem>> -> memref<200x64xf32, #tpu.memory_space<vmem>>
        %dma_wait3A_239 = arith.constant 0 : i32
        %dma_wait3A_240 = tpu.memref_slice %arg7[%add3A_176, %dma_wait3A_239] : memref<50x200xi32, #tpu.memory_space<vmem>> -> memref<1x200xi32, #tpu.memory_space<vmem>>
        %dma_wait3A_241 = tpu.memref_squeeze %dma_wait3A_240 : memref<1x200xi32, #tpu.memory_space<vmem>> -> memref<200xi32, #tpu.memory_space<vmem>>
        %dma_wait3A_242 = arith.constant 0 : i32
        %dma_wait3A_243 = arith.constant 0 : i32
        %dma_wait3A_244 = tpu.memref_slice %arg10[%dma_wait3A_242, %dma_wait3A_243] : memref<10000x64xf32, #tpu.memory_space<vmem_shared>> -> memref<10000x64xf32, #tpu.memory_space<vmem_shared>>
        tpu.wait_indirect_dma semaphore(%run_scoped3A_224 : memref<!tpu.dma_semaphore, #tpu.memory_space<semaphore_mem>>) src(%dma_wait3A_238 : memref<200x64xf32, #tpu.memory_space<vmem>>) dst(%dma_wait3A_244 : memref<10000x64xf32, #tpu.memory_space<vmem_shared>>)
        tpu.yield
      }) : () -> ()
      %add3A_192 = arith.constant 4 : i32
      %add3A_193 = arith.addi %add3A_176, %add3A_192 : i32
      %lt3A_194 = arith.constant 50 : i32
      %lt3A_195 = arith.cmpi slt, %add3A_193, %lt3A_194 : i32
      %convert_element_type3A_196 = arith.extui %lt3A_195 : i1 to i32
      %cond3A_197 = arith.constant 0 : i32
      %cond3A_198 = arith.cmpi ne, %convert_element_type3A_196, %cond3A_197 : i32
      scf.if %cond3A_198 {
        %add3A_224 = arith.constant 4 : i32
        %add3A_225 = arith.addi %add3A_176, %add3A_224 : i32
        %dma_start3A_226 = arith.constant 2 : i32
        %dma_start3A_227 = arith.constant 2 : i32
        %dma_start3A_228 = arith.constant 0 : i32
        %dma_start3A_229 = arith.constant 0 : i32
        %dma_start3A_230 = tpu.memref_slice %arg8[%dma_start3A_226, %dma_start3A_228, %dma_start3A_229] : memref<4x200x64xf32, #tpu.memory_space<vmem>> -> memref<1x200x64xf32, #tpu.memory_space<vmem>>
        %dma_start3A_231 = tpu.memref_squeeze %dma_start3A_230 : memref<1x200x64xf32, #tpu.memory_space<vmem>> -> memref<200x64xf32, #tpu.memory_space<vmem>>
        %dma_start3A_232 = arith.constant 0 : i32
        %dma_start3A_233 = tpu.memref_slice %arg6[%add3A_225, %dma_start3A_232] : memref<50x200xi32, #tpu.memory_space<vmem>> -> memref<1x200xi32, #tpu.memory_space<vmem>>
        %dma_start3A_234 = tpu.memref_squeeze %dma_start3A_233 : memref<1x200xi32, #tpu.memory_space<vmem>> -> memref<200xi32, #tpu.memory_space<vmem>>
        %dma_start3A_235 = arith.constant 0 : i32
        %dma_start3A_236 = arith.constant 0 : i32
        %dma_start3A_237 = tpu.memref_slice %arg2[%dma_start3A_235, %dma_start3A_236] : memref<10000x64xf32, #tpu.memory_space<hbm>> -> memref<10000x64xf32, #tpu.memory_space<hbm>>
        %dma_start3A_238 = tpu.memref_slice %arg11[%dma_start3A_227] : memref<4x!tpu.dma_semaphore, #tpu.memory_space<semaphore_mem>> -> memref<1x!tpu.dma_semaphore, #tpu.memory_space<semaphore_mem>>
        %dma_start3A_239 = tpu.memref_squeeze %dma_start3A_238 : memref<1x!tpu.dma_semaphore, #tpu.memory_space<semaphore_mem>> -> memref<!tpu.dma_semaphore, #tpu.memory_space<semaphore_mem>>
        tpu.enqueue_indirect_dma source(%dma_start3A_237 : memref<10000x64xf32, #tpu.memory_space<hbm>>) target(%dma_start3A_231 : memref<200x64xf32, #tpu.memory_space<vmem>>) offsets(%dma_start3A_234 : memref<200xi32, #tpu.memory_space<vmem>>) semaphore(%dma_start3A_239 : memref<!tpu.dma_semaphore, #tpu.memory_space<semaphore_mem>>)
      } else {
      }
      %add3A_199 = arith.constant 3 : i32
      %add3A_200 = arith.addi %mul3A_127, %add3A_199 : i32
      %dma_wait3A_201 = arith.constant 3 : i32
      %dma_wait3A_202 = arith.constant 3 : i32
      %dma_wait3A_203 = arith.constant 0 : i32
      %dma_wait3A_204 = arith.constant 0 : i32
      %dma_wait3A_205 = tpu.memref_slice %arg8[%dma_wait3A_201, %dma_wait3A_203, %dma_wait3A_204] : memref<4x200x64xf32, #tpu.memory_space<vmem>> -> memref<1x200x64xf32, #tpu.memory_space<vmem>>
      %dma_wait3A_206 = tpu.memref_squeeze %dma_wait3A_205 : memref<1x200x64xf32, #tpu.memory_space<vmem>> -> memref<200x64xf32, #tpu.memory_space<vmem>>
      %dma_wait3A_207 = arith.constant 0 : i32
      %dma_wait3A_208 = tpu.memref_slice %arg6[%add3A_200, %dma_wait3A_207] : memref<50x200xi32, #tpu.memory_space<vmem>> -> memref<1x200xi32, #tpu.memory_space<vmem>>
      %dma_wait3A_209 = tpu.memref_squeeze %dma_wait3A_208 : memref<1x200xi32, #tpu.memory_space<vmem>> -> memref<200xi32, #tpu.memory_space<vmem>>
      %dma_wait3A_210 = arith.constant 0 : i32
      %dma_wait3A_211 = arith.constant 0 : i32
      %dma_wait3A_212 = tpu.memref_slice %arg2[%dma_wait3A_210, %dma_wait3A_211] : memref<10000x64xf32, #tpu.memory_space<hbm>> -> memref<10000x64xf32, #tpu.memory_space<hbm>>
      %dma_wait3A_213 = tpu.memref_slice %arg11[%dma_wait3A_202] : memref<4x!tpu.dma_semaphore, #tpu.memory_space<semaphore_mem>> -> memref<1x!tpu.dma_semaphore, #tpu.memory_space<semaphore_mem>>
      %dma_wait3A_214 = tpu.memref_squeeze %dma_wait3A_213 : memref<1x!tpu.dma_semaphore, #tpu.memory_space<semaphore_mem>> -> memref<!tpu.dma_semaphore, #tpu.memory_space<semaphore_mem>>
      tpu.wait_indirect_dma semaphore(%dma_wait3A_214 : memref<!tpu.dma_semaphore, #tpu.memory_space<semaphore_mem>>) src(%dma_wait3A_212 : memref<10000x64xf32, #tpu.memory_space<hbm>>) dst(%dma_wait3A_206 : memref<200x64xf32, #tpu.memory_space<vmem>>)
      %run_scoped3A_215 = arith.constant 3 : i32
      "tpu.region"() ({
        %run_scoped3A_224 = tpu.sem_alloc : memref<!tpu.dma_semaphore, #tpu.memory_space<semaphore_mem>>
        %dma_start3A_225 = arith.constant 0 : i32
        %dma_start3A_226 = arith.constant 0 : i32
        %dma_start3A_227 = tpu.memref_slice %arg8[%run_scoped3A_215, %dma_start3A_225, %dma_start3A_226] : memref<4x200x64xf32, #tpu.memory_space<vmem>> -> memref<1x200x64xf32, #tpu.memory_space<vmem>>
        %dma_start3A_228 = tpu.memref_squeeze %dma_start3A_227 : memref<1x200x64xf32, #tpu.memory_space<vmem>> -> memref<200x64xf32, #tpu.memory_space<vmem>>
        %dma_start3A_229 = arith.constant 0 : i32
        %dma_start3A_230 = tpu.memref_slice %arg7[%add3A_200, %dma_start3A_229] : memref<50x200xi32, #tpu.memory_space<vmem>> -> memref<1x200xi32, #tpu.memory_space<vmem>>
        %dma_start3A_231 = tpu.memref_squeeze %dma_start3A_230 : memref<1x200xi32, #tpu.memory_space<vmem>> -> memref<200xi32, #tpu.memory_space<vmem>>
        %dma_start3A_232 = arith.constant 0 : i32
        %dma_start3A_233 = arith.constant 0 : i32
        %dma_start3A_234 = tpu.memref_slice %arg10[%dma_start3A_232, %dma_start3A_233] : memref<10000x64xf32, #tpu.memory_space<vmem_shared>> -> memref<10000x64xf32, #tpu.memory_space<vmem_shared>>
        tpu.enqueue_indirect_dma source(%dma_start3A_228 : memref<200x64xf32, #tpu.memory_space<vmem>>) target(%dma_start3A_234 : memref<10000x64xf32, #tpu.memory_space<vmem_shared>>) offsets(%dma_start3A_231 : memref<200xi32, #tpu.memory_space<vmem>>) semaphore(%run_scoped3A_224 : memref<!tpu.dma_semaphore, #tpu.memory_space<semaphore_mem>>) {add = true}
        %dma_wait3A_235 = arith.constant 0 : i32
        %dma_wait3A_236 = arith.constant 0 : i32
        %dma_wait3A_237 = tpu.memref_slice %arg8[%run_scoped3A_215, %dma_wait3A_235, %dma_wait3A_236] : memref<4x200x64xf32, #tpu.memory_space<vmem>> -> memref<1x200x64xf32, #tpu.memory_space<vmem>>
        %dma_wait3A_238 = tpu.memref_squeeze %dma_wait3A_237 : memref<1x200x64xf32, #tpu.memory_space<vmem>> -> memref<200x64xf32, #tpu.memory_space<vmem>>
        %dma_wait3A_239 = arith.constant 0 : i32
        %dma_wait3A_240 = tpu.memref_slice %arg7[%add3A_200, %dma_wait3A_239] : memref<50x200xi32, #tpu.memory_space<vmem>> -> memref<1x200xi32, #tpu.memory_space<vmem>>
        %dma_wait3A_241 = tpu.memref_squeeze %dma_wait3A_240 : memref<1x200xi32, #tpu.memory_space<vmem>> -> memref<200xi32, #tpu.memory_space<vmem>>
        %dma_wait3A_242 = arith.constant 0 : i32
        %dma_wait3A_243 = arith.constant 0 : i32
        %dma_wait3A_244 = tpu.memref_slice %arg10[%dma_wait3A_242, %dma_wait3A_243] : memref<10000x64xf32, #tpu.memory_space<vmem_shared>> -> memref<10000x64xf32, #tpu.memory_space<vmem_shared>>
        tpu.wait_indirect_dma semaphore(%run_scoped3A_224 : memref<!tpu.dma_semaphore, #tpu.memory_space<semaphore_mem>>) src(%dma_wait3A_238 : memref<200x64xf32, #tpu.memory_space<vmem>>) dst(%dma_wait3A_244 : memref<10000x64xf32, #tpu.memory_space<vmem_shared>>)
        tpu.yield
      }) : () -> ()
      %add3A_216 = arith.constant 4 : i32
      %add3A_217 = arith.addi %add3A_200, %add3A_216 : i32
      %lt3A_218 = arith.constant 50 : i32
      %lt3A_219 = arith.cmpi slt, %add3A_217, %lt3A_218 : i32
      %convert_element_type3A_220 = arith.extui %lt3A_219 : i1 to i32
      %cond3A_221 = arith.constant 0 : i32
      %cond3A_222 = arith.cmpi ne, %convert_element_type3A_220, %cond3A_221 : i32
      scf.if %cond3A_222 {
        %add3A_224 = arith.constant 4 : i32
        %add3A_225 = arith.addi %add3A_200, %add3A_224 : i32
        %dma_start3A_226 = arith.constant 3 : i32
        %dma_start3A_227 = arith.constant 3 : i32
        %dma_start3A_228 = arith.constant 0 : i32
        %dma_start3A_229 = arith.constant 0 : i32
        %dma_start3A_230 = tpu.memref_slice %arg8[%dma_start3A_226, %dma_start3A_228, %dma_start3A_229] : memref<4x200x64xf32, #tpu.memory_space<vmem>> -> memref<1x200x64xf32, #tpu.memory_space<vmem>>
        %dma_start3A_231 = tpu.memref_squeeze %dma_start3A_230 : memref<1x200x64xf32, #tpu.memory_space<vmem>> -> memref<200x64xf32, #tpu.memory_space<vmem>>
        %dma_start3A_232 = arith.constant 0 : i32
        %dma_start3A_233 = tpu.memref_slice %arg6[%add3A_225, %dma_start3A_232] : memref<50x200xi32, #tpu.memory_space<vmem>> -> memref<1x200xi32, #tpu.memory_space<vmem>>
        %dma_start3A_234 = tpu.memref_squeeze %dma_start3A_233 : memref<1x200xi32, #tpu.memory_space<vmem>> -> memref<200xi32, #tpu.memory_space<vmem>>
        %dma_start3A_235 = arith.constant 0 : i32
        %dma_start3A_236 = arith.constant 0 : i32
        %dma_start3A_237 = tpu.memref_slice %arg2[%dma_start3A_235, %dma_start3A_236] : memref<10000x64xf32, #tpu.memory_space<hbm>> -> memref<10000x64xf32, #tpu.memory_space<hbm>>
        %dma_start3A_238 = tpu.memref_slice %arg11[%dma_start3A_227] : memref<4x!tpu.dma_semaphore, #tpu.memory_space<semaphore_mem>> -> memref<1x!tpu.dma_semaphore, #tpu.memory_space<semaphore_mem>>
        %dma_start3A_239 = tpu.memref_squeeze %dma_start3A_238 : memref<1x!tpu.dma_semaphore, #tpu.memory_space<semaphore_mem>> -> memref<!tpu.dma_semaphore, #tpu.memory_space<semaphore_mem>>
        tpu.enqueue_indirect_dma source(%dma_start3A_237 : memref<10000x64xf32, #tpu.memory_space<hbm>>) target(%dma_start3A_231 : memref<200x64xf32, #tpu.memory_space<vmem>>) offsets(%dma_start3A_234 : memref<200xi32, #tpu.memory_space<vmem>>) semaphore(%dma_start3A_239 : memref<!tpu.dma_semaphore, #tpu.memory_space<semaphore_mem>>)
      } else {
      }
      %scan3A_223 = arith.constant 0 : i32
      scf.yield %scan3A_223 : i32
    }
    %scan3A_83 = arith.constant 12 : i32
    %dma_wait3A = arith.constant 48 : i32
    %dma_wait3A_84 = arith.constant 0 : i32
    %dma_wait3A_85 = arith.constant 0 : i32
    %dma_wait3A_86 = arith.constant 0 : i32
    %dma_wait3A_87 = arith.constant 0 : i32
    %dma_wait3A_88 = tpu.memref_slice %arg8[%dma_wait3A_84, %dma_wait3A_86, %dma_wait3A_87] : memref<4x200x64xf32, #tpu.memory_space<vmem>> -> memref<1x200x64xf32, #tpu.memory_space<vmem>>
    %dma_wait3A_89 = tpu.memref_squeeze %dma_wait3A_88 : memref<1x200x64xf32, #tpu.memory_space<vmem>> -> memref<200x64xf32, #tpu.memory_space<vmem>>
    %dma_wait3A_90 = arith.constant 0 : i32
    %dma_wait3A_91 = tpu.memref_slice %arg6[%dma_wait3A, %dma_wait3A_90] : memref<50x200xi32, #tpu.memory_space<vmem>> -> memref<1x200xi32, #tpu.memory_space<vmem>>
    %dma_wait3A_92 = tpu.memref_squeeze %dma_wait3A_91 : memref<1x200xi32, #tpu.memory_space<vmem>> -> memref<200xi32, #tpu.memory_space<vmem>>
    %dma_wait3A_93 = arith.constant 0 : i32
    %dma_wait3A_94 = arith.constant 0 : i32
    %dma_wait3A_95 = tpu.memref_slice %arg2[%dma_wait3A_93, %dma_wait3A_94] : memref<10000x64xf32, #tpu.memory_space<hbm>> -> memref<10000x64xf32, #tpu.memory_space<hbm>>
    %dma_wait3A_96 = tpu.memref_slice %arg11[%dma_wait3A_85] : memref<4x!tpu.dma_semaphore, #tpu.memory_space<semaphore_mem>> -> memref<1x!tpu.dma_semaphore, #tpu.memory_space<semaphore_mem>>
    %dma_wait3A_97 = tpu.memref_squeeze %dma_wait3A_96 : memref<1x!tpu.dma_semaphore, #tpu.memory_space<semaphore_mem>> -> memref<!tpu.dma_semaphore, #tpu.memory_space<semaphore_mem>>
    tpu.wait_indirect_dma semaphore(%dma_wait3A_97 : memref<!tpu.dma_semaphore, #tpu.memory_space<semaphore_mem>>) src(%dma_wait3A_95 : memref<10000x64xf32, #tpu.memory_space<hbm>>) dst(%dma_wait3A_89 : memref<200x64xf32, #tpu.memory_space<vmem>>)
    %run_scoped3A = arith.constant 0 : i32
    %run_scoped3A_98 = arith.constant 48 : i32
    "tpu.region"() ({
      %run_scoped3A_124 = tpu.sem_alloc : memref<!tpu.dma_semaphore, #tpu.memory_space<semaphore_mem>>
      %dma_start3A_125 = arith.constant 0 : i32
      %dma_start3A_126 = arith.constant 0 : i32
      %dma_start3A_127 = tpu.memref_slice %arg8[%run_scoped3A, %dma_start3A_125, %dma_start3A_126] : memref<4x200x64xf32, #tpu.memory_space<vmem>> -> memref<1x200x64xf32, #tpu.memory_space<vmem>>
      %dma_start3A_128 = tpu.memref_squeeze %dma_start3A_127 : memref<1x200x64xf32, #tpu.memory_space<vmem>> -> memref<200x64xf32, #tpu.memory_space<vmem>>
      %dma_start3A_129 = arith.constant 0 : i32
      %dma_start3A_130 = tpu.memref_slice %arg7[%run_scoped3A_98, %dma_start3A_129] : memref<50x200xi32, #tpu.memory_space<vmem>> -> memref<1x200xi32, #tpu.memory_space<vmem>>
      %dma_start3A_131 = tpu.memref_squeeze %dma_start3A_130 : memref<1x200xi32, #tpu.memory_space<vmem>> -> memref<200xi32, #tpu.memory_space<vmem>>
      %dma_start3A_132 = arith.constant 0 : i32
      %dma_start3A_133 = arith.constant 0 : i32
      %dma_start3A_134 = tpu.memref_slice %arg10[%dma_start3A_132, %dma_start3A_133] : memref<10000x64xf32, #tpu.memory_space<vmem_shared>> -> memref<10000x64xf32, #tpu.memory_space<vmem_shared>>
      tpu.enqueue_indirect_dma source(%dma_start3A_128 : memref<200x64xf32, #tpu.memory_space<vmem>>) target(%dma_start3A_134 : memref<10000x64xf32, #tpu.memory_space<vmem_shared>>) offsets(%dma_start3A_131 : memref<200xi32, #tpu.memory_space<vmem>>) semaphore(%run_scoped3A_124 : memref<!tpu.dma_semaphore, #tpu.memory_space<semaphore_mem>>) {add = true}
      %dma_wait3A_135 = arith.constant 0 : i32
      %dma_wait3A_136 = arith.constant 0 : i32
      %dma_wait3A_137 = tpu.memref_slice %arg8[%run_scoped3A, %dma_wait3A_135, %dma_wait3A_136] : memref<4x200x64xf32, #tpu.memory_space<vmem>> -> memref<1x200x64xf32, #tpu.memory_space<vmem>>
      %dma_wait3A_138 = tpu.memref_squeeze %dma_wait3A_137 : memref<1x200x64xf32, #tpu.memory_space<vmem>> -> memref<200x64xf32, #tpu.memory_space<vmem>>
      %dma_wait3A_139 = arith.constant 0 : i32
      %dma_wait3A_140 = tpu.memref_slice %arg7[%run_scoped3A_98, %dma_wait3A_139] : memref<50x200xi32, #tpu.memory_space<vmem>> -> memref<1x200xi32, #tpu.memory_space<vmem>>
      %dma_wait3A_141 = tpu.memref_squeeze %dma_wait3A_140 : memref<1x200xi32, #tpu.memory_space<vmem>> -> memref<200xi32, #tpu.memory_space<vmem>>
      %dma_wait3A_142 = arith.constant 0 : i32
      %dma_wait3A_143 = arith.constant 0 : i32
      %dma_wait3A_144 = tpu.memref_slice %arg10[%dma_wait3A_142, %dma_wait3A_143] : memref<10000x64xf32, #tpu.memory_space<vmem_shared>> -> memref<10000x64xf32, #tpu.memory_space<vmem_shared>>
      tpu.wait_indirect_dma semaphore(%run_scoped3A_124 : memref<!tpu.dma_semaphore, #tpu.memory_space<semaphore_mem>>) src(%dma_wait3A_138 : memref<200x64xf32, #tpu.memory_space<vmem>>) dst(%dma_wait3A_144 : memref<10000x64xf32, #tpu.memory_space<vmem_shared>>)
      tpu.yield
    }) : () -> ()
    %dma_wait3A_99 = arith.constant 49 : i32
    %dma_wait3A_100 = arith.constant 1 : i32
    %dma_wait3A_101 = arith.constant 1 : i32
    %dma_wait3A_102 = arith.constant 0 : i32
    %dma_wait3A_103 = arith.constant 0 : i32
    %dma_wait3A_104 = tpu.memref_slice %arg8[%dma_wait3A_100, %dma_wait3A_102, %dma_wait3A_103] : memref<4x200x64xf32, #tpu.memory_space<vmem>> -> memref<1x200x64xf32, #tpu.memory_space<vmem>>
    %dma_wait3A_105 = tpu.memref_squeeze %dma_wait3A_104 : memref<1x200x64xf32, #tpu.memory_space<vmem>> -> memref<200x64xf32, #tpu.memory_space<vmem>>
    %dma_wait3A_106 = arith.constant 0 : i32
    %dma_wait3A_107 = tpu.memref_slice %arg6[%dma_wait3A_99, %dma_wait3A_106] : memref<50x200xi32, #tpu.memory_space<vmem>> -> memref<1x200xi32, #tpu.memory_space<vmem>>
    %dma_wait3A_108 = tpu.memref_squeeze %dma_wait3A_107 : memref<1x200xi32, #tpu.memory_space<vmem>> -> memref<200xi32, #tpu.memory_space<vmem>>
    %dma_wait3A_109 = arith.constant 0 : i32
    %dma_wait3A_110 = arith.constant 0 : i32
    %dma_wait3A_111 = tpu.memref_slice %arg2[%dma_wait3A_109, %dma_wait3A_110] : memref<10000x64xf32, #tpu.memory_space<hbm>> -> memref<10000x64xf32, #tpu.memory_space<hbm>>
    %dma_wait3A_112 = tpu.memref_slice %arg11[%dma_wait3A_101] : memref<4x!tpu.dma_semaphore, #tpu.memory_space<semaphore_mem>> -> memref<1x!tpu.dma_semaphore, #tpu.memory_space<semaphore_mem>>
    %dma_wait3A_113 = tpu.memref_squeeze %dma_wait3A_112 : memref<1x!tpu.dma_semaphore, #tpu.memory_space<semaphore_mem>> -> memref<!tpu.dma_semaphore, #tpu.memory_space<semaphore_mem>>
    tpu.wait_indirect_dma semaphore(%dma_wait3A_113 : memref<!tpu.dma_semaphore, #tpu.memory_space<semaphore_mem>>) src(%dma_wait3A_111 : memref<10000x64xf32, #tpu.memory_space<hbm>>) dst(%dma_wait3A_105 : memref<200x64xf32, #tpu.memory_space<vmem>>)
    %run_scoped3A_114 = arith.constant 1 : i32
    %run_scoped3A_115 = arith.constant 49 : i32
    "tpu.region"() ({
      %run_scoped3A_124 = tpu.sem_alloc : memref<!tpu.dma_semaphore, #tpu.memory_space<semaphore_mem>>
      %dma_start3A_125 = arith.constant 0 : i32
      %dma_start3A_126 = arith.constant 0 : i32
      %dma_start3A_127 = tpu.memref_slice %arg8[%run_scoped3A_114, %dma_start3A_125, %dma_start3A_126] : memref<4x200x64xf32, #tpu.memory_space<vmem>> -> memref<1x200x64xf32, #tpu.memory_space<vmem>>
      %dma_start3A_128 = tpu.memref_squeeze %dma_start3A_127 : memref<1x200x64xf32, #tpu.memory_space<vmem>> -> memref<200x64xf32, #tpu.memory_space<vmem>>
      %dma_start3A_129 = arith.constant 0 : i32
      %dma_start3A_130 = tpu.memref_slice %arg7[%run_scoped3A_115, %dma_start3A_129] : memref<50x200xi32, #tpu.memory_space<vmem>> -> memref<1x200xi32, #tpu.memory_space<vmem>>
      %dma_start3A_131 = tpu.memref_squeeze %dma_start3A_130 : memref<1x200xi32, #tpu.memory_space<vmem>> -> memref<200xi32, #tpu.memory_space<vmem>>
      %dma_start3A_132 = arith.constant 0 : i32
      %dma_start3A_133 = arith.constant 0 : i32
      %dma_start3A_134 = tpu.memref_slice %arg10[%dma_start3A_132, %dma_start3A_133] : memref<10000x64xf32, #tpu.memory_space<vmem_shared>> -> memref<10000x64xf32, #tpu.memory_space<vmem_shared>>
      tpu.enqueue_indirect_dma source(%dma_start3A_128 : memref<200x64xf32, #tpu.memory_space<vmem>>) target(%dma_start3A_134 : memref<10000x64xf32, #tpu.memory_space<vmem_shared>>) offsets(%dma_start3A_131 : memref<200xi32, #tpu.memory_space<vmem>>) semaphore(%run_scoped3A_124 : memref<!tpu.dma_semaphore, #tpu.memory_space<semaphore_mem>>) {add = true}
      %dma_wait3A_135 = arith.constant 0 : i32
      %dma_wait3A_136 = arith.constant 0 : i32
      %dma_wait3A_137 = tpu.memref_slice %arg8[%run_scoped3A_114, %dma_wait3A_135, %dma_wait3A_136] : memref<4x200x64xf32, #tpu.memory_space<vmem>> -> memref<1x200x64xf32, #tpu.memory_space<vmem>>
      %dma_wait3A_138 = tpu.memref_squeeze %dma_wait3A_137 : memref<1x200x64xf32, #tpu.memory_space<vmem>> -> memref<200x64xf32, #tpu.memory_space<vmem>>
      %dma_wait3A_139 = arith.constant 0 : i32
      %dma_wait3A_140 = tpu.memref_slice %arg7[%run_scoped3A_115, %dma_wait3A_139] : memref<50x200xi32, #tpu.memory_space<vmem>> -> memref<1x200xi32, #tpu.memory_space<vmem>>
      %dma_wait3A_141 = tpu.memref_squeeze %dma_wait3A_140 : memref<1x200xi32, #tpu.memory_space<vmem>> -> memref<200xi32, #tpu.memory_space<vmem>>
      %dma_wait3A_142 = arith.constant 0 : i32
      %dma_wait3A_143 = arith.constant 0 : i32
      %dma_wait3A_144 = tpu.memref_slice %arg10[%dma_wait3A_142, %dma_wait3A_143] : memref<10000x64xf32, #tpu.memory_space<vmem_shared>> -> memref<10000x64xf32, #tpu.memory_space<vmem_shared>>
      tpu.wait_indirect_dma semaphore(%run_scoped3A_124 : memref<!tpu.dma_semaphore, #tpu.memory_space<semaphore_mem>>) src(%dma_wait3A_138 : memref<200x64xf32, #tpu.memory_space<vmem>>) dst(%dma_wait3A_144 : memref<10000x64xf32, #tpu.memory_space<vmem_shared>>)
      tpu.yield
    }) : () -> ()
    %barrier3A_116 = arith.constant 0 : index
    tpu.barrier barrier_id(%barrier3A_116)
    %mul3A_117 = arith.constant 624 : i32
    %mul3A_118 = arith.muli %arg1, %mul3A_117 : i32
    "tpu.region"() ({
      %run_scoped3A_124 = tpu.sem_alloc : memref<!tpu.dma_semaphore, #tpu.memory_space<semaphore_mem>>
      %dma_start3A_125 = arith.constant 0 : i32
      %dma_start3A_126 = tpu.memref_slice %arg5[%arg0, %mul3A_118, %dma_start3A_125] : memref<2x10000x64xf32, #tpu.memory_space<hbm>> -> memref<1x624x64xf32, #tpu.memory_space<hbm>>
      %dma_start3A_127 = tpu.memref_squeeze %dma_start3A_126 : memref<1x624x64xf32, #tpu.memory_space<hbm>> -> memref<624x64xf32, #tpu.memory_space<hbm>>
      %dma_start3A_128 = arith.constant 0 : i32
      %dma_start3A_129 = tpu.memref_slice %arg10[%mul3A_118, %dma_start3A_128] : memref<10000x64xf32, #tpu.memory_space<vmem_shared>> -> memref<624x64xf32, #tpu.memory_space<vmem_shared>>
      tpu.enqueue_dma source(%dma_start3A_129 : memref<624x64xf32, #tpu.memory_space<vmem_shared>>) target(%dma_start3A_127 : memref<624x64xf32, #tpu.memory_space<hbm>>) target_semaphore(%run_scoped3A_124 : memref<!tpu.dma_semaphore, #tpu.memory_space<semaphore_mem>>)
      %dma_wait3A_130 = arith.constant 0 : i32
      %dma_wait3A_131 = tpu.memref_slice %arg5[%arg0, %mul3A_118, %dma_wait3A_130] : memref<2x10000x64xf32, #tpu.memory_space<hbm>> -> memref<1x624x64xf32, #tpu.memory_space<hbm>>
      %dma_wait3A_132 = tpu.memref_squeeze %dma_wait3A_131 : memref<1x624x64xf32, #tpu.memory_space<hbm>> -> memref<624x64xf32, #tpu.memory_space<hbm>>
      %dma_wait3A_133 = arith.constant 0 : i32
      %dma_wait3A_134 = tpu.memref_slice %arg10[%mul3A_118, %dma_wait3A_133] : memref<10000x64xf32, #tpu.memory_space<vmem_shared>> -> memref<624x64xf32, #tpu.memory_space<vmem_shared>>
      tpu.wait_dma2 semaphore(%run_scoped3A_124 : memref<!tpu.dma_semaphore, #tpu.memory_space<semaphore_mem>>) src(%dma_wait3A_134 : memref<624x64xf32, #tpu.memory_space<vmem_shared>>) dst(%dma_wait3A_132 : memref<624x64xf32, #tpu.memory_space<hbm>>)
      tpu.yield
    }) : () -> ()
    %eq3A_119 = arith.constant 15 : i32
    %eq3A_120 = arith.cmpi eq, %arg1, %eq3A_119 : i32
    %convert_element_type3A_121 = arith.extui %eq3A_120 : i1 to i32
    %cond3A_122 = arith.constant 0 : i32
    %cond3A_123 = arith.cmpi ne, %convert_element_type3A_121, %cond3A_122 : i32
    scf.if %cond3A_123 {
      "tpu.region"() ({
        %run_scoped3A_124 = tpu.sem_alloc : memref<!tpu.dma_semaphore, #tpu.memory_space<semaphore_mem>>
        %dma_start3A_125 = arith.constant 9984 : i32
        %dma_start3A_126 = arith.constant 0 : i32
        %dma_start3A_127 = tpu.memref_slice %arg5[%arg0, %dma_start3A_125, %dma_start3A_126] : memref<2x10000x64xf32, #tpu.memory_space<hbm>> -> memref<1x16x64xf32, #tpu.memory_space<hbm>>
        %dma_start3A_128 = tpu.memref_squeeze %dma_start3A_127 : memref<1x16x64xf32, #tpu.memory_space<hbm>> -> memref<16x64xf32, #tpu.memory_space<hbm>>
        %dma_start3A_129 = arith.constant 9984 : i32
        %dma_start3A_130 = arith.constant 0 : i32
        %dma_start3A_131 = tpu.memref_slice %arg10[%dma_start3A_129, %dma_start3A_130] : memref<10000x64xf32, #tpu.memory_space<vmem_shared>> -> memref<16x64xf32, #tpu.memory_space<vmem_shared>>
        tpu.enqueue_dma source(%dma_start3A_131 : memref<16x64xf32, #tpu.memory_space<vmem_shared>>) target(%dma_start3A_128 : memref<16x64xf32, #tpu.memory_space<hbm>>) target_semaphore(%run_scoped3A_124 : memref<!tpu.dma_semaphore, #tpu.memory_space<semaphore_mem>>)
        %dma_wait3A_132 = arith.constant 9984 : i32
        %dma_wait3A_133 = arith.constant 0 : i32
        %dma_wait3A_134 = tpu.memref_slice %arg5[%arg0, %dma_wait3A_132, %dma_wait3A_133] : memref<2x10000x64xf32, #tpu.memory_space<hbm>> -> memref<1x16x64xf32, #tpu.memory_space<hbm>>
        %dma_wait3A_135 = tpu.memref_squeeze %dma_wait3A_134 : memref<1x16x64xf32, #tpu.memory_space<hbm>> -> memref<16x64xf32, #tpu.memory_space<hbm>>
        %dma_wait3A_136 = arith.constant 9984 : i32
        %dma_wait3A_137 = arith.constant 0 : i32
        %dma_wait3A_138 = tpu.memref_slice %arg10[%dma_wait3A_136, %dma_wait3A_137] : memref<10000x64xf32, #tpu.memory_space<vmem_shared>> -> memref<16x64xf32, #tpu.memory_space<vmem_shared>>
        tpu.wait_dma2 semaphore(%run_scoped3A_124 : memref<!tpu.dma_semaphore, #tpu.memory_space<semaphore_mem>>) src(%dma_wait3A_138 : memref<16x64xf32, #tpu.memory_space<vmem_shared>>) dst(%dma_wait3A_135 : memref<16x64xf32, #tpu.memory_space<hbm>>)
        tpu.yield
      }) : () -> ()
    } else {
    }
    return
  }
}

module attributes {stable_mosaic.version = 14 : i64} {
  func.func @_mm_body(%arg0: i32, %arg1: memref<5000x128xf32, #tpu.memory_space<vmem>>, %arg2: memref<128x64xf32, #tpu.memory_space<vmem>>, %arg3: memref<5000x64xf32, #tpu.memory_space<vmem>>) attributes {dimension_semantics = [#tpu.dimension_semantics<arbitrary>], iteration_bounds = array<i64: 2>, scalar_prefetch = 0 : i64, scratch_operands = 0 : i64, tpu.core_type = #tpu.core_type<tc>, window_params = [{transform_indices = @transform_0, window_bounds = array<i64: 5000, 128>}, {pipeline_mode = #tpu.pipeline_mode<synchronous>, transform_indices = @transform_1, window_bounds = array<i64: 128, 64>}, {transform_indices = @transform_2, window_bounds = array<i64: 5000, 64>}]} {
    %get3A = arith.constant 0 : index
    %get3A_0 = arith.constant 0 : index
    %get3A_1 = vector.load %arg1[%get3A, %get3A_0] : memref<5000x128xf32, #tpu.memory_space<vmem>>, vector<5000x128xf32>
    %get3A_2 = arith.constant 0 : index
    %get3A_3 = arith.constant 0 : index
    %get3A_4 = vector.load %arg2[%get3A_2, %get3A_3] : memref<128x64xf32, #tpu.memory_space<vmem>>, vector<128x64xf32>
    %dot_general3A = arith.constant dense<0.000000e+00> : vector<5000x64xf32>
    %dot_general3A_5 = tpu.matmul %get3A_1, %get3A_4, %dot_general3A {dimension_numbers = #tpu.dot_dimension_numbers<[1], [0], [0], [1], [0, 0, 1, 1], [], []>, transpose_lhs_hint = false} : vector<5000x128xf32>, vector<128x64xf32>, vector<5000x64xf32> -> vector<5000x64xf32>
    %swap3A = arith.constant 0 : index
    %swap3A_6 = arith.constant 0 : index
    %swap3A_7 = vector.load %arg3[%swap3A, %swap3A_6] : memref<5000x64xf32, #tpu.memory_space<vmem>>, vector<5000x64xf32>
    tpu.vector_store %arg3[%swap3A, %swap3A_6], %dot_general3A_5 {strides = array<i32>} : memref<5000x64xf32, #tpu.memory_space<vmem>>, vector<5000x64xf32>,
    return
  }
  func.func @transform_0(%arg0: i32) -> (i32, i32) {
    %c0_i32 = arith.constant 0 : i32
    %c0_i32_0 = arith.constant 0 : i32
    return %arg0, %c0_i32 : i32, i32
  }
  func.func @transform_1(%arg0: i32) -> (i32, i32) {
    %c0_i32 = arith.constant 0 : i32
    %c0_i32_0 = arith.constant 0 : i32
    %c0_i32_1 = arith.constant 0 : i32
    return %c0_i32, %c0_i32_0 : i32, i32
  }
  func.func @transform_2(%arg0: i32) -> (i32, i32) {
    %c0_i32 = arith.constant 0 : i32
    %c0_i32_0 = arith.constant 0 : i32
    return %arg0, %c0_i32 : i32, i32
  }
}

module attributes {stable_mosaic.version = 14 : i64} {
  func.func @_prep_body(%arg0: i32, %arg1: memref<5000x64xf32, #tpu.memory_space<vmem>>, %arg2: memref<2x5000x16xf32, #tpu.memory_space<vmem>>, %arg3: memref<5000x64xf32, #tpu.memory_space<vmem>>, %arg4: memref<5000x16xf32, #tpu.memory_space<vmem>>) attributes {dimension_semantics = [#tpu.dimension_semantics<arbitrary>], iteration_bounds = array<i64: 2>, scalar_prefetch = 0 : i64, scratch_operands = 0 : i64, tpu.core_type = #tpu.core_type<tc>, window_params = [{transform_indices = @transform_0, window_bounds = array<i64: 5000, 64>}, {transform_indices = @transform_1, window_bounds = array<i64: 2, 5000, 16>}, {transform_indices = @transform_2, window_bounds = array<i64: 5000, 64>}, {transform_indices = @transform_3, window_bounds = array<i64: 5000, 16>}]} {
    %get3A = arith.constant 0 : index
    %get3A_0 = arith.constant 0 : index
    %get3A_1 = arith.constant 0 : index
    %get3A_2 = vector.load %arg2[%get3A, %get3A_0, %get3A_1] : memref<2x5000x16xf32, #tpu.memory_space<vmem>>, vector<1x5000x1xf32>
    %get3A_3 = vector.shape_cast %get3A_2 : vector<1x5000x1xf32> to vector<5000x1xf32>
    %get3A_4 = arith.constant 1 : index
    %get3A_5 = arith.constant 0 : index
    %get3A_6 = arith.constant 0 : index
    %get3A_7 = vector.load %arg2[%get3A_4, %get3A_5, %get3A_6] : memref<2x5000x16xf32, #tpu.memory_space<vmem>>, vector<1x5000x1xf32>
    %get3A_8 = vector.shape_cast %get3A_7 : vector<1x5000x1xf32> to vector<5000x1xf32>
    %add3A = arith.addf %get3A_3, %get3A_8 : vector<5000x1xf32>
    %add3A_9 = arith.constant 1.000000e+00 : f32
    %add3A_10 = vector.broadcast %add3A_9 : f32 to vector<5000x1xf32>
    %add3A_11 = arith.addf %add3A, %add3A_10 : vector<5000x1xf32>
    %rsqrt3A = math.rsqrt %add3A_11 : vector<5000x1xf32>
    %get3A_12 = arith.constant 0 : index
    %get3A_13 = arith.constant 0 : index
    %get3A_14 = vector.load %arg1[%get3A_12, %get3A_13] : memref<5000x64xf32, #tpu.memory_space<vmem>>, vector<5000x64xf32>
    %mul3A = vector.broadcast %rsqrt3A : vector<5000x1xf32> to vector<5000x64xf32>
    %mul3A_15 = arith.mulf %mul3A, %get3A_14 : vector<5000x64xf32>
    %swap3A = arith.constant 0 : index
    %swap3A_16 = arith.constant 0 : index
    %swap3A_17 = vector.load %arg3[%swap3A, %swap3A_16] : memref<5000x64xf32, #tpu.memory_space<vmem>>, vector<5000x64xf32>
    tpu.vector_store %arg3[%swap3A, %swap3A_16], %mul3A_15 {strides = array<i32>} : memref<5000x64xf32, #tpu.memory_space<vmem>>, vector<5000x64xf32>,
    %broadcast_in_dim3A = vector.shape_cast %rsqrt3A : vector<5000x1xf32> to vector<5000x1xf32>
    %broadcast_in_dim3A_18 = vector.broadcast %broadcast_in_dim3A : vector<5000x1xf32> to vector<5000x16xf32>
    %swap3A_19 = arith.constant 0 : index
    %swap3A_20 = arith.constant 0 : index
    %swap3A_21 = vector.load %arg4[%swap3A_19, %swap3A_20] : memref<5000x16xf32, #tpu.memory_space<vmem>>, vector<5000x16xf32>
    tpu.vector_store %arg4[%swap3A_19, %swap3A_20], %broadcast_in_dim3A_18 {strides = array<i32>} : memref<5000x16xf32, #tpu.memory_space<vmem>>, vector<5000x16xf32>,
    return
  }
  func.func @transform_0(%arg0: i32) -> (i32, i32) {
    %c0_i32 = arith.constant 0 : i32
    %c0_i32_0 = arith.constant 0 : i32
    return %arg0, %c0_i32 : i32, i32
  }
  func.func @transform_1(%arg0: i32) -> (i32, i32, i32) {
    %c0_i32 = arith.constant 0 : i32
    %c0_i32_0 = arith.constant 0 : i32
    %c0_i32_1 = arith.constant 0 : i32
    return %c0_i32, %arg0, %c0_i32_0 : i32, i32, i32
  }
  func.func @transform_2(%arg0: i32) -> (i32, i32) {
    %c0_i32 = arith.constant 0 : i32
    %c0_i32_0 = arith.constant 0 : i32
    return %arg0, %c0_i32 : i32, i32
  }
  func.func @transform_3(%arg0: i32) -> (i32, i32) {
    %c0_i32 = arith.constant 0 : i32
    %c0_i32_0 = arith.constant 0 : i32
    return %arg0, %c0_i32 : i32, i32
  }
}

module attributes {stable_mosaic.version = 14 : i64} {
  func.func @_comb_body(%arg0: i32, %arg1: memref<2x5000x64xf32, #tpu.memory_space<vmem>>, %arg2: memref<5000x64xf32, #tpu.memory_space<vmem>>, %arg3: memref<5000x16xf32, #tpu.memory_space<vmem>>, %arg4: memref<1x64xf32, #tpu.memory_space<vmem>>, %arg5: memref<64x64xf32, #tpu.memory_space<vmem>>, %arg6: memref<5000x64xf32, #tpu.memory_space<vmem>>) attributes {dimension_semantics = [#tpu.dimension_semantics<arbitrary>], iteration_bounds = array<i64: 2>, scalar_prefetch = 0 : i64, scratch_operands = 0 : i64, tpu.core_type = #tpu.core_type<tc>, window_params = [{transform_indices = @transform_0, window_bounds = array<i64: 2, 5000, 64>}, {transform_indices = @transform_1, window_bounds = array<i64: 5000, 64>}, {transform_indices = @transform_2, window_bounds = array<i64: 5000, 16>}, {pipeline_mode = #tpu.pipeline_mode<synchronous>, transform_indices = @transform_3, window_bounds = array<i64: 1, 64>}, {pipeline_mode = #tpu.pipeline_mode<synchronous>, transform_indices = @transform_4, window_bounds = array<i64: 64, 64>}, {transform_indices = @transform_5, window_bounds = array<i64: 5000, 64>}]} {
    %get3A = arith.constant 0 : index
    %get3A_0 = arith.constant 0 : index
    %get3A_1 = vector.load %arg3[%get3A, %get3A_0] : memref<5000x16xf32, #tpu.memory_space<vmem>>, vector<5000x1xf32>
    %get3A_2 = arith.constant 0 : index
    %get3A_3 = arith.constant 0 : index
    %get3A_4 = arith.constant 0 : index
    %get3A_5 = vector.load %arg1[%get3A_2, %get3A_3, %get3A_4] : memref<2x5000x64xf32, #tpu.memory_space<vmem>>, vector<1x5000x64xf32>
    %get3A_6 = vector.shape_cast %get3A_5 : vector<1x5000x64xf32> to vector<5000x64xf32>
    %get3A_7 = arith.constant 1 : index
    %get3A_8 = arith.constant 0 : index
    %get3A_9 = arith.constant 0 : index
    %get3A_10 = vector.load %arg1[%get3A_7, %get3A_8, %get3A_9] : memref<2x5000x64xf32, #tpu.memory_space<vmem>>, vector<1x5000x64xf32>
    %get3A_11 = vector.shape_cast %get3A_10 : vector<1x5000x64xf32> to vector<5000x64xf32>
    %add3A = arith.addf %get3A_6, %get3A_11 : vector<5000x64xf32>
    %get3A_12 = arith.constant 0 : index
    %get3A_13 = arith.constant 0 : index
    %get3A_14 = vector.load %arg2[%get3A_12, %get3A_13] : memref<5000x64xf32, #tpu.memory_space<vmem>>, vector<5000x64xf32>
    %add3A_15 = arith.addf %add3A, %get3A_14 : vector<5000x64xf32>
    %mul3A = vector.broadcast %get3A_1 : vector<5000x1xf32> to vector<5000x64xf32>
    %mul3A_16 = arith.mulf %mul3A, %add3A_15 : vector<5000x64xf32>
    %get3A_17 = arith.constant 0 : index
    %get3A_18 = arith.constant 0 : index
    %get3A_19 = vector.load %arg4[%get3A_17, %get3A_18] : memref<1x64xf32, #tpu.memory_space<vmem>>, vector<1x64xf32>
    %add3A_20 = vector.broadcast %get3A_19 : vector<1x64xf32> to vector<5000x64xf32>
    %add3A_21 = arith.addf %mul3A_16, %add3A_20 : vector<5000x64xf32>
    %max3A = arith.constant 0.000000e+00 : f32
    %max3A_22 = vector.broadcast %max3A : f32 to vector<5000x64xf32>
    %max3A_23 = arith.maximumf %add3A_21, %max3A_22 : vector<5000x64xf32>
    %get3A_24 = arith.constant 0 : index
    %get3A_25 = arith.constant 0 : index
    %get3A_26 = vector.load %arg5[%get3A_24, %get3A_25] : memref<64x64xf32, #tpu.memory_space<vmem>>, vector<64x64xf32>
    %dot_general3A = arith.constant dense<0.000000e+00> : vector<5000x64xf32>
    %dot_general3A_27 = tpu.matmul %max3A_23, %get3A_26, %dot_general3A {dimension_numbers = #tpu.dot_dimension_numbers<[1], [0], [0], [1], [0, 0, 1, 1], [], []>, transpose_lhs_hint = false} : vector<5000x64xf32>, vector<64x64xf32>, vector<5000x64xf32> -> vector<5000x64xf32>
    %mul3A_28 = vector.broadcast %get3A_1 : vector<5000x1xf32> to vector<5000x64xf32>
    %mul3A_29 = arith.mulf %mul3A_28, %dot_general3A_27 : vector<5000x64xf32>
    %swap3A = arith.constant 0 : index
    %swap3A_30 = arith.constant 0 : index
    %swap3A_31 = vector.load %arg6[%swap3A, %swap3A_30] : memref<5000x64xf32, #tpu.memory_space<vmem>>, vector<5000x64xf32>
    tpu.vector_store %arg6[%swap3A, %swap3A_30], %mul3A_29 {strides = array<i32>} : memref<5000x64xf32, #tpu.memory_space<vmem>>, vector<5000x64xf32>,
    return
  }
  func.func @transform_0(%arg0: i32) -> (i32, i32, i32) {
    %c0_i32 = arith.constant 0 : i32
    %c0_i32_0 = arith.constant 0 : i32
    %c0_i32_1 = arith.constant 0 : i32
    return %c0_i32, %arg0, %c0_i32_0 : i32, i32, i32
  }
  func.func @transform_1(%arg0: i32) -> (i32, i32) {
    %c0_i32 = arith.constant 0 : i32
    %c0_i32_0 = arith.constant 0 : i32
    return %arg0, %c0_i32 : i32, i32
  }
  func.func @transform_2(%arg0: i32) -> (i32, i32) {
    %c0_i32 = arith.constant 0 : i32
    %c0_i32_0 = arith.constant 0 : i32
    return %arg0, %c0_i32 : i32, i32
  }
  func.func @transform_3(%arg0: i32) -> (i32, i32) {
    %c0_i32 = arith.constant 0 : i32
    %c0_i32_0 = arith.constant 0 : i32
    %c0_i32_1 = arith.constant 0 : i32
    return %c0_i32, %c0_i32_0 : i32, i32
  }
  func.func @transform_4(%arg0: i32) -> (i32, i32) {
    %c0_i32 = arith.constant 0 : i32
    %c0_i32_0 = arith.constant 0 : i32
    %c0_i32_1 = arith.constant 0 : i32
    return %c0_i32, %c0_i32_0 : i32, i32
  }
  func.func @transform_5(%arg0: i32) -> (i32, i32) {
    %c0_i32 = arith.constant 0 : i32
    %c0_i32_0 = arith.constant 0 : i32
    return %arg0, %c0_i32 : i32, i32
  }
}

module attributes {stable_mosaic.version = 14 : i64} {
  func.func @_final_body(%arg0: i32, %arg1: memref<2x5000x64xf32, #tpu.memory_space<vmem>>, %arg2: memref<5000x64xf32, #tpu.memory_space<vmem>>, %arg3: memref<5000x16xf32, #tpu.memory_space<vmem>>, %arg4: memref<1x64xf32, #tpu.memory_space<vmem>>, %arg5: memref<1x1x5000xi32, #tpu.memory_space<vmem>>, %arg6: memref<64x10xf32, #tpu.memory_space<vmem>>, %arg7: memref<1x10xf32, #tpu.memory_space<vmem>>, %arg8: memref<16x10xf32, #tpu.memory_space<vmem>>, %arg9: memref<16x128xf32, #tpu.memory_space<vmem>>) attributes {dimension_semantics = [#tpu.dimension_semantics<arbitrary>], iteration_bounds = array<i64: 2>, scalar_prefetch = 0 : i64, scratch_operands = 1 : i64, tpu.core_type = #tpu.core_type<tc>, window_params = [{transform_indices = @transform_0, window_bounds = array<i64: 2, 5000, 64>}, {transform_indices = @transform_1, window_bounds = array<i64: 5000, 64>}, {transform_indices = @transform_2, window_bounds = array<i64: 5000, 16>}, {pipeline_mode = #tpu.pipeline_mode<synchronous>, transform_indices = @transform_3, window_bounds = array<i64: 1, 64>}, {transform_indices = @transform_4, window_bounds = array<i64: 1, 1, 5000>}, {pipeline_mode = #tpu.pipeline_mode<synchronous>, transform_indices = @transform_5, window_bounds = array<i64: 64, 10>}, {pipeline_mode = #tpu.pipeline_mode<synchronous>, transform_indices = @transform_6, window_bounds = array<i64: 1, 10>}, {pipeline_mode = #tpu.pipeline_mode<synchronous>, transform_indices = @transform_7, window_bounds = array<i64: 16, 10>}]} {
    %get3A = arith.constant 0 : index
    %get3A_0 = arith.constant 0 : index
    %get3A_1 = vector.load %arg3[%get3A, %get3A_0] : memref<5000x16xf32, #tpu.memory_space<vmem>>, vector<5000x1xf32>
    %get3A_2 = arith.constant 0 : index
    %get3A_3 = arith.constant 0 : index
    %get3A_4 = arith.constant 0 : index
    %get3A_5 = vector.load %arg1[%get3A_2, %get3A_3, %get3A_4] : memref<2x5000x64xf32, #tpu.memory_space<vmem>>, vector<1x5000x64xf32>
    %get3A_6 = vector.shape_cast %get3A_5 : vector<1x5000x64xf32> to vector<5000x64xf32>
    %get3A_7 = arith.constant 1 : index
    %get3A_8 = arith.constant 0 : index
    %get3A_9 = arith.constant 0 : index
    %get3A_10 = vector.load %arg1[%get3A_7, %get3A_8, %get3A_9] : memref<2x5000x64xf32, #tpu.memory_space<vmem>>, vector<1x5000x64xf32>
    %get3A_11 = vector.shape_cast %get3A_10 : vector<1x5000x64xf32> to vector<5000x64xf32>
    %add3A = arith.addf %get3A_6, %get3A_11 : vector<5000x64xf32>
    %get3A_12 = arith.constant 0 : index
    %get3A_13 = arith.constant 0 : index
    %get3A_14 = vector.load %arg2[%get3A_12, %get3A_13] : memref<5000x64xf32, #tpu.memory_space<vmem>>, vector<5000x64xf32>
    %add3A_15 = arith.addf %add3A, %get3A_14 : vector<5000x64xf32>
    %mul3A = vector.broadcast %get3A_1 : vector<5000x1xf32> to vector<5000x64xf32>
    %mul3A_16 = arith.mulf %mul3A, %add3A_15 : vector<5000x64xf32>
    %get3A_17 = arith.constant 0 : index
    %get3A_18 = arith.constant 0 : index
    %get3A_19 = vector.load %arg4[%get3A_17, %get3A_18] : memref<1x64xf32, #tpu.memory_space<vmem>>, vector<1x64xf32>
    %add3A_20 = vector.broadcast %get3A_19 : vector<1x64xf32> to vector<5000x64xf32>
    %add3A_21 = arith.addf %mul3A_16, %add3A_20 : vector<5000x64xf32>
    %get3A_22 = arith.constant 0 : index
    %get3A_23 = arith.constant 0 : index
    %get3A_24 = arith.constant 0 : index
    %get3A_25 = vector.load %arg5[%get3A_22, %get3A_23, %get3A_24] : memref<1x1x5000xi32, #tpu.memory_space<vmem>>, vector<1x1x5000xi32>
    %get3A_26 = vector.shape_cast %get3A_25 : vector<1x1x5000xi32> to vector<1x5000xi32>
    %iota3A = tpu.iota {dimensions = array<i32: 0>} : vector<16x5000xi32>
    %eq3A = vector.broadcast %get3A_26 : vector<1x5000xi32> to vector<16x5000xi32>
    %eq3A_27 = arith.cmpi eq, %iota3A, %eq3A : vector<16x5000xi32>
    %convert_element_type3A = arith.extui %eq3A_27 : vector<16x5000xi1> to vector<16x5000xi32>
    %convert_element_type3A_28 = arith.sitofp %convert_element_type3A : vector<16x5000xi32> to vector<16x5000xf32>
    %broadcast_in_dim3A = arith.constant 1.000000e+00 : f32
    %broadcast_in_dim3A_29 = vector.broadcast %broadcast_in_dim3A : f32 to vector<5000x64xf32>
    %concatenate3A = tpu.concatenate %add3A_21, %broadcast_in_dim3A_29 in 1 : vector<5000x64xf32>, vector<5000x64xf32> -> vector<5000x128xf32>
    %dot_general3A = arith.constant dense<0.000000e+00> : vector<16x128xf32>
    %dot_general3A_30 = tpu.matmul %convert_element_type3A_28, %concatenate3A, %dot_general3A {dimension_numbers = #tpu.dot_dimension_numbers<[1], [0], [0], [1], [0, 0, 1, 1], [], []>, transpose_lhs_hint = false} : vector<16x5000xf32>, vector<5000x128xf32>, vector<16x128xf32> -> vector<16x128xf32>
    %eq3A_31 = arith.constant 0 : i32
    %eq3A_32 = arith.cmpi eq, %arg0, %eq3A_31 : i32
    %convert_element_type3A_33 = arith.extui %eq3A_32 : i1 to i32
    %cond3A = arith.constant 0 : i32
    %cond3A_34 = arith.cmpi ne, %convert_element_type3A_33, %cond3A : i32
    scf.if %cond3A_34 {
      %broadcast_in_dim3A_46 = arith.constant 0.000000e+00 : f32
      %broadcast_in_dim3A_47 = vector.broadcast %broadcast_in_dim3A_46 : f32 to vector<16x128xf32>
      %swap3A_48 = arith.constant 0 : index
      %swap3A_49 = arith.constant 0 : index
      %swap3A_50 = vector.load %arg9[%swap3A_48, %swap3A_49] : memref<16x128xf32, #tpu.memory_space<vmem>>, vector<16x128xf32>
      tpu.vector_store %arg9[%swap3A_48, %swap3A_49], %broadcast_in_dim3A_47 {strides = array<i32>} : memref<16x128xf32, #tpu.memory_space<vmem>>, vector<16x128xf32>,
    } else {
    }
    %get3A_35 = arith.constant 0 : index
    %get3A_36 = arith.constant 0 : index
    %get3A_37 = vector.load %arg9[%get3A_35, %get3A_36] : memref<16x128xf32, #tpu.memory_space<vmem>>, vector<16x128xf32>
    %add3A_38 = arith.addf %get3A_37, %dot_general3A_30 : vector<16x128xf32>
    %swap3A = arith.constant 0 : index
    %swap3A_39 = arith.constant 0 : index
    %swap3A_40 = vector.load %arg9[%swap3A, %swap3A_39] : memref<16x128xf32, #tpu.memory_space<vmem>>, vector<16x128xf32>
    tpu.vector_store %arg9[%swap3A, %swap3A_39], %add3A_38 {strides = array<i32>} : memref<16x128xf32, #tpu.memory_space<vmem>>, vector<16x128xf32>,
    %eq3A_41 = arith.constant 1 : i32
    %eq3A_42 = arith.cmpi eq, %arg0, %eq3A_41 : i32
    %convert_element_type3A_43 = arith.extui %eq3A_42 : i1 to i32
    %cond3A_44 = arith.constant 0 : i32
    %cond3A_45 = arith.cmpi ne, %convert_element_type3A_43, %cond3A_44 : i32
    scf.if %cond3A_45 {
      %get3A_46 = arith.constant 0 : index
      %get3A_47 = arith.constant 0 : index
      %get3A_48 = vector.load %arg9[%get3A_46, %get3A_47] : memref<16x128xf32, #tpu.memory_space<vmem>>, vector<16x64xf32>
      %get3A_49 = arith.constant 0 : index
      %get3A_50 = arith.constant 64 : index
      %get3A_51 = vector.load %arg9[%get3A_49, %get3A_50] : memref<16x128xf32, #tpu.memory_space<vmem>>, vector<16x1xf32>
      %jit3A = arith.constant 1.000000e+00 : f32
      %max3A = vector.broadcast %jit3A : f32 to vector<16x1xf32>
      %max3A_52 = arith.maximumf %max3A, %get3A_51 : vector<16x1xf32>
      %div3A = vector.broadcast %max3A_52 : vector<16x1xf32> to vector<16x64xf32>
      %div3A_53 = arith.divf %get3A_48, %div3A : vector<16x64xf32>
      %get3A_54 = arith.constant 0 : index
      %get3A_55 = arith.constant 0 : index
      %get3A_56 = vector.load %arg6[%get3A_54, %get3A_55] : memref<64x10xf32, #tpu.memory_space<vmem>>, vector<64x10xf32>
      %dot_general3A_57 = arith.constant dense<0.000000e+00> : vector<16x10xf32>
      %dot_general3A_58 = tpu.matmul %div3A_53, %get3A_56, %dot_general3A_57 {dimension_numbers = #tpu.dot_dimension_numbers<[1], [0], [0], [1], [0, 0, 1, 1], [], []>, transpose_lhs_hint = false} : vector<16x64xf32>, vector<64x10xf32>, vector<16x10xf32> -> vector<16x10xf32>
      %get3A_59 = arith.constant 0 : index
      %get3A_60 = arith.constant 0 : index
      %get3A_61 = vector.load %arg7[%get3A_59, %get3A_60] : memref<1x10xf32, #tpu.memory_space<vmem>>, vector<1x10xf32>
      %add3A_62 = vector.broadcast %get3A_61 : vector<1x10xf32> to vector<16x10xf32>
      %add3A_63 = arith.addf %dot_general3A_58, %add3A_62 : vector<16x10xf32>
      %swap3A_64 = arith.constant 0 : index
      %swap3A_65 = arith.constant 0 : index
      %swap3A_66 = vector.load %arg8[%swap3A_64, %swap3A_65] : memref<16x10xf32, #tpu.memory_space<vmem>>, vector<16x10xf32>
      tpu.vector_store %arg8[%swap3A_64, %swap3A_65], %add3A_63 {strides = array<i32>} : memref<16x10xf32, #tpu.memory_space<vmem>>, vector<16x10xf32>,
    } else {
    }
    return
  }
  func.func @transform_0(%arg0: i32) -> (i32, i32, i32) {
    %c0_i32 = arith.constant 0 : i32
    %c0_i32_0 = arith.constant 0 : i32
    %c0_i32_1 = arith.constant 0 : i32
    return %c0_i32, %arg0, %c0_i32_0 : i32, i32, i32
  }
  func.func @transform_1(%arg0: i32) -> (i32, i32) {
    %c0_i32 = arith.constant 0 : i32
    %c0_i32_0 = arith.constant 0 : i32
    return %arg0, %c0_i32 : i32, i32
  }
  func.func @transform_2(%arg0: i32) -> (i32, i32) {
    %c0_i32 = arith.constant 0 : i32
    %c0_i32_0 = arith.constant 0 : i32
    return %arg0, %c0_i32 : i32, i32
  }
  func.func @transform_3(%arg0: i32) -> (i32, i32) {
    %c0_i32 = arith.constant 0 : i32
    %c0_i32_0 = arith.constant 0 : i32
    %c0_i32_1 = arith.constant 0 : i32
    return %c0_i32, %c0_i32_0 : i32, i32
  }
  func.func @transform_4(%arg0: i32) -> (i32, i32, i32) {
    %c0_i32 = arith.constant 0 : i32
    %c0_i32_0 = arith.constant 0 : i32
    %c0_i32_1 = arith.constant 0 : i32
    return %arg0, %c0_i32, %c0_i32_0 : i32, i32, i32
  }
  func.func @transform_5(%arg0: i32) -> (i32, i32) {
    %c0_i32 = arith.constant 0 : i32
    %c0_i32_0 = arith.constant 0 : i32
    %c0_i32_1 = arith.constant 0 : i32
    return %c0_i32, %c0_i32_0 : i32, i32
  }
  func.func @transform_6(%arg0: i32) -> (i32, i32) {
    %c0_i32 = arith.constant 0 : i32
    %c0_i32_0 = arith.constant 0 : i32
    %c0_i32_1 = arith.constant 0 : i32
    return %c0_i32, %c0_i32_0 : i32, i32
  }
  func.func @transform_7(%arg0: i32) -> (i32, i32) {
    %c0_i32 = arith.constant 0 : i32
    %c0_i32_0 = arith.constant 0 : i32
    %c0_i32_1 = arith.constant 0 : i32
    return %c0_i32, %c0_i32_0 : i32, i32
  }
}

</mosaic_0001>

<sc_bundles>
// kernel: kernel.11.cloned.1.call-start
scs
__scs_entry_jumppad:
0x0: {  	(pc) =	sbr.rel $0x88, $3  }
0x1: {  	(tag) =	ssettag $0x0;
	lr =	simm.s32 $0x1  }
0x2: {  	[smem:$0x3F96] =	sst lr;
	_ =	strace $0xD0000000  }
0x3: {  	_ = 	snop  }
0x4: {  	_ = 	snop  }
0x5: {  	_ = 	snop  }
0x6: {  	_ = 	snop  }
0x7: {  	_ = 	snop  }
__scs_overlays_trampoline_lowered:
0x8: {  	[smem:$0x3FA5] =	sst s0  }
0x9: {  	[smem:$0x3FA6] =	sst s1  }
0xa: {  	[smem:$0x3FA7] =	sst s2  }
0xb: {  	[smem:$0x3FA8] =	sst s3  }
0xc: {  	[smem:$0x3FA9] =	sst s4  }
0xd: {  	[smem:$0x3FAA] =	sst s5  }
0xe: {  	[smem:$0x3FAB] =	sst s6  }
0xf: {  	[smem:$0x3FAC] =	sst s7  }
0x10: {  	[smem:$0x3FAD] =	sst s8  }
0x11: {  	[smem:$0x3FAE] =	sst s9;
	s0 =	simm.s32 @!p0 $0x0  }
0x12: {  	s1 =	sld [smem:$0x3F94];
	s0 =	simm.s32 @p0 $0x1  }
0x13: {  	[smem:$0x3FAF] =	sst s0;
	s0 =	simm.s32 @!p1 $0x0  }
0x14: {  	s2 =	sld [smem:$0x3F93];
	s0 =	simm.s32 @p1 $0x1  }
0x15: {  	[smem:$0x3FB0] =	sst s0;
	s0 =	simm.s32 @!p2 $0x0  }
0x16: {  	s3 =	sld [smem:$0x3FDB];
	s0 =	simm.s32 @p2 $0x1  }
0x17: {  	s4 =	simm.s32 $0x1BF5;
	[smem:$0x3FB2] =	sst s0  }
0x18: {  	s0 =	sld [smem:$0x3F95];
	_ =	swait.ge [sflag:s4], $0x0  }
0x19: {  	s7 =	sld [smem:$0x3F96]  }
0x1a: {  	s8 =	sadd.s32 $0xFFFFE003, lr  }
0x1b: {  	s9 =	sadd.s32 $0xFFFFFEF7, lr;
	s5 =	simm.s32 $0xFFFFFFFF;
	p2 =	slt.u32 s8, $0xFFFFF086  }
0x1c: {  	p1 =	slt.u32 s9, $0xF7A;
	s5 =	simm.s32 @!p2 $0x0  }
0x1d: {  	s5 =	simm.s32 @p1 $0x1;
	p0 =	seq.s32 s7, s2  }
0x1e: {  	s7 =	smul.u32 @!p0 $0xF7A, s2;
	p2 =	seq.s32 @!p0 s5, $0x0  }
0x1f: {  	s9 =	smul.u32 $0xF7A, s1;
	s8 =	simm.s32 @!p0 $0x1BF5;
	p2 =	por !p2, p0  }
0x20: {  	[sflag:s8] =	ssyncset.s32 @!p0 $0xFFFFF086;
	s6 =	sadd.s32 @!p0 s3, s7;
	s7 =	simm.s32 @!p0 $0x108  }
0x21: {  	s3 =	sadd.s32 s3, s9;
	s6 =	sadd.s32 @!p0 $0x88, s6;
	s7 =	simm.s32 @p2 $0x1082  }
0x22: {  	[simem:s7], [sflag:s8] =	dma.local @!p0 [hbm:s6], $0xF7A  }
0x23: {  	s9 =	sor.u32 $0xD0000000, s2;
	s6 =	simm.s32 $0x108;
	_ =	swait.ge @!p0 [sflag:s8], $0x0  }
0x24: {  	s3 =	sadd.s32 $0x88, s3;
	s6 =	simm.s32 @!p1 $0x1082;
	[sflag:s4] =	ssyncset.s32 $0xFFFFF086  }
0x25: {  	[simem:s6], [sflag:s4] =	dma.local [hbm:s3], $0xF7A  }
0x26: {  	[smem:$0x3F96] =	sst s1;
	(tag) =	ssettag s2;
	_ =	strace s9  }
0x27: {  	s1 =	sld [smem:$0x3FA6]  }
0x28: {  	s2 =	sld [smem:$0x3FA7]  }
0x29: {  	s4 =	sld [smem:$0x3FA9]  }
0x2a: {  	p0 =	seq.s32 s5, $0x0;
	s5 =	sld [smem:$0x3FAA]  }
0x2b: {  	s6 =	sld [smem:$0x3FAB]  }
0x2c: {  	s7 =	sld [smem:$0x3FAC]  }
0x2d: {  	s3 =	simm.s32 $0x108;
	s8 =	sld [smem:$0x3FAD]  }
0x2e: {  	s3 =	simm.s32 @!p0 $0x1082;
	s9 =	sld [smem:$0x3FAE]  }
0x2f: {  	lr =	sadd.s32 s0, s3;
	s0 =	sld [smem:$0x3FA5]  }
0x30: {  	s3 =	sld [smem:$0x3FA8]  }
0x31: {  	[smem:$0x3FB1] =	sst s10  }
0x32: {  	s10 =	sld [smem:$0x3FAF];
	_ =	sdelay $0x3  }
0x33: {  	p0 =	seq.s32 s10, $0x1;
	s10 =	sld [smem:$0x3FB1];
	_ =	sdelay $0x3  }
0x34: {  	[smem:$0x3FB1] =	sst s10  }
0x35: {  	s10 =	sld [smem:$0x3FB0];
	_ =	sdelay $0x3  }
0x36: {  	p1 =	seq.s32 s10, $0x1;
	s10 =	sld [smem:$0x3FB1];
	_ =	sdelay $0x3  }
0x37: {  	[smem:$0x3FB1] =	sst s10  }
0x38: {  	s10 =	sld [smem:$0x3FB2]  }
0x39: {  	_ = 	snop;
	(pc) =	sbr.ind lr, $3  }
0x3a: {  	_ = 	snop  }
0x3b: {  	_ = 	snop  }
0x3c: {  	p2 =	seq.s32 s10, $0x1;
	s10 =	sld [smem:$0x3FB1]  }
0x3d: {  	_ =	shalt  }
0x3e: {  	_ =	shalt  }
0x3f: {  	_ =	shalt  }
0x40: {  	_ =	shalt  }
0x41: {  	_ =	shalt  }
0x42: {  	_ =	shalt  }
0x43: {  	_ =	shalt  }
0x44: {  	_ =	shalt  }
0x45: {  	_ =	shalt  }
0x46: {  	_ =	shalt  }
0x47: {  	_ =	shalt  }
0x48: {  	_ =	shalt  }
0x49: {  	_ =	shalt  }
0x4a: {  	_ =	shalt  }
0x4b: {  	_ =	shalt  }
0x4c: {  	_ =	shalt  }
0x4d: {  	_ =	shalt  }
0x4e: {  	_ =	shalt  }
0x4f: {  	_ =	shalt  }
0x50: {  	_ =	shalt  }
0x51: {  	_ =	shalt  }
0x52: {  	_ =	shalt  }
0x53: {  	_ =	shalt  }
0x54: {  	_ =	shalt  }
0x55: {  	_ =	shalt  }
0x56: {  	_ =	shalt  }
0x57: {  	_ =	shalt  }
0x58: {  	_ =	shalt  }
0x59: {  	_ =	shalt  }
0x5a: {  	_ =	shalt  }
0x5b: {  	_ =	shalt  }
0x5c: {  	_ =	shalt  }
0x5d: {  	_ =	shalt  }
0x5e: {  	_ =	shalt  }
0x5f: {  	_ =	shalt  }
0x60: {  	_ =	shalt  }
0x61: {  	_ =	shalt  }
0x62: {  	_ =	shalt  }
0x63: {  	_ =	shalt  }
0x64: {  	_ =	shalt  }
0x65: {  	_ =	shalt  }
0x66: {  	_ =	shalt  }
0x67: {  	_ =	shalt  }
0x68: {  	_ =	shalt  }
0x69: {  	_ =	shalt  }
0x6a: {  	_ =	shalt  }
0x6b: {  	_ =	shalt  }
0x6c: {  	_ =	shalt  }
0x6d: {  	_ =	shalt  }
0x6e: {  	_ =	shalt  }
0x6f: {  	_ =	shalt  }
0x70: {  	_ =	shalt  }
0x71: {  	_ =	shalt  }
0x72: {  	_ =	shalt  }
0x73: {  	_ =	shalt  }
0x74: {  	_ =	shalt  }
0x75: {  	_ =	shalt  }
0x76: {  	_ =	shalt  }
0x77: {  	_ =	shalt  }
0x78: {  	_ =	shalt  }
0x79: {  	_ =	shalt  }
0x7a: {  	_ =	shalt  }
0x7b: {  	_ =	shalt  }
0x7c: {  	_ =	shalt  }
0x7d: {  	_ =	shalt  }
0x7e: {  	_ =	shalt  }
0x7f: {  	_ =	shalt  }
0x80: {  	_ =	shalt  }
0x81: {  	_ =	shalt  }
0x82: {  	_ =	shalt  }
0x83: {  	_ =	shalt  }
0x84: {  	_ =	shalt  }
0x85: {  	_ =	shalt  }
0x86: {  	_ =	shalt  }
0x87: {  	_ =	shalt  }
.Lfunc_end0:
.L_simem_size_0:
called_computation_lowered:
.L_overlay_start_0:
0x88: {  	s2 =	sld [smem:$0x3FD9]  }
0x89: {  	s3 =	sld [smem:$0x3FFE];
	_ =	sdelay $0x1  }
0x8a: {  	s1 =	srdreg.scid  }
0x8b: {  	s0 =	sand.u32 $0x1, s1  }
0x8c: {  	s16 =	sshll.u32 s0, $0xA;
	s2 =	sadd.s32 s3, s2  }
0x8d: {  	s2 =	sadd.s32 s2, s16  }
0x8e: {  	[smem:$0x3FBD] =	sst s2  }
0x8f: {  	_ = 	snop  }
0x90: {  	(tm) =	ssettm $0x1  }
0x91: {  	s17 =	sld [smem:$0x3FFB];
	_ =	sdelay $0x3  }
0x92: {  	_ =	strace s17  }
0x93: {  	s2 =	sld [smem:$0x3FFC];
	_ =	sdelay $0x3  }
0x94: {  	_ =	strace s2  }
0x95: {  	s2 =	sld [smem:$0x3FFD];
	_ =	sdelay $0x3  }
0x96: {  	_ =	strace s2  }
0x97: {  	_ =	strace $0x8FFFFFFF  }
0x98: {  	s18 =	sld [smem:$0x3FDB];
	_ =	sdelay $0x1  }
0x99: {  	s19 =	simm.s32 $_scs_section_size  }
0x9a: {  	s4 =	simm.s32 $_size__tile_overlayer_lowered;
	s5 =	simm.s32 $_tile_overlayer_lowered  }
0x9b: {  	s22 =	simm.s32 $0x1BFF;
	s21 =	sshll.u32 s5, $0x1;
	s2 =	sadd.s32 s19, s18  }
0x9c: {  	s6 =	simm.s32 $0x0;
	s20 =	sshll.u32 s4, $0x1;
	s4 =	sadd.s32 s21, s2  }
0x9d: {  	[timem:s6], [sflag:s22] =	dma.local [hbm:s4], s20  }
0x9e: {  	_ =	swait.ge [sflag:s22], s20  }
0x9f: {  	s3 =	ssub.s32 $0x0, s20;
	[sflag:s22] =	ssyncset.done $0x0  }
0xa0: {  	[sflag:s22] =	ssyncadd.s32 s3;
	_ =	sdelay $0x1  }
0xa1: {  	s23 =	simm.s32 $0x1B8B  }
0xa2: {  	_ =	swait.ge [sflag:s23], $0x1  }
0xa3: {  	[sflag:s23] =	ssyncset.done $0x0  }
0xa4: {  	s25 =	simm.s32 $0x1B8E;
	s24 =	sld [smem:$0x3FFE];
	[sflag:s23] =	ssyncadd.s32 $0xFFFFFFFF  }
0xa5: {  	s26 =	simm.s32 $execute0_lowered;
	[smem:$0x3FD2] =	sst s25  }
0xa6: {  	s4 =	sshll.u32 s26, $0x1;
	_ =	strace $0x80000046;
	[dreg:$0x1] =	wrdreg $0xFFFFFFFF  }
0xa7: {  	s28 =	simm.s32 $_size_execute0_lowered;
	s2 =	sadd.s32 s2, s4;
	[dreg:$0x0] =	wrdreg $0x0  }
0xa8: {  	s4 =	sshll.u32 s28, $0x1;
	[dreg:$0x2] =	wrdreg s2  }
0xa9: {  	[dreg:$0x3] =	wrdreg s4  }
0xaa: {  	[dreg:$0x4] =	wrdreg $0xC0  }
0xab: {  	_ =	task [dreg:s6], $0x5FFFF  }
0xac: {  	[dreg:$0x1] =	wrdreg $0xFFFFFFFF  }
0xad: {  	[dreg:$0x0] =	wrdreg $0x60  }
0xae: {  	[dreg:$0x2] =	wrdreg s24  }
0xaf: {  	[dreg:$0x3] =	wrdreg $0x40900  }
0xb0: {  	[dreg:$0x4] =	wrdreg $0x9  }
0xb1: {  	_ =	task.clear_ibuf [dreg:s6], $0x5FFFF;
	_ =	strace $0x90000046  }
0xb2: {  	s29 =	simm.s32 $0x9;
	_ =	strace $0x80000048  }
0xb3: {  	_ =	swait.ge [sflag:s29], $0x1  }
0xb4: {  	[sflag:s29] =	ssyncadd.s32 $0xFFFFFFFF  }
0xb5: {  	_ =	strace $0x90000048  }
0xb6: {  	_ =	sfence  }
0xb7: {  	s30 =	sld [smem:$0x0];
	_ =	sdelay $0x2  }
0xb8: {  	s31 =	sshll.u32 s1, $0xD;
	s1 =	sshrl.u32 s1, $0x2  }
0xb9: {  	s3 =	sand.u32 $0x4000, s31;
	s1 =	sadd.s32 s1, s30  }
0xba: {  	s0 =	sor.u32 s3, s0;
	s1 =	sshll.u32 s1, $0x11  }
0xbb: {  	s0 =	sor.u32 s1, s0  }
0xbc: {  	s0 =	sadd.s32 $0x8F2B, s0  }
0xbd: {  	[sflag:s0] =	ssyncadd.remote.s32 $0x1  }
0xbe: {  	_ =	sfence.sel $0xFFFF  }
0xbf: {  	[dreg:$0x0] =	wrdreg $0xFFFFFFFF;
	(pc) =	sbr.abs _section_cstart, $3  }
0xc0: {  	[dreg:$0x1] =	wrdreg $0xFFFFFFFF  }
0xc1: {  	_ =	task.clear_ibuf [dreg:s6], $0x2FFFF;
	_ =	strace $0x9FFFFFFF  }
0xc2: {  	(tm) =	ssettm $0x7FFFFFFF  }
0xc3: {  	_ =	shalt  }
tec
execute0_lowered:
.L_overlay_start_1:
0x0: {  	(tag) =	ssettag $0x1  }
0x1: {  	s0 =	srdreg.scid;
	s4 =	rddreg [dreg:$0x0]  }
0x2: {  	s2 =	rddreg [dreg:$0x1];
	s1 =	stileid.u32  }
0x3: {  	s3 =	simm.s32 $0x0;
	s13 =	simm.s32 $0x3390;
	s14 =	simm.s32 $0xC8  }
0x4: {  	s15 =	simm.s32 $0x2710;
	s5 =	sand.u32 $0x1, s0;
	s0 =	rddreg [dreg:$0x2]  }
0x5: {  	s18 =	simm.s32 $0x0;
	[smem:$0x7FF] =	sst s3;
	s7 =	smul.u32 $0x9C00, s1  }
0x6: {  	s9 =	sadd.s32 $0x16000, s4;
	s10 =	smul.u32 $0x2700, s1;
	p0 =	sne.s32 s1, $0xF  }
0x7: {  	s16 =	sshll.u32 s1, $0x6;
	s6 =	sshll.u32 s5, $0x4;
	_ =	strace $0x80000047  }
0x8: {  	s30 =	ssub.s32 $0x2, s5;
	s31 =	smul.u32 $0x27100, s5;
	s16 =	sor.u32 $0x1C01, s16  }
0x9: {  	s6 =	sor.u32 s1, s6;
	s8 =	sshrl.u32 s30, $0x1;
	s7 =	sshrl.u32 s7, $0x2  }
0xa: {  	s5 =	sadd.s32 s10, s2;
	s6 =	smul.u32 $0x4E2, s6;
	s11 =	ssub.s32 s30, s8  }
0xb: {  	s7 =	sadd.s32 s7, s2;
	s10 =	sadd.s32 s10, s31;
	s12 =	sshrl.u32 s31, $0x3  }
0xc: {  	s8 =	sadd.s32 $0x27000, s2;
	s17 =	sshrl.u32 s5, $0x3;
	s10 =	sshrl.u32 s10, $0x3  }
0xd: {  	s12 =	sadd.s32 s9, s12;
	s11 =	smax.u32 s11, $0x1;
	s6 =	sadd.s32 s6, s4  }
0xe: {  	s9 =	sadd.s32 s9, s10;
	s10 =	sadd.s32 $0x4E00, s12;
	s12 =	simm.s32 $0x1  }
0xf: {  	v0 =	vimm.f32 $1.000000000e+00;
	v1 =	vimm.f32 $0.0e+00;
	s4 =	sadd.s32 $0xC200, s6;
	s6 =	sadd.s32 $0xD00, s7;
	s7 =	sadd.s32 $0x1A00, s7  }
.LBB2_1:
0x10: {  	[tilespmem:s3], [sflag:$0x1] =	stream.linear.gather [hbm4b:s4+s3], $0x2710, $0x38;
	[tilespmem:$0x67A0] =	vst v63  }
0x11: {  	_ =	swait.ge [sflag:s12], $0x2710  }
0x12: {  	[sflag:s12] =	ssyncset.done $0x0  }
0x13: {  	s19 =	simm.s32 $0x0;
	[sflag:s12] =	ssyncadd.s32 $0xFFFFD8F0  }
.LBB2_2:
0x14: {  	p1 =	sne.s32 s19, $0x31C0  }
.Ltmp0:
0x15: {  	_ = 	snop;
	(pc) =	sbr.rel @p1 .LBB2_2-.Ltmp0, $3  }
0x16: {  	_ =	sdelay $0x1  }
0x17: {  	s20 =	sshra.s32 s19, $0x2  }
0x18: {  	s19 =	sadd.s32 $0x40, s19;
	[tilespmem:s20+$0x2710] =	vst v0  }
0x19: {  	s19 =	simm.s32 $0x40;
	s20 =	simm.s32 $0x0  }
.LBB2_4:
0x1a: {  	p1 =	sne.s32 s19, $0x33C0;
	[tilespmem:s20+$0x3390] =	vst v1;
	s20 =	smov.u32 s19;
	s19 =	sadd.s32 $0x40, s19  }
.Ltmp1:
0x1b: {  	(pc) =	sbr.rel @p1 .LBB2_4-.Ltmp1, $2  }
0x1c: {  	_ =	sdelay $0x2  }
0x1d: {  	s20 =	sshra.s32 s20, $0x2  }
0x1e: {  	[tilespmem:s20+$0x3390] =	vst v1  }
0x1f: {  	[spmem:s5] =	stream.linear.scatter [tilespmem:s13], [sflag:$0x1], $0xD00, $0x38;
	[tilespmem:$0x67A0] =	vst v63  }
0x20: {  	_ =	swait.ge [sflag:s12], $0xD00  }
0x21: {  	[sflag:s12] =	ssyncset.done $0x0  }
0x22: {  	[sflag:s12] =	ssyncadd.s32 $0xFFFFF300  }
0x23: {  	[spmem:s6] =	stream.linear.scatter [tilespmem:s13], [sflag:$0x1], $0xD00, $0x38;
	[tilespmem:$0x67A0] =	vst v63  }
0x24: {  	_ =	swait.ge [sflag:s12], $0xD00  }
0x25: {  	[sflag:s12] =	ssyncset.done $0x0  }
0x26: {  	[sflag:s12] =	ssyncadd.s32 $0xFFFFF300  }
0x27: {  	[spmem:s7] =	stream.linear.scatter [tilespmem:s13], [sflag:$0x1], $0xD00, $0x38;
	[tilespmem:$0x67A0] =	vst v63  }
0x28: {  	_ =	swait.ge [sflag:s12], $0xD00  }
0x29: {  	[sflag:s12] =	ssyncset.done $0x0  }
0x2a: {  	s19 =	simm.s32 @!p0 $0x3390;
	[sflag:s12] =	ssyncadd.s32 $0xFFFFF300  }
0x2b: {  	[spmem:s8] =	stream.linear.scatter @!p0 [tilespmem:s19], [sflag:$0x1], $0x100, $0x38;
	[tilespmem:$0x67A0] =	vst v63  }
0x2c: {  	s19 =	simm.s32 @!p0 $0x1  }
0x2d: {  	_ =	swait.ge @!p0 [sflag:s19], $0x100  }
0x2e: {  	[sflag:s19] =	ssyncset.done @!p0 $0x0  }
0x2f: {  	[sflag:s19] =	ssyncadd.s32 @!p0 $0xFFFFFF00  }
0x30: {  	s31 =	simm.s32 $0x0;
	[bflag:$0x0] =	sbarrier.arrive $0xFFFF  }
0x31: {  	[spmem:s2] =	stream.indirect.scatter.add.f32 [tilespmem:s15], [sflag:$0x1], $0x10, s31, s14, $0xb8;
	[tilespmem:$0x67A0] =	vst v63  }
0x32: {  	_ =	swait.ge [sflag:s12], $0xC80  }
0x33: {  	s19 =	simm.s32 $0x320;
	[sflag:s12] =	ssyncset.done $0x0  }
.LBB2_6:
0x34: {  	s20 =	sshra.s32 s19, $0x2;
	[sflag:s12] =	ssyncadd.s32 $0xFFFFF380;
	p1 =	sne.s32 s19, $0x9920  }
0x35: {  	[spmem:s2] =	stream.indirect.scatter.add.f32 [tilespmem:s15], [sflag:$0x1], $0x10, s20, s14, $0xb8;
	[tilespmem:$0x67A0] =	vst v63  }
.Ltmp2:
0x36: {  	_ = 	snop;
	(pc) =	sbr.rel @p1 .LBB2_6-.Ltmp2, $4  }
0x37: {  	_ = 	snop  }
0x38: {  	s19 =	sadd.s32 $0x320, s19  }
0x39: {  	_ =	swait.ge [sflag:s12], $0xC80  }
0x3a: {  	[sflag:s12] =	ssyncset.done $0x0  }
0x3b: {  	[sflag:s12] =	ssyncadd.s32 $0xFFFFF380  }
0x3c: {  	[bflag:$0x0] =	sbarrier.arrive $0xFFFF  }
0x3d: {  	[hbm:s9], [sflag:s16] =	dma.local [spmem:s17], $0x4E0  }
0x3e: {  	_ =	swait.ge [sflag:s12], $0x4E0  }
0x3f: {  	s18 =	sadd.s32 $0x1, s18;
	[sflag:s12] =	ssyncset.done $0x0  }
0x40: {  	s19 =	sshrl.u32 @!p0 s8, $0x3;
	p1 =	sne.s32 s18, s11;
	[sflag:s12] =	ssyncadd.s32 $0xFFFFFB20  }
0x41: {  	[hbm:s10], [sflag:s16] =	dma.local @!p0 [spmem:s19], $0x20  }
.Ltmp3:
0x42: {  	_ = 	snop;
	(pc) =	sbr.rel @p1 .LBB2_1-.Ltmp3, $4  }
0x43: {  	s19 =	simm.s32 @!p0 $0x1  }
0x44: {  	_ =	swait.ge @!p0 [sflag:s19], $0x20  }
0x45: {  	[sflag:s19] =	ssyncset.done @!p0 $0x0  }
0x46: {  	[sflag:s19] =	ssyncadd.s32 @!p0 $0xFFFFFFE0  }
0x47: {  	_ =	sfence.sel $0x180000  }
0x48: {  	[bflag:$0x0] =	sbarrier.arrive $0xFFFF  }
0x49: {  	p0 =	sne.s32 s1, $0x0;
	_ =	strace $0x90000047  }
0x4a: {  	s0 =	sadd.s32 @!p0 $0x100000, s0;
	[bflag:$0x2] =	sbarrier.arrive $0xFFFF  }
0x4b: {  	[sflag:s0] =	ssyncadd.tile.s32 @!p0 $0x1;
	_ =	shalt  }
.Lfunc_end2:
_tile_overlayer_lowered:
.L_overlay_start_2:
0x4c: {  	(tag) =	ssettag $0x2  }
0x4d: {  	s0 =	rddreg [dreg:$0x0];
	s2 =	stileid.u32  }
0x4e: {  	s1 =	rddreg [dreg:$0x1];
	p0 =	sne.s32 s2, $0x0  }
0x4f: {  	s3 =	rddreg [dreg:$0x2];
	[bflag:$0x3] =	sbarrier.arrive $0xFFFF;
	s2 =	simm.s32 @!p0 $0x1C01  }
0x50: {  	[timem:s3], [sflag:s2] =	dma.local @!p0 [hbm:s0], s1  }
0x51: {  	s0 =	simm.s32 @!p0 $0x1  }
0x52: {  	_ =	swait.ge @!p0 [sflag:s0], s1  }
0x53: {  	s1 =	ssub.s32 @!p0 $0x0, s1;
	[sflag:s0] =	ssyncset.done @!p0 $0x0  }
0x54: {  	[sflag:s0] =	ssyncadd.s32 @!p0 s1  }
0x55: {  	[bflag:$0x3] =	sbarrier.arrive $0xFFFF  }
0x56: {  	_ =	shalt  }

// kernel: kernel.14.cloned.1.call-start
scs
__scs_entry_jumppad:
0x0: {  	(pc) =	sbr.rel $0x88, $3  }
0x1: {  	(tag) =	ssettag $0x0;
	lr =	simm.s32 $0x1  }
0x2: {  	[smem:$0x3F96] =	sst lr;
	_ =	strace $0xD0000000  }
0x3: {  	_ = 	snop  }
0x4: {  	_ = 	snop  }
0x5: {  	_ = 	snop  }
0x6: {  	_ = 	snop  }
0x7: {  	_ = 	snop  }
__scs_overlays_trampoline_lowered:
0x8: {  	[smem:$0x3FA5] =	sst s0  }
0x9: {  	[smem:$0x3FA6] =	sst s1  }
0xa: {  	[smem:$0x3FA7] =	sst s2  }
0xb: {  	[smem:$0x3FA8] =	sst s3  }
0xc: {  	[smem:$0x3FA9] =	sst s4  }
0xd: {  	[smem:$0x3FAA] =	sst s5  }
0xe: {  	[smem:$0x3FAB] =	sst s6  }
0xf: {  	[smem:$0x3FAC] =	sst s7  }
0x10: {  	[smem:$0x3FAD] =	sst s8  }
0x11: {  	[smem:$0x3FAE] =	sst s9;
	s0 =	simm.s32 @!p0 $0x0  }
0x12: {  	s1 =	sld [smem:$0x3F94];
	s0 =	simm.s32 @p0 $0x1  }
0x13: {  	[smem:$0x3FAF] =	sst s0;
	s0 =	simm.s32 @!p1 $0x0  }
0x14: {  	s2 =	sld [smem:$0x3F93];
	s0 =	simm.s32 @p1 $0x1  }
0x15: {  	[smem:$0x3FB0] =	sst s0;
	s0 =	simm.s32 @!p2 $0x0  }
0x16: {  	s3 =	sld [smem:$0x3FDB];
	s0 =	simm.s32 @p2 $0x1  }
0x17: {  	s4 =	simm.s32 $0x1BF5;
	[smem:$0x3FB2] =	sst s0  }
0x18: {  	s0 =	sld [smem:$0x3F95];
	_ =	swait.ge [sflag:s4], $0x0  }
0x19: {  	s7 =	sld [smem:$0x3F96]  }
0x1a: {  	s8 =	sadd.s32 $0xFFFFE003, lr  }
0x1b: {  	s9 =	sadd.s32 $0xFFFFFEF7, lr;
	s5 =	simm.s32 $0xFFFFFFFF;
	p2 =	slt.u32 s8, $0xFFFFF086  }
0x1c: {  	p1 =	slt.u32 s9, $0xF7A;
	s5 =	simm.s32 @!p2 $0x0  }
0x1d: {  	s5 =	simm.s32 @p1 $0x1;
	p0 =	seq.s32 s7, s2  }
0x1e: {  	s7 =	smul.u32 @!p0 $0xF7A, s2;
	p2 =	seq.s32 @!p0 s5, $0x0  }
0x1f: {  	s9 =	smul.u32 $0xF7A, s1;
	s8 =	simm.s32 @!p0 $0x1BF5;
	p2 =	por !p2, p0  }
0x20: {  	[sflag:s8] =	ssyncset.s32 @!p0 $0xFFFFF086;
	s6 =	sadd.s32 @!p0 s3, s7;
	s7 =	simm.s32 @!p0 $0x108  }
0x21: {  	s3 =	sadd.s32 s3, s9;
	s6 =	sadd.s32 @!p0 $0x88, s6;
	s7 =	simm.s32 @p2 $0x1082  }
0x22: {  	[simem:s7], [sflag:s8] =	dma.local @!p0 [hbm:s6], $0xF7A  }
0x23: {  	s9 =	sor.u32 $0xD0000000, s2;
	s6 =	simm.s32 $0x108;
	_ =	swait.ge @!p0 [sflag:s8], $0x0  }
0x24: {  	s3 =	sadd.s32 $0x88, s3;
	s6 =	simm.s32 @!p1 $0x1082;
	[sflag:s4] =	ssyncset.s32 $0xFFFFF086  }
0x25: {  	[simem:s6], [sflag:s4] =	dma.local [hbm:s3], $0xF7A  }
0x26: {  	[smem:$0x3F96] =	sst s1;
	(tag) =	ssettag s2;
	_ =	strace s9  }
0x27: {  	s1 =	sld [smem:$0x3FA6]  }
0x28: {  	s2 =	sld [smem:$0x3FA7]  }
0x29: {  	s4 =	sld [smem:$0x3FA9]  }
0x2a: {  	p0 =	seq.s32 s5, $0x0;
	s5 =	sld [smem:$0x3FAA]  }
0x2b: {  	s6 =	sld [smem:$0x3FAB]  }
0x2c: {  	s7 =	sld [smem:$0x3FAC]  }
0x2d: {  	s3 =	simm.s32 $0x108;
	s8 =	sld [smem:$0x3FAD]  }
0x2e: {  	s3 =	simm.s32 @!p0 $0x1082;
	s9 =	sld [smem:$0x3FAE]  }
0x2f: {  	lr =	sadd.s32 s0, s3;
	s0 =	sld [smem:$0x3FA5]  }
0x30: {  	s3 =	sld [smem:$0x3FA8]  }
0x31: {  	[smem:$0x3FB1] =	sst s10  }
0x32: {  	s10 =	sld [smem:$0x3FAF];
	_ =	sdelay $0x3  }
0x33: {  	p0 =	seq.s32 s10, $0x1;
	s10 =	sld [smem:$0x3FB1];
	_ =	sdelay $0x3  }
0x34: {  	[smem:$0x3FB1] =	sst s10  }
0x35: {  	s10 =	sld [smem:$0x3FB0];
	_ =	sdelay $0x3  }
0x36: {  	p1 =	seq.s32 s10, $0x1;
	s10 =	sld [smem:$0x3FB1];
	_ =	sdelay $0x3  }
0x37: {  	[smem:$0x3FB1] =	sst s10  }
0x38: {  	s10 =	sld [smem:$0x3FB2]  }
0x39: {  	_ = 	snop;
	(pc) =	sbr.ind lr, $3  }
0x3a: {  	_ = 	snop  }
0x3b: {  	_ = 	snop  }
0x3c: {  	p2 =	seq.s32 s10, $0x1;
	s10 =	sld [smem:$0x3FB1]  }
0x3d: {  	_ =	shalt  }
0x3e: {  	_ =	shalt  }
0x3f: {  	_ =	shalt  }
0x40: {  	_ =	shalt  }
0x41: {  	_ =	shalt  }
0x42: {  	_ =	shalt  }
0x43: {  	_ =	shalt  }
0x44: {  	_ =	shalt  }
0x45: {  	_ =	shalt  }
0x46: {  	_ =	shalt  }
0x47: {  	_ =	shalt  }
0x48: {  	_ =	shalt  }
0x49: {  	_ =	shalt  }
0x4a: {  	_ =	shalt  }
0x4b: {  	_ =	shalt  }
0x4c: {  	_ =	shalt  }
0x4d: {  	_ =	shalt  }
0x4e: {  	_ =	shalt  }
0x4f: {  	_ =	shalt  }
0x50: {  	_ =	shalt  }
0x51: {  	_ =	shalt  }
0x52: {  	_ =	shalt  }
0x53: {  	_ =	shalt  }
0x54: {  	_ =	shalt  }
0x55: {  	_ =	shalt  }
0x56: {  	_ =	shalt  }
0x57: {  	_ =	shalt  }
0x58: {  	_ =	shalt  }
0x59: {  	_ =	shalt  }
0x5a: {  	_ =	shalt  }
0x5b: {  	_ =	shalt  }
0x5c: {  	_ =	shalt  }
0x5d: {  	_ =	shalt  }
0x5e: {  	_ =	shalt  }
0x5f: {  	_ =	shalt  }
0x60: {  	_ =	shalt  }
0x61: {  	_ =	shalt  }
0x62: {  	_ =	shalt  }
0x63: {  	_ =	shalt  }
0x64: {  	_ =	shalt  }
0x65: {  	_ =	shalt  }
0x66: {  	_ =	shalt  }
0x67: {  	_ =	shalt  }
0x68: {  	_ =	shalt  }
0x69: {  	_ =	shalt  }
0x6a: {  	_ =	shalt  }
0x6b: {  	_ =	shalt  }
0x6c: {  	_ =	shalt  }
0x6d: {  	_ =	shalt  }
0x6e: {  	_ =	shalt  }
0x6f: {  	_ =	shalt  }
0x70: {  	_ =	shalt  }
0x71: {  	_ =	shalt  }
0x72: {  	_ =	shalt  }
0x73: {  	_ =	shalt  }
0x74: {  	_ =	shalt  }
0x75: {  	_ =	shalt  }
0x76: {  	_ =	shalt  }
0x77: {  	_ =	shalt  }
0x78: {  	_ =	shalt  }
0x79: {  	_ =	shalt  }
0x7a: {  	_ =	shalt  }
0x7b: {  	_ =	shalt  }
0x7c: {  	_ =	shalt  }
0x7d: {  	_ =	shalt  }
0x7e: {  	_ =	shalt  }
0x7f: {  	_ =	shalt  }
0x80: {  	_ =	shalt  }
0x81: {  	_ =	shalt  }
0x82: {  	_ =	shalt  }
0x83: {  	_ =	shalt  }
0x84: {  	_ =	shalt  }
0x85: {  	_ =	shalt  }
0x86: {  	_ =	shalt  }
0x87: {  	_ =	shalt  }
.Lfunc_end0:
.L_simem_size_0:
called_computation.1_lowered:
.L_overlay_start_0:
0x88: {  	s2 =	sld [smem:$0x3FD9]  }
0x89: {  	s3 =	sld [smem:$0x3FFE];
	_ =	sdelay $0x1  }
0x8a: {  	s1 =	srdreg.scid  }
0x8b: {  	s0 =	sand.u32 $0x1, s1  }
0x8c: {  	s16 =	sshll.u32 s0, $0xA;
	s2 =	sadd.s32 s3, s2  }
0x8d: {  	s2 =	sadd.s32 s2, s16  }
0x8e: {  	[smem:$0x3FBD] =	sst s2  }
0x8f: {  	_ = 	snop  }
0x90: {  	(tm) =	ssettm $0x1  }
0x91: {  	s17 =	sld [smem:$0x3FFB];
	_ =	sdelay $0x3  }
0x92: {  	_ =	strace s17  }
0x93: {  	s2 =	sld [smem:$0x3FFC];
	_ =	sdelay $0x3  }
0x94: {  	_ =	strace s2  }
0x95: {  	s2 =	sld [smem:$0x3FFD];
	_ =	sdelay $0x3  }
0x96: {  	_ =	strace s2  }
0x97: {  	_ =	strace $0x8FFFFFFF  }
0x98: {  	s18 =	sld [smem:$0x3FDB];
	_ =	sdelay $0x1  }
0x99: {  	s19 =	simm.s32 $_scs_section_size  }
0x9a: {  	s4 =	simm.s32 $_size__tile_overlayer_lowered;
	s5 =	simm.s32 $_tile_overlayer_lowered  }
0x9b: {  	s22 =	simm.s32 $0x1BFF;
	s21 =	sshll.u32 s5, $0x1;
	s2 =	sadd.s32 s19, s18  }
0x9c: {  	s6 =	simm.s32 $0x0;
	s20 =	sshll.u32 s4, $0x1;
	s4 =	sadd.s32 s21, s2  }
0x9d: {  	[timem:s6], [sflag:s22] =	dma.local [hbm:s4], s20  }
0x9e: {  	_ =	swait.ge [sflag:s22], s20  }
0x9f: {  	s3 =	ssub.s32 $0x0, s20;
	[sflag:s22] =	ssyncset.done $0x0  }
0xa0: {  	[sflag:s22] =	ssyncadd.s32 s3;
	_ =	sdelay $0x1  }
0xa1: {  	s23 =	simm.s32 $0x1B8B  }
0xa2: {  	_ =	swait.ge [sflag:s23], $0x1  }
0xa3: {  	[sflag:s23] =	ssyncset.done $0x0  }
0xa4: {  	s25 =	simm.s32 $0x1B8E;
	s24 =	sld [smem:$0x3FFE];
	[sflag:s23] =	ssyncadd.s32 $0xFFFFFFFF  }
0xa5: {  	s26 =	simm.s32 $execute0_lowered;
	[smem:$0x3FD2] =	sst s25  }
0xa6: {  	s4 =	sshll.u32 s26, $0x1;
	_ =	strace $0x80000049;
	[dreg:$0x1] =	wrdreg $0xFFFFFFFF  }
0xa7: {  	s28 =	simm.s32 $_size_execute0_lowered;
	s2 =	sadd.s32 s2, s4;
	[dreg:$0x0] =	wrdreg $0x0  }
0xa8: {  	s4 =	sshll.u32 s28, $0x1;
	[dreg:$0x2] =	wrdreg s2  }
0xa9: {  	[dreg:$0x3] =	wrdreg s4  }
0xaa: {  	[dreg:$0x4] =	wrdreg $0xC0  }
0xab: {  	_ =	task [dreg:s6], $0x5FFFF  }
0xac: {  	[dreg:$0x1] =	wrdreg $0xFFFFFFFF  }
0xad: {  	[dreg:$0x0] =	wrdreg $0x60  }
0xae: {  	[dreg:$0x2] =	wrdreg s24  }
0xaf: {  	[dreg:$0x3] =	wrdreg $0x14A200  }
0xb0: {  	[dreg:$0x4] =	wrdreg $0x9  }
0xb1: {  	_ =	task.clear_ibuf [dreg:s6], $0x5FFFF;
	_ =	strace $0x90000049  }
0xb2: {  	s29 =	simm.s32 $0x9;
	_ =	strace $0x8000004B  }
0xb3: {  	_ =	swait.ge [sflag:s29], $0x1  }
0xb4: {  	[sflag:s29] =	ssyncadd.s32 $0xFFFFFFFF  }
0xb5: {  	_ =	strace $0x9000004B  }
0xb6: {  	_ =	sfence  }
0xb7: {  	s30 =	sld [smem:$0x0];
	_ =	sdelay $0x2  }
0xb8: {  	s31 =	sshll.u32 s1, $0xD;
	s1 =	sshrl.u32 s1, $0x2  }
0xb9: {  	s3 =	sand.u32 $0x4000, s31;
	s1 =	sadd.s32 s1, s30  }
0xba: {  	s0 =	sor.u32 s3, s0;
	s1 =	sshll.u32 s1, $0x11  }
0xbb: {  	s0 =	sor.u32 s1, s0  }
0xbc: {  	s0 =	sadd.s32 $0x8F2B, s0  }
0xbd: {  	[sflag:s0] =	ssyncadd.remote.s32 $0x1  }
0xbe: {  	_ =	sfence.sel $0xFFFF  }
0xbf: {  	[dreg:$0x0] =	wrdreg $0xFFFFFFFF;
	(pc) =	sbr.abs _section_cstart, $3  }
0xc0: {  	[dreg:$0x1] =	wrdreg $0xFFFFFFFF  }
0xc1: {  	_ =	task.clear_ibuf [dreg:s6], $0x2FFFF;
	_ =	strace $0x9FFFFFFF  }
0xc2: {  	(tm) =	ssettm $0x7FFFFFFF  }
0xc3: {  	_ =	shalt  }
tec
execute0_lowered:
.L_overlay_start_1:
0x0: {  	(tag) =	ssettag $0x1  }
0x1: {  	s0 =	rddreg [dreg:$0x0]  }
0x2: {  	s1 =	rddreg [dreg:$0x1];
	s2 =	srdreg.scid;
	s3 =	simm.s32 $0x0  }
0x3: {  	s15 =	stileid.u32;
	s14 =	simm.s32 $0x5;
	s16 =	simm.s32 $0x11620  }
0x4: {  	s17 =	simm.s32 $0xC8;
	s18 =	simm.s32 $0x4E20;
	s19 =	simm.s32 $0x8020  }
0x5: {  	s21 =	simm.s32 $0xB220;
	s23 =	simm.s32 $0xE420;
	s24 =	simm.s32 $0x1  }
0x6: {  	s25 =	simm.s32 $0x2;
	s26 =	simm.s32 $0x3;
	s28 =	simm.s32 $0x4  }
0x7: {  	s20 =	simm.s32 $0x4BC8;
	s22 =	simm.s32 $0x4D58;
	s29 =	simm.s32 $0x0  }
0x8: {  	s2 =	sand.u32 $0x1, s2;
	[smem:$0x7FF] =	sst s3;
	s7 =	smul.u32 $0x27000, s15  }
0x9: {  	s10 =	smul.u32 $0x9C00, s15;
	p0 =	sne.s32 s15, $0xF;
	s4 =	sshll.u32 s2, $0x4  }
0xa: {  	_ =	strace $0x8000004A;
	s6 =	ssub.s32 $0x2, s2;
	s2 =	smul.u32 $0x9C400, s2  }
0xb: {  	s4 =	sor.u32 s15, s4;
	s30 =	sshrl.u32 s6, $0x1;
	s31 =	sshrl.u32 s7, $0x2  }
0xc: {  	s7 =	sadd.s32 s10, s1;
	s15 =	simm.s32 $0x4B00;
	s5 =	smul.u32 $0x4E2, s4  }
0xd: {  	s4 =	sadd.s32 $0x16000, s0;
	s13 =	ssub.s32 s6, s30;
	s9 =	sadd.s32 s31, s1  }
0xe: {  	s11 =	sadd.s32 s10, s2;
	s2 =	sshrl.u32 s2, $0x3;
	s10 =	sadd.s32 $0x9C000, s1  }
0xf: {  	s11 =	sshrl.u32 s11, $0x3;
	s13 =	smax.u32 s13, $0x1;
	s8 =	sadd.s32 s5, s0  }
0x10: {  	s0 =	sadd.s32 $0x29A00, s0;
	s5 =	sadd.s32 $0x2400, s8;
	s6 =	sadd.s32 $0xC200, s8  }
0x11: {  	s8 =	sadd.s32 $0x3400, s9;
	s9 =	sadd.s32 $0x6800, s9;
	s2 =	sadd.s32 s0, s2  }
0x12: {  	v0 =	vimm.f32 $0.0e+00;
	s11 =	sadd.s32 s0, s11;
	s12 =	sadd.s32 $0x13800, s2;
	s2 =	simm.s32 $0x4C90  }
.LBB2_1:
0x13: {  	[tilespmem:s3], [sflag:$0x5] =	stream.linear.gather [hbm4b:s5+s3], $0x2710, $0x38;
	[tilespmem:$0x1E660] =	vst v63  }
0x14: {  	_ =	swait.ge [sflag:s14], $0x2710  }
0x15: {  	[sflag:s14] =	ssyncset.done $0x0  }
0x16: {  	s0 =	simm.s32 $0x2710;
	[sflag:s14] =	ssyncadd.s32 $0xFFFFD8F0  }
0x17: {  	[tilespmem:s0], [sflag:$0x5] =	stream.linear.gather [hbm4b:s6+s3], $0x2710, $0x38;
	[tilespmem:$0x1E660] =	vst v63  }
0x18: {  	_ =	swait.ge [sflag:s14], $0x2710  }
0x19: {  	[sflag:s14] =	ssyncset.done $0x0  }
0x1a: {  	s31 =	simm.s32 $0x100;
	s30 =	simm.s32 $0x0;
	[sflag:s14] =	ssyncadd.s32 $0xFFFFD8F0  }
.LBB2_2:
0x1b: {  	p1 =	sne.s32 s31, $0xCF00;
	[tilespmem:s30+$0x11650] =	vst v0;
	s0 =	smov.u32 s31;
	s31 =	sadd.s32 $0x100, s31  }
.Ltmp0:
0x1c: {  	[tilespmem:s30+$0x11640] =	vst v0;
	(pc) =	sbr.rel @p1 .LBB2_2-.Ltmp0, $3  }
0x1d: {  	[tilespmem:s30+$0x11620] =	vst v0  }
0x1e: {  	[tilespmem:s30+$0x11630] =	vst v0;
	_ =	sdelay $0x1  }
0x1f: {  	s30 =	sshra.s32 s0, $0x2  }
0x20: {  	[tilespmem:s30+$0x11650] =	vst v0  }
0x21: {  	[tilespmem:s30+$0x11640] =	vst v0  }
0x22: {  	[tilespmem:s30+$0x11620] =	vst v0  }
0x23: {  	[tilespmem:s30+$0x11630] =	vst v0  }
0x24: {  	[spmem:s7] =	stream.linear.scatter [tilespmem:s16], [sflag:$0x5], $0x3400, $0x38;
	[tilespmem:$0x1E660] =	vst v63  }
0x25: {  	_ =	swait.ge [sflag:s14], $0x3400  }
0x26: {  	[sflag:s14] =	ssyncset.done $0x0  }
0x27: {  	[sflag:s14] =	ssyncadd.s32 $0xFFFFCC00  }
0x28: {  	[spmem:s8] =	stream.linear.scatter [tilespmem:s16], [sflag:$0x5], $0x3400, $0x38;
	[tilespmem:$0x1E660] =	vst v63  }
0x29: {  	_ =	swait.ge [sflag:s14], $0x3400  }
0x2a: {  	[sflag:s14] =	ssyncset.done $0x0  }
0x2b: {  	[sflag:s14] =	ssyncadd.s32 $0xFFFFCC00  }
0x2c: {  	[spmem:s9] =	stream.linear.scatter [tilespmem:s16], [sflag:$0x5], $0x3400, $0x38;
	[tilespmem:$0x1E660] =	vst v63  }
0x2d: {  	_ =	swait.ge [sflag:s14], $0x3400  }
0x2e: {  	[sflag:s14] =	ssyncset.done $0x0  }
0x2f: {  	s0 =	simm.s32 @!p0 $0x11620;
	[sflag:s14] =	ssyncadd.s32 $0xFFFFCC00  }
0x30: {  	[spmem:s10] =	stream.linear.scatter @!p0 [tilespmem:s0], [sflag:$0x5], $0x400, $0x38;
	[tilespmem:$0x1E660] =	vst v63  }
0x31: {  	s0 =	simm.s32 @!p0 $0x5  }
0x32: {  	_ =	swait.ge @!p0 [sflag:s0], $0x400  }
0x33: {  	[sflag:s0] =	ssyncset.done @!p0 $0x0  }
0x34: {  	[sflag:s0] =	ssyncadd.s32 @!p0 $0xFFFFFC00  }
0x35: {  	s0 =	simm.s32 $0x0;
	[bflag:$0x0] =	sbarrier.arrive $0xFFFF  }
0x36: {  	[tilespmem:s18], [sflag:$0x1] =	stream.indirect.gather [hbm4b:s4+s17], $0x40, s0, s17, $0xb8;
	[tilespmem:$0x1E660] =	vst v63  }
0x37: {  	_ = 	snop  }
0x38: {  	[tilespmem:s19], [sflag:$0x2] =	stream.indirect.gather [hbm4b:s4+s17], $0x40, s17, s17, $0xb8;
	[tilespmem:$0x1E660] =	vst v63  }
0x39: {  	s0 =	simm.s32 $0x190  }
0x3a: {  	[tilespmem:s21], [sflag:$0x3] =	stream.indirect.gather [hbm4b:s4+s17], $0x40, s0, s17, $0xb8;
	[tilespmem:$0x1E660] =	vst v63  }
0x3b: {  	s0 =	simm.s32 $0x258  }
0x3c: {  	[tilespmem:s23], [sflag:$0x4] =	stream.indirect.gather [hbm4b:s4+s17], $0x40, s0, s17, $0xb8;
	[tilespmem:$0x1E660] =	vst v63  }
0x3d: {  	_ =	swait.ge [sflag:s24], $0x3200  }
0x3e: {  	[sflag:s24] =	ssyncset.done $0x0  }
0x3f: {  	s0 =	simm.s32 $0x2710;
	[sflag:s24] =	ssyncadd.s32 $0xFFFFCE00  }
0x40: {  	[spmem:s1] =	stream.indirect.scatter.add.f32 [tilespmem:s18], [sflag:$0x5], $0x40, s0, s17, $0xb8;
	[tilespmem:$0x1E660] =	vst v63  }
0x41: {  	_ =	swait.ge [sflag:s14], $0x3200  }
0x42: {  	[sflag:s14] =	ssyncset.done $0x0  }
0x43: {  	s0 =	simm.s32 $0x320;
	[sflag:s14] =	ssyncadd.s32 $0xFFFFCE00  }
0x44: {  	[tilespmem:s18], [sflag:$0x1] =	stream.indirect.gather [hbm4b:s4+s17], $0x40, s0, s17, $0xb8;
	[tilespmem:$0x1E660] =	vst v63  }
0x45: {  	_ =	swait.ge [sflag:s25], $0x3200  }
0x46: {  	[sflag:s25] =	ssyncset.done $0x0  }
0x47: {  	s0 =	simm.s32 $0x27D8;
	[sflag:s25] =	ssyncadd.s32 $0xFFFFCE00  }
0x48: {  	[spmem:s1] =	stream.indirect.scatter.add.f32 [tilespmem:s19], [sflag:$0x5], $0x40, s0, s17, $0xb8;
	[tilespmem:$0x1E660] =	vst v63  }
0x49: {  	_ =	swait.ge [sflag:s14], $0x3200  }
0x4a: {  	[sflag:s14] =	ssyncset.done $0x0  }
0x4b: {  	s0 =	simm.s32 $0x3E8;
	[sflag:s14] =	ssyncadd.s32 $0xFFFFCE00  }
0x4c: {  	[tilespmem:s19], [sflag:$0x2] =	stream.indirect.gather [hbm4b:s4+s17], $0x40, s0, s17, $0xb8;
	[tilespmem:$0x1E660] =	vst v63  }
0x4d: {  	_ =	swait.ge [sflag:s26], $0x3200  }
0x4e: {  	[sflag:s26] =	ssyncset.done $0x0  }
0x4f: {  	s0 =	simm.s32 $0x28A0;
	[sflag:s26] =	ssyncadd.s32 $0xFFFFCE00  }
0x50: {  	[spmem:s1] =	stream.indirect.scatter.add.f32 [tilespmem:s21], [sflag:$0x5], $0x40, s0, s17, $0xb8;
	[tilespmem:$0x1E660] =	vst v63  }
0x51: {  	_ =	swait.ge [sflag:s14], $0x3200  }
0x52: {  	[sflag:s14] =	ssyncset.done $0x0  }
0x53: {  	s0 =	simm.s32 $0x4B0;
	[sflag:s14] =	ssyncadd.s32 $0xFFFFCE00  }
0x54: {  	[tilespmem:s21], [sflag:$0x3] =	stream.indirect.gather [hbm4b:s4+s17], $0x40, s0, s17, $0xb8;
	[tilespmem:$0x1E660] =	vst v63  }
0x55: {  	_ =	swait.ge [sflag:s28], $0x3200  }
0x56: {  	[sflag:s28] =	ssyncset.done $0x0  }
0x57: {  	s0 =	simm.s32 $0x2968;
	[sflag:s28] =	ssyncadd.s32 $0xFFFFCE00  }
0x58: {  	[spmem:s1] =	stream.indirect.scatter.add.f32 [tilespmem:s23], [sflag:$0x5], $0x40, s0, s17, $0xb8;
	[tilespmem:$0x1E660] =	vst v63  }
0x59: {  	_ =	swait.ge [sflag:s14], $0x3200  }
0x5a: {  	[sflag:s14] =	ssyncset.done $0x0  }
0x5b: {  	s30 =	simm.s32 $0xC80;
	s31 =	simm.s32 $0x578;
	[sflag:s14] =	ssyncadd.s32 $0xFFFFCE00  }
.LBB2_4:
0x5c: {  	[tilespmem:s23], [sflag:$0x4] =	stream.indirect.gather [hbm4b:s4+s17], $0x40, s31, s17, $0xb8;
	[tilespmem:$0x1E660] =	vst v63  }
0x5d: {  	s0 =	smov.u32 s30  }
0x5e: {  	p1 =	sne.s32 s30, $0x7D00;
	s30 =	sadd.s32 $0xC80, s30;
	_ =	swait.ge [sflag:s24], $0x3200  }
0x5f: {  	s31 =	sshra.s32 s0, $0x2;
	[sflag:s24] =	ssyncset.done $0x0  }
0x60: {  	s0 =	sadd.s32 $0x2710, s31;
	[sflag:s24] =	ssyncadd.s32 $0xFFFFCE00  }
0x61: {  	[spmem:s1] =	stream.indirect.scatter.add.f32 [tilespmem:s18], [sflag:$0x5], $0x40, s0, s17, $0xb8;
	[tilespmem:$0x1E660] =	vst v63  }
0x62: {  	_ =	swait.ge [sflag:s14], $0x3200  }
0x63: {  	[sflag:s14] =	ssyncset.done $0x0  }
0x64: {  	s0 =	sadd.s32 $0x320, s31;
	[sflag:s14] =	ssyncadd.s32 $0xFFFFCE00  }
0x65: {  	[tilespmem:s18], [sflag:$0x1] =	stream.indirect.gather [hbm4b:s4+s17], $0x40, s0, s17, $0xb8;
	[tilespmem:$0x1E660] =	vst v63  }
0x66: {  	_ =	swait.ge [sflag:s25], $0x3200  }
0x67: {  	[sflag:s25] =	ssyncset.done $0x0  }
0x68: {  	s0 =	sadd.s32 $0x27D8, s31;
	[sflag:s25] =	ssyncadd.s32 $0xFFFFCE00  }
0x69: {  	[spmem:s1] =	stream.indirect.scatter.add.f32 [tilespmem:s19], [sflag:$0x5], $0x40, s0, s17, $0xb8;
	[tilespmem:$0x1E660] =	vst v63  }
0x6a: {  	_ =	swait.ge [sflag:s14], $0x3200  }
0x6b: {  	[sflag:s14] =	ssyncset.done $0x0  }
0x6c: {  	s0 =	sadd.s32 $0x3E8, s31;
	[sflag:s14] =	ssyncadd.s32 $0xFFFFCE00  }
0x6d: {  	[tilespmem:s19], [sflag:$0x2] =	stream.indirect.gather [hbm4b:s4+s17], $0x40, s0, s17, $0xb8;
	[tilespmem:$0x1E660] =	vst v63  }
0x6e: {  	_ =	swait.ge [sflag:s26], $0x3200  }
0x6f: {  	[sflag:s26] =	ssyncset.done $0x0  }
0x70: {  	s0 =	sadd.s32 $0x28A0, s31;
	[sflag:s26] =	ssyncadd.s32 $0xFFFFCE00  }
0x71: {  	[spmem:s1] =	stream.indirect.scatter.add.f32 [tilespmem:s21], [sflag:$0x5], $0x40, s0, s17, $0xb8;
	[tilespmem:$0x1E660] =	vst v63  }
0x72: {  	_ =	swait.ge [sflag:s14], $0x3200  }
0x73: {  	[sflag:s14] =	ssyncset.done $0x0  }
0x74: {  	s0 =	sadd.s32 $0x4B0, s31;
	[sflag:s14] =	ssyncadd.s32 $0xFFFFCE00  }
0x75: {  	[tilespmem:s21], [sflag:$0x3] =	stream.indirect.gather [hbm4b:s4+s17], $0x40, s0, s17, $0xb8;
	[tilespmem:$0x1E660] =	vst v63  }
0x76: {  	_ =	swait.ge [sflag:s28], $0x3200  }
0x77: {  	[sflag:s28] =	ssyncset.done $0x0  }
.Ltmp1:
0x78: {  	s0 =	sadd.s32 $0x2968, s31;
	[sflag:s28] =	ssyncadd.s32 $0xFFFFCE00;
	(pc) =	sbr.rel @p1 .LBB2_4-.Ltmp1, $4  }
0x79: {  	[spmem:s1] =	stream.indirect.scatter.add.f32 [tilespmem:s23], [sflag:$0x5], $0x40, s0, s17, $0xb8;
	[tilespmem:$0x1E660] =	vst v63  }
0x7a: {  	_ =	swait.ge [sflag:s14], $0x3200  }
0x7b: {  	[sflag:s14] =	ssyncset.done $0x0  }
0x7c: {  	s31 =	sadd.s32 $0x578, s31;
	[sflag:s14] =	ssyncadd.s32 $0xFFFFCE00  }
0x7d: {  	[tilespmem:s23], [sflag:$0x4] =	stream.indirect.gather [hbm4b:s4+s17], $0x40, s31, s17, $0xb8;
	[tilespmem:$0x1E660] =	vst v63  }
0x7e: {  	_ =	swait.ge [sflag:s24], $0x3200  }
0x7f: {  	[sflag:s24] =	ssyncset.done $0x0  }
0x80: {  	s0 =	simm.s32 $0x4970;
	[sflag:s24] =	ssyncadd.s32 $0xFFFFCE00  }
0x81: {  	[spmem:s1] =	stream.indirect.scatter.add.f32 [tilespmem:s18], [sflag:$0x5], $0x40, s0, s17, $0xb8;
	[tilespmem:$0x1E660] =	vst v63  }
0x82: {  	_ =	swait.ge [sflag:s14], $0x3200  }
0x83: {  	[sflag:s14] =	ssyncset.done $0x0  }
0x84: {  	s30 =	simm.s32 $0x2580;
	[sflag:s14] =	ssyncadd.s32 $0xFFFFCE00  }
0x85: {  	[tilespmem:s18], [sflag:$0x1] =	stream.indirect.gather [hbm4b:s4+s17], $0x40, s30, s17, $0xb8;
	[tilespmem:$0x1E660] =	vst v63  }
0x86: {  	_ =	swait.ge [sflag:s25], $0x3200  }
0x87: {  	[sflag:s25] =	ssyncset.done $0x0  }
0x88: {  	s31 =	simm.s32 $0x4A38;
	[sflag:s25] =	ssyncadd.s32 $0xFFFFCE00  }
0x89: {  	[spmem:s1] =	stream.indirect.scatter.add.f32 [tilespmem:s19], [sflag:$0x5], $0x40, s31, s17, $0xb8;
	[tilespmem:$0x1E660] =	vst v63  }
0x8a: {  	_ =	swait.ge [sflag:s14], $0x3200  }
0x8b: {  	[sflag:s14] =	ssyncset.done $0x0  }
0x8c: {  	s30 =	simm.s32 $0x2648;
	[sflag:s14] =	ssyncadd.s32 $0xFFFFCE00  }
0x8d: {  	[tilespmem:s19], [sflag:$0x2] =	stream.indirect.gather [hbm4b:s4+s17], $0x40, s30, s17, $0xb8;
	[tilespmem:$0x1E660] =	vst v63  }
0x8e: {  	_ =	swait.ge [sflag:s26], $0x3200  }
0x8f: {  	[sflag:s26] =	ssyncset.done $0x0  }
0x90: {  	[sflag:s26] =	ssyncadd.s32 $0xFFFFCE00  }
0x91: {  	[spmem:s1] =	stream.indirect.scatter.add.f32 [tilespmem:s21], [sflag:$0x5], $0x40, s15, s17, $0xb8;
	[tilespmem:$0x1E660] =	vst v63  }
0x92: {  	_ =	swait.ge [sflag:s14], $0x3200  }
0x93: {  	[sflag:s14] =	ssyncset.done $0x0  }
0x94: {  	[sflag:s14] =	ssyncadd.s32 $0xFFFFCE00  }
0x95: {  	_ =	swait.ge [sflag:s28], $0x3200  }
0x96: {  	[sflag:s28] =	ssyncset.done $0x0  }
0x97: {  	[sflag:s28] =	ssyncadd.s32 $0xFFFFCE00  }
0x98: {  	[spmem:s1] =	stream.indirect.scatter.add.f32 [tilespmem:s23], [sflag:$0x5], $0x40, s20, s17, $0xb8;
	[tilespmem:$0x1E660] =	vst v63  }
0x99: {  	_ =	swait.ge [sflag:s14], $0x3200  }
0x9a: {  	[sflag:s14] =	ssyncset.done $0x0  }
0x9b: {  	[sflag:s14] =	ssyncadd.s32 $0xFFFFCE00  }
0x9c: {  	_ =	swait.ge [sflag:s24], $0x3200  }
0x9d: {  	[sflag:s24] =	ssyncset.done $0x0  }
0x9e: {  	[sflag:s24] =	ssyncadd.s32 $0xFFFFCE00  }
0x9f: {  	[spmem:s1] =	stream.indirect.scatter.add.f32 [tilespmem:s18], [sflag:$0x5], $0x40, s2, s17, $0xb8;
	[tilespmem:$0x1E660] =	vst v63  }
0xa0: {  	_ =	swait.ge [sflag:s14], $0x3200  }
0xa1: {  	[sflag:s14] =	ssyncset.done $0x0  }
0xa2: {  	[sflag:s14] =	ssyncadd.s32 $0xFFFFCE00  }
0xa3: {  	_ =	swait.ge [sflag:s25], $0x3200  }
0xa4: {  	[sflag:s25] =	ssyncset.done $0x0  }
0xa5: {  	[sflag:s25] =	ssyncadd.s32 $0xFFFFCE00  }
0xa6: {  	[spmem:s1] =	stream.indirect.scatter.add.f32 [tilespmem:s19], [sflag:$0x5], $0x40, s22, s17, $0xb8;
	[tilespmem:$0x1E660] =	vst v63  }
0xa7: {  	_ =	swait.ge [sflag:s14], $0x3200  }
0xa8: {  	s31 =	stileid.u32;
	[sflag:s14] =	ssyncset.done $0x0  }
0xa9: {  	s0 =	sshll.u32 s31, $0x6;
	[sflag:s14] =	ssyncadd.s32 $0xFFFFCE00  }
0xaa: {  	s0 =	sor.u32 $0x1C05, s0;
	s30 =	sshrl.u32 s7, $0x3;
	[bflag:$0x0] =	sbarrier.arrive $0xFFFF  }
0xab: {  	[hbm:s11], [sflag:s0] =	dma.local [spmem:s30], $0x1380  }
0xac: {  	_ =	swait.ge [sflag:s14], $0x1380  }
0xad: {  	s29 =	sadd.s32 $0x1, s29;
	[sflag:s14] =	ssyncset.done $0x0  }
0xae: {  	p1 =	sne.s32 s29, s13;
	s30 =	sshrl.u32 @!p0 s10, $0x3;
	[sflag:s14] =	ssyncadd.s32 $0xFFFFEC80  }
0xaf: {  	[hbm:s12], [sflag:s0] =	dma.local @!p0 [spmem:s30], $0x80  }
.Ltmp2:
0xb0: {  	_ = 	snop;
	(pc) =	sbr.rel @p1 .LBB2_1-.Ltmp2, $4  }
0xb1: {  	s0 =	simm.s32 @!p0 $0x5  }
0xb2: {  	_ =	swait.ge @!p0 [sflag:s0], $0x80  }
0xb3: {  	[sflag:s0] =	ssyncset.done @!p0 $0x0  }
0xb4: {  	[sflag:s0] =	ssyncadd.s32 @!p0 $0xFFFFFF80  }
0xb5: {  	_ =	sfence.sel $0x180000  }
0xb6: {  	[bflag:$0x0] =	sbarrier.arrive $0xFFFF  }
0xb7: {  	_ =	strace $0x9000004A  }
0xb8: {  	s0 =	stileid.u32;
	[bflag:$0x2] =	sbarrier.arrive $0xFFFF  }
0xb9: {  	p0 =	sne.s32 s0, $0x0;
	s0 =	rddreg [dreg:$0x2]  }
0xba: {  	s0 =	sadd.s32 @!p0 $0x100000, s0  }
0xbb: {  	[sflag:s0] =	ssyncadd.tile.s32 @!p0 $0x1;
	_ =	shalt  }
.Lfunc_end2:
_tile_overlayer_lowered:
.L_overlay_start_2:
0xbc: {  	(tag) =	ssettag $0x2  }
0xbd: {  	s0 =	rddreg [dreg:$0x0];
	s2 =	stileid.u32  }
0xbe: {  	s1 =	rddreg [dreg:$0x1];
	p0 =	sne.s32 s2, $0x0  }
0xbf: {  	s3 =	rddreg [dreg:$0x2];
	[bflag:$0x3] =	sbarrier.arrive $0xFFFF;
	s2 =	simm.s32 @!p0 $0x1C05  }
0xc0: {  	[timem:s3], [sflag:s2] =	dma.local @!p0 [hbm:s0], s1  }
0xc1: {  	s0 =	simm.s32 @!p0 $0x5  }
0xc2: {  	_ =	swait.ge @!p0 [sflag:s0], s1  }
0xc3: {  	s1 =	ssub.s32 @!p0 $0x0, s1;
	[sflag:s0] =	ssyncset.done @!p0 $0x0  }
0xc4: {  	[sflag:s0] =	ssyncadd.s32 @!p0 s1  }
0xc5: {  	[bflag:$0x3] =	sbarrier.arrive $0xFFFF  }
0xc6: {  	_ =	shalt  }

// kernel: kernel.17.cloned.1.call-start
scs
__scs_entry_jumppad:
0x0: {  	(pc) =	sbr.rel $0x88, $3  }
0x1: {  	(tag) =	ssettag $0x0;
	lr =	simm.s32 $0x1  }
0x2: {  	[smem:$0x3F96] =	sst lr;
	_ =	strace $0xD0000000  }
0x3: {  	_ = 	snop  }
0x4: {  	_ = 	snop  }
0x5: {  	_ = 	snop  }
0x6: {  	_ = 	snop  }
0x7: {  	_ = 	snop  }
__scs_overlays_trampoline_lowered:
0x8: {  	[smem:$0x3FA5] =	sst s0  }
0x9: {  	[smem:$0x3FA6] =	sst s1  }
0xa: {  	[smem:$0x3FA7] =	sst s2  }
0xb: {  	[smem:$0x3FA8] =	sst s3  }
0xc: {  	[smem:$0x3FA9] =	sst s4  }
0xd: {  	[smem:$0x3FAA] =	sst s5  }
0xe: {  	[smem:$0x3FAB] =	sst s6  }
0xf: {  	[smem:$0x3FAC] =	sst s7  }
0x10: {  	[smem:$0x3FAD] =	sst s8  }
0x11: {  	[smem:$0x3FAE] =	sst s9;
	s0 =	simm.s32 @!p0 $0x0  }
0x12: {  	s1 =	sld [smem:$0x3F94];
	s0 =	simm.s32 @p0 $0x1  }
0x13: {  	[smem:$0x3FAF] =	sst s0;
	s0 =	simm.s32 @!p1 $0x0  }
0x14: {  	s2 =	sld [smem:$0x3F93];
	s0 =	simm.s32 @p1 $0x1  }
0x15: {  	[smem:$0x3FB0] =	sst s0;
	s0 =	simm.s32 @!p2 $0x0  }
0x16: {  	s3 =	sld [smem:$0x3FDB];
	s0 =	simm.s32 @p2 $0x1  }
0x17: {  	s4 =	simm.s32 $0x1BF5;
	[smem:$0x3FB2] =	sst s0  }
0x18: {  	s0 =	sld [smem:$0x3F95];
	_ =	swait.ge [sflag:s4], $0x0  }
0x19: {  	s7 =	sld [smem:$0x3F96]  }
0x1a: {  	s8 =	sadd.s32 $0xFFFFE003, lr  }
0x1b: {  	s9 =	sadd.s32 $0xFFFFFEF7, lr;
	s5 =	simm.s32 $0xFFFFFFFF;
	p2 =	slt.u32 s8, $0xFFFFF086  }
0x1c: {  	p1 =	slt.u32 s9, $0xF7A;
	s5 =	simm.s32 @!p2 $0x0  }
0x1d: {  	s5 =	simm.s32 @p1 $0x1;
	p0 =	seq.s32 s7, s2  }
0x1e: {  	s7 =	smul.u32 @!p0 $0xF7A, s2;
	p2 =	seq.s32 @!p0 s5, $0x0  }
0x1f: {  	s9 =	smul.u32 $0xF7A, s1;
	s8 =	simm.s32 @!p0 $0x1BF5;
	p2 =	por !p2, p0  }
0x20: {  	[sflag:s8] =	ssyncset.s32 @!p0 $0xFFFFF086;
	s6 =	sadd.s32 @!p0 s3, s7;
	s7 =	simm.s32 @!p0 $0x108  }
0x21: {  	s3 =	sadd.s32 s3, s9;
	s6 =	sadd.s32 @!p0 $0x88, s6;
	s7 =	simm.s32 @p2 $0x1082  }
0x22: {  	[simem:s7], [sflag:s8] =	dma.local @!p0 [hbm:s6], $0xF7A  }
0x23: {  	s9 =	sor.u32 $0xD0000000, s2;
	s6 =	simm.s32 $0x108;
	_ =	swait.ge @!p0 [sflag:s8], $0x0  }
0x24: {  	s3 =	sadd.s32 $0x88, s3;
	s6 =	simm.s32 @!p1 $0x1082;
	[sflag:s4] =	ssyncset.s32 $0xFFFFF086  }
0x25: {  	[simem:s6], [sflag:s4] =	dma.local [hbm:s3], $0xF7A  }
0x26: {  	[smem:$0x3F96] =	sst s1;
	(tag) =	ssettag s2;
	_ =	strace s9  }
0x27: {  	s1 =	sld [smem:$0x3FA6]  }
0x28: {  	s2 =	sld [smem:$0x3FA7]  }
0x29: {  	s4 =	sld [smem:$0x3FA9]  }
0x2a: {  	p0 =	seq.s32 s5, $0x0;
	s5 =	sld [smem:$0x3FAA]  }
0x2b: {  	s6 =	sld [smem:$0x3FAB]  }
0x2c: {  	s7 =	sld [smem:$0x3FAC]  }
0x2d: {  	s3 =	simm.s32 $0x108;
	s8 =	sld [smem:$0x3FAD]  }
0x2e: {  	s3 =	simm.s32 @!p0 $0x1082;
	s9 =	sld [smem:$0x3FAE]  }
0x2f: {  	lr =	sadd.s32 s0, s3;
	s0 =	sld [smem:$0x3FA5]  }
0x30: {  	s3 =	sld [smem:$0x3FA8]  }
0x31: {  	[smem:$0x3FB1] =	sst s10  }
0x32: {  	s10 =	sld [smem:$0x3FAF];
	_ =	sdelay $0x3  }
0x33: {  	p0 =	seq.s32 s10, $0x1;
	s10 =	sld [smem:$0x3FB1];
	_ =	sdelay $0x3  }
0x34: {  	[smem:$0x3FB1] =	sst s10  }
0x35: {  	s10 =	sld [smem:$0x3FB0];
	_ =	sdelay $0x3  }
0x36: {  	p1 =	seq.s32 s10, $0x1;
	s10 =	sld [smem:$0x3FB1];
	_ =	sdelay $0x3  }
0x37: {  	[smem:$0x3FB1] =	sst s10  }
0x38: {  	s10 =	sld [smem:$0x3FB2]  }
0x39: {  	_ = 	snop;
	(pc) =	sbr.ind lr, $3  }
0x3a: {  	_ = 	snop  }
0x3b: {  	_ = 	snop  }
0x3c: {  	p2 =	seq.s32 s10, $0x1;
	s10 =	sld [smem:$0x3FB1]  }
0x3d: {  	_ =	shalt  }
0x3e: {  	_ =	shalt  }
0x3f: {  	_ =	shalt  }
0x40: {  	_ =	shalt  }
0x41: {  	_ =	shalt  }
0x42: {  	_ =	shalt  }
0x43: {  	_ =	shalt  }
0x44: {  	_ =	shalt  }
0x45: {  	_ =	shalt  }
0x46: {  	_ =	shalt  }
0x47: {  	_ =	shalt  }
0x48: {  	_ =	shalt  }
0x49: {  	_ =	shalt  }
0x4a: {  	_ =	shalt  }
0x4b: {  	_ =	shalt  }
0x4c: {  	_ =	shalt  }
0x4d: {  	_ =	shalt  }
0x4e: {  	_ =	shalt  }
0x4f: {  	_ =	shalt  }
0x50: {  	_ =	shalt  }
0x51: {  	_ =	shalt  }
0x52: {  	_ =	shalt  }
0x53: {  	_ =	shalt  }
0x54: {  	_ =	shalt  }
0x55: {  	_ =	shalt  }
0x56: {  	_ =	shalt  }
0x57: {  	_ =	shalt  }
0x58: {  	_ =	shalt  }
0x59: {  	_ =	shalt  }
0x5a: {  	_ =	shalt  }
0x5b: {  	_ =	shalt  }
0x5c: {  	_ =	shalt  }
0x5d: {  	_ =	shalt  }
0x5e: {  	_ =	shalt  }
0x5f: {  	_ =	shalt  }
0x60: {  	_ =	shalt  }
0x61: {  	_ =	shalt  }
0x62: {  	_ =	shalt  }
0x63: {  	_ =	shalt  }
0x64: {  	_ =	shalt  }
0x65: {  	_ =	shalt  }
0x66: {  	_ =	shalt  }
0x67: {  	_ =	shalt  }
0x68: {  	_ =	shalt  }
0x69: {  	_ =	shalt  }
0x6a: {  	_ =	shalt  }
0x6b: {  	_ =	shalt  }
0x6c: {  	_ =	shalt  }
0x6d: {  	_ =	shalt  }
0x6e: {  	_ =	shalt  }
0x6f: {  	_ =	shalt  }
0x70: {  	_ =	shalt  }
0x71: {  	_ =	shalt  }
0x72: {  	_ =	shalt  }
0x73: {  	_ =	shalt  }
0x74: {  	_ =	shalt  }
0x75: {  	_ =	shalt  }
0x76: {  	_ =	shalt  }
0x77: {  	_ =	shalt  }
0x78: {  	_ =	shalt  }
0x79: {  	_ =	shalt  }
0x7a: {  	_ =	shalt  }
0x7b: {  	_ =	shalt  }
0x7c: {  	_ =	shalt  }
0x7d: {  	_ =	shalt  }
0x7e: {  	_ =	shalt  }
0x7f: {  	_ =	shalt  }
0x80: {  	_ =	shalt  }
0x81: {  	_ =	shalt  }
0x82: {  	_ =	shalt  }
0x83: {  	_ =	shalt  }
0x84: {  	_ =	shalt  }
0x85: {  	_ =	shalt  }
0x86: {  	_ =	shalt  }
0x87: {  	_ =	shalt  }
.Lfunc_end0:
.L_simem_size_0:
called_computation.2_lowered:
.L_overlay_start_0:
0x88: {  	s2 =	sld [smem:$0x3FD9]  }
0x89: {  	s3 =	sld [smem:$0x3FFE];
	_ =	sdelay $0x1  }
0x8a: {  	s1 =	srdreg.scid  }
0x8b: {  	s0 =	sand.u32 $0x1, s1  }
0x8c: {  	s16 =	sshll.u32 s0, $0xA;
	s2 =	sadd.s32 s3, s2  }
0x8d: {  	s2 =	sadd.s32 s2, s16  }
0x8e: {  	[smem:$0x3FBD] =	sst s2  }
0x8f: {  	_ = 	snop  }
0x90: {  	(tm) =	ssettm $0x1  }
0x91: {  	s17 =	sld [smem:$0x3FFB];
	_ =	sdelay $0x3  }
0x92: {  	_ =	strace s17  }
0x93: {  	s2 =	sld [smem:$0x3FFC];
	_ =	sdelay $0x3  }
0x94: {  	_ =	strace s2  }
0x95: {  	s2 =	sld [smem:$0x3FFD];
	_ =	sdelay $0x3  }
0x96: {  	_ =	strace s2  }
0x97: {  	_ =	strace $0x8FFFFFFF  }
0x98: {  	s18 =	sld [smem:$0x3FDB];
	_ =	sdelay $0x1  }
0x99: {  	s19 =	simm.s32 $_scs_section_size  }
0x9a: {  	s4 =	simm.s32 $_size__tile_overlayer_lowered;
	s5 =	simm.s32 $_tile_overlayer_lowered  }
0x9b: {  	s22 =	simm.s32 $0x1BFF;
	s21 =	sshll.u32 s5, $0x1;
	s2 =	sadd.s32 s19, s18  }
0x9c: {  	s6 =	simm.s32 $0x0;
	s20 =	sshll.u32 s4, $0x1;
	s4 =	sadd.s32 s21, s2  }
0x9d: {  	[timem:s6], [sflag:s22] =	dma.local [hbm:s4], s20  }
0x9e: {  	_ =	swait.ge [sflag:s22], s20  }
0x9f: {  	s3 =	ssub.s32 $0x0, s20;
	[sflag:s22] =	ssyncset.done $0x0  }
0xa0: {  	[sflag:s22] =	ssyncadd.s32 s3;
	_ =	sdelay $0x1  }
0xa1: {  	s23 =	simm.s32 $0x1B8B  }
0xa2: {  	_ =	swait.ge [sflag:s23], $0x1  }
0xa3: {  	[sflag:s23] =	ssyncset.done $0x0  }
0xa4: {  	s25 =	simm.s32 $0x1B8E;
	s24 =	sld [smem:$0x3FFE];
	[sflag:s23] =	ssyncadd.s32 $0xFFFFFFFF  }
0xa5: {  	s26 =	simm.s32 $execute0_lowered;
	[smem:$0x3FD2] =	sst s25  }
0xa6: {  	s4 =	sshll.u32 s26, $0x1;
	_ =	strace $0x8000004C;
	[dreg:$0x1] =	wrdreg $0xFFFFFFFF  }
0xa7: {  	s28 =	simm.s32 $_size_execute0_lowered;
	s2 =	sadd.s32 s2, s4;
	[dreg:$0x0] =	wrdreg $0x0  }
0xa8: {  	s4 =	sshll.u32 s28, $0x1;
	[dreg:$0x2] =	wrdreg s2  }
0xa9: {  	[dreg:$0x3] =	wrdreg s4  }
0xaa: {  	[dreg:$0x4] =	wrdreg $0xC0  }
0xab: {  	_ =	task [dreg:s6], $0x5FFFF  }
0xac: {  	[dreg:$0x1] =	wrdreg $0xFFFFFFFF  }
0xad: {  	[dreg:$0x0] =	wrdreg $0x60  }
0xae: {  	[dreg:$0x2] =	wrdreg s24  }
0xaf: {  	[dreg:$0x3] =	wrdreg $0x14A200  }
0xb0: {  	[dreg:$0x4] =	wrdreg $0x9  }
0xb1: {  	_ =	task.clear_ibuf [dreg:s6], $0x5FFFF;
	_ =	strace $0x9000004C  }
0xb2: {  	s29 =	simm.s32 $0x9;
	_ =	strace $0x8000004E  }
0xb3: {  	_ =	swait.ge [sflag:s29], $0x1  }
0xb4: {  	[sflag:s29] =	ssyncadd.s32 $0xFFFFFFFF  }
0xb5: {  	_ =	strace $0x9000004E  }
0xb6: {  	_ =	sfence  }
0xb7: {  	s30 =	sld [smem:$0x0];
	_ =	sdelay $0x2  }
0xb8: {  	s31 =	sshll.u32 s1, $0xD;
	s1 =	sshrl.u32 s1, $0x2  }
0xb9: {  	s3 =	sand.u32 $0x4000, s31;
	s1 =	sadd.s32 s1, s30  }
0xba: {  	s0 =	sor.u32 s3, s0;
	s1 =	sshll.u32 s1, $0x11  }
0xbb: {  	s0 =	sor.u32 s1, s0  }
0xbc: {  	s0 =	sadd.s32 $0x8F2B, s0  }
0xbd: {  	[sflag:s0] =	ssyncadd.remote.s32 $0x1  }
0xbe: {  	_ =	sfence.sel $0xFFFF  }
0xbf: {  	[dreg:$0x0] =	wrdreg $0xFFFFFFFF;
	(pc) =	sbr.abs _section_cstart, $3  }
0xc0: {  	[dreg:$0x1] =	wrdreg $0xFFFFFFFF  }
0xc1: {  	_ =	task.clear_ibuf [dreg:s6], $0x2FFFF;
	_ =	strace $0x9FFFFFFF  }
0xc2: {  	(tm) =	ssettm $0x7FFFFFFF  }
0xc3: {  	_ =	shalt  }
tec
execute0_lowered:
.L_overlay_start_1:
0x0: {  	(tag) =	ssettag $0x1  }
0x1: {  	s0 =	rddreg [dreg:$0x0]  }
0x2: {  	s1 =	rddreg [dreg:$0x1];
	s2 =	srdreg.scid;
	s3 =	simm.s32 $0x0  }
0x3: {  	s15 =	stileid.u32;
	s14 =	simm.s32 $0x5;
	s16 =	simm.s32 $0x11620  }
0x4: {  	s17 =	simm.s32 $0xC8;
	s18 =	simm.s32 $0x4E20;
	s19 =	simm.s32 $0x8020  }
0x5: {  	s21 =	simm.s32 $0xB220;
	s23 =	simm.s32 $0xE420;
	s24 =	simm.s32 $0x1  }
0x6: {  	s25 =	simm.s32 $0x2;
	s26 =	simm.s32 $0x3;
	s28 =	simm.s32 $0x4  }
0x7: {  	s20 =	simm.s32 $0x4BC8;
	s22 =	simm.s32 $0x4D58;
	s29 =	simm.s32 $0x0  }
0x8: {  	s2 =	sand.u32 $0x1, s2;
	[smem:$0x7FF] =	sst s3;
	s7 =	smul.u32 $0x27000, s15  }
0x9: {  	s10 =	smul.u32 $0x9C00, s15;
	p0 =	sne.s32 s15, $0xF;
	s4 =	sshll.u32 s2, $0x4  }
0xa: {  	_ =	strace $0x8000004D;
	s6 =	ssub.s32 $0x2, s2;
	s2 =	smul.u32 $0x9C400, s2  }
0xb: {  	s4 =	sor.u32 s15, s4;
	s30 =	sshrl.u32 s6, $0x1;
	s31 =	sshrl.u32 s7, $0x2  }
0xc: {  	s7 =	sadd.s32 s10, s1;
	s15 =	simm.s32 $0x4B00;
	s5 =	smul.u32 $0x4E2, s4  }
0xd: {  	s4 =	sadd.s32 $0x16000, s0;
	s13 =	ssub.s32 s6, s30;
	s9 =	sadd.s32 s31, s1  }
0xe: {  	s11 =	sadd.s32 s10, s2;
	s2 =	sshrl.u32 s2, $0x3;
	s10 =	sadd.s32 $0x9C000, s1  }
0xf: {  	s11 =	sshrl.u32 s11, $0x3;
	s13 =	smax.u32 s13, $0x1;
	s8 =	sadd.s32 s5, s0  }
0x10: {  	s0 =	sadd.s32 $0x29A00, s0;
	s5 =	sadd.s32 $0x2400, s8;
	s6 =	sadd.s32 $0xC200, s8  }
0x11: {  	s8 =	sadd.s32 $0x3400, s9;
	s9 =	sadd.s32 $0x6800, s9;
	s2 =	sadd.s32 s0, s2  }
0x12: {  	v0 =	vimm.f32 $0.0e+00;
	s11 =	sadd.s32 s0, s11;
	s12 =	sadd.s32 $0x13800, s2;
	s2 =	simm.s32 $0x4C90  }
.LBB2_1:
0x13: {  	[tilespmem:s3], [sflag:$0x5] =	stream.linear.gather [hbm4b:s5+s3], $0x2710, $0x38;
	[tilespmem:$0x1E660] =	vst v63  }
0x14: {  	_ =	swait.ge [sflag:s14], $0x2710  }
0x15: {  	[sflag:s14] =	ssyncset.done $0x0  }
0x16: {  	s0 =	simm.s32 $0x2710;
	[sflag:s14] =	ssyncadd.s32 $0xFFFFD8F0  }
0x17: {  	[tilespmem:s0], [sflag:$0x5] =	stream.linear.gather [hbm4b:s6+s3], $0x2710, $0x38;
	[tilespmem:$0x1E660] =	vst v63  }
0x18: {  	_ =	swait.ge [sflag:s14], $0x2710  }
0x19: {  	[sflag:s14] =	ssyncset.done $0x0  }
0x1a: {  	s31 =	simm.s32 $0x100;
	s30 =	simm.s32 $0x0;
	[sflag:s14] =	ssyncadd.s32 $0xFFFFD8F0  }
.LBB2_2:
0x1b: {  	p1 =	sne.s32 s31, $0xCF00;
	[tilespmem:s30+$0x11650] =	vst v0;
	s0 =	smov.u32 s31;
	s31 =	sadd.s32 $0x100, s31  }
.Ltmp0:
0x1c: {  	[tilespmem:s30+$0x11640] =	vst v0;
	(pc) =	sbr.rel @p1 .LBB2_2-.Ltmp0, $3  }
0x1d: {  	[tilespmem:s30+$0x11620] =	vst v0  }
0x1e: {  	[tilespmem:s30+$0x11630] =	vst v0;
	_ =	sdelay $0x1  }
0x1f: {  	s30 =	sshra.s32 s0, $0x2  }
0x20: {  	[tilespmem:s30+$0x11650] =	vst v0  }
0x21: {  	[tilespmem:s30+$0x11640] =	vst v0  }
0x22: {  	[tilespmem:s30+$0x11620] =	vst v0  }
0x23: {  	[tilespmem:s30+$0x11630] =	vst v0  }
0x24: {  	[spmem:s7] =	stream.linear.scatter [tilespmem:s16], [sflag:$0x5], $0x3400, $0x38;
	[tilespmem:$0x1E660] =	vst v63  }
0x25: {  	_ =	swait.ge [sflag:s14], $0x3400  }
0x26: {  	[sflag:s14] =	ssyncset.done $0x0  }
0x27: {  	[sflag:s14] =	ssyncadd.s32 $0xFFFFCC00  }
0x28: {  	[spmem:s8] =	stream.linear.scatter [tilespmem:s16], [sflag:$0x5], $0x3400, $0x38;
	[tilespmem:$0x1E660] =	vst v63  }
0x29: {  	_ =	swait.ge [sflag:s14], $0x3400  }
0x2a: {  	[sflag:s14] =	ssyncset.done $0x0  }
0x2b: {  	[sflag:s14] =	ssyncadd.s32 $0xFFFFCC00  }
0x2c: {  	[spmem:s9] =	stream.linear.scatter [tilespmem:s16], [sflag:$0x5], $0x3400, $0x38;
	[tilespmem:$0x1E660] =	vst v63  }
0x2d: {  	_ =	swait.ge [sflag:s14], $0x3400  }
0x2e: {  	[sflag:s14] =	ssyncset.done $0x0  }
0x2f: {  	s0 =	simm.s32 @!p0 $0x11620;
	[sflag:s14] =	ssyncadd.s32 $0xFFFFCC00  }
0x30: {  	[spmem:s10] =	stream.linear.scatter @!p0 [tilespmem:s0], [sflag:$0x5], $0x400, $0x38;
	[tilespmem:$0x1E660] =	vst v63  }
0x31: {  	s0 =	simm.s32 @!p0 $0x5  }
0x32: {  	_ =	swait.ge @!p0 [sflag:s0], $0x400  }
0x33: {  	[sflag:s0] =	ssyncset.done @!p0 $0x0  }
0x34: {  	[sflag:s0] =	ssyncadd.s32 @!p0 $0xFFFFFC00  }
0x35: {  	s0 =	simm.s32 $0x0;
	[bflag:$0x0] =	sbarrier.arrive $0xFFFF  }
0x36: {  	[tilespmem:s18], [sflag:$0x1] =	stream.indirect.gather [hbm4b:s4+s17], $0x40, s0, s17, $0xb8;
	[tilespmem:$0x1E660] =	vst v63  }
0x37: {  	_ = 	snop  }
0x38: {  	[tilespmem:s19], [sflag:$0x2] =	stream.indirect.gather [hbm4b:s4+s17], $0x40, s17, s17, $0xb8;
	[tilespmem:$0x1E660] =	vst v63  }
0x39: {  	s0 =	simm.s32 $0x190  }
0x3a: {  	[tilespmem:s21], [sflag:$0x3] =	stream.indirect.gather [hbm4b:s4+s17], $0x40, s0, s17, $0xb8;
	[tilespmem:$0x1E660] =	vst v63  }
0x3b: {  	s0 =	simm.s32 $0x258  }
0x3c: {  	[tilespmem:s23], [sflag:$0x4] =	stream.indirect.gather [hbm4b:s4+s17], $0x40, s0, s17, $0xb8;
	[tilespmem:$0x1E660] =	vst v63  }
0x3d: {  	_ =	swait.ge [sflag:s24], $0x3200  }
0x3e: {  	[sflag:s24] =	ssyncset.done $0x0  }
0x3f: {  	s0 =	simm.s32 $0x2710;
	[sflag:s24] =	ssyncadd.s32 $0xFFFFCE00  }
0x40: {  	[spmem:s1] =	stream.indirect.scatter.add.f32 [tilespmem:s18], [sflag:$0x5], $0x40, s0, s17, $0xb8;
	[tilespmem:$0x1E660] =	vst v63  }
0x41: {  	_ =	swait.ge [sflag:s14], $0x3200  }
0x42: {  	[sflag:s14] =	ssyncset.done $0x0  }
0x43: {  	s0 =	simm.s32 $0x320;
	[sflag:s14] =	ssyncadd.s32 $0xFFFFCE00  }
0x44: {  	[tilespmem:s18], [sflag:$0x1] =	stream.indirect.gather [hbm4b:s4+s17], $0x40, s0, s17, $0xb8;
	[tilespmem:$0x1E660] =	vst v63  }
0x45: {  	_ =	swait.ge [sflag:s25], $0x3200  }
0x46: {  	[sflag:s25] =	ssyncset.done $0x0  }
0x47: {  	s0 =	simm.s32 $0x27D8;
	[sflag:s25] =	ssyncadd.s32 $0xFFFFCE00  }
0x48: {  	[spmem:s1] =	stream.indirect.scatter.add.f32 [tilespmem:s19], [sflag:$0x5], $0x40, s0, s17, $0xb8;
	[tilespmem:$0x1E660] =	vst v63  }
0x49: {  	_ =	swait.ge [sflag:s14], $0x3200  }
0x4a: {  	[sflag:s14] =	ssyncset.done $0x0  }
0x4b: {  	s0 =	simm.s32 $0x3E8;
	[sflag:s14] =	ssyncadd.s32 $0xFFFFCE00  }
0x4c: {  	[tilespmem:s19], [sflag:$0x2] =	stream.indirect.gather [hbm4b:s4+s17], $0x40, s0, s17, $0xb8;
	[tilespmem:$0x1E660] =	vst v63  }
0x4d: {  	_ =	swait.ge [sflag:s26], $0x3200  }
0x4e: {  	[sflag:s26] =	ssyncset.done $0x0  }
0x4f: {  	s0 =	simm.s32 $0x28A0;
	[sflag:s26] =	ssyncadd.s32 $0xFFFFCE00  }
0x50: {  	[spmem:s1] =	stream.indirect.scatter.add.f32 [tilespmem:s21], [sflag:$0x5], $0x40, s0, s17, $0xb8;
	[tilespmem:$0x1E660] =	vst v63  }
0x51: {  	_ =	swait.ge [sflag:s14], $0x3200  }
0x52: {  	[sflag:s14] =	ssyncset.done $0x0  }
0x53: {  	s0 =	simm.s32 $0x4B0;
	[sflag:s14] =	ssyncadd.s32 $0xFFFFCE00  }
0x54: {  	[tilespmem:s21], [sflag:$0x3] =	stream.indirect.gather [hbm4b:s4+s17], $0x40, s0, s17, $0xb8;
	[tilespmem:$0x1E660] =	vst v63  }
0x55: {  	_ =	swait.ge [sflag:s28], $0x3200  }
0x56: {  	[sflag:s28] =	ssyncset.done $0x0  }
0x57: {  	s0 =	simm.s32 $0x2968;
	[sflag:s28] =	ssyncadd.s32 $0xFFFFCE00  }
0x58: {  	[spmem:s1] =	stream.indirect.scatter.add.f32 [tilespmem:s23], [sflag:$0x5], $0x40, s0, s17, $0xb8;
	[tilespmem:$0x1E660] =	vst v63  }
0x59: {  	_ =	swait.ge [sflag:s14], $0x3200  }
0x5a: {  	[sflag:s14] =	ssyncset.done $0x0  }
0x5b: {  	s30 =	simm.s32 $0xC80;
	s31 =	simm.s32 $0x578;
	[sflag:s14] =	ssyncadd.s32 $0xFFFFCE00  }
.LBB2_4:
0x5c: {  	[tilespmem:s23], [sflag:$0x4] =	stream.indirect.gather [hbm4b:s4+s17], $0x40, s31, s17, $0xb8;
	[tilespmem:$0x1E660] =	vst v63  }
0x5d: {  	s0 =	smov.u32 s30  }
0x5e: {  	p1 =	sne.s32 s30, $0x7D00;
	s30 =	sadd.s32 $0xC80, s30;
	_ =	swait.ge [sflag:s24], $0x3200  }
0x5f: {  	s31 =	sshra.s32 s0, $0x2;
	[sflag:s24] =	ssyncset.done $0x0  }
0x60: {  	s0 =	sadd.s32 $0x2710, s31;
	[sflag:s24] =	ssyncadd.s32 $0xFFFFCE00  }
0x61: {  	[spmem:s1] =	stream.indirect.scatter.add.f32 [tilespmem:s18], [sflag:$0x5], $0x40, s0, s17, $0xb8;
	[tilespmem:$0x1E660] =	vst v63  }
0x62: {  	_ =	swait.ge [sflag:s14], $0x3200  }
0x63: {  	[sflag:s14] =	ssyncset.done $0x0  }
0x64: {  	s0 =	sadd.s32 $0x320, s31;
	[sflag:s14] =	ssyncadd.s32 $0xFFFFCE00  }
0x65: {  	[tilespmem:s18], [sflag:$0x1] =	stream.indirect.gather [hbm4b:s4+s17], $0x40, s0, s17, $0xb8;
	[tilespmem:$0x1E660] =	vst v63  }
0x66: {  	_ =	swait.ge [sflag:s25], $0x3200  }
0x67: {  	[sflag:s25] =	ssyncset.done $0x0  }
0x68: {  	s0 =	sadd.s32 $0x27D8, s31;
	[sflag:s25] =	ssyncadd.s32 $0xFFFFCE00  }
0x69: {  	[spmem:s1] =	stream.indirect.scatter.add.f32 [tilespmem:s19], [sflag:$0x5], $0x40, s0, s17, $0xb8;
	[tilespmem:$0x1E660] =	vst v63  }
0x6a: {  	_ =	swait.ge [sflag:s14], $0x3200  }
0x6b: {  	[sflag:s14] =	ssyncset.done $0x0  }
0x6c: {  	s0 =	sadd.s32 $0x3E8, s31;
	[sflag:s14] =	ssyncadd.s32 $0xFFFFCE00  }
0x6d: {  	[tilespmem:s19], [sflag:$0x2] =	stream.indirect.gather [hbm4b:s4+s17], $0x40, s0, s17, $0xb8;
	[tilespmem:$0x1E660] =	vst v63  }
0x6e: {  	_ =	swait.ge [sflag:s26], $0x3200  }
0x6f: {  	[sflag:s26] =	ssyncset.done $0x0  }
0x70: {  	s0 =	sadd.s32 $0x28A0, s31;
	[sflag:s26] =	ssyncadd.s32 $0xFFFFCE00  }
0x71: {  	[spmem:s1] =	stream.indirect.scatter.add.f32 [tilespmem:s21], [sflag:$0x5], $0x40, s0, s17, $0xb8;
	[tilespmem:$0x1E660] =	vst v63  }
0x72: {  	_ =	swait.ge [sflag:s14], $0x3200  }
0x73: {  	[sflag:s14] =	ssyncset.done $0x0  }
0x74: {  	s0 =	sadd.s32 $0x4B0, s31;
	[sflag:s14] =	ssyncadd.s32 $0xFFFFCE00  }
0x75: {  	[tilespmem:s21], [sflag:$0x3] =	stream.indirect.gather [hbm4b:s4+s17], $0x40, s0, s17, $0xb8;
	[tilespmem:$0x1E660] =	vst v63  }
0x76: {  	_ =	swait.ge [sflag:s28], $0x3200  }
0x77: {  	[sflag:s28] =	ssyncset.done $0x0  }
.Ltmp1:
0x78: {  	s0 =	sadd.s32 $0x2968, s31;
	[sflag:s28] =	ssyncadd.s32 $0xFFFFCE00;
	(pc) =	sbr.rel @p1 .LBB2_4-.Ltmp1, $4  }
0x79: {  	[spmem:s1] =	stream.indirect.scatter.add.f32 [tilespmem:s23], [sflag:$0x5], $0x40, s0, s17, $0xb8;
	[tilespmem:$0x1E660] =	vst v63  }
0x7a: {  	_ =	swait.ge [sflag:s14], $0x3200  }
0x7b: {  	[sflag:s14] =	ssyncset.done $0x0  }
0x7c: {  	s31 =	sadd.s32 $0x578, s31;
	[sflag:s14] =	ssyncadd.s32 $0xFFFFCE00  }
0x7d: {  	[tilespmem:s23], [sflag:$0x4] =	stream.indirect.gather [hbm4b:s4+s17], $0x40, s31, s17, $0xb8;
	[tilespmem:$0x1E660] =	vst v63  }
0x7e: {  	_ =	swait.ge [sflag:s24], $0x3200  }
0x7f: {  	[sflag:s24] =	ssyncset.done $0x0  }
0x80: {  	s0 =	simm.s32 $0x4970;
	[sflag:s24] =	ssyncadd.s32 $0xFFFFCE00  }
0x81: {  	[spmem:s1] =	stream.indirect.scatter.add.f32 [tilespmem:s18], [sflag:$0x5], $0x40, s0, s17, $0xb8;
	[tilespmem:$0x1E660] =	vst v63  }
0x82: {  	_ =	swait.ge [sflag:s14], $0x3200  }
0x83: {  	[sflag:s14] =	ssyncset.done $0x0  }
0x84: {  	s30 =	simm.s32 $0x2580;
	[sflag:s14] =	ssyncadd.s32 $0xFFFFCE00  }
0x85: {  	[tilespmem:s18], [sflag:$0x1] =	stream.indirect.gather [hbm4b:s4+s17], $0x40, s30, s17, $0xb8;
	[tilespmem:$0x1E660] =	vst v63  }
0x86: {  	_ =	swait.ge [sflag:s25], $0x3200  }
0x87: {  	[sflag:s25] =	ssyncset.done $0x0  }
0x88: {  	s31 =	simm.s32 $0x4A38;
	[sflag:s25] =	ssyncadd.s32 $0xFFFFCE00  }
0x89: {  	[spmem:s1] =	stream.indirect.scatter.add.f32 [tilespmem:s19], [sflag:$0x5], $0x40, s31, s17, $0xb8;
	[tilespmem:$0x1E660] =	vst v63  }
0x8a: {  	_ =	swait.ge [sflag:s14], $0x3200  }
0x8b: {  	[sflag:s14] =	ssyncset.done $0x0  }
0x8c: {  	s30 =	simm.s32 $0x2648;
	[sflag:s14] =	ssyncadd.s32 $0xFFFFCE00  }
0x8d: {  	[tilespmem:s19], [sflag:$0x2] =	stream.indirect.gather [hbm4b:s4+s17], $0x40, s30, s17, $0xb8;
	[tilespmem:$0x1E660] =	vst v63  }
0x8e: {  	_ =	swait.ge [sflag:s26], $0x3200  }
0x8f: {  	[sflag:s26] =	ssyncset.done $0x0  }
0x90: {  	[sflag:s26] =	ssyncadd.s32 $0xFFFFCE00  }
0x91: {  	[spmem:s1] =	stream.indirect.scatter.add.f32 [tilespmem:s21], [sflag:$0x5], $0x40, s15, s17, $0xb8;
	[tilespmem:$0x1E660] =	vst v63  }
0x92: {  	_ =	swait.ge [sflag:s14], $0x3200  }
0x93: {  	[sflag:s14] =	ssyncset.done $0x0  }
0x94: {  	[sflag:s14] =	ssyncadd.s32 $0xFFFFCE00  }
0x95: {  	_ =	swait.ge [sflag:s28], $0x3200  }
0x96: {  	[sflag:s28] =	ssyncset.done $0x0  }
0x97: {  	[sflag:s28] =	ssyncadd.s32 $0xFFFFCE00  }
0x98: {  	[spmem:s1] =	stream.indirect.scatter.add.f32 [tilespmem:s23], [sflag:$0x5], $0x40, s20, s17, $0xb8;
	[tilespmem:$0x1E660] =	vst v63  }
0x99: {  	_ =	swait.ge [sflag:s14], $0x3200  }
0x9a: {  	[sflag:s14] =	ssyncset.done $0x0  }
0x9b: {  	[sflag:s14] =	ssyncadd.s32 $0xFFFFCE00  }
0x9c: {  	_ =	swait.ge [sflag:s24], $0x3200  }
0x9d: {  	[sflag:s24] =	ssyncset.done $0x0  }
0x9e: {  	[sflag:s24] =	ssyncadd.s32 $0xFFFFCE00  }
0x9f: {  	[spmem:s1] =	stream.indirect.scatter.add.f32 [tilespmem:s18], [sflag:$0x5], $0x40, s2, s17, $0xb8;
	[tilespmem:$0x1E660] =	vst v63  }
0xa0: {  	_ =	swait.ge [sflag:s14], $0x3200  }
0xa1: {  	[sflag:s14] =	ssyncset.done $0x0  }
0xa2: {  	[sflag:s14] =	ssyncadd.s32 $0xFFFFCE00  }
0xa3: {  	_ =	swait.ge [sflag:s25], $0x3200  }
0xa4: {  	[sflag:s25] =	ssyncset.done $0x0  }
0xa5: {  	[sflag:s25] =	ssyncadd.s32 $0xFFFFCE00  }
0xa6: {  	[spmem:s1] =	stream.indirect.scatter.add.f32 [tilespmem:s19], [sflag:$0x5], $0x40, s22, s17, $0xb8;
	[tilespmem:$0x1E660] =	vst v63  }
0xa7: {  	_ =	swait.ge [sflag:s14], $0x3200  }
0xa8: {  	s31 =	stileid.u32;
	[sflag:s14] =	ssyncset.done $0x0  }
0xa9: {  	s0 =	sshll.u32 s31, $0x6;
	[sflag:s14] =	ssyncadd.s32 $0xFFFFCE00  }
0xaa: {  	s0 =	sor.u32 $0x1C05, s0;
	s30 =	sshrl.u32 s7, $0x3;
	[bflag:$0x0] =	sbarrier.arrive $0xFFFF  }
0xab: {  	[hbm:s11], [sflag:s0] =	dma.local [spmem:s30], $0x1380  }
0xac: {  	_ =	swait.ge [sflag:s14], $0x1380  }
0xad: {  	s29 =	sadd.s32 $0x1, s29;
	[sflag:s14] =	ssyncset.done $0x0  }
0xae: {  	p1 =	sne.s32 s29, s13;
	s30 =	sshrl.u32 @!p0 s10, $0x3;
	[sflag:s14] =	ssyncadd.s32 $0xFFFFEC80  }
0xaf: {  	[hbm:s12], [sflag:s0] =	dma.local @!p0 [spmem:s30], $0x80  }
.Ltmp2:
0xb0: {  	_ = 	snop;
	(pc) =	sbr.rel @p1 .LBB2_1-.Ltmp2, $4  }
0xb1: {  	s0 =	simm.s32 @!p0 $0x5  }
0xb2: {  	_ =	swait.ge @!p0 [sflag:s0], $0x80  }
0xb3: {  	[sflag:s0] =	ssyncset.done @!p0 $0x0  }
0xb4: {  	[sflag:s0] =	ssyncadd.s32 @!p0 $0xFFFFFF80  }
0xb5: {  	_ =	sfence.sel $0x180000  }
0xb6: {  	[bflag:$0x0] =	sbarrier.arrive $0xFFFF  }
0xb7: {  	_ =	strace $0x9000004D  }
0xb8: {  	s0 =	stileid.u32;
	[bflag:$0x2] =	sbarrier.arrive $0xFFFF  }
0xb9: {  	p0 =	sne.s32 s0, $0x0;
	s0 =	rddreg [dreg:$0x2]  }
0xba: {  	s0 =	sadd.s32 @!p0 $0x100000, s0  }
0xbb: {  	[sflag:s0] =	ssyncadd.tile.s32 @!p0 $0x1;
	_ =	shalt  }
.Lfunc_end2:
_tile_overlayer_lowered:
.L_overlay_start_2:
0xbc: {  	(tag) =	ssettag $0x2  }
0xbd: {  	s0 =	rddreg [dreg:$0x0];
	s2 =	stileid.u32  }
0xbe: {  	s1 =	rddreg [dreg:$0x1];
	p0 =	sne.s32 s2, $0x0  }
0xbf: {  	s3 =	rddreg [dreg:$0x2];
	[bflag:$0x3] =	sbarrier.arrive $0xFFFF;
	s2 =	simm.s32 @!p0 $0x1C05  }
0xc0: {  	[timem:s3], [sflag:s2] =	dma.local @!p0 [hbm:s0], s1  }
0xc1: {  	s0 =	simm.s32 @!p0 $0x5  }
0xc2: {  	_ =	swait.ge @!p0 [sflag:s0], s1  }
0xc3: {  	s1 =	ssub.s32 @!p0 $0x0, s1;
	[sflag:s0] =	ssyncset.done @!p0 $0x0  }
0xc4: {  	[sflag:s0] =	ssyncadd.s32 @!p0 s1  }
0xc5: {  	[bflag:$0x3] =	sbarrier.arrive $0xFFFF  }
0xc6: {  	_ =	shalt  }

// kernel: kernel.20.cloned.1.call-start
scs
__scs_entry_jumppad:
0x0: {  	(pc) =	sbr.rel $0x88, $3  }
0x1: {  	(tag) =	ssettag $0x0;
	lr =	simm.s32 $0x1  }
0x2: {  	[smem:$0x3F96] =	sst lr;
	_ =	strace $0xD0000000  }
0x3: {  	_ = 	snop  }
0x4: {  	_ = 	snop  }
0x5: {  	_ = 	snop  }
0x6: {  	_ = 	snop  }
0x7: {  	_ = 	snop  }
__scs_overlays_trampoline_lowered:
0x8: {  	[smem:$0x3FA5] =	sst s0  }
0x9: {  	[smem:$0x3FA6] =	sst s1  }
0xa: {  	[smem:$0x3FA7] =	sst s2  }
0xb: {  	[smem:$0x3FA8] =	sst s3  }
0xc: {  	[smem:$0x3FA9] =	sst s4  }
0xd: {  	[smem:$0x3FAA] =	sst s5  }
0xe: {  	[smem:$0x3FAB] =	sst s6  }
0xf: {  	[smem:$0x3FAC] =	sst s7  }
0x10: {  	[smem:$0x3FAD] =	sst s8  }
0x11: {  	[smem:$0x3FAE] =	sst s9;
	s0 =	simm.s32 @!p0 $0x0  }
0x12: {  	s1 =	sld [smem:$0x3F94];
	s0 =	simm.s32 @p0 $0x1  }
0x13: {  	[smem:$0x3FAF] =	sst s0;
	s0 =	simm.s32 @!p1 $0x0  }
0x14: {  	s2 =	sld [smem:$0x3F93];
	s0 =	simm.s32 @p1 $0x1  }
0x15: {  	[smem:$0x3FB0] =	sst s0;
	s0 =	simm.s32 @!p2 $0x0  }
0x16: {  	s3 =	sld [smem:$0x3FDB];
	s0 =	simm.s32 @p2 $0x1  }
0x17: {  	s4 =	simm.s32 $0x1BF5;
	[smem:$0x3FB2] =	sst s0  }
0x18: {  	s0 =	sld [smem:$0x3F95];
	_ =	swait.ge [sflag:s4], $0x0  }
0x19: {  	s7 =	sld [smem:$0x3F96]  }
0x1a: {  	s8 =	sadd.s32 $0xFFFFE003, lr  }
0x1b: {  	s9 =	sadd.s32 $0xFFFFFEF7, lr;
	s5 =	simm.s32 $0xFFFFFFFF;
	p2 =	slt.u32 s8, $0xFFFFF086  }
0x1c: {  	p1 =	slt.u32 s9, $0xF7A;
	s5 =	simm.s32 @!p2 $0x0  }
0x1d: {  	s5 =	simm.s32 @p1 $0x1;
	p0 =	seq.s32 s7, s2  }
0x1e: {  	s7 =	smul.u32 @!p0 $0xF7A, s2;
	p2 =	seq.s32 @!p0 s5, $0x0  }
0x1f: {  	s9 =	smul.u32 $0xF7A, s1;
	s8 =	simm.s32 @!p0 $0x1BF5;
	p2 =	por !p2, p0  }
0x20: {  	[sflag:s8] =	ssyncset.s32 @!p0 $0xFFFFF086;
	s6 =	sadd.s32 @!p0 s3, s7;
	s7 =	simm.s32 @!p0 $0x108  }
0x21: {  	s3 =	sadd.s32 s3, s9;
	s6 =	sadd.s32 @!p0 $0x88, s6;
	s7 =	simm.s32 @p2 $0x1082  }
0x22: {  	[simem:s7], [sflag:s8] =	dma.local @!p0 [hbm:s6], $0xF7A  }
0x23: {  	s9 =	sor.u32 $0xD0000000, s2;
	s6 =	simm.s32 $0x108;
	_ =	swait.ge @!p0 [sflag:s8], $0x0  }
0x24: {  	s3 =	sadd.s32 $0x88, s3;
	s6 =	simm.s32 @!p1 $0x1082;
	[sflag:s4] =	ssyncset.s32 $0xFFFFF086  }
0x25: {  	[simem:s6], [sflag:s4] =	dma.local [hbm:s3], $0xF7A  }
0x26: {  	[smem:$0x3F96] =	sst s1;
	(tag) =	ssettag s2;
	_ =	strace s9  }
0x27: {  	s1 =	sld [smem:$0x3FA6]  }
0x28: {  	s2 =	sld [smem:$0x3FA7]  }
0x29: {  	s4 =	sld [smem:$0x3FA9]  }
0x2a: {  	p0 =	seq.s32 s5, $0x0;
	s5 =	sld [smem:$0x3FAA]  }
0x2b: {  	s6 =	sld [smem:$0x3FAB]  }
0x2c: {  	s7 =	sld [smem:$0x3FAC]  }
0x2d: {  	s3 =	simm.s32 $0x108;
	s8 =	sld [smem:$0x3FAD]  }
0x2e: {  	s3 =	simm.s32 @!p0 $0x1082;
	s9 =	sld [smem:$0x3FAE]  }
0x2f: {  	lr =	sadd.s32 s0, s3;
	s0 =	sld [smem:$0x3FA5]  }
0x30: {  	s3 =	sld [smem:$0x3FA8]  }
0x31: {  	[smem:$0x3FB1] =	sst s10  }
0x32: {  	s10 =	sld [smem:$0x3FAF];
	_ =	sdelay $0x3  }
0x33: {  	p0 =	seq.s32 s10, $0x1;
	s10 =	sld [smem:$0x3FB1];
	_ =	sdelay $0x3  }
0x34: {  	[smem:$0x3FB1] =	sst s10  }
0x35: {  	s10 =	sld [smem:$0x3FB0];
	_ =	sdelay $0x3  }
0x36: {  	p1 =	seq.s32 s10, $0x1;
	s10 =	sld [smem:$0x3FB1];
	_ =	sdelay $0x3  }
0x37: {  	[smem:$0x3FB1] =	sst s10  }
0x38: {  	s10 =	sld [smem:$0x3FB2]  }
0x39: {  	_ = 	snop;
	(pc) =	sbr.ind lr, $3  }
0x3a: {  	_ = 	snop  }
0x3b: {  	_ = 	snop  }
0x3c: {  	p2 =	seq.s32 s10, $0x1;
	s10 =	sld [smem:$0x3FB1]  }
0x3d: {  	_ =	shalt  }
0x3e: {  	_ =	shalt  }
0x3f: {  	_ =	shalt  }
0x40: {  	_ =	shalt  }
0x41: {  	_ =	shalt  }
0x42: {  	_ =	shalt  }
0x43: {  	_ =	shalt  }
0x44: {  	_ =	shalt  }
0x45: {  	_ =	shalt  }
0x46: {  	_ =	shalt  }
0x47: {  	_ =	shalt  }
0x48: {  	_ =	shalt  }
0x49: {  	_ =	shalt  }
0x4a: {  	_ =	shalt  }
0x4b: {  	_ =	shalt  }
0x4c: {  	_ =	shalt  }
0x4d: {  	_ =	shalt  }
0x4e: {  	_ =	shalt  }
0x4f: {  	_ =	shalt  }
0x50: {  	_ =	shalt  }
0x51: {  	_ =	shalt  }
0x52: {  	_ =	shalt  }
0x53: {  	_ =	shalt  }
0x54: {  	_ =	shalt  }
0x55: {  	_ =	shalt  }
0x56: {  	_ =	shalt  }
0x57: {  	_ =	shalt  }
0x58: {  	_ =	shalt  }
0x59: {  	_ =	shalt  }
0x5a: {  	_ =	shalt  }
0x5b: {  	_ =	shalt  }
0x5c: {  	_ =	shalt  }
0x5d: {  	_ =	shalt  }
0x5e: {  	_ =	shalt  }
0x5f: {  	_ =	shalt  }
0x60: {  	_ =	shalt  }
0x61: {  	_ =	shalt  }
0x62: {  	_ =	shalt  }
0x63: {  	_ =	shalt  }
0x64: {  	_ =	shalt  }
0x65: {  	_ =	shalt  }
0x66: {  	_ =	shalt  }
0x67: {  	_ =	shalt  }
0x68: {  	_ =	shalt  }
0x69: {  	_ =	shalt  }
0x6a: {  	_ =	shalt  }
0x6b: {  	_ =	shalt  }
0x6c: {  	_ =	shalt  }
0x6d: {  	_ =	shalt  }
0x6e: {  	_ =	shalt  }
0x6f: {  	_ =	shalt  }
0x70: {  	_ =	shalt  }
0x71: {  	_ =	shalt  }
0x72: {  	_ =	shalt  }
0x73: {  	_ =	shalt  }
0x74: {  	_ =	shalt  }
0x75: {  	_ =	shalt  }
0x76: {  	_ =	shalt  }
0x77: {  	_ =	shalt  }
0x78: {  	_ =	shalt  }
0x79: {  	_ =	shalt  }
0x7a: {  	_ =	shalt  }
0x7b: {  	_ =	shalt  }
0x7c: {  	_ =	shalt  }
0x7d: {  	_ =	shalt  }
0x7e: {  	_ =	shalt  }
0x7f: {  	_ =	shalt  }
0x80: {  	_ =	shalt  }
0x81: {  	_ =	shalt  }
0x82: {  	_ =	shalt  }
0x83: {  	_ =	shalt  }
0x84: {  	_ =	shalt  }
0x85: {  	_ =	shalt  }
0x86: {  	_ =	shalt  }
0x87: {  	_ =	shalt  }
.Lfunc_end0:
.L_simem_size_0:
called_computation.3_lowered:
.L_overlay_start_0:
0x88: {  	s2 =	sld [smem:$0x3FD9]  }
0x89: {  	s3 =	sld [smem:$0x3FFE];
	_ =	sdelay $0x1  }
0x8a: {  	s1 =	srdreg.scid  }
0x8b: {  	s0 =	sand.u32 $0x1, s1  }
0x8c: {  	s16 =	sshll.u32 s0, $0xA;
	s2 =	sadd.s32 s3, s2  }
0x8d: {  	s2 =	sadd.s32 s2, s16  }
0x8e: {  	[smem:$0x3FBD] =	sst s2  }
0x8f: {  	_ = 	snop  }
0x90: {  	(tm) =	ssettm $0x1  }
0x91: {  	s17 =	sld [smem:$0x3FFB];
	_ =	sdelay $0x3  }
0x92: {  	_ =	strace s17  }
0x93: {  	s2 =	sld [smem:$0x3FFC];
	_ =	sdelay $0x3  }
0x94: {  	_ =	strace s2  }
0x95: {  	s2 =	sld [smem:$0x3FFD];
	_ =	sdelay $0x3  }
0x96: {  	_ =	strace s2  }
0x97: {  	_ =	strace $0x8FFFFFFF  }
0x98: {  	s18 =	sld [smem:$0x3FDB];
	_ =	sdelay $0x1  }
0x99: {  	s19 =	simm.s32 $_scs_section_size  }
0x9a: {  	s4 =	simm.s32 $_size__tile_overlayer_lowered;
	s5 =	simm.s32 $_tile_overlayer_lowered  }
0x9b: {  	s22 =	simm.s32 $0x1BFF;
	s21 =	sshll.u32 s5, $0x1;
	s2 =	sadd.s32 s19, s18  }
0x9c: {  	s6 =	simm.s32 $0x0;
	s20 =	sshll.u32 s4, $0x1;
	s4 =	sadd.s32 s21, s2  }
0x9d: {  	[timem:s6], [sflag:s22] =	dma.local [hbm:s4], s20  }
0x9e: {  	_ =	swait.ge [sflag:s22], s20  }
0x9f: {  	s3 =	ssub.s32 $0x0, s20;
	[sflag:s22] =	ssyncset.done $0x0  }
0xa0: {  	[sflag:s22] =	ssyncadd.s32 s3;
	_ =	sdelay $0x1  }
0xa1: {  	s23 =	simm.s32 $0x1B8B  }
0xa2: {  	_ =	swait.ge [sflag:s23], $0x1  }
0xa3: {  	[sflag:s23] =	ssyncset.done $0x0  }
0xa4: {  	s25 =	simm.s32 $0x1B8E;
	s24 =	sld [smem:$0x3FFE];
	[sflag:s23] =	ssyncadd.s32 $0xFFFFFFFF  }
0xa5: {  	s26 =	simm.s32 $execute0_lowered;
	[smem:$0x3FD2] =	sst s25  }
0xa6: {  	s4 =	sshll.u32 s26, $0x1;
	_ =	strace $0x8000004F;
	[dreg:$0x1] =	wrdreg $0xFFFFFFFF  }
0xa7: {  	s28 =	simm.s32 $_size_execute0_lowered;
	s2 =	sadd.s32 s2, s4;
	[dreg:$0x0] =	wrdreg $0x0  }
0xa8: {  	s4 =	sshll.u32 s28, $0x1;
	[dreg:$0x2] =	wrdreg s2  }
0xa9: {  	[dreg:$0x3] =	wrdreg s4  }
0xaa: {  	[dreg:$0x4] =	wrdreg $0xC0  }
0xab: {  	_ =	task [dreg:s6], $0x5FFFF  }
0xac: {  	[dreg:$0x1] =	wrdreg $0xFFFFFFFF  }
0xad: {  	[dreg:$0x0] =	wrdreg $0x60  }
0xae: {  	[dreg:$0x2] =	wrdreg s24  }
0xaf: {  	[dreg:$0x3] =	wrdreg $0x14A200  }
0xb0: {  	[dreg:$0x4] =	wrdreg $0x9  }
0xb1: {  	_ =	task.clear_ibuf [dreg:s6], $0x5FFFF;
	_ =	strace $0x9000004F  }
0xb2: {  	s29 =	simm.s32 $0x9;
	_ =	strace $0x80000051  }
0xb3: {  	_ =	swait.ge [sflag:s29], $0x1  }
0xb4: {  	[sflag:s29] =	ssyncadd.s32 $0xFFFFFFFF  }
0xb5: {  	_ =	strace $0x90000051  }
0xb6: {  	_ =	sfence  }
0xb7: {  	s30 =	sld [smem:$0x0];
	_ =	sdelay $0x2  }
0xb8: {  	s31 =	sshll.u32 s1, $0xD;
	s1 =	sshrl.u32 s1, $0x2  }
0xb9: {  	s3 =	sand.u32 $0x4000, s31;
	s1 =	sadd.s32 s1, s30  }
0xba: {  	s0 =	sor.u32 s3, s0;
	s1 =	sshll.u32 s1, $0x11  }
0xbb: {  	s0 =	sor.u32 s1, s0  }
0xbc: {  	s0 =	sadd.s32 $0x8F2B, s0  }
0xbd: {  	[sflag:s0] =	ssyncadd.remote.s32 $0x1  }
0xbe: {  	_ =	sfence.sel $0xFFFF  }
0xbf: {  	[dreg:$0x0] =	wrdreg $0xFFFFFFFF;
	(pc) =	sbr.abs _section_cstart, $3  }
0xc0: {  	[dreg:$0x1] =	wrdreg $0xFFFFFFFF  }
0xc1: {  	_ =	task.clear_ibuf [dreg:s6], $0x2FFFF;
	_ =	strace $0x9FFFFFFF  }
0xc2: {  	(tm) =	ssettm $0x7FFFFFFF  }
0xc3: {  	_ =	shalt  }
tec
execute0_lowered:
.L_overlay_start_1:
0x0: {  	(tag) =	ssettag $0x1  }
0x1: {  	s0 =	rddreg [dreg:$0x0]  }
0x2: {  	s1 =	rddreg [dreg:$0x1];
	s2 =	srdreg.scid;
	s3 =	simm.s32 $0x0  }
0x3: {  	s15 =	stileid.u32;
	s14 =	simm.s32 $0x5;
	s16 =	simm.s32 $0x11620  }
0x4: {  	s17 =	simm.s32 $0xC8;
	s18 =	simm.s32 $0x4E20;
	s19 =	simm.s32 $0x8020  }
0x5: {  	s21 =	simm.s32 $0xB220;
	s23 =	simm.s32 $0xE420;
	s24 =	simm.s32 $0x1  }
0x6: {  	s25 =	simm.s32 $0x2;
	s26 =	simm.s32 $0x3;
	s28 =	simm.s32 $0x4  }
0x7: {  	s20 =	simm.s32 $0x4BC8;
	s22 =	simm.s32 $0x4D58;
	s29 =	simm.s32 $0x0  }
0x8: {  	s2 =	sand.u32 $0x1, s2;
	[smem:$0x7FF] =	sst s3;
	s7 =	smul.u32 $0x27000, s15  }
0x9: {  	s10 =	smul.u32 $0x9C00, s15;
	p0 =	sne.s32 s15, $0xF;
	s4 =	sshll.u32 s2, $0x4  }
0xa: {  	_ =	strace $0x80000050;
	s6 =	ssub.s32 $0x2, s2;
	s2 =	smul.u32 $0x9C400, s2  }
0xb: {  	s4 =	sor.u32 s15, s4;
	s30 =	sshrl.u32 s6, $0x1;
	s31 =	sshrl.u32 s7, $0x2  }
0xc: {  	s7 =	sadd.s32 s10, s1;
	s15 =	simm.s32 $0x4B00;
	s5 =	smul.u32 $0x4E2, s4  }
0xd: {  	s4 =	sadd.s32 $0x16000, s0;
	s13 =	ssub.s32 s6, s30;
	s9 =	sadd.s32 s31, s1  }
0xe: {  	s11 =	sadd.s32 s10, s2;
	s2 =	sshrl.u32 s2, $0x3;
	s10 =	sadd.s32 $0x9C000, s1  }
0xf: {  	s11 =	sshrl.u32 s11, $0x3;
	s13 =	smax.u32 s13, $0x1;
	s8 =	sadd.s32 s5, s0  }
0x10: {  	s0 =	sadd.s32 $0x29A00, s0;
	s5 =	sadd.s32 $0x2400, s8;
	s6 =	sadd.s32 $0xC200, s8  }
0x11: {  	s8 =	sadd.s32 $0x3400, s9;
	s9 =	sadd.s32 $0x6800, s9;
	s2 =	sadd.s32 s0, s2  }
0x12: {  	v0 =	vimm.f32 $0.0e+00;
	s11 =	sadd.s32 s0, s11;
	s12 =	sadd.s32 $0x13800, s2;
	s2 =	simm.s32 $0x4C90  }
.LBB2_1:
0x13: {  	[tilespmem:s3], [sflag:$0x5] =	stream.linear.gather [hbm4b:s5+s3], $0x2710, $0x38;
	[tilespmem:$0x1E660] =	vst v63  }
0x14: {  	_ =	swait.ge [sflag:s14], $0x2710  }
0x15: {  	[sflag:s14] =	ssyncset.done $0x0  }
0x16: {  	s0 =	simm.s32 $0x2710;
	[sflag:s14] =	ssyncadd.s32 $0xFFFFD8F0  }
0x17: {  	[tilespmem:s0], [sflag:$0x5] =	stream.linear.gather [hbm4b:s6+s3], $0x2710, $0x38;
	[tilespmem:$0x1E660] =	vst v63  }
0x18: {  	_ =	swait.ge [sflag:s14], $0x2710  }
0x19: {  	[sflag:s14] =	ssyncset.done $0x0  }
0x1a: {  	s31 =	simm.s32 $0x100;
	s30 =	simm.s32 $0x0;
	[sflag:s14] =	ssyncadd.s32 $0xFFFFD8F0  }
.LBB2_2:
0x1b: {  	p1 =	sne.s32 s31, $0xCF00;
	[tilespmem:s30+$0x11650] =	vst v0;
	s0 =	smov.u32 s31;
	s31 =	sadd.s32 $0x100, s31  }
.Ltmp0:
0x1c: {  	[tilespmem:s30+$0x11640] =	vst v0;
	(pc) =	sbr.rel @p1 .LBB2_2-.Ltmp0, $3  }
0x1d: {  	[tilespmem:s30+$0x11620] =	vst v0  }
0x1e: {  	[tilespmem:s30+$0x11630] =	vst v0;
	_ =	sdelay $0x1  }
0x1f: {  	s30 =	sshra.s32 s0, $0x2  }
0x20: {  	[tilespmem:s30+$0x11650] =	vst v0  }
0x21: {  	[tilespmem:s30+$0x11640] =	vst v0  }
0x22: {  	[tilespmem:s30+$0x11620] =	vst v0  }
0x23: {  	[tilespmem:s30+$0x11630] =	vst v0  }
0x24: {  	[spmem:s7] =	stream.linear.scatter [tilespmem:s16], [sflag:$0x5], $0x3400, $0x38;
	[tilespmem:$0x1E660] =	vst v63  }
0x25: {  	_ =	swait.ge [sflag:s14], $0x3400  }
0x26: {  	[sflag:s14] =	ssyncset.done $0x0  }
0x27: {  	[sflag:s14] =	ssyncadd.s32 $0xFFFFCC00  }
0x28: {  	[spmem:s8] =	stream.linear.scatter [tilespmem:s16], [sflag:$0x5], $0x3400, $0x38;
	[tilespmem:$0x1E660] =	vst v63  }
0x29: {  	_ =	swait.ge [sflag:s14], $0x3400  }
0x2a: {  	[sflag:s14] =	ssyncset.done $0x0  }
0x2b: {  	[sflag:s14] =	ssyncadd.s32 $0xFFFFCC00  }
0x2c: {  	[spmem:s9] =	stream.linear.scatter [tilespmem:s16], [sflag:$0x5], $0x3400, $0x38;
	[tilespmem:$0x1E660] =	vst v63  }
0x2d: {  	_ =	swait.ge [sflag:s14], $0x3400  }
0x2e: {  	[sflag:s14] =	ssyncset.done $0x0  }
0x2f: {  	s0 =	simm.s32 @!p0 $0x11620;
	[sflag:s14] =	ssyncadd.s32 $0xFFFFCC00  }
0x30: {  	[spmem:s10] =	stream.linear.scatter @!p0 [tilespmem:s0], [sflag:$0x5], $0x400, $0x38;
	[tilespmem:$0x1E660] =	vst v63  }
0x31: {  	s0 =	simm.s32 @!p0 $0x5  }
0x32: {  	_ =	swait.ge @!p0 [sflag:s0], $0x400  }
0x33: {  	[sflag:s0] =	ssyncset.done @!p0 $0x0  }
0x34: {  	[sflag:s0] =	ssyncadd.s32 @!p0 $0xFFFFFC00  }
0x35: {  	s0 =	simm.s32 $0x0;
	[bflag:$0x0] =	sbarrier.arrive $0xFFFF  }
0x36: {  	[tilespmem:s18], [sflag:$0x1] =	stream.indirect.gather [hbm4b:s4+s17], $0x40, s0, s17, $0xb8;
	[tilespmem:$0x1E660] =	vst v63  }
0x37: {  	_ = 	snop  }
0x38: {  	[tilespmem:s19], [sflag:$0x2] =	stream.indirect.gather [hbm4b:s4+s17], $0x40, s17, s17, $0xb8;
	[tilespmem:$0x1E660] =	vst v63  }
0x39: {  	s0 =	simm.s32 $0x190  }
0x3a: {  	[tilespmem:s21], [sflag:$0x3] =	stream.indirect.gather [hbm4b:s4+s17], $0x40, s0, s17, $0xb8;
	[tilespmem:$0x1E660] =	vst v63  }
0x3b: {  	s0 =	simm.s32 $0x258  }
0x3c: {  	[tilespmem:s23], [sflag:$0x4] =	stream.indirect.gather [hbm4b:s4+s17], $0x40, s0, s17, $0xb8;
	[tilespmem:$0x1E660] =	vst v63  }
0x3d: {  	_ =	swait.ge [sflag:s24], $0x3200  }
0x3e: {  	[sflag:s24] =	ssyncset.done $0x0  }
0x3f: {  	s0 =	simm.s32 $0x2710;
	[sflag:s24] =	ssyncadd.s32 $0xFFFFCE00  }
0x40: {  	[spmem:s1] =	stream.indirect.scatter.add.f32 [tilespmem:s18], [sflag:$0x5], $0x40, s0, s17, $0xb8;
	[tilespmem:$0x1E660] =	vst v63  }
0x41: {  	_ =	swait.ge [sflag:s14], $0x3200  }
0x42: {  	[sflag:s14] =	ssyncset.done $0x0  }
0x43: {  	s0 =	simm.s32 $0x320;
	[sflag:s14] =	ssyncadd.s32 $0xFFFFCE00  }
0x44: {  	[tilespmem:s18], [sflag:$0x1] =	stream.indirect.gather [hbm4b:s4+s17], $0x40, s0, s17, $0xb8;
	[tilespmem:$0x1E660] =	vst v63  }
0x45: {  	_ =	swait.ge [sflag:s25], $0x3200  }
0x46: {  	[sflag:s25] =	ssyncset.done $0x0  }
0x47: {  	s0 =	simm.s32 $0x27D8;
	[sflag:s25] =	ssyncadd.s32 $0xFFFFCE00  }
0x48: {  	[spmem:s1] =	stream.indirect.scatter.add.f32 [tilespmem:s19], [sflag:$0x5], $0x40, s0, s17, $0xb8;
	[tilespmem:$0x1E660] =	vst v63  }
0x49: {  	_ =	swait.ge [sflag:s14], $0x3200  }
0x4a: {  	[sflag:s14] =	ssyncset.done $0x0  }
0x4b: {  	s0 =	simm.s32 $0x3E8;
	[sflag:s14] =	ssyncadd.s32 $0xFFFFCE00  }
0x4c: {  	[tilespmem:s19], [sflag:$0x2] =	stream.indirect.gather [hbm4b:s4+s17], $0x40, s0, s17, $0xb8;
	[tilespmem:$0x1E660] =	vst v63  }
0x4d: {  	_ =	swait.ge [sflag:s26], $0x3200  }
0x4e: {  	[sflag:s26] =	ssyncset.done $0x0  }
0x4f: {  	s0 =	simm.s32 $0x28A0;
	[sflag:s26] =	ssyncadd.s32 $0xFFFFCE00  }
0x50: {  	[spmem:s1] =	stream.indirect.scatter.add.f32 [tilespmem:s21], [sflag:$0x5], $0x40, s0, s17, $0xb8;
	[tilespmem:$0x1E660] =	vst v63  }
0x51: {  	_ =	swait.ge [sflag:s14], $0x3200  }
0x52: {  	[sflag:s14] =	ssyncset.done $0x0  }
0x53: {  	s0 =	simm.s32 $0x4B0;
	[sflag:s14] =	ssyncadd.s32 $0xFFFFCE00  }
0x54: {  	[tilespmem:s21], [sflag:$0x3] =	stream.indirect.gather [hbm4b:s4+s17], $0x40, s0, s17, $0xb8;
	[tilespmem:$0x1E660] =	vst v63  }
0x55: {  	_ =	swait.ge [sflag:s28], $0x3200  }
0x56: {  	[sflag:s28] =	ssyncset.done $0x0  }
0x57: {  	s0 =	simm.s32 $0x2968;
	[sflag:s28] =	ssyncadd.s32 $0xFFFFCE00  }
0x58: {  	[spmem:s1] =	stream.indirect.scatter.add.f32 [tilespmem:s23], [sflag:$0x5], $0x40, s0, s17, $0xb8;
	[tilespmem:$0x1E660] =	vst v63  }
0x59: {  	_ =	swait.ge [sflag:s14], $0x3200  }
0x5a: {  	[sflag:s14] =	ssyncset.done $0x0  }
0x5b: {  	s30 =	simm.s32 $0xC80;
	s31 =	simm.s32 $0x578;
	[sflag:s14] =	ssyncadd.s32 $0xFFFFCE00  }
.LBB2_4:
0x5c: {  	[tilespmem:s23], [sflag:$0x4] =	stream.indirect.gather [hbm4b:s4+s17], $0x40, s31, s17, $0xb8;
	[tilespmem:$0x1E660] =	vst v63  }
0x5d: {  	s0 =	smov.u32 s30  }
0x5e: {  	p1 =	sne.s32 s30, $0x7D00;
	s30 =	sadd.s32 $0xC80, s30;
	_ =	swait.ge [sflag:s24], $0x3200  }
0x5f: {  	s31 =	sshra.s32 s0, $0x2;
	[sflag:s24] =	ssyncset.done $0x0  }
0x60: {  	s0 =	sadd.s32 $0x2710, s31;
	[sflag:s24] =	ssyncadd.s32 $0xFFFFCE00  }
0x61: {  	[spmem:s1] =	stream.indirect.scatter.add.f32 [tilespmem:s18], [sflag:$0x5], $0x40, s0, s17, $0xb8;
	[tilespmem:$0x1E660] =	vst v63  }
0x62: {  	_ =	swait.ge [sflag:s14], $0x3200  }
0x63: {  	[sflag:s14] =	ssyncset.done $0x0  }
0x64: {  	s0 =	sadd.s32 $0x320, s31;
	[sflag:s14] =	ssyncadd.s32 $0xFFFFCE00  }
0x65: {  	[tilespmem:s18], [sflag:$0x1] =	stream.indirect.gather [hbm4b:s4+s17], $0x40, s0, s17, $0xb8;
	[tilespmem:$0x1E660] =	vst v63  }
0x66: {  	_ =	swait.ge [sflag:s25], $0x3200  }
0x67: {  	[sflag:s25] =	ssyncset.done $0x0  }
0x68: {  	s0 =	sadd.s32 $0x27D8, s31;
	[sflag:s25] =	ssyncadd.s32 $0xFFFFCE00  }
0x69: {  	[spmem:s1] =	stream.indirect.scatter.add.f32 [tilespmem:s19], [sflag:$0x5], $0x40, s0, s17, $0xb8;
	[tilespmem:$0x1E660] =	vst v63  }
0x6a: {  	_ =	swait.ge [sflag:s14], $0x3200  }
0x6b: {  	[sflag:s14] =	ssyncset.done $0x0  }
0x6c: {  	s0 =	sadd.s32 $0x3E8, s31;
	[sflag:s14] =	ssyncadd.s32 $0xFFFFCE00  }
0x6d: {  	[tilespmem:s19], [sflag:$0x2] =	stream.indirect.gather [hbm4b:s4+s17], $0x40, s0, s17, $0xb8;
	[tilespmem:$0x1E660] =	vst v63  }
0x6e: {  	_ =	swait.ge [sflag:s26], $0x3200  }
0x6f: {  	[sflag:s26] =	ssyncset.done $0x0  }
0x70: {  	s0 =	sadd.s32 $0x28A0, s31;
	[sflag:s26] =	ssyncadd.s32 $0xFFFFCE00  }
0x71: {  	[spmem:s1] =	stream.indirect.scatter.add.f32 [tilespmem:s21], [sflag:$0x5], $0x40, s0, s17, $0xb8;
	[tilespmem:$0x1E660] =	vst v63  }
0x72: {  	_ =	swait.ge [sflag:s14], $0x3200  }
0x73: {  	[sflag:s14] =	ssyncset.done $0x0  }
0x74: {  	s0 =	sadd.s32 $0x4B0, s31;
	[sflag:s14] =	ssyncadd.s32 $0xFFFFCE00  }
0x75: {  	[tilespmem:s21], [sflag:$0x3] =	stream.indirect.gather [hbm4b:s4+s17], $0x40, s0, s17, $0xb8;
	[tilespmem:$0x1E660] =	vst v63  }
0x76: {  	_ =	swait.ge [sflag:s28], $0x3200  }
0x77: {  	[sflag:s28] =	ssyncset.done $0x0  }
.Ltmp1:
0x78: {  	s0 =	sadd.s32 $0x2968, s31;
	[sflag:s28] =	ssyncadd.s32 $0xFFFFCE00;
	(pc) =	sbr.rel @p1 .LBB2_4-.Ltmp1, $4  }
0x79: {  	[spmem:s1] =	stream.indirect.scatter.add.f32 [tilespmem:s23], [sflag:$0x5], $0x40, s0, s17, $0xb8;
	[tilespmem:$0x1E660] =	vst v63  }
0x7a: {  	_ =	swait.ge [sflag:s14], $0x3200  }
0x7b: {  	[sflag:s14] =	ssyncset.done $0x0  }
0x7c: {  	s31 =	sadd.s32 $0x578, s31;
	[sflag:s14] =	ssyncadd.s32 $0xFFFFCE00  }
0x7d: {  	[tilespmem:s23], [sflag:$0x4] =	stream.indirect.gather [hbm4b:s4+s17], $0x40, s31, s17, $0xb8;
	[tilespmem:$0x1E660] =	vst v63  }
0x7e: {  	_ =	swait.ge [sflag:s24], $0x3200  }
0x7f: {  	[sflag:s24] =	ssyncset.done $0x0  }
0x80: {  	s0 =	simm.s32 $0x4970;
	[sflag:s24] =	ssyncadd.s32 $0xFFFFCE00  }
0x81: {  	[spmem:s1] =	stream.indirect.scatter.add.f32 [tilespmem:s18], [sflag:$0x5], $0x40, s0, s17, $0xb8;
	[tilespmem:$0x1E660] =	vst v63  }
0x82: {  	_ =	swait.ge [sflag:s14], $0x3200  }
0x83: {  	[sflag:s14] =	ssyncset.done $0x0  }
0x84: {  	s30 =	simm.s32 $0x2580;
	[sflag:s14] =	ssyncadd.s32 $0xFFFFCE00  }
0x85: {  	[tilespmem:s18], [sflag:$0x1] =	stream.indirect.gather [hbm4b:s4+s17], $0x40, s30, s17, $0xb8;
	[tilespmem:$0x1E660] =	vst v63  }
0x86: {  	_ =	swait.ge [sflag:s25], $0x3200  }
0x87: {  	[sflag:s25] =	ssyncset.done $0x0  }
0x88: {  	s31 =	simm.s32 $0x4A38;
	[sflag:s25] =	ssyncadd.s32 $0xFFFFCE00  }
0x89: {  	[spmem:s1] =	stream.indirect.scatter.add.f32 [tilespmem:s19], [sflag:$0x5], $0x40, s31, s17, $0xb8;
	[tilespmem:$0x1E660] =	vst v63  }
0x8a: {  	_ =	swait.ge [sflag:s14], $0x3200  }
0x8b: {  	[sflag:s14] =	ssyncset.done $0x0  }
0x8c: {  	s30 =	simm.s32 $0x2648;
	[sflag:s14] =	ssyncadd.s32 $0xFFFFCE00  }
0x8d: {  	[tilespmem:s19], [sflag:$0x2] =	stream.indirect.gather [hbm4b:s4+s17], $0x40, s30, s17, $0xb8;
	[tilespmem:$0x1E660] =	vst v63  }
0x8e: {  	_ =	swait.ge [sflag:s26], $0x3200  }
0x8f: {  	[sflag:s26] =	ssyncset.done $0x0  }
0x90: {  	[sflag:s26] =	ssyncadd.s32 $0xFFFFCE00  }
0x91: {  	[spmem:s1] =	stream.indirect.scatter.add.f32 [tilespmem:s21], [sflag:$0x5], $0x40, s15, s17, $0xb8;
	[tilespmem:$0x1E660] =	vst v63  }
0x92: {  	_ =	swait.ge [sflag:s14], $0x3200  }
0x93: {  	[sflag:s14] =	ssyncset.done $0x0  }
0x94: {  	[sflag:s14] =	ssyncadd.s32 $0xFFFFCE00  }
0x95: {  	_ =	swait.ge [sflag:s28], $0x3200  }
0x96: {  	[sflag:s28] =	ssyncset.done $0x0  }
0x97: {  	[sflag:s28] =	ssyncadd.s32 $0xFFFFCE00  }
0x98: {  	[spmem:s1] =	stream.indirect.scatter.add.f32 [tilespmem:s23], [sflag:$0x5], $0x40, s20, s17, $0xb8;
	[tilespmem:$0x1E660] =	vst v63  }
0x99: {  	_ =	swait.ge [sflag:s14], $0x3200  }
0x9a: {  	[sflag:s14] =	ssyncset.done $0x0  }
0x9b: {  	[sflag:s14] =	ssyncadd.s32 $0xFFFFCE00  }
0x9c: {  	_ =	swait.ge [sflag:s24], $0x3200  }
0x9d: {  	[sflag:s24] =	ssyncset.done $0x0  }
0x9e: {  	[sflag:s24] =	ssyncadd.s32 $0xFFFFCE00  }
0x9f: {  	[spmem:s1] =	stream.indirect.scatter.add.f32 [tilespmem:s18], [sflag:$0x5], $0x40, s2, s17, $0xb8;
	[tilespmem:$0x1E660] =	vst v63  }
0xa0: {  	_ =	swait.ge [sflag:s14], $0x3200  }
0xa1: {  	[sflag:s14] =	ssyncset.done $0x0  }
0xa2: {  	[sflag:s14] =	ssyncadd.s32 $0xFFFFCE00  }
0xa3: {  	_ =	swait.ge [sflag:s25], $0x3200  }
0xa4: {  	[sflag:s25] =	ssyncset.done $0x0  }
0xa5: {  	[sflag:s25] =	ssyncadd.s32 $0xFFFFCE00  }
0xa6: {  	[spmem:s1] =	stream.indirect.scatter.add.f32 [tilespmem:s19], [sflag:$0x5], $0x40, s22, s17, $0xb8;
	[tilespmem:$0x1E660] =	vst v63  }
0xa7: {  	_ =	swait.ge [sflag:s14], $0x3200  }
0xa8: {  	s31 =	stileid.u32;
	[sflag:s14] =	ssyncset.done $0x0  }
0xa9: {  	s0 =	sshll.u32 s31, $0x6;
	[sflag:s14] =	ssyncadd.s32 $0xFFFFCE00  }
0xaa: {  	s0 =	sor.u32 $0x1C05, s0;
	s30 =	sshrl.u32 s7, $0x3;
	[bflag:$0x0] =	sbarrier.arrive $0xFFFF  }
0xab: {  	[hbm:s11], [sflag:s0] =	dma.local [spmem:s30], $0x1380  }
0xac: {  	_ =	swait.ge [sflag:s14], $0x1380  }
0xad: {  	s29 =	sadd.s32 $0x1, s29;
	[sflag:s14] =	ssyncset.done $0x0  }
0xae: {  	p1 =	sne.s32 s29, s13;
	s30 =	sshrl.u32 @!p0 s10, $0x3;
	[sflag:s14] =	ssyncadd.s32 $0xFFFFEC80  }
0xaf: {  	[hbm:s12], [sflag:s0] =	dma.local @!p0 [spmem:s30], $0x80  }
.Ltmp2:
0xb0: {  	_ = 	snop;
	(pc) =	sbr.rel @p1 .LBB2_1-.Ltmp2, $4  }
0xb1: {  	s0 =	simm.s32 @!p0 $0x5  }
0xb2: {  	_ =	swait.ge @!p0 [sflag:s0], $0x80  }
0xb3: {  	[sflag:s0] =	ssyncset.done @!p0 $0x0  }
0xb4: {  	[sflag:s0] =	ssyncadd.s32 @!p0 $0xFFFFFF80  }
0xb5: {  	_ =	sfence.sel $0x180000  }
0xb6: {  	[bflag:$0x0] =	sbarrier.arrive $0xFFFF  }
0xb7: {  	_ =	strace $0x90000050  }
0xb8: {  	s0 =	stileid.u32;
	[bflag:$0x2] =	sbarrier.arrive $0xFFFF  }
0xb9: {  	p0 =	sne.s32 s0, $0x0;
	s0 =	rddreg [dreg:$0x2]  }
0xba: {  	s0 =	sadd.s32 @!p0 $0x100000, s0  }
0xbb: {  	[sflag:s0] =	ssyncadd.tile.s32 @!p0 $0x1;
	_ =	shalt  }
.Lfunc_end2:
_tile_overlayer_lowered:
.L_overlay_start_2:
0xbc: {  	(tag) =	ssettag $0x2  }
0xbd: {  	s0 =	rddreg [dreg:$0x0];
	s2 =	stileid.u32  }
0xbe: {  	s1 =	rddreg [dreg:$0x1];
	p0 =	sne.s32 s2, $0x0  }
0xbf: {  	s3 =	rddreg [dreg:$0x2];
	[bflag:$0x3] =	sbarrier.arrive $0xFFFF;
	s2 =	simm.s32 @!p0 $0x1C05  }
0xc0: {  	[timem:s3], [sflag:s2] =	dma.local @!p0 [hbm:s0], s1  }
0xc1: {  	s0 =	simm.s32 @!p0 $0x5  }
0xc2: {  	_ =	swait.ge @!p0 [sflag:s0], s1  }
0xc3: {  	s1 =	ssub.s32 @!p0 $0x0, s1;
	[sflag:s0] =	ssyncset.done @!p0 $0x0  }
0xc4: {  	[sflag:s0] =	ssyncadd.s32 @!p0 s1  }
0xc5: {  	[bflag:$0x3] =	sbarrier.arrive $0xFFFF  }
0xc6: {  	_ =	shalt  }

</sc_bundles>
